<compile_context>
chip_gen: v7x
topology: tpu7x:2x2x1
jax: 0.10.2.dev20260603
libtpu: 0.0.44.dev20260713+nightly
codegen_flags: <defaults>
</compile_context>

<pallas_src>
import jax
import jax.numpy as jnp
from jax import lax
from jax.experimental import pallas as pl
from jax.experimental.pallas import tpu as pltpu
from jax.experimental.pallas import tpu_sc as plsc

N_NODES = 10000
N_FEAT = 128
N_TRIPLES = 160000
N_EDGES = 2 * N_TRIPLES

NC = 2
NS = 16
LANES = 16
HFEAT = N_FEAT // NC

CHUNK = 128
EPT = N_EDGES // NS
NCH = -(-EPT // CHUNK)

R_ACC = 10240
RPT = R_ACC // NS
DUMMY_ROW = N_NODES
SUB = 4
RSUB = RPT // SUB


def _sc_body(x_hbm, snd_hbm, rcv_hbm, z2_hbm, z1_hbm,
             acc_out,
             idx_s, idx_r, buf, ones_v, degv, stage,
             acc_sp, deg_sp, sem):
    c = lax.axis_index("c")
    s = lax.axis_index("s")

    pltpu.sync_copy(z2_hbm, acc_sp.at[pl.ds(s * RPT, RPT)])
    pltpu.sync_copy(z1_hbm, deg_sp.at[pl.ds(s * RPT, RPT)])

    pltpu.sync_copy(snd_hbm.at[s], idx_s)
    pltpu.sync_copy(rcv_hbm.at[s], idx_r)
    for k in range(CHUNK // LANES):
        ones_v[pl.ds(k * LANES, LANES)] = jnp.full((LANES,), 1.0, jnp.float32)

    plsc.subcore_barrier()

    def edge_body(j, carry):
        pltpu.async_copy(x_hbm.at[c].at[idx_s.at[j]], buf, sem).wait()
        pltpu.sync_copy(buf, acc_sp.at[idx_r.at[j]], add=True)
        pltpu.sync_copy(ones_v, deg_sp.at[idx_r.at[j]], add=True)
        return carry

    lax.fori_loop(0, NCH, edge_body, 0)

    plsc.subcore_barrier()

    pltpu.sync_copy(deg_sp.at[pl.ds(s * RPT, RPT)], degv)
    for k in range(RPT // LANES):
        d = degv[pl.ds(k * LANES, LANES)]
        degv[pl.ds(k * LANES, LANES)] = jnp.where(
            d > 0.0, 1.0 / jnp.maximum(d, 1.0), 0.0)

    for sub in range(SUB):
        row0 = s * RPT + sub * RSUB
        pltpu.sync_copy(acc_sp.at[pl.ds(row0, RSUB)], stage)

        def scale_body(g, carry):
            iv16 = degv[pl.ds(sub * RSUB + g * LANES, LANES)]
            for l in range(LANES):
                r = g * LANES + l
                vec = jnp.full((LANES,), iv16[l], jnp.float32)
                for k in range(HFEAT // LANES):
                    stage[r, pl.ds(k * LANES, LANES)] = (
                        stage[r, pl.ds(k * LANES, LANES)] * vec)
            return carry

        lax.fori_loop(0, RSUB // LANES, scale_body, 0)
        pltpu.sync_copy(stage, acc_out.at[c, s, pl.ds(sub * RSUB, RSUB)])


def _tc_merge_body(a_ref, o_ref):
    o_ref[:, :HFEAT] = a_ref[0, 0]
    o_ref[:, HFEAT:] = a_ref[1, 0]


def kernel(x, triples):
    t = triples.T
    snd = jnp.concatenate([t[0], t[2]]).astype(jnp.int32)
    rcv = jnp.concatenate([t[2], t[0]]).astype(jnp.int32)

    pad = NCH * CHUNK - EPT

    snd_t = jnp.pad(
        snd.reshape(NS, EPT), ((0, 0), (0, pad)),
        constant_values=0).reshape(NS, NCH, CHUNK)
    rcv_t = jnp.pad(
        rcv.reshape(NS, EPT), ((0, 0), (0, pad)),
        constant_values=DUMMY_ROW).reshape(NS, NCH, CHUNK)

    x_cols = x.reshape(N_NODES, NC, HFEAT).transpose(1, 0, 2)

    z2 = jnp.zeros((RPT, HFEAT), jnp.float32)
    z1 = jnp.zeros((RPT,), jnp.float32)

    mesh = plsc.VectorSubcoreMesh(core_axis_name="c", subcore_axis_name="s")
    acc = pl.kernel(
        _sc_body,
        out_type=jax.ShapeDtypeStruct((NC, NS, RPT, HFEAT), jnp.float32),
        mesh=mesh,
        compiler_params=pltpu.CompilerParams(use_tc_tiling_on_sc=False),
        scratch_types=[
            pltpu.VMEM((NCH, CHUNK), jnp.int32),
            pltpu.VMEM((NCH, CHUNK), jnp.int32),
            pltpu.VMEM((CHUNK, HFEAT), jnp.float32),
            pltpu.VMEM((CHUNK,), jnp.float32),
            pltpu.VMEM((RPT,), jnp.float32),
            pltpu.VMEM((RSUB, HFEAT), jnp.float32),
            pltpu.VMEM_SHARED((R_ACC, HFEAT), jnp.float32),
            pltpu.VMEM_SHARED((R_ACC,), jnp.float32),
            pltpu.SemaphoreType.DMA,
        ],
    )(x_cols, snd_t, rcv_t, z2, z1)

    out = pl.pallas_call(
        _tc_merge_body,
        grid=(NS,),
        in_specs=[pl.BlockSpec((NC, 1, RPT, HFEAT), lambda i: (0, i, 0, 0))],
        out_specs=pl.BlockSpec((RPT, N_FEAT), lambda i: (i, 0)),
        out_shape=jax.ShapeDtypeStruct((N_NODES, N_FEAT), jnp.float32),
    )(acc)
    return out

# --- scband reference (transcript-rebuilt; emitter-appended) ---
"""Pipeline reference for scband-representation-13159779795691 (READ-ONLY COPY).

The authoritative reference and input builder live on the scoring server;
editing this copy changes nothing except your own understanding.
"""

import jax, jax.numpy as jnp
import numpy as np

N_NODES = 10000
N_REL = 16
D_FEAT = 128
N_TRIPLES = 160000


def setup_inputs(seed: int = 0) -> dict:
    key = jax.random.key(seed)
    k1, k2, k3, k4 = jax.random.split(key, 4)
    x = jax.random.normal(k1, (N_NODES, D_FEAT), dtype=jnp.float32)
    senders = jax.random.randint(k2, (N_TRIPLES,), 0, N_NODES, dtype=jnp.int32)
    types = jax.random.randint(k3, (N_TRIPLES,), 0, N_REL, dtype=jnp.int32)
    receivers = jax.random.randint(k4, (N_TRIPLES,), 0, N_NODES, dtype=jnp.int32)
    triples = jnp.stack([senders, types, receivers], axis=1)
    return {"x": x, "triples": triples}


def reference(x, triples):
    # Representation.process: double edges with inverse relations
    t = triples.T
    senders = jnp.concatenate([t[0], t[2]])
    receivers = jnp.concatenate([t[2], t[0]])
    # message_types = concat(t[1], t[1] + N_REL) -- not needed for 'global' normalization
    # forward_incidence_matrix with normalization='global':
    # sparse softmax over all-ones values per receiver row == 1/deg(receiver)
    ones = jnp.ones_like(receivers, dtype=x.dtype)
    deg = jax.ops.segment_sum(ones, receivers, num_segments=N_NODES)
    inv_deg = jnp.where(deg > 0, 1.0 / jnp.maximum(deg, 1.0), 0.0)
    norm = inv_deg[receivers]
    # gather sender features (messages), normalize, scatter-add into receivers
    msgs = jnp.take(x, senders, axis=0) * norm[:, None]
    out = jax.ops.segment_sum(msgs, receivers, num_segments=N_NODES)
    return out

if __name__ == "__main__":
    import jax
    _d = setup_inputs()
    print(jax.jit(kernel)(*tuple(_d.values())))

</pallas_src>

<mosaic_0001>
#map = affine_map<(d0, d1) -> (0, 0, 0)>
#map1 = affine_map<(d0, d1) -> (0, 0)>
#map2 = affine_map<(d0, d1) -> (0)>
#map3 = affine_map<(d0, d1) -> (0, 0, 0, 0)>
module attributes {stable_mosaic.version = 14 : i64} {
  func.func @_sc_body(%arg0: i32, %arg1: i32, %arg2: memref<2x10000x64xf32, #tpu.memory_space<hbm>>, %arg3: memref<16x157x128xi32, #tpu.memory_space<hbm>>, %arg4: memref<16x157x128xi32, #tpu.memory_space<hbm>>, %arg5: memref<640x64xf32, #tpu.memory_space<hbm>>, %arg6: memref<640xf32, #tpu.memory_space<hbm>>, %arg7: memref<2x16x640x64xf32, #tpu.memory_space<hbm>>, %arg8: memref<157x128xi32, #tpu.memory_space<vmem>>, %arg9: memref<157x128xi32, #tpu.memory_space<vmem>>, %arg10: memref<128x64xf32, #tpu.memory_space<vmem>>, %arg11: memref<128xf32, #tpu.memory_space<vmem>>, %arg12: memref<640xf32, #tpu.memory_space<vmem>>, %arg13: memref<160x64xf32, #tpu.memory_space<vmem>>, %arg14: memref<10240x64xf32, #tpu.memory_space<vmem_shared>>, %arg15: memref<10240xf32, #tpu.memory_space<vmem_shared>>, %arg16: memref<!tpu.dma_semaphore, #tpu.memory_space<semaphore_mem>>) attributes {dimension_semantics = [#tpu.dimension_semantics<core_parallel>, #tpu.dimension_semantics<subcore_parallel>], iteration_bounds = array<i64: 2, 16>, scalar_prefetch = 0 : i64, scratch_operands = 9 : i64, tpu.core_type = #tpu.core_type<sc_vector_subcore>, window_params = [{transform_indices = #map}, {transform_indices = #map}, {transform_indices = #map}, {transform_indices = #map1}, {transform_indices = #map2}, {transform_indices = #map3}]} {
    %mul3A = arith.constant 640 : i32
    %mul3A_0 = arith.muli %arg1, %mul3A : i32
    "tpu.region"() ({
      %run_scoped3A = tpu.sem_alloc : memref<!tpu.dma_semaphore, #tpu.memory_space<semaphore_mem>>
      %dma_start3A = arith.constant 0 : i32
      %dma_start3A_850 = tpu.memref_slice %arg14[%mul3A_0, %dma_start3A] : memref<10240x64xf32, #tpu.memory_space<vmem_shared>> -> memref<640x64xf32, #tpu.memory_space<vmem_shared>>
      tpu.enqueue_dma source(%arg5 : memref<640x64xf32, #tpu.memory_space<hbm>>) target(%dma_start3A_850 : memref<640x64xf32, #tpu.memory_space<vmem_shared>>) target_semaphore(%run_scoped3A : memref<!tpu.dma_semaphore, #tpu.memory_space<semaphore_mem>>)
      %dma_wait3A = arith.constant 0 : i32
      %dma_wait3A_851 = tpu.memref_slice %arg14[%mul3A_0, %dma_wait3A] : memref<10240x64xf32, #tpu.memory_space<vmem_shared>> -> memref<640x64xf32, #tpu.memory_space<vmem_shared>>
      tpu.wait_dma2 semaphore(%run_scoped3A : memref<!tpu.dma_semaphore, #tpu.memory_space<semaphore_mem>>) src(%arg5 : memref<640x64xf32, #tpu.memory_space<hbm>>) dst(%dma_wait3A_851 : memref<640x64xf32, #tpu.memory_space<vmem_shared>>)
      tpu.yield
    }) : () -> ()
    %mul3A_1 = arith.constant 640 : i32
    %mul3A_2 = arith.muli %arg1, %mul3A_1 : i32
    "tpu.region"() ({
      %run_scoped3A = tpu.sem_alloc : memref<!tpu.dma_semaphore, #tpu.memory_space<semaphore_mem>>
      %dma_start3A = tpu.memref_slice %arg15[%mul3A_2] : memref<10240xf32, #tpu.memory_space<vmem_shared>> -> memref<640xf32, #tpu.memory_space<vmem_shared>>
      tpu.enqueue_dma source(%arg6 : memref<640xf32, #tpu.memory_space<hbm>>) target(%dma_start3A : memref<640xf32, #tpu.memory_space<vmem_shared>>) target_semaphore(%run_scoped3A : memref<!tpu.dma_semaphore, #tpu.memory_space<semaphore_mem>>)
      %dma_wait3A = tpu.memref_slice %arg15[%mul3A_2] : memref<10240xf32, #tpu.memory_space<vmem_shared>> -> memref<640xf32, #tpu.memory_space<vmem_shared>>
      tpu.wait_dma2 semaphore(%run_scoped3A : memref<!tpu.dma_semaphore, #tpu.memory_space<semaphore_mem>>) src(%arg6 : memref<640xf32, #tpu.memory_space<hbm>>) dst(%dma_wait3A : memref<640xf32, #tpu.memory_space<vmem_shared>>)
      tpu.yield
    }) : () -> ()
    "tpu.region"() ({
      %run_scoped3A = tpu.sem_alloc : memref<!tpu.dma_semaphore, #tpu.memory_space<semaphore_mem>>
      %dma_start3A = arith.constant 0 : i32
      %dma_start3A_850 = arith.constant 0 : i32
      %dma_start3A_851 = tpu.memref_slice %arg3[%arg1, %dma_start3A, %dma_start3A_850] : memref<16x157x128xi32, #tpu.memory_space<hbm>> -> memref<1x157x128xi32, #tpu.memory_space<hbm>>
      %dma_start3A_852 = tpu.memref_squeeze %dma_start3A_851 : memref<1x157x128xi32, #tpu.memory_space<hbm>> -> memref<157x128xi32, #tpu.memory_space<hbm>>
      %dma_start3A_853 = arith.constant 0 : i32
      %dma_start3A_854 = arith.constant 0 : i32
      %dma_start3A_855 = tpu.memref_slice %arg3[%arg1, %dma_start3A_853, %dma_start3A_854] : memref<16x157x128xi32, #tpu.memory_space<hbm>> -> memref<1x157x128xi32, #tpu.memory_space<hbm>>
      %dma_start3A_856 = tpu.memref_squeeze %dma_start3A_855 : memref<1x157x128xi32, #tpu.memory_space<hbm>> -> memref<157x128xi32, #tpu.memory_space<hbm>>
      tpu.enqueue_dma source(%dma_start3A_856 : memref<157x128xi32, #tpu.memory_space<hbm>>) target(%arg8 : memref<157x128xi32, #tpu.memory_space<vmem>>) target_semaphore(%run_scoped3A : memref<!tpu.dma_semaphore, #tpu.memory_space<semaphore_mem>>)
      %dma_wait3A = arith.constant 0 : i32
      %dma_wait3A_857 = arith.constant 0 : i32
      %dma_wait3A_858 = tpu.memref_slice %arg3[%arg1, %dma_wait3A, %dma_wait3A_857] : memref<16x157x128xi32, #tpu.memory_space<hbm>> -> memref<1x157x128xi32, #tpu.memory_space<hbm>>
      %dma_wait3A_859 = tpu.memref_squeeze %dma_wait3A_858 : memref<1x157x128xi32, #tpu.memory_space<hbm>> -> memref<157x128xi32, #tpu.memory_space<hbm>>
      %dma_wait3A_860 = arith.constant 0 : i32
      %dma_wait3A_861 = arith.constant 0 : i32
      %dma_wait3A_862 = tpu.memref_slice %arg3[%arg1, %dma_wait3A_860, %dma_wait3A_861] : memref<16x157x128xi32, #tpu.memory_space<hbm>> -> memref<1x157x128xi32, #tpu.memory_space<hbm>>
      %dma_wait3A_863 = tpu.memref_squeeze %dma_wait3A_862 : memref<1x157x128xi32, #tpu.memory_space<hbm>> -> memref<157x128xi32, #tpu.memory_space<hbm>>
      tpu.wait_dma2 semaphore(%run_scoped3A : memref<!tpu.dma_semaphore, #tpu.memory_space<semaphore_mem>>) src(%dma_wait3A_863 : memref<157x128xi32, #tpu.memory_space<hbm>>) dst(%arg8 : memref<157x128xi32, #tpu.memory_space<vmem>>)
      tpu.yield
    }) : () -> ()
    "tpu.region"() ({
      %run_scoped3A = tpu.sem_alloc : memref<!tpu.dma_semaphore, #tpu.memory_space<semaphore_mem>>
      %dma_start3A = arith.constant 0 : i32
      %dma_start3A_850 = arith.constant 0 : i32
      %dma_start3A_851 = tpu.memref_slice %arg4[%arg1, %dma_start3A, %dma_start3A_850] : memref<16x157x128xi32, #tpu.memory_space<hbm>> -> memref<1x157x128xi32, #tpu.memory_space<hbm>>
      %dma_start3A_852 = tpu.memref_squeeze %dma_start3A_851 : memref<1x157x128xi32, #tpu.memory_space<hbm>> -> memref<157x128xi32, #tpu.memory_space<hbm>>
      %dma_start3A_853 = arith.constant 0 : i32
      %dma_start3A_854 = arith.constant 0 : i32
      %dma_start3A_855 = tpu.memref_slice %arg4[%arg1, %dma_start3A_853, %dma_start3A_854] : memref<16x157x128xi32, #tpu.memory_space<hbm>> -> memref<1x157x128xi32, #tpu.memory_space<hbm>>
      %dma_start3A_856 = tpu.memref_squeeze %dma_start3A_855 : memref<1x157x128xi32, #tpu.memory_space<hbm>> -> memref<157x128xi32, #tpu.memory_space<hbm>>
      tpu.enqueue_dma source(%dma_start3A_856 : memref<157x128xi32, #tpu.memory_space<hbm>>) target(%arg9 : memref<157x128xi32, #tpu.memory_space<vmem>>) target_semaphore(%run_scoped3A : memref<!tpu.dma_semaphore, #tpu.memory_space<semaphore_mem>>)
      %dma_wait3A = arith.constant 0 : i32
      %dma_wait3A_857 = arith.constant 0 : i32
      %dma_wait3A_858 = tpu.memref_slice %arg4[%arg1, %dma_wait3A, %dma_wait3A_857] : memref<16x157x128xi32, #tpu.memory_space<hbm>> -> memref<1x157x128xi32, #tpu.memory_space<hbm>>
      %dma_wait3A_859 = tpu.memref_squeeze %dma_wait3A_858 : memref<1x157x128xi32, #tpu.memory_space<hbm>> -> memref<157x128xi32, #tpu.memory_space<hbm>>
      %dma_wait3A_860 = arith.constant 0 : i32
      %dma_wait3A_861 = arith.constant 0 : i32
      %dma_wait3A_862 = tpu.memref_slice %arg4[%arg1, %dma_wait3A_860, %dma_wait3A_861] : memref<16x157x128xi32, #tpu.memory_space<hbm>> -> memref<1x157x128xi32, #tpu.memory_space<hbm>>
      %dma_wait3A_863 = tpu.memref_squeeze %dma_wait3A_862 : memref<1x157x128xi32, #tpu.memory_space<hbm>> -> memref<157x128xi32, #tpu.memory_space<hbm>>
      tpu.wait_dma2 semaphore(%run_scoped3A : memref<!tpu.dma_semaphore, #tpu.memory_space<semaphore_mem>>) src(%dma_wait3A_863 : memref<157x128xi32, #tpu.memory_space<hbm>>) dst(%arg9 : memref<157x128xi32, #tpu.memory_space<vmem>>)
      tpu.yield
    }) : () -> ()
    %broadcast_in_dim3A = arith.constant 1.000000e+00 : f32
    %broadcast_in_dim3A_3 = vector.broadcast %broadcast_in_dim3A : f32 to vector<16xf32>
    %swap3A = arith.constant 0 : index
    %swap3A_4 = tpu.vector_load %arg11[%swap3A] {strides = array<i32>} : memref<128xf32, #tpu.memory_space<vmem>>, vector<16xf32>,
    %swap3A_5 = vector.shape_cast %swap3A_4 : vector<16xf32> to vector<16xf32>
    %swap3A_6 = vector.shape_cast %broadcast_in_dim3A_3 : vector<16xf32> to vector<16xf32>
    tpu.vector_store %arg11[%swap3A], %swap3A_6 {strides = array<i32>} : memref<128xf32, #tpu.memory_space<vmem>>, vector<16xf32>,
    %broadcast_in_dim3A_7 = arith.constant 1.000000e+00 : f32
    %broadcast_in_dim3A_8 = vector.broadcast %broadcast_in_dim3A_7 : f32 to vector<16xf32>
    %swap3A_9 = arith.constant 16 : index
    %swap3A_10 = tpu.vector_load %arg11[%swap3A_9] {strides = array<i32>} : memref<128xf32, #tpu.memory_space<vmem>>, vector<16xf32>,
    %swap3A_11 = vector.shape_cast %swap3A_10 : vector<16xf32> to vector<16xf32>
    %swap3A_12 = vector.shape_cast %broadcast_in_dim3A_8 : vector<16xf32> to vector<16xf32>
    tpu.vector_store %arg11[%swap3A_9], %swap3A_12 {strides = array<i32>} : memref<128xf32, #tpu.memory_space<vmem>>, vector<16xf32>,
    %broadcast_in_dim3A_13 = arith.constant 1.000000e+00 : f32
    %broadcast_in_dim3A_14 = vector.broadcast %broadcast_in_dim3A_13 : f32 to vector<16xf32>
    %swap3A_15 = arith.constant 32 : index
    %swap3A_16 = tpu.vector_load %arg11[%swap3A_15] {strides = array<i32>} : memref<128xf32, #tpu.memory_space<vmem>>, vector<16xf32>,
    %swap3A_17 = vector.shape_cast %swap3A_16 : vector<16xf32> to vector<16xf32>
    %swap3A_18 = vector.shape_cast %broadcast_in_dim3A_14 : vector<16xf32> to vector<16xf32>
    tpu.vector_store %arg11[%swap3A_15], %swap3A_18 {strides = array<i32>} : memref<128xf32, #tpu.memory_space<vmem>>, vector<16xf32>,
    %broadcast_in_dim3A_19 = arith.constant 1.000000e+00 : f32
    %broadcast_in_dim3A_20 = vector.broadcast %broadcast_in_dim3A_19 : f32 to vector<16xf32>
    %swap3A_21 = arith.constant 48 : index
    %swap3A_22 = tpu.vector_load %arg11[%swap3A_21] {strides = array<i32>} : memref<128xf32, #tpu.memory_space<vmem>>, vector<16xf32>,
    %swap3A_23 = vector.shape_cast %swap3A_22 : vector<16xf32> to vector<16xf32>
    %swap3A_24 = vector.shape_cast %broadcast_in_dim3A_20 : vector<16xf32> to vector<16xf32>
    tpu.vector_store %arg11[%swap3A_21], %swap3A_24 {strides = array<i32>} : memref<128xf32, #tpu.memory_space<vmem>>, vector<16xf32>,
    %broadcast_in_dim3A_25 = arith.constant 1.000000e+00 : f32
    %broadcast_in_dim3A_26 = vector.broadcast %broadcast_in_dim3A_25 : f32 to vector<16xf32>
    %swap3A_27 = arith.constant 64 : index
    %swap3A_28 = tpu.vector_load %arg11[%swap3A_27] {strides = array<i32>} : memref<128xf32, #tpu.memory_space<vmem>>, vector<16xf32>,
    %swap3A_29 = vector.shape_cast %swap3A_28 : vector<16xf32> to vector<16xf32>
    %swap3A_30 = vector.shape_cast %broadcast_in_dim3A_26 : vector<16xf32> to vector<16xf32>
    tpu.vector_store %arg11[%swap3A_27], %swap3A_30 {strides = array<i32>} : memref<128xf32, #tpu.memory_space<vmem>>, vector<16xf32>,
    %broadcast_in_dim3A_31 = arith.constant 1.000000e+00 : f32
    %broadcast_in_dim3A_32 = vector.broadcast %broadcast_in_dim3A_31 : f32 to vector<16xf32>
    %swap3A_33 = arith.constant 80 : index
    %swap3A_34 = tpu.vector_load %arg11[%swap3A_33] {strides = array<i32>} : memref<128xf32, #tpu.memory_space<vmem>>, vector<16xf32>,
    %swap3A_35 = vector.shape_cast %swap3A_34 : vector<16xf32> to vector<16xf32>
    %swap3A_36 = vector.shape_cast %broadcast_in_dim3A_32 : vector<16xf32> to vector<16xf32>
    tpu.vector_store %arg11[%swap3A_33], %swap3A_36 {strides = array<i32>} : memref<128xf32, #tpu.memory_space<vmem>>, vector<16xf32>,
    %broadcast_in_dim3A_37 = arith.constant 1.000000e+00 : f32
    %broadcast_in_dim3A_38 = vector.broadcast %broadcast_in_dim3A_37 : f32 to vector<16xf32>
    %swap3A_39 = arith.constant 96 : index
    %swap3A_40 = tpu.vector_load %arg11[%swap3A_39] {strides = array<i32>} : memref<128xf32, #tpu.memory_space<vmem>>, vector<16xf32>,
    %swap3A_41 = vector.shape_cast %swap3A_40 : vector<16xf32> to vector<16xf32>
    %swap3A_42 = vector.shape_cast %broadcast_in_dim3A_38 : vector<16xf32> to vector<16xf32>
    tpu.vector_store %arg11[%swap3A_39], %swap3A_42 {strides = array<i32>} : memref<128xf32, #tpu.memory_space<vmem>>, vector<16xf32>,
    %broadcast_in_dim3A_43 = arith.constant 1.000000e+00 : f32
    %broadcast_in_dim3A_44 = vector.broadcast %broadcast_in_dim3A_43 : f32 to vector<16xf32>
    %swap3A_45 = arith.constant 112 : index
    %swap3A_46 = tpu.vector_load %arg11[%swap3A_45] {strides = array<i32>} : memref<128xf32, #tpu.memory_space<vmem>>, vector<16xf32>,
    %swap3A_47 = vector.shape_cast %swap3A_46 : vector<16xf32> to vector<16xf32>
    %swap3A_48 = vector.shape_cast %broadcast_in_dim3A_44 : vector<16xf32> to vector<16xf32>
    tpu.vector_store %arg11[%swap3A_45], %swap3A_48 {strides = array<i32>} : memref<128xf32, #tpu.memory_space<vmem>>, vector<16xf32>,
    %barrier3A = arith.constant 0 : index
    tpu.barrier barrier_id(%barrier3A)
    %scan3A = arith.constant 0 : i32
    %scan3A_49 = arith.constant 0 : i32
    %scan3A_50 = arith.constant 157 : i32
    %scan3A_51 = arith.addi %scan3A_49, %scan3A_50 : i32
    %scan3A_52 = arith.constant 1 : i32
    scf.for %scan3A_850 = %scan3A_49 to %scan3A_51 step %scan3A_52  : i32 {
      %dma_start3A = arith.constant 0 : i32
      %dma_start3A_851 = tpu.memref_slice %arg8[%scan3A_850, %dma_start3A] : memref<157x128xi32, #tpu.memory_space<vmem>> -> memref<1x128xi32, #tpu.memory_space<vmem>>
      %dma_start3A_852 = tpu.memref_squeeze %dma_start3A_851 : memref<1x128xi32, #tpu.memory_space<vmem>> -> memref<128xi32, #tpu.memory_space<vmem>>
      %dma_start3A_853 = arith.constant 0 : i32
      %dma_start3A_854 = arith.constant 0 : i32
      %dma_start3A_855 = tpu.memref_slice %arg2[%arg0, %dma_start3A_853, %dma_start3A_854] : memref<2x10000x64xf32, #tpu.memory_space<hbm>> -> memref<1x10000x64xf32, #tpu.memory_space<hbm>>
      %dma_start3A_856 = tpu.memref_squeeze %dma_start3A_855 : memref<1x10000x64xf32, #tpu.memory_space<hbm>> -> memref<10000x64xf32, #tpu.memory_space<hbm>>
      %dma_start3A_857 = arith.constant 0 : i32
      %dma_start3A_858 = arith.constant 0 : i32
      %dma_start3A_859 = tpu.memref_slice %dma_start3A_856[%dma_start3A_857, %dma_start3A_858] : memref<10000x64xf32, #tpu.memory_space<hbm>> -> memref<10000x64xf32, #tpu.memory_space<hbm>>
      tpu.enqueue_indirect_dma source(%dma_start3A_859 : memref<10000x64xf32, #tpu.memory_space<hbm>>) target(%arg10 : memref<128x64xf32, #tpu.memory_space<vmem>>) offsets(%dma_start3A_852 : memref<128xi32, #tpu.memory_space<vmem>>) semaphore(%arg16 : memref<!tpu.dma_semaphore, #tpu.memory_space<semaphore_mem>>)
      %dma_wait3A = arith.constant 0 : i32
      %dma_wait3A_860 = tpu.memref_slice %arg8[%scan3A_850, %dma_wait3A] : memref<157x128xi32, #tpu.memory_space<vmem>> -> memref<1x128xi32, #tpu.memory_space<vmem>>
      %dma_wait3A_861 = tpu.memref_squeeze %dma_wait3A_860 : memref<1x128xi32, #tpu.memory_space<vmem>> -> memref<128xi32, #tpu.memory_space<vmem>>
      %dma_wait3A_862 = arith.constant 0 : i32
      %dma_wait3A_863 = arith.constant 0 : i32
      %dma_wait3A_864 = tpu.memref_slice %arg2[%arg0, %dma_wait3A_862, %dma_wait3A_863] : memref<2x10000x64xf32, #tpu.memory_space<hbm>> -> memref<1x10000x64xf32, #tpu.memory_space<hbm>>
      %dma_wait3A_865 = tpu.memref_squeeze %dma_wait3A_864 : memref<1x10000x64xf32, #tpu.memory_space<hbm>> -> memref<10000x64xf32, #tpu.memory_space<hbm>>
      %dma_wait3A_866 = arith.constant 0 : i32
      %dma_wait3A_867 = arith.constant 0 : i32
      %dma_wait3A_868 = tpu.memref_slice %dma_wait3A_865[%dma_wait3A_866, %dma_wait3A_867] : memref<10000x64xf32, #tpu.memory_space<hbm>> -> memref<10000x64xf32, #tpu.memory_space<hbm>>
      tpu.wait_indirect_dma semaphore(%arg16 : memref<!tpu.dma_semaphore, #tpu.memory_space<semaphore_mem>>) src(%dma_wait3A_868 : memref<10000x64xf32, #tpu.memory_space<hbm>>) dst(%arg10 : memref<128x64xf32, #tpu.memory_space<vmem>>)
      "tpu.region"() ({
        %run_scoped3A = tpu.sem_alloc : memref<!tpu.dma_semaphore, #tpu.memory_space<semaphore_mem>>
        %dma_start3A_869 = arith.constant 0 : i32
        %dma_start3A_870 = tpu.memref_slice %arg9[%scan3A_850, %dma_start3A_869] : memref<157x128xi32, #tpu.memory_space<vmem>> -> memref<1x128xi32, #tpu.memory_space<vmem>>
        %dma_start3A_871 = tpu.memref_squeeze %dma_start3A_870 : memref<1x128xi32, #tpu.memory_space<vmem>> -> memref<128xi32, #tpu.memory_space<vmem>>
        %dma_start3A_872 = arith.constant 0 : i32
        %dma_start3A_873 = arith.constant 0 : i32
        %dma_start3A_874 = tpu.memref_slice %arg14[%dma_start3A_872, %dma_start3A_873] : memref<10240x64xf32, #tpu.memory_space<vmem_shared>> -> memref<10240x64xf32, #tpu.memory_space<vmem_shared>>
        tpu.enqueue_indirect_dma source(%arg10 : memref<128x64xf32, #tpu.memory_space<vmem>>) target(%dma_start3A_874 : memref<10240x64xf32, #tpu.memory_space<vmem_shared>>) offsets(%dma_start3A_871 : memref<128xi32, #tpu.memory_space<vmem>>) semaphore(%run_scoped3A : memref<!tpu.dma_semaphore, #tpu.memory_space<semaphore_mem>>) {add = true}
        %dma_wait3A_875 = arith.constant 0 : i32
        %dma_wait3A_876 = tpu.memref_slice %arg9[%scan3A_850, %dma_wait3A_875] : memref<157x128xi32, #tpu.memory_space<vmem>> -> memref<1x128xi32, #tpu.memory_space<vmem>>
        %dma_wait3A_877 = tpu.memref_squeeze %dma_wait3A_876 : memref<1x128xi32, #tpu.memory_space<vmem>> -> memref<128xi32, #tpu.memory_space<vmem>>
        %dma_wait3A_878 = arith.constant 0 : i32
        %dma_wait3A_879 = arith.constant 0 : i32
        %dma_wait3A_880 = tpu.memref_slice %arg14[%dma_wait3A_878, %dma_wait3A_879] : memref<10240x64xf32, #tpu.memory_space<vmem_shared>> -> memref<10240x64xf32, #tpu.memory_space<vmem_shared>>
        tpu.wait_indirect_dma semaphore(%run_scoped3A : memref<!tpu.dma_semaphore, #tpu.memory_space<semaphore_mem>>) src(%arg10 : memref<128x64xf32, #tpu.memory_space<vmem>>) dst(%dma_wait3A_880 : memref<10240x64xf32, #tpu.memory_space<vmem_shared>>)
        tpu.yield
      }) : () -> ()
      "tpu.region"() ({
        %run_scoped3A = tpu.sem_alloc : memref<!tpu.dma_semaphore, #tpu.memory_space<semaphore_mem>>
        %dma_start3A_869 = arith.constant 0 : i32
        %dma_start3A_870 = tpu.memref_slice %arg9[%scan3A_850, %dma_start3A_869] : memref<157x128xi32, #tpu.memory_space<vmem>> -> memref<1x128xi32, #tpu.memory_space<vmem>>
        %dma_start3A_871 = tpu.memref_squeeze %dma_start3A_870 : memref<1x128xi32, #tpu.memory_space<vmem>> -> memref<128xi32, #tpu.memory_space<vmem>>
        %dma_start3A_872 = arith.constant 0 : i32
        %dma_start3A_873 = tpu.memref_slice %arg15[%dma_start3A_872] : memref<10240xf32, #tpu.memory_space<vmem_shared>> -> memref<10240xf32, #tpu.memory_space<vmem_shared>>
        tpu.enqueue_indirect_dma source(%arg11 : memref<128xf32, #tpu.memory_space<vmem>>) target(%dma_start3A_873 : memref<10240xf32, #tpu.memory_space<vmem_shared>>) offsets(%dma_start3A_871 : memref<128xi32, #tpu.memory_space<vmem>>) semaphore(%run_scoped3A : memref<!tpu.dma_semaphore, #tpu.memory_space<semaphore_mem>>) {add = true}
        %dma_wait3A_874 = arith.constant 0 : i32
        %dma_wait3A_875 = tpu.memref_slice %arg9[%scan3A_850, %dma_wait3A_874] : memref<157x128xi32, #tpu.memory_space<vmem>> -> memref<1x128xi32, #tpu.memory_space<vmem>>
        %dma_wait3A_876 = tpu.memref_squeeze %dma_wait3A_875 : memref<1x128xi32, #tpu.memory_space<vmem>> -> memref<128xi32, #tpu.memory_space<vmem>>
        %dma_wait3A_877 = arith.constant 0 : i32
        %dma_wait3A_878 = tpu.memref_slice %arg15[%dma_wait3A_877] : memref<10240xf32, #tpu.memory_space<vmem_shared>> -> memref<10240xf32, #tpu.memory_space<vmem_shared>>
        tpu.wait_indirect_dma semaphore(%run_scoped3A : memref<!tpu.dma_semaphore, #tpu.memory_space<semaphore_mem>>) src(%arg11 : memref<128xf32, #tpu.memory_space<vmem>>) dst(%dma_wait3A_878 : memref<10240xf32, #tpu.memory_space<vmem_shared>>)
        tpu.yield
      }) : () -> ()
    }
    %scan3A_53 = arith.constant 157 : i32
    %barrier3A_54 = arith.constant 0 : index
    tpu.barrier barrier_id(%barrier3A_54)
    %mul3A_55 = arith.constant 640 : i32
    %mul3A_56 = arith.muli %arg1, %mul3A_55 : i32
    "tpu.region"() ({
      %run_scoped3A = tpu.sem_alloc : memref<!tpu.dma_semaphore, #tpu.memory_space<semaphore_mem>>
      %dma_start3A = tpu.memref_slice %arg15[%mul3A_56] : memref<10240xf32, #tpu.memory_space<vmem_shared>> -> memref<640xf32, #tpu.memory_space<vmem_shared>>
      %dma_start3A_850 = tpu.memref_slice %arg15[%mul3A_56] : memref<10240xf32, #tpu.memory_space<vmem_shared>> -> memref<640xf32, #tpu.memory_space<vmem_shared>>
      tpu.enqueue_dma source(%dma_start3A_850 : memref<640xf32, #tpu.memory_space<vmem_shared>>) target(%arg12 : memref<640xf32, #tpu.memory_space<vmem>>) target_semaphore(%run_scoped3A : memref<!tpu.dma_semaphore, #tpu.memory_space<semaphore_mem>>)
      %dma_wait3A = tpu.memref_slice %arg15[%mul3A_56] : memref<10240xf32, #tpu.memory_space<vmem_shared>> -> memref<640xf32, #tpu.memory_space<vmem_shared>>
      %dma_wait3A_851 = tpu.memref_slice %arg15[%mul3A_56] : memref<10240xf32, #tpu.memory_space<vmem_shared>> -> memref<640xf32, #tpu.memory_space<vmem_shared>>
      tpu.wait_dma2 semaphore(%run_scoped3A : memref<!tpu.dma_semaphore, #tpu.memory_space<semaphore_mem>>) src(%dma_wait3A_851 : memref<640xf32, #tpu.memory_space<vmem_shared>>) dst(%arg12 : memref<640xf32, #tpu.memory_space<vmem>>)
      tpu.yield
    }) : () -> ()
    %get3A = arith.constant 0 : index
    %get3A_57 = tpu.vector_load %arg12[%get3A] {strides = array<i32>} : memref<640xf32, #tpu.memory_space<vmem>>, vector<16xf32>,
    %get3A_58 = vector.shape_cast %get3A_57 : vector<16xf32> to vector<16xf32>
    %gt3A = arith.constant 0.000000e+00 : f32
    %gt3A_59 = vector.broadcast %gt3A : f32 to vector<16xf32>
    %gt3A_60 = arith.cmpf ogt, %get3A_58, %gt3A_59 : vector<16xf32>
    %max3A = arith.constant 1.000000e+00 : f32
    %max3A_61 = vector.broadcast %max3A : f32 to vector<16xf32>
    %max3A_62 = arith.maximumf %get3A_58, %max3A_61 : vector<16xf32>
    %div3A = arith.constant 1.000000e+00 : f32
    %div3A_63 = vector.broadcast %div3A : f32 to vector<16xf32>
    %div3A_64 = arith.divf %div3A_63, %max3A_62 : vector<16xf32>
    %jit3A = arith.constant 0.000000e+00 : f32
    %broadcast_in_dim3A_65 = vector.broadcast %jit3A : f32 to vector<16xf32>
    %select_n3A = arith.select %gt3A_60, %div3A_64, %broadcast_in_dim3A_65 : vector<16xi1>, vector<16xf32>
    %swap3A_66 = arith.constant 0 : index
    %swap3A_67 = tpu.vector_load %arg12[%swap3A_66] {strides = array<i32>} : memref<640xf32, #tpu.memory_space<vmem>>, vector<16xf32>,
    %swap3A_68 = vector.shape_cast %swap3A_67 : vector<16xf32> to vector<16xf32>
    %swap3A_69 = vector.shape_cast %select_n3A : vector<16xf32> to vector<16xf32>
    tpu.vector_store %arg12[%swap3A_66], %swap3A_69 {strides = array<i32>} : memref<640xf32, #tpu.memory_space<vmem>>, vector<16xf32>,
    %get3A_70 = arith.constant 16 : index
    %get3A_71 = tpu.vector_load %arg12[%get3A_70] {strides = array<i32>} : memref<640xf32, #tpu.memory_space<vmem>>, vector<16xf32>,
    %get3A_72 = vector.shape_cast %get3A_71 : vector<16xf32> to vector<16xf32>
    %gt3A_73 = arith.constant 0.000000e+00 : f32
    %gt3A_74 = vector.broadcast %gt3A_73 : f32 to vector<16xf32>
    %gt3A_75 = arith.cmpf ogt, %get3A_72, %gt3A_74 : vector<16xf32>
    %max3A_76 = arith.constant 1.000000e+00 : f32
    %max3A_77 = vector.broadcast %max3A_76 : f32 to vector<16xf32>
    %max3A_78 = arith.maximumf %get3A_72, %max3A_77 : vector<16xf32>
    %div3A_79 = arith.constant 1.000000e+00 : f32
    %div3A_80 = vector.broadcast %div3A_79 : f32 to vector<16xf32>
    %div3A_81 = arith.divf %div3A_80, %max3A_78 : vector<16xf32>
    %jit3A_82 = arith.constant 0.000000e+00 : f32
    %broadcast_in_dim3A_83 = vector.broadcast %jit3A_82 : f32 to vector<16xf32>
    %select_n3A_84 = arith.select %gt3A_75, %div3A_81, %broadcast_in_dim3A_83 : vector<16xi1>, vector<16xf32>
    %swap3A_85 = arith.constant 16 : index
    %swap3A_86 = tpu.vector_load %arg12[%swap3A_85] {strides = array<i32>} : memref<640xf32, #tpu.memory_space<vmem>>, vector<16xf32>,
    %swap3A_87 = vector.shape_cast %swap3A_86 : vector<16xf32> to vector<16xf32>
    %swap3A_88 = vector.shape_cast %select_n3A_84 : vector<16xf32> to vector<16xf32>
    tpu.vector_store %arg12[%swap3A_85], %swap3A_88 {strides = array<i32>} : memref<640xf32, #tpu.memory_space<vmem>>, vector<16xf32>,
    %get3A_89 = arith.constant 32 : index
    %get3A_90 = tpu.vector_load %arg12[%get3A_89] {strides = array<i32>} : memref<640xf32, #tpu.memory_space<vmem>>, vector<16xf32>,
    %get3A_91 = vector.shape_cast %get3A_90 : vector<16xf32> to vector<16xf32>
    %gt3A_92 = arith.constant 0.000000e+00 : f32
    %gt3A_93 = vector.broadcast %gt3A_92 : f32 to vector<16xf32>
    %gt3A_94 = arith.cmpf ogt, %get3A_91, %gt3A_93 : vector<16xf32>
    %max3A_95 = arith.constant 1.000000e+00 : f32
    %max3A_96 = vector.broadcast %max3A_95 : f32 to vector<16xf32>
    %max3A_97 = arith.maximumf %get3A_91, %max3A_96 : vector<16xf32>
    %div3A_98 = arith.constant 1.000000e+00 : f32
    %div3A_99 = vector.broadcast %div3A_98 : f32 to vector<16xf32>
    %div3A_100 = arith.divf %div3A_99, %max3A_97 : vector<16xf32>
    %jit3A_101 = arith.constant 0.000000e+00 : f32
    %broadcast_in_dim3A_102 = vector.broadcast %jit3A_101 : f32 to vector<16xf32>
    %select_n3A_103 = arith.select %gt3A_94, %div3A_100, %broadcast_in_dim3A_102 : vector<16xi1>, vector<16xf32>
    %swap3A_104 = arith.constant 32 : index
    %swap3A_105 = tpu.vector_load %arg12[%swap3A_104] {strides = array<i32>} : memref<640xf32, #tpu.memory_space<vmem>>, vector<16xf32>,
    %swap3A_106 = vector.shape_cast %swap3A_105 : vector<16xf32> to vector<16xf32>
    %swap3A_107 = vector.shape_cast %select_n3A_103 : vector<16xf32> to vector<16xf32>
    tpu.vector_store %arg12[%swap3A_104], %swap3A_107 {strides = array<i32>} : memref<640xf32, #tpu.memory_space<vmem>>, vector<16xf32>,
    %get3A_108 = arith.constant 48 : index
    %get3A_109 = tpu.vector_load %arg12[%get3A_108] {strides = array<i32>} : memref<640xf32, #tpu.memory_space<vmem>>, vector<16xf32>,
    %get3A_110 = vector.shape_cast %get3A_109 : vector<16xf32> to vector<16xf32>
    %gt3A_111 = arith.constant 0.000000e+00 : f32
    %gt3A_112 = vector.broadcast %gt3A_111 : f32 to vector<16xf32>
    %gt3A_113 = arith.cmpf ogt, %get3A_110, %gt3A_112 : vector<16xf32>
    %max3A_114 = arith.constant 1.000000e+00 : f32
    %max3A_115 = vector.broadcast %max3A_114 : f32 to vector<16xf32>
    %max3A_116 = arith.maximumf %get3A_110, %max3A_115 : vector<16xf32>
    %div3A_117 = arith.constant 1.000000e+00 : f32
    %div3A_118 = vector.broadcast %div3A_117 : f32 to vector<16xf32>
    %div3A_119 = arith.divf %div3A_118, %max3A_116 : vector<16xf32>
    %jit3A_120 = arith.constant 0.000000e+00 : f32
    %broadcast_in_dim3A_121 = vector.broadcast %jit3A_120 : f32 to vector<16xf32>
    %select_n3A_122 = arith.select %gt3A_113, %div3A_119, %broadcast_in_dim3A_121 : vector<16xi1>, vector<16xf32>
    %swap3A_123 = arith.constant 48 : index
    %swap3A_124 = tpu.vector_load %arg12[%swap3A_123] {strides = array<i32>} : memref<640xf32, #tpu.memory_space<vmem>>, vector<16xf32>,
    %swap3A_125 = vector.shape_cast %swap3A_124 : vector<16xf32> to vector<16xf32>
    %swap3A_126 = vector.shape_cast %select_n3A_122 : vector<16xf32> to vector<16xf32>
    tpu.vector_store %arg12[%swap3A_123], %swap3A_126 {strides = array<i32>} : memref<640xf32, #tpu.memory_space<vmem>>, vector<16xf32>,
    %get3A_127 = arith.constant 64 : index
    %get3A_128 = tpu.vector_load %arg12[%get3A_127] {strides = array<i32>} : memref<640xf32, #tpu.memory_space<vmem>>, vector<16xf32>,
    %get3A_129 = vector.shape_cast %get3A_128 : vector<16xf32> to vector<16xf32>
    %gt3A_130 = arith.constant 0.000000e+00 : f32
    %gt3A_131 = vector.broadcast %gt3A_130 : f32 to vector<16xf32>
    %gt3A_132 = arith.cmpf ogt, %get3A_129, %gt3A_131 : vector<16xf32>
    %max3A_133 = arith.constant 1.000000e+00 : f32
    %max3A_134 = vector.broadcast %max3A_133 : f32 to vector<16xf32>
    %max3A_135 = arith.maximumf %get3A_129, %max3A_134 : vector<16xf32>
    %div3A_136 = arith.constant 1.000000e+00 : f32
    %div3A_137 = vector.broadcast %div3A_136 : f32 to vector<16xf32>
    %div3A_138 = arith.divf %div3A_137, %max3A_135 : vector<16xf32>
    %jit3A_139 = arith.constant 0.000000e+00 : f32
    %broadcast_in_dim3A_140 = vector.broadcast %jit3A_139 : f32 to vector<16xf32>
    %select_n3A_141 = arith.select %gt3A_132, %div3A_138, %broadcast_in_dim3A_140 : vector<16xi1>, vector<16xf32>
    %swap3A_142 = arith.constant 64 : index
    %swap3A_143 = tpu.vector_load %arg12[%swap3A_142] {strides = array<i32>} : memref<640xf32, #tpu.memory_space<vmem>>, vector<16xf32>,
    %swap3A_144 = vector.shape_cast %swap3A_143 : vector<16xf32> to vector<16xf32>
    %swap3A_145 = vector.shape_cast %select_n3A_141 : vector<16xf32> to vector<16xf32>
    tpu.vector_store %arg12[%swap3A_142], %swap3A_145 {strides = array<i32>} : memref<640xf32, #tpu.memory_space<vmem>>, vector<16xf32>,
    %get3A_146 = arith.constant 80 : index
    %get3A_147 = tpu.vector_load %arg12[%get3A_146] {strides = array<i32>} : memref<640xf32, #tpu.memory_space<vmem>>, vector<16xf32>,
    %get3A_148 = vector.shape_cast %get3A_147 : vector<16xf32> to vector<16xf32>
    %gt3A_149 = arith.constant 0.000000e+00 : f32
    %gt3A_150 = vector.broadcast %gt3A_149 : f32 to vector<16xf32>
    %gt3A_151 = arith.cmpf ogt, %get3A_148, %gt3A_150 : vector<16xf32>
    %max3A_152 = arith.constant 1.000000e+00 : f32
    %max3A_153 = vector.broadcast %max3A_152 : f32 to vector<16xf32>
    %max3A_154 = arith.maximumf %get3A_148, %max3A_153 : vector<16xf32>
    %div3A_155 = arith.constant 1.000000e+00 : f32
    %div3A_156 = vector.broadcast %div3A_155 : f32 to vector<16xf32>
    %div3A_157 = arith.divf %div3A_156, %max3A_154 : vector<16xf32>
    %jit3A_158 = arith.constant 0.000000e+00 : f32
    %broadcast_in_dim3A_159 = vector.broadcast %jit3A_158 : f32 to vector<16xf32>
    %select_n3A_160 = arith.select %gt3A_151, %div3A_157, %broadcast_in_dim3A_159 : vector<16xi1>, vector<16xf32>
    %swap3A_161 = arith.constant 80 : index
    %swap3A_162 = tpu.vector_load %arg12[%swap3A_161] {strides = array<i32>} : memref<640xf32, #tpu.memory_space<vmem>>, vector<16xf32>,
    %swap3A_163 = vector.shape_cast %swap3A_162 : vector<16xf32> to vector<16xf32>
    %swap3A_164 = vector.shape_cast %select_n3A_160 : vector<16xf32> to vector<16xf32>
    tpu.vector_store %arg12[%swap3A_161], %swap3A_164 {strides = array<i32>} : memref<640xf32, #tpu.memory_space<vmem>>, vector<16xf32>,
    %get3A_165 = arith.constant 96 : index
    %get3A_166 = tpu.vector_load %arg12[%get3A_165] {strides = array<i32>} : memref<640xf32, #tpu.memory_space<vmem>>, vector<16xf32>,
    %get3A_167 = vector.shape_cast %get3A_166 : vector<16xf32> to vector<16xf32>
    %gt3A_168 = arith.constant 0.000000e+00 : f32
    %gt3A_169 = vector.broadcast %gt3A_168 : f32 to vector<16xf32>
    %gt3A_170 = arith.cmpf ogt, %get3A_167, %gt3A_169 : vector<16xf32>
    %max3A_171 = arith.constant 1.000000e+00 : f32
    %max3A_172 = vector.broadcast %max3A_171 : f32 to vector<16xf32>
    %max3A_173 = arith.maximumf %get3A_167, %max3A_172 : vector<16xf32>
    %div3A_174 = arith.constant 1.000000e+00 : f32
    %div3A_175 = vector.broadcast %div3A_174 : f32 to vector<16xf32>
    %div3A_176 = arith.divf %div3A_175, %max3A_173 : vector<16xf32>
    %jit3A_177 = arith.constant 0.000000e+00 : f32
    %broadcast_in_dim3A_178 = vector.broadcast %jit3A_177 : f32 to vector<16xf32>
    %select_n3A_179 = arith.select %gt3A_170, %div3A_176, %broadcast_in_dim3A_178 : vector<16xi1>, vector<16xf32>
    %swap3A_180 = arith.constant 96 : index
    %swap3A_181 = tpu.vector_load %arg12[%swap3A_180] {strides = array<i32>} : memref<640xf32, #tpu.memory_space<vmem>>, vector<16xf32>,
    %swap3A_182 = vector.shape_cast %swap3A_181 : vector<16xf32> to vector<16xf32>
    %swap3A_183 = vector.shape_cast %select_n3A_179 : vector<16xf32> to vector<16xf32>
    tpu.vector_store %arg12[%swap3A_180], %swap3A_183 {strides = array<i32>} : memref<640xf32, #tpu.memory_space<vmem>>, vector<16xf32>,
    %get3A_184 = arith.constant 112 : index
    %get3A_185 = tpu.vector_load %arg12[%get3A_184] {strides = array<i32>} : memref<640xf32, #tpu.memory_space<vmem>>, vector<16xf32>,
    %get3A_186 = vector.shape_cast %get3A_185 : vector<16xf32> to vector<16xf32>
    %gt3A_187 = arith.constant 0.000000e+00 : f32
    %gt3A_188 = vector.broadcast %gt3A_187 : f32 to vector<16xf32>
    %gt3A_189 = arith.cmpf ogt, %get3A_186, %gt3A_188 : vector<16xf32>
    %max3A_190 = arith.constant 1.000000e+00 : f32
    %max3A_191 = vector.broadcast %max3A_190 : f32 to vector<16xf32>
    %max3A_192 = arith.maximumf %get3A_186, %max3A_191 : vector<16xf32>
    %div3A_193 = arith.constant 1.000000e+00 : f32
    %div3A_194 = vector.broadcast %div3A_193 : f32 to vector<16xf32>
    %div3A_195 = arith.divf %div3A_194, %max3A_192 : vector<16xf32>
    %jit3A_196 = arith.constant 0.000000e+00 : f32
    %broadcast_in_dim3A_197 = vector.broadcast %jit3A_196 : f32 to vector<16xf32>
    %select_n3A_198 = arith.select %gt3A_189, %div3A_195, %broadcast_in_dim3A_197 : vector<16xi1>, vector<16xf32>
    %swap3A_199 = arith.constant 112 : index
    %swap3A_200 = tpu.vector_load %arg12[%swap3A_199] {strides = array<i32>} : memref<640xf32, #tpu.memory_space<vmem>>, vector<16xf32>,
    %swap3A_201 = vector.shape_cast %swap3A_200 : vector<16xf32> to vector<16xf32>
    %swap3A_202 = vector.shape_cast %select_n3A_198 : vector<16xf32> to vector<16xf32>
    tpu.vector_store %arg12[%swap3A_199], %swap3A_202 {strides = array<i32>} : memref<640xf32, #tpu.memory_space<vmem>>, vector<16xf32>,
    %get3A_203 = arith.constant 128 : index
    %get3A_204 = tpu.vector_load %arg12[%get3A_203] {strides = array<i32>} : memref<640xf32, #tpu.memory_space<vmem>>, vector<16xf32>,
    %get3A_205 = vector.shape_cast %get3A_204 : vector<16xf32> to vector<16xf32>
    %gt3A_206 = arith.constant 0.000000e+00 : f32
    %gt3A_207 = vector.broadcast %gt3A_206 : f32 to vector<16xf32>
    %gt3A_208 = arith.cmpf ogt, %get3A_205, %gt3A_207 : vector<16xf32>
    %max3A_209 = arith.constant 1.000000e+00 : f32
    %max3A_210 = vector.broadcast %max3A_209 : f32 to vector<16xf32>
    %max3A_211 = arith.maximumf %get3A_205, %max3A_210 : vector<16xf32>
    %div3A_212 = arith.constant 1.000000e+00 : f32
    %div3A_213 = vector.broadcast %div3A_212 : f32 to vector<16xf32>
    %div3A_214 = arith.divf %div3A_213, %max3A_211 : vector<16xf32>
    %jit3A_215 = arith.constant 0.000000e+00 : f32
    %broadcast_in_dim3A_216 = vector.broadcast %jit3A_215 : f32 to vector<16xf32>
    %select_n3A_217 = arith.select %gt3A_208, %div3A_214, %broadcast_in_dim3A_216 : vector<16xi1>, vector<16xf32>
    %swap3A_218 = arith.constant 128 : index
    %swap3A_219 = tpu.vector_load %arg12[%swap3A_218] {strides = array<i32>} : memref<640xf32, #tpu.memory_space<vmem>>, vector<16xf32>,
    %swap3A_220 = vector.shape_cast %swap3A_219 : vector<16xf32> to vector<16xf32>
    %swap3A_221 = vector.shape_cast %select_n3A_217 : vector<16xf32> to vector<16xf32>
    tpu.vector_store %arg12[%swap3A_218], %swap3A_221 {strides = array<i32>} : memref<640xf32, #tpu.memory_space<vmem>>, vector<16xf32>,
    %get3A_222 = arith.constant 144 : index
    %get3A_223 = tpu.vector_load %arg12[%get3A_222] {strides = array<i32>} : memref<640xf32, #tpu.memory_space<vmem>>, vector<16xf32>,
    %get3A_224 = vector.shape_cast %get3A_223 : vector<16xf32> to vector<16xf32>
    %gt3A_225 = arith.constant 0.000000e+00 : f32
    %gt3A_226 = vector.broadcast %gt3A_225 : f32 to vector<16xf32>
    %gt3A_227 = arith.cmpf ogt, %get3A_224, %gt3A_226 : vector<16xf32>
    %max3A_228 = arith.constant 1.000000e+00 : f32
    %max3A_229 = vector.broadcast %max3A_228 : f32 to vector<16xf32>
    %max3A_230 = arith.maximumf %get3A_224, %max3A_229 : vector<16xf32>
    %div3A_231 = arith.constant 1.000000e+00 : f32
    %div3A_232 = vector.broadcast %div3A_231 : f32 to vector<16xf32>
    %div3A_233 = arith.divf %div3A_232, %max3A_230 : vector<16xf32>
    %jit3A_234 = arith.constant 0.000000e+00 : f32
    %broadcast_in_dim3A_235 = vector.broadcast %jit3A_234 : f32 to vector<16xf32>
    %select_n3A_236 = arith.select %gt3A_227, %div3A_233, %broadcast_in_dim3A_235 : vector<16xi1>, vector<16xf32>
    %swap3A_237 = arith.constant 144 : index
    %swap3A_238 = tpu.vector_load %arg12[%swap3A_237] {strides = array<i32>} : memref<640xf32, #tpu.memory_space<vmem>>, vector<16xf32>,
    %swap3A_239 = vector.shape_cast %swap3A_238 : vector<16xf32> to vector<16xf32>
    %swap3A_240 = vector.shape_cast %select_n3A_236 : vector<16xf32> to vector<16xf32>
    tpu.vector_store %arg12[%swap3A_237], %swap3A_240 {strides = array<i32>} : memref<640xf32, #tpu.memory_space<vmem>>, vector<16xf32>,
    %get3A_241 = arith.constant 160 : index
    %get3A_242 = tpu.vector_load %arg12[%get3A_241] {strides = array<i32>} : memref<640xf32, #tpu.memory_space<vmem>>, vector<16xf32>,
    %get3A_243 = vector.shape_cast %get3A_242 : vector<16xf32> to vector<16xf32>
    %gt3A_244 = arith.constant 0.000000e+00 : f32
    %gt3A_245 = vector.broadcast %gt3A_244 : f32 to vector<16xf32>
    %gt3A_246 = arith.cmpf ogt, %get3A_243, %gt3A_245 : vector<16xf32>
    %max3A_247 = arith.constant 1.000000e+00 : f32
    %max3A_248 = vector.broadcast %max3A_247 : f32 to vector<16xf32>
    %max3A_249 = arith.maximumf %get3A_243, %max3A_248 : vector<16xf32>
    %div3A_250 = arith.constant 1.000000e+00 : f32
    %div3A_251 = vector.broadcast %div3A_250 : f32 to vector<16xf32>
    %div3A_252 = arith.divf %div3A_251, %max3A_249 : vector<16xf32>
    %jit3A_253 = arith.constant 0.000000e+00 : f32
    %broadcast_in_dim3A_254 = vector.broadcast %jit3A_253 : f32 to vector<16xf32>
    %select_n3A_255 = arith.select %gt3A_246, %div3A_252, %broadcast_in_dim3A_254 : vector<16xi1>, vector<16xf32>
    %swap3A_256 = arith.constant 160 : index
    %swap3A_257 = tpu.vector_load %arg12[%swap3A_256] {strides = array<i32>} : memref<640xf32, #tpu.memory_space<vmem>>, vector<16xf32>,
    %swap3A_258 = vector.shape_cast %swap3A_257 : vector<16xf32> to vector<16xf32>
    %swap3A_259 = vector.shape_cast %select_n3A_255 : vector<16xf32> to vector<16xf32>
    tpu.vector_store %arg12[%swap3A_256], %swap3A_259 {strides = array<i32>} : memref<640xf32, #tpu.memory_space<vmem>>, vector<16xf32>,
    %get3A_260 = arith.constant 176 : index
    %get3A_261 = tpu.vector_load %arg12[%get3A_260] {strides = array<i32>} : memref<640xf32, #tpu.memory_space<vmem>>, vector<16xf32>,
    %get3A_262 = vector.shape_cast %get3A_261 : vector<16xf32> to vector<16xf32>
    %gt3A_263 = arith.constant 0.000000e+00 : f32
    %gt3A_264 = vector.broadcast %gt3A_263 : f32 to vector<16xf32>
    %gt3A_265 = arith.cmpf ogt, %get3A_262, %gt3A_264 : vector<16xf32>
    %max3A_266 = arith.constant 1.000000e+00 : f32
    %max3A_267 = vector.broadcast %max3A_266 : f32 to vector<16xf32>
    %max3A_268 = arith.maximumf %get3A_262, %max3A_267 : vector<16xf32>
    %div3A_269 = arith.constant 1.000000e+00 : f32
    %div3A_270 = vector.broadcast %div3A_269 : f32 to vector<16xf32>
    %div3A_271 = arith.divf %div3A_270, %max3A_268 : vector<16xf32>
    %jit3A_272 = arith.constant 0.000000e+00 : f32
    %broadcast_in_dim3A_273 = vector.broadcast %jit3A_272 : f32 to vector<16xf32>
    %select_n3A_274 = arith.select %gt3A_265, %div3A_271, %broadcast_in_dim3A_273 : vector<16xi1>, vector<16xf32>
    %swap3A_275 = arith.constant 176 : index
    %swap3A_276 = tpu.vector_load %arg12[%swap3A_275] {strides = array<i32>} : memref<640xf32, #tpu.memory_space<vmem>>, vector<16xf32>,
    %swap3A_277 = vector.shape_cast %swap3A_276 : vector<16xf32> to vector<16xf32>
    %swap3A_278 = vector.shape_cast %select_n3A_274 : vector<16xf32> to vector<16xf32>
    tpu.vector_store %arg12[%swap3A_275], %swap3A_278 {strides = array<i32>} : memref<640xf32, #tpu.memory_space<vmem>>, vector<16xf32>,
    %get3A_279 = arith.constant 192 : index
    %get3A_280 = tpu.vector_load %arg12[%get3A_279] {strides = array<i32>} : memref<640xf32, #tpu.memory_space<vmem>>, vector<16xf32>,
    %get3A_281 = vector.shape_cast %get3A_280 : vector<16xf32> to vector<16xf32>
    %gt3A_282 = arith.constant 0.000000e+00 : f32
    %gt3A_283 = vector.broadcast %gt3A_282 : f32 to vector<16xf32>
    %gt3A_284 = arith.cmpf ogt, %get3A_281, %gt3A_283 : vector<16xf32>
    %max3A_285 = arith.constant 1.000000e+00 : f32
    %max3A_286 = vector.broadcast %max3A_285 : f32 to vector<16xf32>
    %max3A_287 = arith.maximumf %get3A_281, %max3A_286 : vector<16xf32>
    %div3A_288 = arith.constant 1.000000e+00 : f32
    %div3A_289 = vector.broadcast %div3A_288 : f32 to vector<16xf32>
    %div3A_290 = arith.divf %div3A_289, %max3A_287 : vector<16xf32>
    %jit3A_291 = arith.constant 0.000000e+00 : f32
    %broadcast_in_dim3A_292 = vector.broadcast %jit3A_291 : f32 to vector<16xf32>
    %select_n3A_293 = arith.select %gt3A_284, %div3A_290, %broadcast_in_dim3A_292 : vector<16xi1>, vector<16xf32>
    %swap3A_294 = arith.constant 192 : index
    %swap3A_295 = tpu.vector_load %arg12[%swap3A_294] {strides = array<i32>} : memref<640xf32, #tpu.memory_space<vmem>>, vector<16xf32>,
    %swap3A_296 = vector.shape_cast %swap3A_295 : vector<16xf32> to vector<16xf32>
    %swap3A_297 = vector.shape_cast %select_n3A_293 : vector<16xf32> to vector<16xf32>
    tpu.vector_store %arg12[%swap3A_294], %swap3A_297 {strides = array<i32>} : memref<640xf32, #tpu.memory_space<vmem>>, vector<16xf32>,
    %get3A_298 = arith.constant 208 : index
    %get3A_299 = tpu.vector_load %arg12[%get3A_298] {strides = array<i32>} : memref<640xf32, #tpu.memory_space<vmem>>, vector<16xf32>,
    %get3A_300 = vector.shape_cast %get3A_299 : vector<16xf32> to vector<16xf32>
    %gt3A_301 = arith.constant 0.000000e+00 : f32
    %gt3A_302 = vector.broadcast %gt3A_301 : f32 to vector<16xf32>
    %gt3A_303 = arith.cmpf ogt, %get3A_300, %gt3A_302 : vector<16xf32>
    %max3A_304 = arith.constant 1.000000e+00 : f32
    %max3A_305 = vector.broadcast %max3A_304 : f32 to vector<16xf32>
    %max3A_306 = arith.maximumf %get3A_300, %max3A_305 : vector<16xf32>
    %div3A_307 = arith.constant 1.000000e+00 : f32
    %div3A_308 = vector.broadcast %div3A_307 : f32 to vector<16xf32>
    %div3A_309 = arith.divf %div3A_308, %max3A_306 : vector<16xf32>
    %jit3A_310 = arith.constant 0.000000e+00 : f32
    %broadcast_in_dim3A_311 = vector.broadcast %jit3A_310 : f32 to vector<16xf32>
    %select_n3A_312 = arith.select %gt3A_303, %div3A_309, %broadcast_in_dim3A_311 : vector<16xi1>, vector<16xf32>
    %swap3A_313 = arith.constant 208 : index
    %swap3A_314 = tpu.vector_load %arg12[%swap3A_313] {strides = array<i32>} : memref<640xf32, #tpu.memory_space<vmem>>, vector<16xf32>,
    %swap3A_315 = vector.shape_cast %swap3A_314 : vector<16xf32> to vector<16xf32>
    %swap3A_316 = vector.shape_cast %select_n3A_312 : vector<16xf32> to vector<16xf32>
    tpu.vector_store %arg12[%swap3A_313], %swap3A_316 {strides = array<i32>} : memref<640xf32, #tpu.memory_space<vmem>>, vector<16xf32>,
    %get3A_317 = arith.constant 224 : index
    %get3A_318 = tpu.vector_load %arg12[%get3A_317] {strides = array<i32>} : memref<640xf32, #tpu.memory_space<vmem>>, vector<16xf32>,
    %get3A_319 = vector.shape_cast %get3A_318 : vector<16xf32> to vector<16xf32>
    %gt3A_320 = arith.constant 0.000000e+00 : f32
    %gt3A_321 = vector.broadcast %gt3A_320 : f32 to vector<16xf32>
    %gt3A_322 = arith.cmpf ogt, %get3A_319, %gt3A_321 : vector<16xf32>
    %max3A_323 = arith.constant 1.000000e+00 : f32
    %max3A_324 = vector.broadcast %max3A_323 : f32 to vector<16xf32>
    %max3A_325 = arith.maximumf %get3A_319, %max3A_324 : vector<16xf32>
    %div3A_326 = arith.constant 1.000000e+00 : f32
    %div3A_327 = vector.broadcast %div3A_326 : f32 to vector<16xf32>
    %div3A_328 = arith.divf %div3A_327, %max3A_325 : vector<16xf32>
    %jit3A_329 = arith.constant 0.000000e+00 : f32
    %broadcast_in_dim3A_330 = vector.broadcast %jit3A_329 : f32 to vector<16xf32>
    %select_n3A_331 = arith.select %gt3A_322, %div3A_328, %broadcast_in_dim3A_330 : vector<16xi1>, vector<16xf32>
    %swap3A_332 = arith.constant 224 : index
    %swap3A_333 = tpu.vector_load %arg12[%swap3A_332] {strides = array<i32>} : memref<640xf32, #tpu.memory_space<vmem>>, vector<16xf32>,
    %swap3A_334 = vector.shape_cast %swap3A_333 : vector<16xf32> to vector<16xf32>
    %swap3A_335 = vector.shape_cast %select_n3A_331 : vector<16xf32> to vector<16xf32>
    tpu.vector_store %arg12[%swap3A_332], %swap3A_335 {strides = array<i32>} : memref<640xf32, #tpu.memory_space<vmem>>, vector<16xf32>,
    %get3A_336 = arith.constant 240 : index
    %get3A_337 = tpu.vector_load %arg12[%get3A_336] {strides = array<i32>} : memref<640xf32, #tpu.memory_space<vmem>>, vector<16xf32>,
    %get3A_338 = vector.shape_cast %get3A_337 : vector<16xf32> to vector<16xf32>
    %gt3A_339 = arith.constant 0.000000e+00 : f32
    %gt3A_340 = vector.broadcast %gt3A_339 : f32 to vector<16xf32>
    %gt3A_341 = arith.cmpf ogt, %get3A_338, %gt3A_340 : vector<16xf32>
    %max3A_342 = arith.constant 1.000000e+00 : f32
    %max3A_343 = vector.broadcast %max3A_342 : f32 to vector<16xf32>
    %max3A_344 = arith.maximumf %get3A_338, %max3A_343 : vector<16xf32>
    %div3A_345 = arith.constant 1.000000e+00 : f32
    %div3A_346 = vector.broadcast %div3A_345 : f32 to vector<16xf32>
    %div3A_347 = arith.divf %div3A_346, %max3A_344 : vector<16xf32>
    %jit3A_348 = arith.constant 0.000000e+00 : f32
    %broadcast_in_dim3A_349 = vector.broadcast %jit3A_348 : f32 to vector<16xf32>
    %select_n3A_350 = arith.select %gt3A_341, %div3A_347, %broadcast_in_dim3A_349 : vector<16xi1>, vector<16xf32>
    %swap3A_351 = arith.constant 240 : index
    %swap3A_352 = tpu.vector_load %arg12[%swap3A_351] {strides = array<i32>} : memref<640xf32, #tpu.memory_space<vmem>>, vector<16xf32>,
    %swap3A_353 = vector.shape_cast %swap3A_352 : vector<16xf32> to vector<16xf32>
    %swap3A_354 = vector.shape_cast %select_n3A_350 : vector<16xf32> to vector<16xf32>
    tpu.vector_store %arg12[%swap3A_351], %swap3A_354 {strides = array<i32>} : memref<640xf32, #tpu.memory_space<vmem>>, vector<16xf32>,
    %get3A_355 = arith.constant 256 : index
    %get3A_356 = tpu.vector_load %arg12[%get3A_355] {strides = array<i32>} : memref<640xf32, #tpu.memory_space<vmem>>, vector<16xf32>,
    %get3A_357 = vector.shape_cast %get3A_356 : vector<16xf32> to vector<16xf32>
    %gt3A_358 = arith.constant 0.000000e+00 : f32
    %gt3A_359 = vector.broadcast %gt3A_358 : f32 to vector<16xf32>
    %gt3A_360 = arith.cmpf ogt, %get3A_357, %gt3A_359 : vector<16xf32>
    %max3A_361 = arith.constant 1.000000e+00 : f32
    %max3A_362 = vector.broadcast %max3A_361 : f32 to vector<16xf32>
    %max3A_363 = arith.maximumf %get3A_357, %max3A_362 : vector<16xf32>
    %div3A_364 = arith.constant 1.000000e+00 : f32
    %div3A_365 = vector.broadcast %div3A_364 : f32 to vector<16xf32>
    %div3A_366 = arith.divf %div3A_365, %max3A_363 : vector<16xf32>
    %jit3A_367 = arith.constant 0.000000e+00 : f32
    %broadcast_in_dim3A_368 = vector.broadcast %jit3A_367 : f32 to vector<16xf32>
    %select_n3A_369 = arith.select %gt3A_360, %div3A_366, %broadcast_in_dim3A_368 : vector<16xi1>, vector<16xf32>
    %swap3A_370 = arith.constant 256 : index
    %swap3A_371 = tpu.vector_load %arg12[%swap3A_370] {strides = array<i32>} : memref<640xf32, #tpu.memory_space<vmem>>, vector<16xf32>,
    %swap3A_372 = vector.shape_cast %swap3A_371 : vector<16xf32> to vector<16xf32>
    %swap3A_373 = vector.shape_cast %select_n3A_369 : vector<16xf32> to vector<16xf32>
    tpu.vector_store %arg12[%swap3A_370], %swap3A_373 {strides = array<i32>} : memref<640xf32, #tpu.memory_space<vmem>>, vector<16xf32>,
    %get3A_374 = arith.constant 272 : index
    %get3A_375 = tpu.vector_load %arg12[%get3A_374] {strides = array<i32>} : memref<640xf32, #tpu.memory_space<vmem>>, vector<16xf32>,
    %get3A_376 = vector.shape_cast %get3A_375 : vector<16xf32> to vector<16xf32>
    %gt3A_377 = arith.constant 0.000000e+00 : f32
    %gt3A_378 = vector.broadcast %gt3A_377 : f32 to vector<16xf32>
    %gt3A_379 = arith.cmpf ogt, %get3A_376, %gt3A_378 : vector<16xf32>
    %max3A_380 = arith.constant 1.000000e+00 : f32
    %max3A_381 = vector.broadcast %max3A_380 : f32 to vector<16xf32>
    %max3A_382 = arith.maximumf %get3A_376, %max3A_381 : vector<16xf32>
    %div3A_383 = arith.constant 1.000000e+00 : f32
    %div3A_384 = vector.broadcast %div3A_383 : f32 to vector<16xf32>
    %div3A_385 = arith.divf %div3A_384, %max3A_382 : vector<16xf32>
    %jit3A_386 = arith.constant 0.000000e+00 : f32
    %broadcast_in_dim3A_387 = vector.broadcast %jit3A_386 : f32 to vector<16xf32>
    %select_n3A_388 = arith.select %gt3A_379, %div3A_385, %broadcast_in_dim3A_387 : vector<16xi1>, vector<16xf32>
    %swap3A_389 = arith.constant 272 : index
    %swap3A_390 = tpu.vector_load %arg12[%swap3A_389] {strides = array<i32>} : memref<640xf32, #tpu.memory_space<vmem>>, vector<16xf32>,
    %swap3A_391 = vector.shape_cast %swap3A_390 : vector<16xf32> to vector<16xf32>
    %swap3A_392 = vector.shape_cast %select_n3A_388 : vector<16xf32> to vector<16xf32>
    tpu.vector_store %arg12[%swap3A_389], %swap3A_392 {strides = array<i32>} : memref<640xf32, #tpu.memory_space<vmem>>, vector<16xf32>,
    %get3A_393 = arith.constant 288 : index
    %get3A_394 = tpu.vector_load %arg12[%get3A_393] {strides = array<i32>} : memref<640xf32, #tpu.memory_space<vmem>>, vector<16xf32>,
    %get3A_395 = vector.shape_cast %get3A_394 : vector<16xf32> to vector<16xf32>
    %gt3A_396 = arith.constant 0.000000e+00 : f32
    %gt3A_397 = vector.broadcast %gt3A_396 : f32 to vector<16xf32>
    %gt3A_398 = arith.cmpf ogt, %get3A_395, %gt3A_397 : vector<16xf32>
    %max3A_399 = arith.constant 1.000000e+00 : f32
    %max3A_400 = vector.broadcast %max3A_399 : f32 to vector<16xf32>
    %max3A_401 = arith.maximumf %get3A_395, %max3A_400 : vector<16xf32>
    %div3A_402 = arith.constant 1.000000e+00 : f32
    %div3A_403 = vector.broadcast %div3A_402 : f32 to vector<16xf32>
    %div3A_404 = arith.divf %div3A_403, %max3A_401 : vector<16xf32>
    %jit3A_405 = arith.constant 0.000000e+00 : f32
    %broadcast_in_dim3A_406 = vector.broadcast %jit3A_405 : f32 to vector<16xf32>
    %select_n3A_407 = arith.select %gt3A_398, %div3A_404, %broadcast_in_dim3A_406 : vector<16xi1>, vector<16xf32>
    %swap3A_408 = arith.constant 288 : index
    %swap3A_409 = tpu.vector_load %arg12[%swap3A_408] {strides = array<i32>} : memref<640xf32, #tpu.memory_space<vmem>>, vector<16xf32>,
    %swap3A_410 = vector.shape_cast %swap3A_409 : vector<16xf32> to vector<16xf32>
    %swap3A_411 = vector.shape_cast %select_n3A_407 : vector<16xf32> to vector<16xf32>
    tpu.vector_store %arg12[%swap3A_408], %swap3A_411 {strides = array<i32>} : memref<640xf32, #tpu.memory_space<vmem>>, vector<16xf32>,
    %get3A_412 = arith.constant 304 : index
    %get3A_413 = tpu.vector_load %arg12[%get3A_412] {strides = array<i32>} : memref<640xf32, #tpu.memory_space<vmem>>, vector<16xf32>,
    %get3A_414 = vector.shape_cast %get3A_413 : vector<16xf32> to vector<16xf32>
    %gt3A_415 = arith.constant 0.000000e+00 : f32
    %gt3A_416 = vector.broadcast %gt3A_415 : f32 to vector<16xf32>
    %gt3A_417 = arith.cmpf ogt, %get3A_414, %gt3A_416 : vector<16xf32>
    %max3A_418 = arith.constant 1.000000e+00 : f32
    %max3A_419 = vector.broadcast %max3A_418 : f32 to vector<16xf32>
    %max3A_420 = arith.maximumf %get3A_414, %max3A_419 : vector<16xf32>
    %div3A_421 = arith.constant 1.000000e+00 : f32
    %div3A_422 = vector.broadcast %div3A_421 : f32 to vector<16xf32>
    %div3A_423 = arith.divf %div3A_422, %max3A_420 : vector<16xf32>
    %jit3A_424 = arith.constant 0.000000e+00 : f32
    %broadcast_in_dim3A_425 = vector.broadcast %jit3A_424 : f32 to vector<16xf32>
    %select_n3A_426 = arith.select %gt3A_417, %div3A_423, %broadcast_in_dim3A_425 : vector<16xi1>, vector<16xf32>
    %swap3A_427 = arith.constant 304 : index
    %swap3A_428 = tpu.vector_load %arg12[%swap3A_427] {strides = array<i32>} : memref<640xf32, #tpu.memory_space<vmem>>, vector<16xf32>,
    %swap3A_429 = vector.shape_cast %swap3A_428 : vector<16xf32> to vector<16xf32>
    %swap3A_430 = vector.shape_cast %select_n3A_426 : vector<16xf32> to vector<16xf32>
    tpu.vector_store %arg12[%swap3A_427], %swap3A_430 {strides = array<i32>} : memref<640xf32, #tpu.memory_space<vmem>>, vector<16xf32>,
    %get3A_431 = arith.constant 320 : index
    %get3A_432 = tpu.vector_load %arg12[%get3A_431] {strides = array<i32>} : memref<640xf32, #tpu.memory_space<vmem>>, vector<16xf32>,
    %get3A_433 = vector.shape_cast %get3A_432 : vector<16xf32> to vector<16xf32>
    %gt3A_434 = arith.constant 0.000000e+00 : f32
    %gt3A_435 = vector.broadcast %gt3A_434 : f32 to vector<16xf32>
    %gt3A_436 = arith.cmpf ogt, %get3A_433, %gt3A_435 : vector<16xf32>
    %max3A_437 = arith.constant 1.000000e+00 : f32
    %max3A_438 = vector.broadcast %max3A_437 : f32 to vector<16xf32>
    %max3A_439 = arith.maximumf %get3A_433, %max3A_438 : vector<16xf32>
    %div3A_440 = arith.constant 1.000000e+00 : f32
    %div3A_441 = vector.broadcast %div3A_440 : f32 to vector<16xf32>
    %div3A_442 = arith.divf %div3A_441, %max3A_439 : vector<16xf32>
    %jit3A_443 = arith.constant 0.000000e+00 : f32
    %broadcast_in_dim3A_444 = vector.broadcast %jit3A_443 : f32 to vector<16xf32>
    %select_n3A_445 = arith.select %gt3A_436, %div3A_442, %broadcast_in_dim3A_444 : vector<16xi1>, vector<16xf32>
    %swap3A_446 = arith.constant 320 : index
    %swap3A_447 = tpu.vector_load %arg12[%swap3A_446] {strides = array<i32>} : memref<640xf32, #tpu.memory_space<vmem>>, vector<16xf32>,
    %swap3A_448 = vector.shape_cast %swap3A_447 : vector<16xf32> to vector<16xf32>
    %swap3A_449 = vector.shape_cast %select_n3A_445 : vector<16xf32> to vector<16xf32>
    tpu.vector_store %arg12[%swap3A_446], %swap3A_449 {strides = array<i32>} : memref<640xf32, #tpu.memory_space<vmem>>, vector<16xf32>,
    %get3A_450 = arith.constant 336 : index
    %get3A_451 = tpu.vector_load %arg12[%get3A_450] {strides = array<i32>} : memref<640xf32, #tpu.memory_space<vmem>>, vector<16xf32>,
    %get3A_452 = vector.shape_cast %get3A_451 : vector<16xf32> to vector<16xf32>
    %gt3A_453 = arith.constant 0.000000e+00 : f32
    %gt3A_454 = vector.broadcast %gt3A_453 : f32 to vector<16xf32>
    %gt3A_455 = arith.cmpf ogt, %get3A_452, %gt3A_454 : vector<16xf32>
    %max3A_456 = arith.constant 1.000000e+00 : f32
    %max3A_457 = vector.broadcast %max3A_456 : f32 to vector<16xf32>
    %max3A_458 = arith.maximumf %get3A_452, %max3A_457 : vector<16xf32>
    %div3A_459 = arith.constant 1.000000e+00 : f32
    %div3A_460 = vector.broadcast %div3A_459 : f32 to vector<16xf32>
    %div3A_461 = arith.divf %div3A_460, %max3A_458 : vector<16xf32>
    %jit3A_462 = arith.constant 0.000000e+00 : f32
    %broadcast_in_dim3A_463 = vector.broadcast %jit3A_462 : f32 to vector<16xf32>
    %select_n3A_464 = arith.select %gt3A_455, %div3A_461, %broadcast_in_dim3A_463 : vector<16xi1>, vector<16xf32>
    %swap3A_465 = arith.constant 336 : index
    %swap3A_466 = tpu.vector_load %arg12[%swap3A_465] {strides = array<i32>} : memref<640xf32, #tpu.memory_space<vmem>>, vector<16xf32>,
    %swap3A_467 = vector.shape_cast %swap3A_466 : vector<16xf32> to vector<16xf32>
    %swap3A_468 = vector.shape_cast %select_n3A_464 : vector<16xf32> to vector<16xf32>
    tpu.vector_store %arg12[%swap3A_465], %swap3A_468 {strides = array<i32>} : memref<640xf32, #tpu.memory_space<vmem>>, vector<16xf32>,
    %get3A_469 = arith.constant 352 : index
    %get3A_470 = tpu.vector_load %arg12[%get3A_469] {strides = array<i32>} : memref<640xf32, #tpu.memory_space<vmem>>, vector<16xf32>,
    %get3A_471 = vector.shape_cast %get3A_470 : vector<16xf32> to vector<16xf32>
    %gt3A_472 = arith.constant 0.000000e+00 : f32
    %gt3A_473 = vector.broadcast %gt3A_472 : f32 to vector<16xf32>
    %gt3A_474 = arith.cmpf ogt, %get3A_471, %gt3A_473 : vector<16xf32>
    %max3A_475 = arith.constant 1.000000e+00 : f32
    %max3A_476 = vector.broadcast %max3A_475 : f32 to vector<16xf32>
    %max3A_477 = arith.maximumf %get3A_471, %max3A_476 : vector<16xf32>
    %div3A_478 = arith.constant 1.000000e+00 : f32
    %div3A_479 = vector.broadcast %div3A_478 : f32 to vector<16xf32>
    %div3A_480 = arith.divf %div3A_479, %max3A_477 : vector<16xf32>
    %jit3A_481 = arith.constant 0.000000e+00 : f32
    %broadcast_in_dim3A_482 = vector.broadcast %jit3A_481 : f32 to vector<16xf32>
    %select_n3A_483 = arith.select %gt3A_474, %div3A_480, %broadcast_in_dim3A_482 : vector<16xi1>, vector<16xf32>
    %swap3A_484 = arith.constant 352 : index
    %swap3A_485 = tpu.vector_load %arg12[%swap3A_484] {strides = array<i32>} : memref<640xf32, #tpu.memory_space<vmem>>, vector<16xf32>,
    %swap3A_486 = vector.shape_cast %swap3A_485 : vector<16xf32> to vector<16xf32>
    %swap3A_487 = vector.shape_cast %select_n3A_483 : vector<16xf32> to vector<16xf32>
    tpu.vector_store %arg12[%swap3A_484], %swap3A_487 {strides = array<i32>} : memref<640xf32, #tpu.memory_space<vmem>>, vector<16xf32>,
    %get3A_488 = arith.constant 368 : index
    %get3A_489 = tpu.vector_load %arg12[%get3A_488] {strides = array<i32>} : memref<640xf32, #tpu.memory_space<vmem>>, vector<16xf32>,
    %get3A_490 = vector.shape_cast %get3A_489 : vector<16xf32> to vector<16xf32>
    %gt3A_491 = arith.constant 0.000000e+00 : f32
    %gt3A_492 = vector.broadcast %gt3A_491 : f32 to vector<16xf32>
    %gt3A_493 = arith.cmpf ogt, %get3A_490, %gt3A_492 : vector<16xf32>
    %max3A_494 = arith.constant 1.000000e+00 : f32
    %max3A_495 = vector.broadcast %max3A_494 : f32 to vector<16xf32>
    %max3A_496 = arith.maximumf %get3A_490, %max3A_495 : vector<16xf32>
    %div3A_497 = arith.constant 1.000000e+00 : f32
    %div3A_498 = vector.broadcast %div3A_497 : f32 to vector<16xf32>
    %div3A_499 = arith.divf %div3A_498, %max3A_496 : vector<16xf32>
    %jit3A_500 = arith.constant 0.000000e+00 : f32
    %broadcast_in_dim3A_501 = vector.broadcast %jit3A_500 : f32 to vector<16xf32>
    %select_n3A_502 = arith.select %gt3A_493, %div3A_499, %broadcast_in_dim3A_501 : vector<16xi1>, vector<16xf32>
    %swap3A_503 = arith.constant 368 : index
    %swap3A_504 = tpu.vector_load %arg12[%swap3A_503] {strides = array<i32>} : memref<640xf32, #tpu.memory_space<vmem>>, vector<16xf32>,
    %swap3A_505 = vector.shape_cast %swap3A_504 : vector<16xf32> to vector<16xf32>
    %swap3A_506 = vector.shape_cast %select_n3A_502 : vector<16xf32> to vector<16xf32>
    tpu.vector_store %arg12[%swap3A_503], %swap3A_506 {strides = array<i32>} : memref<640xf32, #tpu.memory_space<vmem>>, vector<16xf32>,
    %get3A_507 = arith.constant 384 : index
    %get3A_508 = tpu.vector_load %arg12[%get3A_507] {strides = array<i32>} : memref<640xf32, #tpu.memory_space<vmem>>, vector<16xf32>,
    %get3A_509 = vector.shape_cast %get3A_508 : vector<16xf32> to vector<16xf32>
    %gt3A_510 = arith.constant 0.000000e+00 : f32
    %gt3A_511 = vector.broadcast %gt3A_510 : f32 to vector<16xf32>
    %gt3A_512 = arith.cmpf ogt, %get3A_509, %gt3A_511 : vector<16xf32>
    %max3A_513 = arith.constant 1.000000e+00 : f32
    %max3A_514 = vector.broadcast %max3A_513 : f32 to vector<16xf32>
    %max3A_515 = arith.maximumf %get3A_509, %max3A_514 : vector<16xf32>
    %div3A_516 = arith.constant 1.000000e+00 : f32
    %div3A_517 = vector.broadcast %div3A_516 : f32 to vector<16xf32>
    %div3A_518 = arith.divf %div3A_517, %max3A_515 : vector<16xf32>
    %jit3A_519 = arith.constant 0.000000e+00 : f32
    %broadcast_in_dim3A_520 = vector.broadcast %jit3A_519 : f32 to vector<16xf32>
    %select_n3A_521 = arith.select %gt3A_512, %div3A_518, %broadcast_in_dim3A_520 : vector<16xi1>, vector<16xf32>
    %swap3A_522 = arith.constant 384 : index
    %swap3A_523 = tpu.vector_load %arg12[%swap3A_522] {strides = array<i32>} : memref<640xf32, #tpu.memory_space<vmem>>, vector<16xf32>,
    %swap3A_524 = vector.shape_cast %swap3A_523 : vector<16xf32> to vector<16xf32>
    %swap3A_525 = vector.shape_cast %select_n3A_521 : vector<16xf32> to vector<16xf32>
    tpu.vector_store %arg12[%swap3A_522], %swap3A_525 {strides = array<i32>} : memref<640xf32, #tpu.memory_space<vmem>>, vector<16xf32>,
    %get3A_526 = arith.constant 400 : index
    %get3A_527 = tpu.vector_load %arg12[%get3A_526] {strides = array<i32>} : memref<640xf32, #tpu.memory_space<vmem>>, vector<16xf32>,
    %get3A_528 = vector.shape_cast %get3A_527 : vector<16xf32> to vector<16xf32>
    %gt3A_529 = arith.constant 0.000000e+00 : f32
    %gt3A_530 = vector.broadcast %gt3A_529 : f32 to vector<16xf32>
    %gt3A_531 = arith.cmpf ogt, %get3A_528, %gt3A_530 : vector<16xf32>
    %max3A_532 = arith.constant 1.000000e+00 : f32
    %max3A_533 = vector.broadcast %max3A_532 : f32 to vector<16xf32>
    %max3A_534 = arith.maximumf %get3A_528, %max3A_533 : vector<16xf32>
    %div3A_535 = arith.constant 1.000000e+00 : f32
    %div3A_536 = vector.broadcast %div3A_535 : f32 to vector<16xf32>
    %div3A_537 = arith.divf %div3A_536, %max3A_534 : vector<16xf32>
    %jit3A_538 = arith.constant 0.000000e+00 : f32
    %broadcast_in_dim3A_539 = vector.broadcast %jit3A_538 : f32 to vector<16xf32>
    %select_n3A_540 = arith.select %gt3A_531, %div3A_537, %broadcast_in_dim3A_539 : vector<16xi1>, vector<16xf32>
    %swap3A_541 = arith.constant 400 : index
    %swap3A_542 = tpu.vector_load %arg12[%swap3A_541] {strides = array<i32>} : memref<640xf32, #tpu.memory_space<vmem>>, vector<16xf32>,
    %swap3A_543 = vector.shape_cast %swap3A_542 : vector<16xf32> to vector<16xf32>
    %swap3A_544 = vector.shape_cast %select_n3A_540 : vector<16xf32> to vector<16xf32>
    tpu.vector_store %arg12[%swap3A_541], %swap3A_544 {strides = array<i32>} : memref<640xf32, #tpu.memory_space<vmem>>, vector<16xf32>,
    %get3A_545 = arith.constant 416 : index
    %get3A_546 = tpu.vector_load %arg12[%get3A_545] {strides = array<i32>} : memref<640xf32, #tpu.memory_space<vmem>>, vector<16xf32>,
    %get3A_547 = vector.shape_cast %get3A_546 : vector<16xf32> to vector<16xf32>
    %gt3A_548 = arith.constant 0.000000e+00 : f32
    %gt3A_549 = vector.broadcast %gt3A_548 : f32 to vector<16xf32>
    %gt3A_550 = arith.cmpf ogt, %get3A_547, %gt3A_549 : vector<16xf32>
    %max3A_551 = arith.constant 1.000000e+00 : f32
    %max3A_552 = vector.broadcast %max3A_551 : f32 to vector<16xf32>
    %max3A_553 = arith.maximumf %get3A_547, %max3A_552 : vector<16xf32>
    %div3A_554 = arith.constant 1.000000e+00 : f32
    %div3A_555 = vector.broadcast %div3A_554 : f32 to vector<16xf32>
    %div3A_556 = arith.divf %div3A_555, %max3A_553 : vector<16xf32>
    %jit3A_557 = arith.constant 0.000000e+00 : f32
    %broadcast_in_dim3A_558 = vector.broadcast %jit3A_557 : f32 to vector<16xf32>
    %select_n3A_559 = arith.select %gt3A_550, %div3A_556, %broadcast_in_dim3A_558 : vector<16xi1>, vector<16xf32>
    %swap3A_560 = arith.constant 416 : index
    %swap3A_561 = tpu.vector_load %arg12[%swap3A_560] {strides = array<i32>} : memref<640xf32, #tpu.memory_space<vmem>>, vector<16xf32>,
    %swap3A_562 = vector.shape_cast %swap3A_561 : vector<16xf32> to vector<16xf32>
    %swap3A_563 = vector.shape_cast %select_n3A_559 : vector<16xf32> to vector<16xf32>
    tpu.vector_store %arg12[%swap3A_560], %swap3A_563 {strides = array<i32>} : memref<640xf32, #tpu.memory_space<vmem>>, vector<16xf32>,
    %get3A_564 = arith.constant 432 : index
    %get3A_565 = tpu.vector_load %arg12[%get3A_564] {strides = array<i32>} : memref<640xf32, #tpu.memory_space<vmem>>, vector<16xf32>,
    %get3A_566 = vector.shape_cast %get3A_565 : vector<16xf32> to vector<16xf32>
    %gt3A_567 = arith.constant 0.000000e+00 : f32
    %gt3A_568 = vector.broadcast %gt3A_567 : f32 to vector<16xf32>
    %gt3A_569 = arith.cmpf ogt, %get3A_566, %gt3A_568 : vector<16xf32>
    %max3A_570 = arith.constant 1.000000e+00 : f32
    %max3A_571 = vector.broadcast %max3A_570 : f32 to vector<16xf32>
    %max3A_572 = arith.maximumf %get3A_566, %max3A_571 : vector<16xf32>
    %div3A_573 = arith.constant 1.000000e+00 : f32
    %div3A_574 = vector.broadcast %div3A_573 : f32 to vector<16xf32>
    %div3A_575 = arith.divf %div3A_574, %max3A_572 : vector<16xf32>
    %jit3A_576 = arith.constant 0.000000e+00 : f32
    %broadcast_in_dim3A_577 = vector.broadcast %jit3A_576 : f32 to vector<16xf32>
    %select_n3A_578 = arith.select %gt3A_569, %div3A_575, %broadcast_in_dim3A_577 : vector<16xi1>, vector<16xf32>
    %swap3A_579 = arith.constant 432 : index
    %swap3A_580 = tpu.vector_load %arg12[%swap3A_579] {strides = array<i32>} : memref<640xf32, #tpu.memory_space<vmem>>, vector<16xf32>,
    %swap3A_581 = vector.shape_cast %swap3A_580 : vector<16xf32> to vector<16xf32>
    %swap3A_582 = vector.shape_cast %select_n3A_578 : vector<16xf32> to vector<16xf32>
    tpu.vector_store %arg12[%swap3A_579], %swap3A_582 {strides = array<i32>} : memref<640xf32, #tpu.memory_space<vmem>>, vector<16xf32>,
    %get3A_583 = arith.constant 448 : index
    %get3A_584 = tpu.vector_load %arg12[%get3A_583] {strides = array<i32>} : memref<640xf32, #tpu.memory_space<vmem>>, vector<16xf32>,
    %get3A_585 = vector.shape_cast %get3A_584 : vector<16xf32> to vector<16xf32>
    %gt3A_586 = arith.constant 0.000000e+00 : f32
    %gt3A_587 = vector.broadcast %gt3A_586 : f32 to vector<16xf32>
    %gt3A_588 = arith.cmpf ogt, %get3A_585, %gt3A_587 : vector<16xf32>
    %max3A_589 = arith.constant 1.000000e+00 : f32
    %max3A_590 = vector.broadcast %max3A_589 : f32 to vector<16xf32>
    %max3A_591 = arith.maximumf %get3A_585, %max3A_590 : vector<16xf32>
    %div3A_592 = arith.constant 1.000000e+00 : f32
    %div3A_593 = vector.broadcast %div3A_592 : f32 to vector<16xf32>
    %div3A_594 = arith.divf %div3A_593, %max3A_591 : vector<16xf32>
    %jit3A_595 = arith.constant 0.000000e+00 : f32
    %broadcast_in_dim3A_596 = vector.broadcast %jit3A_595 : f32 to vector<16xf32>
    %select_n3A_597 = arith.select %gt3A_588, %div3A_594, %broadcast_in_dim3A_596 : vector<16xi1>, vector<16xf32>
    %swap3A_598 = arith.constant 448 : index
    %swap3A_599 = tpu.vector_load %arg12[%swap3A_598] {strides = array<i32>} : memref<640xf32, #tpu.memory_space<vmem>>, vector<16xf32>,
    %swap3A_600 = vector.shape_cast %swap3A_599 : vector<16xf32> to vector<16xf32>
    %swap3A_601 = vector.shape_cast %select_n3A_597 : vector<16xf32> to vector<16xf32>
    tpu.vector_store %arg12[%swap3A_598], %swap3A_601 {strides = array<i32>} : memref<640xf32, #tpu.memory_space<vmem>>, vector<16xf32>,
    %get3A_602 = arith.constant 464 : index
    %get3A_603 = tpu.vector_load %arg12[%get3A_602] {strides = array<i32>} : memref<640xf32, #tpu.memory_space<vmem>>, vector<16xf32>,
    %get3A_604 = vector.shape_cast %get3A_603 : vector<16xf32> to vector<16xf32>
    %gt3A_605 = arith.constant 0.000000e+00 : f32
    %gt3A_606 = vector.broadcast %gt3A_605 : f32 to vector<16xf32>
    %gt3A_607 = arith.cmpf ogt, %get3A_604, %gt3A_606 : vector<16xf32>
    %max3A_608 = arith.constant 1.000000e+00 : f32
    %max3A_609 = vector.broadcast %max3A_608 : f32 to vector<16xf32>
    %max3A_610 = arith.maximumf %get3A_604, %max3A_609 : vector<16xf32>
    %div3A_611 = arith.constant 1.000000e+00 : f32
    %div3A_612 = vector.broadcast %div3A_611 : f32 to vector<16xf32>
    %div3A_613 = arith.divf %div3A_612, %max3A_610 : vector<16xf32>
    %jit3A_614 = arith.constant 0.000000e+00 : f32
    %broadcast_in_dim3A_615 = vector.broadcast %jit3A_614 : f32 to vector<16xf32>
    %select_n3A_616 = arith.select %gt3A_607, %div3A_613, %broadcast_in_dim3A_615 : vector<16xi1>, vector<16xf32>
    %swap3A_617 = arith.constant 464 : index
    %swap3A_618 = tpu.vector_load %arg12[%swap3A_617] {strides = array<i32>} : memref<640xf32, #tpu.memory_space<vmem>>, vector<16xf32>,
    %swap3A_619 = vector.shape_cast %swap3A_618 : vector<16xf32> to vector<16xf32>
    %swap3A_620 = vector.shape_cast %select_n3A_616 : vector<16xf32> to vector<16xf32>
    tpu.vector_store %arg12[%swap3A_617], %swap3A_620 {strides = array<i32>} : memref<640xf32, #tpu.memory_space<vmem>>, vector<16xf32>,
    %get3A_621 = arith.constant 480 : index
    %get3A_622 = tpu.vector_load %arg12[%get3A_621] {strides = array<i32>} : memref<640xf32, #tpu.memory_space<vmem>>, vector<16xf32>,
    %get3A_623 = vector.shape_cast %get3A_622 : vector<16xf32> to vector<16xf32>
    %gt3A_624 = arith.constant 0.000000e+00 : f32
    %gt3A_625 = vector.broadcast %gt3A_624 : f32 to vector<16xf32>
    %gt3A_626 = arith.cmpf ogt, %get3A_623, %gt3A_625 : vector<16xf32>
    %max3A_627 = arith.constant 1.000000e+00 : f32
    %max3A_628 = vector.broadcast %max3A_627 : f32 to vector<16xf32>
    %max3A_629 = arith.maximumf %get3A_623, %max3A_628 : vector<16xf32>
    %div3A_630 = arith.constant 1.000000e+00 : f32
    %div3A_631 = vector.broadcast %div3A_630 : f32 to vector<16xf32>
    %div3A_632 = arith.divf %div3A_631, %max3A_629 : vector<16xf32>
    %jit3A_633 = arith.constant 0.000000e+00 : f32
    %broadcast_in_dim3A_634 = vector.broadcast %jit3A_633 : f32 to vector<16xf32>
    %select_n3A_635 = arith.select %gt3A_626, %div3A_632, %broadcast_in_dim3A_634 : vector<16xi1>, vector<16xf32>
    %swap3A_636 = arith.constant 480 : index
    %swap3A_637 = tpu.vector_load %arg12[%swap3A_636] {strides = array<i32>} : memref<640xf32, #tpu.memory_space<vmem>>, vector<16xf32>,
    %swap3A_638 = vector.shape_cast %swap3A_637 : vector<16xf32> to vector<16xf32>
    %swap3A_639 = vector.shape_cast %select_n3A_635 : vector<16xf32> to vector<16xf32>
    tpu.vector_store %arg12[%swap3A_636], %swap3A_639 {strides = array<i32>} : memref<640xf32, #tpu.memory_space<vmem>>, vector<16xf32>,
    %get3A_640 = arith.constant 496 : index
    %get3A_641 = tpu.vector_load %arg12[%get3A_640] {strides = array<i32>} : memref<640xf32, #tpu.memory_space<vmem>>, vector<16xf32>,
    %get3A_642 = vector.shape_cast %get3A_641 : vector<16xf32> to vector<16xf32>
    %gt3A_643 = arith.constant 0.000000e+00 : f32
    %gt3A_644 = vector.broadcast %gt3A_643 : f32 to vector<16xf32>
    %gt3A_645 = arith.cmpf ogt, %get3A_642, %gt3A_644 : vector<16xf32>
    %max3A_646 = arith.constant 1.000000e+00 : f32
    %max3A_647 = vector.broadcast %max3A_646 : f32 to vector<16xf32>
    %max3A_648 = arith.maximumf %get3A_642, %max3A_647 : vector<16xf32>
    %div3A_649 = arith.constant 1.000000e+00 : f32
    %div3A_650 = vector.broadcast %div3A_649 : f32 to vector<16xf32>
    %div3A_651 = arith.divf %div3A_650, %max3A_648 : vector<16xf32>
    %jit3A_652 = arith.constant 0.000000e+00 : f32
    %broadcast_in_dim3A_653 = vector.broadcast %jit3A_652 : f32 to vector<16xf32>
    %select_n3A_654 = arith.select %gt3A_645, %div3A_651, %broadcast_in_dim3A_653 : vector<16xi1>, vector<16xf32>
    %swap3A_655 = arith.constant 496 : index
    %swap3A_656 = tpu.vector_load %arg12[%swap3A_655] {strides = array<i32>} : memref<640xf32, #tpu.memory_space<vmem>>, vector<16xf32>,
    %swap3A_657 = vector.shape_cast %swap3A_656 : vector<16xf32> to vector<16xf32>
    %swap3A_658 = vector.shape_cast %select_n3A_654 : vector<16xf32> to vector<16xf32>
    tpu.vector_store %arg12[%swap3A_655], %swap3A_658 {strides = array<i32>} : memref<640xf32, #tpu.memory_space<vmem>>, vector<16xf32>,
    %get3A_659 = arith.constant 512 : index
    %get3A_660 = tpu.vector_load %arg12[%get3A_659] {strides = array<i32>} : memref<640xf32, #tpu.memory_space<vmem>>, vector<16xf32>,
    %get3A_661 = vector.shape_cast %get3A_660 : vector<16xf32> to vector<16xf32>
    %gt3A_662 = arith.constant 0.000000e+00 : f32
    %gt3A_663 = vector.broadcast %gt3A_662 : f32 to vector<16xf32>
    %gt3A_664 = arith.cmpf ogt, %get3A_661, %gt3A_663 : vector<16xf32>
    %max3A_665 = arith.constant 1.000000e+00 : f32
    %max3A_666 = vector.broadcast %max3A_665 : f32 to vector<16xf32>
    %max3A_667 = arith.maximumf %get3A_661, %max3A_666 : vector<16xf32>
    %div3A_668 = arith.constant 1.000000e+00 : f32
    %div3A_669 = vector.broadcast %div3A_668 : f32 to vector<16xf32>
    %div3A_670 = arith.divf %div3A_669, %max3A_667 : vector<16xf32>
    %jit3A_671 = arith.constant 0.000000e+00 : f32
    %broadcast_in_dim3A_672 = vector.broadcast %jit3A_671 : f32 to vector<16xf32>
    %select_n3A_673 = arith.select %gt3A_664, %div3A_670, %broadcast_in_dim3A_672 : vector<16xi1>, vector<16xf32>
    %swap3A_674 = arith.constant 512 : index
    %swap3A_675 = tpu.vector_load %arg12[%swap3A_674] {strides = array<i32>} : memref<640xf32, #tpu.memory_space<vmem>>, vector<16xf32>,
    %swap3A_676 = vector.shape_cast %swap3A_675 : vector<16xf32> to vector<16xf32>
    %swap3A_677 = vector.shape_cast %select_n3A_673 : vector<16xf32> to vector<16xf32>
    tpu.vector_store %arg12[%swap3A_674], %swap3A_677 {strides = array<i32>} : memref<640xf32, #tpu.memory_space<vmem>>, vector<16xf32>,
    %get3A_678 = arith.constant 528 : index
    %get3A_679 = tpu.vector_load %arg12[%get3A_678] {strides = array<i32>} : memref<640xf32, #tpu.memory_space<vmem>>, vector<16xf32>,
    %get3A_680 = vector.shape_cast %get3A_679 : vector<16xf32> to vector<16xf32>
    %gt3A_681 = arith.constant 0.000000e+00 : f32
    %gt3A_682 = vector.broadcast %gt3A_681 : f32 to vector<16xf32>
    %gt3A_683 = arith.cmpf ogt, %get3A_680, %gt3A_682 : vector<16xf32>
    %max3A_684 = arith.constant 1.000000e+00 : f32
    %max3A_685 = vector.broadcast %max3A_684 : f32 to vector<16xf32>
    %max3A_686 = arith.maximumf %get3A_680, %max3A_685 : vector<16xf32>
    %div3A_687 = arith.constant 1.000000e+00 : f32
    %div3A_688 = vector.broadcast %div3A_687 : f32 to vector<16xf32>
    %div3A_689 = arith.divf %div3A_688, %max3A_686 : vector<16xf32>
    %jit3A_690 = arith.constant 0.000000e+00 : f32
    %broadcast_in_dim3A_691 = vector.broadcast %jit3A_690 : f32 to vector<16xf32>
    %select_n3A_692 = arith.select %gt3A_683, %div3A_689, %broadcast_in_dim3A_691 : vector<16xi1>, vector<16xf32>
    %swap3A_693 = arith.constant 528 : index
    %swap3A_694 = tpu.vector_load %arg12[%swap3A_693] {strides = array<i32>} : memref<640xf32, #tpu.memory_space<vmem>>, vector<16xf32>,
    %swap3A_695 = vector.shape_cast %swap3A_694 : vector<16xf32> to vector<16xf32>
    %swap3A_696 = vector.shape_cast %select_n3A_692 : vector<16xf32> to vector<16xf32>
    tpu.vector_store %arg12[%swap3A_693], %swap3A_696 {strides = array<i32>} : memref<640xf32, #tpu.memory_space<vmem>>, vector<16xf32>,
    %get3A_697 = arith.constant 544 : index
    %get3A_698 = tpu.vector_load %arg12[%get3A_697] {strides = array<i32>} : memref<640xf32, #tpu.memory_space<vmem>>, vector<16xf32>,
    %get3A_699 = vector.shape_cast %get3A_698 : vector<16xf32> to vector<16xf32>
    %gt3A_700 = arith.constant 0.000000e+00 : f32
    %gt3A_701 = vector.broadcast %gt3A_700 : f32 to vector<16xf32>
    %gt3A_702 = arith.cmpf ogt, %get3A_699, %gt3A_701 : vector<16xf32>
    %max3A_703 = arith.constant 1.000000e+00 : f32
    %max3A_704 = vector.broadcast %max3A_703 : f32 to vector<16xf32>
    %max3A_705 = arith.maximumf %get3A_699, %max3A_704 : vector<16xf32>
    %div3A_706 = arith.constant 1.000000e+00 : f32
    %div3A_707 = vector.broadcast %div3A_706 : f32 to vector<16xf32>
    %div3A_708 = arith.divf %div3A_707, %max3A_705 : vector<16xf32>
    %jit3A_709 = arith.constant 0.000000e+00 : f32
    %broadcast_in_dim3A_710 = vector.broadcast %jit3A_709 : f32 to vector<16xf32>
    %select_n3A_711 = arith.select %gt3A_702, %div3A_708, %broadcast_in_dim3A_710 : vector<16xi1>, vector<16xf32>
    %swap3A_712 = arith.constant 544 : index
    %swap3A_713 = tpu.vector_load %arg12[%swap3A_712] {strides = array<i32>} : memref<640xf32, #tpu.memory_space<vmem>>, vector<16xf32>,
    %swap3A_714 = vector.shape_cast %swap3A_713 : vector<16xf32> to vector<16xf32>
    %swap3A_715 = vector.shape_cast %select_n3A_711 : vector<16xf32> to vector<16xf32>
    tpu.vector_store %arg12[%swap3A_712], %swap3A_715 {strides = array<i32>} : memref<640xf32, #tpu.memory_space<vmem>>, vector<16xf32>,
    %get3A_716 = arith.constant 560 : index
    %get3A_717 = tpu.vector_load %arg12[%get3A_716] {strides = array<i32>} : memref<640xf32, #tpu.memory_space<vmem>>, vector<16xf32>,
    %get3A_718 = vector.shape_cast %get3A_717 : vector<16xf32> to vector<16xf32>
    %gt3A_719 = arith.constant 0.000000e+00 : f32
    %gt3A_720 = vector.broadcast %gt3A_719 : f32 to vector<16xf32>
    %gt3A_721 = arith.cmpf ogt, %get3A_718, %gt3A_720 : vector<16xf32>
    %max3A_722 = arith.constant 1.000000e+00 : f32
    %max3A_723 = vector.broadcast %max3A_722 : f32 to vector<16xf32>
    %max3A_724 = arith.maximumf %get3A_718, %max3A_723 : vector<16xf32>
    %div3A_725 = arith.constant 1.000000e+00 : f32
    %div3A_726 = vector.broadcast %div3A_725 : f32 to vector<16xf32>
    %div3A_727 = arith.divf %div3A_726, %max3A_724 : vector<16xf32>
    %jit3A_728 = arith.constant 0.000000e+00 : f32
    %broadcast_in_dim3A_729 = vector.broadcast %jit3A_728 : f32 to vector<16xf32>
    %select_n3A_730 = arith.select %gt3A_721, %div3A_727, %broadcast_in_dim3A_729 : vector<16xi1>, vector<16xf32>
    %swap3A_731 = arith.constant 560 : index
    %swap3A_732 = tpu.vector_load %arg12[%swap3A_731] {strides = array<i32>} : memref<640xf32, #tpu.memory_space<vmem>>, vector<16xf32>,
    %swap3A_733 = vector.shape_cast %swap3A_732 : vector<16xf32> to vector<16xf32>
    %swap3A_734 = vector.shape_cast %select_n3A_730 : vector<16xf32> to vector<16xf32>
    tpu.vector_store %arg12[%swap3A_731], %swap3A_734 {strides = array<i32>} : memref<640xf32, #tpu.memory_space<vmem>>, vector<16xf32>,
    %get3A_735 = arith.constant 576 : index
    %get3A_736 = tpu.vector_load %arg12[%get3A_735] {strides = array<i32>} : memref<640xf32, #tpu.memory_space<vmem>>, vector<16xf32>,
    %get3A_737 = vector.shape_cast %get3A_736 : vector<16xf32> to vector<16xf32>
    %gt3A_738 = arith.constant 0.000000e+00 : f32
    %gt3A_739 = vector.broadcast %gt3A_738 : f32 to vector<16xf32>
    %gt3A_740 = arith.cmpf ogt, %get3A_737, %gt3A_739 : vector<16xf32>
    %max3A_741 = arith.constant 1.000000e+00 : f32
    %max3A_742 = vector.broadcast %max3A_741 : f32 to vector<16xf32>
    %max3A_743 = arith.maximumf %get3A_737, %max3A_742 : vector<16xf32>
    %div3A_744 = arith.constant 1.000000e+00 : f32
    %div3A_745 = vector.broadcast %div3A_744 : f32 to vector<16xf32>
    %div3A_746 = arith.divf %div3A_745, %max3A_743 : vector<16xf32>
    %jit3A_747 = arith.constant 0.000000e+00 : f32
    %broadcast_in_dim3A_748 = vector.broadcast %jit3A_747 : f32 to vector<16xf32>
    %select_n3A_749 = arith.select %gt3A_740, %div3A_746, %broadcast_in_dim3A_748 : vector<16xi1>, vector<16xf32>
    %swap3A_750 = arith.constant 576 : index
    %swap3A_751 = tpu.vector_load %arg12[%swap3A_750] {strides = array<i32>} : memref<640xf32, #tpu.memory_space<vmem>>, vector<16xf32>,
    %swap3A_752 = vector.shape_cast %swap3A_751 : vector<16xf32> to vector<16xf32>
    %swap3A_753 = vector.shape_cast %select_n3A_749 : vector<16xf32> to vector<16xf32>
    tpu.vector_store %arg12[%swap3A_750], %swap3A_753 {strides = array<i32>} : memref<640xf32, #tpu.memory_space<vmem>>, vector<16xf32>,
    %get3A_754 = arith.constant 592 : index
    %get3A_755 = tpu.vector_load %arg12[%get3A_754] {strides = array<i32>} : memref<640xf32, #tpu.memory_space<vmem>>, vector<16xf32>,
    %get3A_756 = vector.shape_cast %get3A_755 : vector<16xf32> to vector<16xf32>
    %gt3A_757 = arith.constant 0.000000e+00 : f32
    %gt3A_758 = vector.broadcast %gt3A_757 : f32 to vector<16xf32>
    %gt3A_759 = arith.cmpf ogt, %get3A_756, %gt3A_758 : vector<16xf32>
    %max3A_760 = arith.constant 1.000000e+00 : f32
    %max3A_761 = vector.broadcast %max3A_760 : f32 to vector<16xf32>
    %max3A_762 = arith.maximumf %get3A_756, %max3A_761 : vector<16xf32>
    %div3A_763 = arith.constant 1.000000e+00 : f32
    %div3A_764 = vector.broadcast %div3A_763 : f32 to vector<16xf32>
    %div3A_765 = arith.divf %div3A_764, %max3A_762 : vector<16xf32>
    %jit3A_766 = arith.constant 0.000000e+00 : f32
    %broadcast_in_dim3A_767 = vector.broadcast %jit3A_766 : f32 to vector<16xf32>
    %select_n3A_768 = arith.select %gt3A_759, %div3A_765, %broadcast_in_dim3A_767 : vector<16xi1>, vector<16xf32>
    %swap3A_769 = arith.constant 592 : index
    %swap3A_770 = tpu.vector_load %arg12[%swap3A_769] {strides = array<i32>} : memref<640xf32, #tpu.memory_space<vmem>>, vector<16xf32>,
    %swap3A_771 = vector.shape_cast %swap3A_770 : vector<16xf32> to vector<16xf32>
    %swap3A_772 = vector.shape_cast %select_n3A_768 : vector<16xf32> to vector<16xf32>
    tpu.vector_store %arg12[%swap3A_769], %swap3A_772 {strides = array<i32>} : memref<640xf32, #tpu.memory_space<vmem>>, vector<16xf32>,
    %get3A_773 = arith.constant 608 : index
    %get3A_774 = tpu.vector_load %arg12[%get3A_773] {strides = array<i32>} : memref<640xf32, #tpu.memory_space<vmem>>, vector<16xf32>,
    %get3A_775 = vector.shape_cast %get3A_774 : vector<16xf32> to vector<16xf32>
    %gt3A_776 = arith.constant 0.000000e+00 : f32
    %gt3A_777 = vector.broadcast %gt3A_776 : f32 to vector<16xf32>
    %gt3A_778 = arith.cmpf ogt, %get3A_775, %gt3A_777 : vector<16xf32>
    %max3A_779 = arith.constant 1.000000e+00 : f32
    %max3A_780 = vector.broadcast %max3A_779 : f32 to vector<16xf32>
    %max3A_781 = arith.maximumf %get3A_775, %max3A_780 : vector<16xf32>
    %div3A_782 = arith.constant 1.000000e+00 : f32
    %div3A_783 = vector.broadcast %div3A_782 : f32 to vector<16xf32>
    %div3A_784 = arith.divf %div3A_783, %max3A_781 : vector<16xf32>
    %jit3A_785 = arith.constant 0.000000e+00 : f32
    %broadcast_in_dim3A_786 = vector.broadcast %jit3A_785 : f32 to vector<16xf32>
    %select_n3A_787 = arith.select %gt3A_778, %div3A_784, %broadcast_in_dim3A_786 : vector<16xi1>, vector<16xf32>
    %swap3A_788 = arith.constant 608 : index
    %swap3A_789 = tpu.vector_load %arg12[%swap3A_788] {strides = array<i32>} : memref<640xf32, #tpu.memory_space<vmem>>, vector<16xf32>,
    %swap3A_790 = vector.shape_cast %swap3A_789 : vector<16xf32> to vector<16xf32>
    %swap3A_791 = vector.shape_cast %select_n3A_787 : vector<16xf32> to vector<16xf32>
    tpu.vector_store %arg12[%swap3A_788], %swap3A_791 {strides = array<i32>} : memref<640xf32, #tpu.memory_space<vmem>>, vector<16xf32>,
    %get3A_792 = arith.constant 624 : index
    %get3A_793 = tpu.vector_load %arg12[%get3A_792] {strides = array<i32>} : memref<640xf32, #tpu.memory_space<vmem>>, vector<16xf32>,
    %get3A_794 = vector.shape_cast %get3A_793 : vector<16xf32> to vector<16xf32>
    %gt3A_795 = arith.constant 0.000000e+00 : f32
    %gt3A_796 = vector.broadcast %gt3A_795 : f32 to vector<16xf32>
    %gt3A_797 = arith.cmpf ogt, %get3A_794, %gt3A_796 : vector<16xf32>
    %max3A_798 = arith.constant 1.000000e+00 : f32
    %max3A_799 = vector.broadcast %max3A_798 : f32 to vector<16xf32>
    %max3A_800 = arith.maximumf %get3A_794, %max3A_799 : vector<16xf32>
    %div3A_801 = arith.constant 1.000000e+00 : f32
    %div3A_802 = vector.broadcast %div3A_801 : f32 to vector<16xf32>
    %div3A_803 = arith.divf %div3A_802, %max3A_800 : vector<16xf32>
    %jit3A_804 = arith.constant 0.000000e+00 : f32
    %broadcast_in_dim3A_805 = vector.broadcast %jit3A_804 : f32 to vector<16xf32>
    %select_n3A_806 = arith.select %gt3A_797, %div3A_803, %broadcast_in_dim3A_805 : vector<16xi1>, vector<16xf32>
    %swap3A_807 = arith.constant 624 : index
    %swap3A_808 = tpu.vector_load %arg12[%swap3A_807] {strides = array<i32>} : memref<640xf32, #tpu.memory_space<vmem>>, vector<16xf32>,
    %swap3A_809 = vector.shape_cast %swap3A_808 : vector<16xf32> to vector<16xf32>
    %swap3A_810 = vector.shape_cast %select_n3A_806 : vector<16xf32> to vector<16xf32>
    tpu.vector_store %arg12[%swap3A_807], %swap3A_810 {strides = array<i32>} : memref<640xf32, #tpu.memory_space<vmem>>, vector<16xf32>,
    %mul3A_811 = arith.constant 640 : i32
    %mul3A_812 = arith.muli %arg1, %mul3A_811 : i32
    %add3A = arith.constant 0 : i32
    %add3A_813 = arith.addi %mul3A_812, %add3A : i32
    "tpu.region"() ({
      %run_scoped3A = tpu.sem_alloc : memref<!tpu.dma_semaphore, #tpu.memory_space<semaphore_mem>>
      %dma_start3A = arith.constant 0 : i32
      %dma_start3A_850 = tpu.memref_slice %arg14[%add3A_813, %dma_start3A] : memref<10240x64xf32, #tpu.memory_space<vmem_shared>> -> memref<160x64xf32, #tpu.memory_space<vmem_shared>>
      %dma_start3A_851 = arith.constant 0 : i32
      %dma_start3A_852 = tpu.memref_slice %arg14[%add3A_813, %dma_start3A_851] : memref<10240x64xf32, #tpu.memory_space<vmem_shared>> -> memref<160x64xf32, #tpu.memory_space<vmem_shared>>
      tpu.enqueue_dma source(%dma_start3A_852 : memref<160x64xf32, #tpu.memory_space<vmem_shared>>) target(%arg13 : memref<160x64xf32, #tpu.memory_space<vmem>>) target_semaphore(%run_scoped3A : memref<!tpu.dma_semaphore, #tpu.memory_space<semaphore_mem>>)
      %dma_wait3A = arith.constant 0 : i32
      %dma_wait3A_853 = tpu.memref_slice %arg14[%add3A_813, %dma_wait3A] : memref<10240x64xf32, #tpu.memory_space<vmem_shared>> -> memref<160x64xf32, #tpu.memory_space<vmem_shared>>
      %dma_wait3A_854 = arith.constant 0 : i32
      %dma_wait3A_855 = tpu.memref_slice %arg14[%add3A_813, %dma_wait3A_854] : memref<10240x64xf32, #tpu.memory_space<vmem_shared>> -> memref<160x64xf32, #tpu.memory_space<vmem_shared>>
      tpu.wait_dma2 semaphore(%run_scoped3A : memref<!tpu.dma_semaphore, #tpu.memory_space<semaphore_mem>>) src(%dma_wait3A_855 : memref<160x64xf32, #tpu.memory_space<vmem_shared>>) dst(%arg13 : memref<160x64xf32, #tpu.memory_space<vmem>>)
      tpu.yield
    }) : () -> ()
    %scan3A_814 = arith.constant 0 : i32
    %scan3A_815 = arith.constant 0 : i32
    %scan3A_816 = arith.constant 10 : i32
    %scan3A_817 = arith.addi %scan3A_815, %scan3A_816 : i32
    %scan3A_818 = arith.constant 1 : i32
    scf.for %scan3A_850 = %scan3A_815 to %scan3A_817 step %scan3A_818  : i32 {
      %mul3A_851 = arith.constant 16 : i32
      %mul3A_852 = arith.muli %scan3A_850, %mul3A_851 : i32
      %add3A_853 = arith.constant 0 : i32
      %add3A_854 = arith.addi %add3A_853, %mul3A_852 : i32
      %get3A_855 = arith.index_cast %add3A_854 : i32 to index
      %get3A_856 = tpu.vector_load %arg12[%get3A_855] {strides = array<i32>} : memref<640xf32, #tpu.memory_space<vmem>>, vector<16xf32>,
      %get3A_857 = vector.shape_cast %get3A_856 : vector<16xf32> to vector<16xf32>
      %mul3A_858 = arith.constant 16 : i32
      %mul3A_859 = arith.muli %scan3A_850, %mul3A_858 : i32
      %add3A_860 = arith.constant 0 : i32
      %add3A_861 = arith.addi %mul3A_859, %add3A_860 : i32
      %slice3A = vector.extract_strided_slice %get3A_857 {offsets = [0], sizes = [1], strides = [1]} : vector<16xf32> to vector<1xf32>
      %squeeze3A = vector.extract %slice3A[0] : f32 from vector<1xf32>
      %broadcast_in_dim3A_862 = vector.broadcast %squeeze3A : f32 to vector<16xf32>
      %get3A_863 = arith.index_cast %add3A_861 : i32 to index
      %get3A_864 = arith.constant 0 : index
      %get3A_865 = tpu.vector_load %arg13[%get3A_863, %get3A_864] {strides = array<i32>} : memref<160x64xf32, #tpu.memory_space<vmem>>, vector<1x16xf32>,
      %get3A_866 = vector.shape_cast %get3A_865 : vector<1x16xf32> to vector<16xf32>
      %mul3A_867 = arith.mulf %get3A_866, %broadcast_in_dim3A_862 : vector<16xf32>
      %swap3A_868 = arith.index_cast %add3A_861 : i32 to index
      %swap3A_869 = arith.constant 0 : index
      %swap3A_870 = tpu.vector_load %arg13[%swap3A_868, %swap3A_869] {strides = array<i32>} : memref<160x64xf32, #tpu.memory_space<vmem>>, vector<1x16xf32>,
      %swap3A_871 = vector.shape_cast %swap3A_870 : vector<1x16xf32> to vector<16xf32>
      %swap3A_872 = vector.shape_cast %mul3A_867 : vector<16xf32> to vector<1x16xf32>
      tpu.vector_store %arg13[%swap3A_868, %swap3A_869], %swap3A_872 {strides = array<i32>} : memref<160x64xf32, #tpu.memory_space<vmem>>, vector<1x16xf32>,
      %get3A_873 = arith.index_cast %add3A_861 : i32 to index
      %get3A_874 = arith.constant 16 : index
      %get3A_875 = tpu.vector_load %arg13[%get3A_873, %get3A_874] {strides = array<i32>} : memref<160x64xf32, #tpu.memory_space<vmem>>, vector<1x16xf32>,
      %get3A_876 = vector.shape_cast %get3A_875 : vector<1x16xf32> to vector<16xf32>
      %mul3A_877 = arith.mulf %get3A_876, %broadcast_in_dim3A_862 : vector<16xf32>
      %swap3A_878 = arith.index_cast %add3A_861 : i32 to index
      %swap3A_879 = arith.constant 16 : index
      %swap3A_880 = tpu.vector_load %arg13[%swap3A_878, %swap3A_879] {strides = array<i32>} : memref<160x64xf32, #tpu.memory_space<vmem>>, vector<1x16xf32>,
      %swap3A_881 = vector.shape_cast %swap3A_880 : vector<1x16xf32> to vector<16xf32>
      %swap3A_882 = vector.shape_cast %mul3A_877 : vector<16xf32> to vector<1x16xf32>
      tpu.vector_store %arg13[%swap3A_878, %swap3A_879], %swap3A_882 {strides = array<i32>} : memref<160x64xf32, #tpu.memory_space<vmem>>, vector<1x16xf32>,
      %get3A_883 = arith.index_cast %add3A_861 : i32 to index
      %get3A_884 = arith.constant 32 : index
      %get3A_885 = tpu.vector_load %arg13[%get3A_883, %get3A_884] {strides = array<i32>} : memref<160x64xf32, #tpu.memory_space<vmem>>, vector<1x16xf32>,
      %get3A_886 = vector.shape_cast %get3A_885 : vector<1x16xf32> to vector<16xf32>
      %mul3A_887 = arith.mulf %get3A_886, %broadcast_in_dim3A_862 : vector<16xf32>
      %swap3A_888 = arith.index_cast %add3A_861 : i32 to index
      %swap3A_889 = arith.constant 32 : index
      %swap3A_890 = tpu.vector_load %arg13[%swap3A_888, %swap3A_889] {strides = array<i32>} : memref<160x64xf32, #tpu.memory_space<vmem>>, vector<1x16xf32>,
      %swap3A_891 = vector.shape_cast %swap3A_890 : vector<1x16xf32> to vector<16xf32>
      %swap3A_892 = vector.shape_cast %mul3A_887 : vector<16xf32> to vector<1x16xf32>
      tpu.vector_store %arg13[%swap3A_888, %swap3A_889], %swap3A_892 {strides = array<i32>} : memref<160x64xf32, #tpu.memory_space<vmem>>, vector<1x16xf32>,
      %get3A_893 = arith.index_cast %add3A_861 : i32 to index
      %get3A_894 = arith.constant 48 : index
      %get3A_895 = tpu.vector_load %arg13[%get3A_893, %get3A_894] {strides = array<i32>} : memref<160x64xf32, #tpu.memory_space<vmem>>, vector<1x16xf32>,
      %get3A_896 = vector.shape_cast %get3A_895 : vector<1x16xf32> to vector<16xf32>
      %mul3A_897 = arith.mulf %get3A_896, %broadcast_in_dim3A_862 : vector<16xf32>
      %swap3A_898 = arith.index_cast %add3A_861 : i32 to index
      %swap3A_899 = arith.constant 48 : index
      %swap3A_900 = tpu.vector_load %arg13[%swap3A_898, %swap3A_899] {strides = array<i32>} : memref<160x64xf32, #tpu.memory_space<vmem>>, vector<1x16xf32>,
      %swap3A_901 = vector.shape_cast %swap3A_900 : vector<1x16xf32> to vector<16xf32>
      %swap3A_902 = vector.shape_cast %mul3A_897 : vector<16xf32> to vector<1x16xf32>
      tpu.vector_store %arg13[%swap3A_898, %swap3A_899], %swap3A_902 {strides = array<i32>} : memref<160x64xf32, #tpu.memory_space<vmem>>, vector<1x16xf32>,
      %mul3A_903 = arith.constant 16 : i32
      %mul3A_904 = arith.muli %scan3A_850, %mul3A_903 : i32
      %add3A_905 = arith.constant 1 : i32
      %add3A_906 = arith.addi %mul3A_904, %add3A_905 : i32
      %slice3A_907 = vector.extract_strided_slice %get3A_857 {offsets = [1], sizes = [1], strides = [1]} : vector<16xf32> to vector<1xf32>
      %squeeze3A_908 = vector.extract %slice3A_907[0] : f32 from vector<1xf32>
      %broadcast_in_dim3A_909 = vector.broadcast %squeeze3A_908 : f32 to vector<16xf32>
      %get3A_910 = arith.index_cast %add3A_906 : i32 to index
      %get3A_911 = arith.constant 0 : index
      %get3A_912 = tpu.vector_load %arg13[%get3A_910, %get3A_911] {strides = array<i32>} : memref<160x64xf32, #tpu.memory_space<vmem>>, vector<1x16xf32>,
      %get3A_913 = vector.shape_cast %get3A_912 : vector<1x16xf32> to vector<16xf32>
      %mul3A_914 = arith.mulf %get3A_913, %broadcast_in_dim3A_909 : vector<16xf32>
      %swap3A_915 = arith.index_cast %add3A_906 : i32 to index
      %swap3A_916 = arith.constant 0 : index
      %swap3A_917 = tpu.vector_load %arg13[%swap3A_915, %swap3A_916] {strides = array<i32>} : memref<160x64xf32, #tpu.memory_space<vmem>>, vector<1x16xf32>,
      %swap3A_918 = vector.shape_cast %swap3A_917 : vector<1x16xf32> to vector<16xf32>
      %swap3A_919 = vector.shape_cast %mul3A_914 : vector<16xf32> to vector<1x16xf32>
      tpu.vector_store %arg13[%swap3A_915, %swap3A_916], %swap3A_919 {strides = array<i32>} : memref<160x64xf32, #tpu.memory_space<vmem>>, vector<1x16xf32>,
      %get3A_920 = arith.index_cast %add3A_906 : i32 to index
      %get3A_921 = arith.constant 16 : index
      %get3A_922 = tpu.vector_load %arg13[%get3A_920, %get3A_921] {strides = array<i32>} : memref<160x64xf32, #tpu.memory_space<vmem>>, vector<1x16xf32>,
      %get3A_923 = vector.shape_cast %get3A_922 : vector<1x16xf32> to vector<16xf32>
      %mul3A_924 = arith.mulf %get3A_923, %broadcast_in_dim3A_909 : vector<16xf32>
      %swap3A_925 = arith.index_cast %add3A_906 : i32 to index
      %swap3A_926 = arith.constant 16 : index
      %swap3A_927 = tpu.vector_load %arg13[%swap3A_925, %swap3A_926] {strides = array<i32>} : memref<160x64xf32, #tpu.memory_space<vmem>>, vector<1x16xf32>,
      %swap3A_928 = vector.shape_cast %swap3A_927 : vector<1x16xf32> to vector<16xf32>
      %swap3A_929 = vector.shape_cast %mul3A_924 : vector<16xf32> to vector<1x16xf32>
      tpu.vector_store %arg13[%swap3A_925, %swap3A_926], %swap3A_929 {strides = array<i32>} : memref<160x64xf32, #tpu.memory_space<vmem>>, vector<1x16xf32>,
      %get3A_930 = arith.index_cast %add3A_906 : i32 to index
      %get3A_931 = arith.constant 32 : index
      %get3A_932 = tpu.vector_load %arg13[%get3A_930, %get3A_931] {strides = array<i32>} : memref<160x64xf32, #tpu.memory_space<vmem>>, vector<1x16xf32>,
      %get3A_933 = vector.shape_cast %get3A_932 : vector<1x16xf32> to vector<16xf32>
      %mul3A_934 = arith.mulf %get3A_933, %broadcast_in_dim3A_909 : vector<16xf32>
      %swap3A_935 = arith.index_cast %add3A_906 : i32 to index
      %swap3A_936 = arith.constant 32 : index
      %swap3A_937 = tpu.vector_load %arg13[%swap3A_935, %swap3A_936] {strides = array<i32>} : memref<160x64xf32, #tpu.memory_space<vmem>>, vector<1x16xf32>,
      %swap3A_938 = vector.shape_cast %swap3A_937 : vector<1x16xf32> to vector<16xf32>
      %swap3A_939 = vector.shape_cast %mul3A_934 : vector<16xf32> to vector<1x16xf32>
      tpu.vector_store %arg13[%swap3A_935, %swap3A_936], %swap3A_939 {strides = array<i32>} : memref<160x64xf32, #tpu.memory_space<vmem>>, vector<1x16xf32>,
      %get3A_940 = arith.index_cast %add3A_906 : i32 to index
      %get3A_941 = arith.constant 48 : index
      %get3A_942 = tpu.vector_load %arg13[%get3A_940, %get3A_941] {strides = array<i32>} : memref<160x64xf32, #tpu.memory_space<vmem>>, vector<1x16xf32>,
      %get3A_943 = vector.shape_cast %get3A_942 : vector<1x16xf32> to vector<16xf32>
      %mul3A_944 = arith.mulf %get3A_943, %broadcast_in_dim3A_909 : vector<16xf32>
      %swap3A_945 = arith.index_cast %add3A_906 : i32 to index
      %swap3A_946 = arith.constant 48 : index
      %swap3A_947 = tpu.vector_load %arg13[%swap3A_945, %swap3A_946] {strides = array<i32>} : memref<160x64xf32, #tpu.memory_space<vmem>>, vector<1x16xf32>,
      %swap3A_948 = vector.shape_cast %swap3A_947 : vector<1x16xf32> to vector<16xf32>
      %swap3A_949 = vector.shape_cast %mul3A_944 : vector<16xf32> to vector<1x16xf32>
      tpu.vector_store %arg13[%swap3A_945, %swap3A_946], %swap3A_949 {strides = array<i32>} : memref<160x64xf32, #tpu.memory_space<vmem>>, vector<1x16xf32>,
      %mul3A_950 = arith.constant 16 : i32
      %mul3A_951 = arith.muli %scan3A_850, %mul3A_950 : i32
      %add3A_952 = arith.constant 2 : i32
      %add3A_953 = arith.addi %mul3A_951, %add3A_952 : i32
      %slice3A_954 = vector.extract_strided_slice %get3A_857 {offsets = [2], sizes = [1], strides = [1]} : vector<16xf32> to vector<1xf32>
      %squeeze3A_955 = vector.extract %slice3A_954[0] : f32 from vector<1xf32>
      %broadcast_in_dim3A_956 = vector.broadcast %squeeze3A_955 : f32 to vector<16xf32>
      %get3A_957 = arith.index_cast %add3A_953 : i32 to index
      %get3A_958 = arith.constant 0 : index
      %get3A_959 = tpu.vector_load %arg13[%get3A_957, %get3A_958] {strides = array<i32>} : memref<160x64xf32, #tpu.memory_space<vmem>>, vector<1x16xf32>,
      %get3A_960 = vector.shape_cast %get3A_959 : vector<1x16xf32> to vector<16xf32>
      %mul3A_961 = arith.mulf %get3A_960, %broadcast_in_dim3A_956 : vector<16xf32>
      %swap3A_962 = arith.index_cast %add3A_953 : i32 to index
      %swap3A_963 = arith.constant 0 : index
      %swap3A_964 = tpu.vector_load %arg13[%swap3A_962, %swap3A_963] {strides = array<i32>} : memref<160x64xf32, #tpu.memory_space<vmem>>, vector<1x16xf32>,
      %swap3A_965 = vector.shape_cast %swap3A_964 : vector<1x16xf32> to vector<16xf32>
      %swap3A_966 = vector.shape_cast %mul3A_961 : vector<16xf32> to vector<1x16xf32>
      tpu.vector_store %arg13[%swap3A_962, %swap3A_963], %swap3A_966 {strides = array<i32>} : memref<160x64xf32, #tpu.memory_space<vmem>>, vector<1x16xf32>,
      %get3A_967 = arith.index_cast %add3A_953 : i32 to index
      %get3A_968 = arith.constant 16 : index
      %get3A_969 = tpu.vector_load %arg13[%get3A_967, %get3A_968] {strides = array<i32>} : memref<160x64xf32, #tpu.memory_space<vmem>>, vector<1x16xf32>,
      %get3A_970 = vector.shape_cast %get3A_969 : vector<1x16xf32> to vector<16xf32>
      %mul3A_971 = arith.mulf %get3A_970, %broadcast_in_dim3A_956 : vector<16xf32>
      %swap3A_972 = arith.index_cast %add3A_953 : i32 to index
      %swap3A_973 = arith.constant 16 : index
      %swap3A_974 = tpu.vector_load %arg13[%swap3A_972, %swap3A_973] {strides = array<i32>} : memref<160x64xf32, #tpu.memory_space<vmem>>, vector<1x16xf32>,
      %swap3A_975 = vector.shape_cast %swap3A_974 : vector<1x16xf32> to vector<16xf32>
      %swap3A_976 = vector.shape_cast %mul3A_971 : vector<16xf32> to vector<1x16xf32>
      tpu.vector_store %arg13[%swap3A_972, %swap3A_973], %swap3A_976 {strides = array<i32>} : memref<160x64xf32, #tpu.memory_space<vmem>>, vector<1x16xf32>,
      %get3A_977 = arith.index_cast %add3A_953 : i32 to index
      %get3A_978 = arith.constant 32 : index
      %get3A_979 = tpu.vector_load %arg13[%get3A_977, %get3A_978] {strides = array<i32>} : memref<160x64xf32, #tpu.memory_space<vmem>>, vector<1x16xf32>,
      %get3A_980 = vector.shape_cast %get3A_979 : vector<1x16xf32> to vector<16xf32>
      %mul3A_981 = arith.mulf %get3A_980, %broadcast_in_dim3A_956 : vector<16xf32>
      %swap3A_982 = arith.index_cast %add3A_953 : i32 to index
      %swap3A_983 = arith.constant 32 : index
      %swap3A_984 = tpu.vector_load %arg13[%swap3A_982, %swap3A_983] {strides = array<i32>} : memref<160x64xf32, #tpu.memory_space<vmem>>, vector<1x16xf32>,
      %swap3A_985 = vector.shape_cast %swap3A_984 : vector<1x16xf32> to vector<16xf32>
      %swap3A_986 = vector.shape_cast %mul3A_981 : vector<16xf32> to vector<1x16xf32>
      tpu.vector_store %arg13[%swap3A_982, %swap3A_983], %swap3A_986 {strides = array<i32>} : memref<160x64xf32, #tpu.memory_space<vmem>>, vector<1x16xf32>,
      %get3A_987 = arith.index_cast %add3A_953 : i32 to index
      %get3A_988 = arith.constant 48 : index
      %get3A_989 = tpu.vector_load %arg13[%get3A_987, %get3A_988] {strides = array<i32>} : memref<160x64xf32, #tpu.memory_space<vmem>>, vector<1x16xf32>,
      %get3A_990 = vector.shape_cast %get3A_989 : vector<1x16xf32> to vector<16xf32>
      %mul3A_991 = arith.mulf %get3A_990, %broadcast_in_dim3A_956 : vector<16xf32>
      %swap3A_992 = arith.index_cast %add3A_953 : i32 to index
      %swap3A_993 = arith.constant 48 : index
      %swap3A_994 = tpu.vector_load %arg13[%swap3A_992, %swap3A_993] {strides = array<i32>} : memref<160x64xf32, #tpu.memory_space<vmem>>, vector<1x16xf32>,
      %swap3A_995 = vector.shape_cast %swap3A_994 : vector<1x16xf32> to vector<16xf32>
      %swap3A_996 = vector.shape_cast %mul3A_991 : vector<16xf32> to vector<1x16xf32>
      tpu.vector_store %arg13[%swap3A_992, %swap3A_993], %swap3A_996 {strides = array<i32>} : memref<160x64xf32, #tpu.memory_space<vmem>>, vector<1x16xf32>,
      %mul3A_997 = arith.constant 16 : i32
      %mul3A_998 = arith.muli %scan3A_850, %mul3A_997 : i32
      %add3A_999 = arith.constant 3 : i32
      %add3A_1000 = arith.addi %mul3A_998, %add3A_999 : i32
      %slice3A_1001 = vector.extract_strided_slice %get3A_857 {offsets = [3], sizes = [1], strides = [1]} : vector<16xf32> to vector<1xf32>
      %squeeze3A_1002 = vector.extract %slice3A_1001[0] : f32 from vector<1xf32>
      %broadcast_in_dim3A_1003 = vector.broadcast %squeeze3A_1002 : f32 to vector<16xf32>
      %get3A_1004 = arith.index_cast %add3A_1000 : i32 to index
      %get3A_1005 = arith.constant 0 : index
      %get3A_1006 = tpu.vector_load %arg13[%get3A_1004, %get3A_1005] {strides = array<i32>} : memref<160x64xf32, #tpu.memory_space<vmem>>, vector<1x16xf32>,
      %get3A_1007 = vector.shape_cast %get3A_1006 : vector<1x16xf32> to vector<16xf32>
      %mul3A_1008 = arith.mulf %get3A_1007, %broadcast_in_dim3A_1003 : vector<16xf32>
      %swap3A_1009 = arith.index_cast %add3A_1000 : i32 to index
      %swap3A_1010 = arith.constant 0 : index
      %swap3A_1011 = tpu.vector_load %arg13[%swap3A_1009, %swap3A_1010] {strides = array<i32>} : memref<160x64xf32, #tpu.memory_space<vmem>>, vector<1x16xf32>,
      %swap3A_1012 = vector.shape_cast %swap3A_1011 : vector<1x16xf32> to vector<16xf32>
      %swap3A_1013 = vector.shape_cast %mul3A_1008 : vector<16xf32> to vector<1x16xf32>
      tpu.vector_store %arg13[%swap3A_1009, %swap3A_1010], %swap3A_1013 {strides = array<i32>} : memref<160x64xf32, #tpu.memory_space<vmem>>, vector<1x16xf32>,
      %get3A_1014 = arith.index_cast %add3A_1000 : i32 to index
      %get3A_1015 = arith.constant 16 : index
      %get3A_1016 = tpu.vector_load %arg13[%get3A_1014, %get3A_1015] {strides = array<i32>} : memref<160x64xf32, #tpu.memory_space<vmem>>, vector<1x16xf32>,
      %get3A_1017 = vector.shape_cast %get3A_1016 : vector<1x16xf32> to vector<16xf32>
      %mul3A_1018 = arith.mulf %get3A_1017, %broadcast_in_dim3A_1003 : vector<16xf32>
      %swap3A_1019 = arith.index_cast %add3A_1000 : i32 to index
      %swap3A_1020 = arith.constant 16 : index
      %swap3A_1021 = tpu.vector_load %arg13[%swap3A_1019, %swap3A_1020] {strides = array<i32>} : memref<160x64xf32, #tpu.memory_space<vmem>>, vector<1x16xf32>,
      %swap3A_1022 = vector.shape_cast %swap3A_1021 : vector<1x16xf32> to vector<16xf32>
      %swap3A_1023 = vector.shape_cast %mul3A_1018 : vector<16xf32> to vector<1x16xf32>
      tpu.vector_store %arg13[%swap3A_1019, %swap3A_1020], %swap3A_1023 {strides = array<i32>} : memref<160x64xf32, #tpu.memory_space<vmem>>, vector<1x16xf32>,
      %get3A_1024 = arith.index_cast %add3A_1000 : i32 to index
      %get3A_1025 = arith.constant 32 : index
      %get3A_1026 = tpu.vector_load %arg13[%get3A_1024, %get3A_1025] {strides = array<i32>} : memref<160x64xf32, #tpu.memory_space<vmem>>, vector<1x16xf32>,
      %get3A_1027 = vector.shape_cast %get3A_1026 : vector<1x16xf32> to vector<16xf32>
      %mul3A_1028 = arith.mulf %get3A_1027, %broadcast_in_dim3A_1003 : vector<16xf32>
      %swap3A_1029 = arith.index_cast %add3A_1000 : i32 to index
      %swap3A_1030 = arith.constant 32 : index
      %swap3A_1031 = tpu.vector_load %arg13[%swap3A_1029, %swap3A_1030] {strides = array<i32>} : memref<160x64xf32, #tpu.memory_space<vmem>>, vector<1x16xf32>,
      %swap3A_1032 = vector.shape_cast %swap3A_1031 : vector<1x16xf32> to vector<16xf32>
      %swap3A_1033 = vector.shape_cast %mul3A_1028 : vector<16xf32> to vector<1x16xf32>
      tpu.vector_store %arg13[%swap3A_1029, %swap3A_1030], %swap3A_1033 {strides = array<i32>} : memref<160x64xf32, #tpu.memory_space<vmem>>, vector<1x16xf32>,
      %get3A_1034 = arith.index_cast %add3A_1000 : i32 to index
      %get3A_1035 = arith.constant 48 : index
      %get3A_1036 = tpu.vector_load %arg13[%get3A_1034, %get3A_1035] {strides = array<i32>} : memref<160x64xf32, #tpu.memory_space<vmem>>, vector<1x16xf32>,
      %get3A_1037 = vector.shape_cast %get3A_1036 : vector<1x16xf32> to vector<16xf32>
      %mul3A_1038 = arith.mulf %get3A_1037, %broadcast_in_dim3A_1003 : vector<16xf32>
      %swap3A_1039 = arith.index_cast %add3A_1000 : i32 to index
      %swap3A_1040 = arith.constant 48 : index
      %swap3A_1041 = tpu.vector_load %arg13[%swap3A_1039, %swap3A_1040] {strides = array<i32>} : memref<160x64xf32, #tpu.memory_space<vmem>>, vector<1x16xf32>,
      %swap3A_1042 = vector.shape_cast %swap3A_1041 : vector<1x16xf32> to vector<16xf32>
      %swap3A_1043 = vector.shape_cast %mul3A_1038 : vector<16xf32> to vector<1x16xf32>
      tpu.vector_store %arg13[%swap3A_1039, %swap3A_1040], %swap3A_1043 {strides = array<i32>} : memref<160x64xf32, #tpu.memory_space<vmem>>, vector<1x16xf32>,
      %mul3A_1044 = arith.constant 16 : i32
      %mul3A_1045 = arith.muli %scan3A_850, %mul3A_1044 : i32
      %add3A_1046 = arith.constant 4 : i32
      %add3A_1047 = arith.addi %mul3A_1045, %add3A_1046 : i32
      %slice3A_1048 = vector.extract_strided_slice %get3A_857 {offsets = [4], sizes = [1], strides = [1]} : vector<16xf32> to vector<1xf32>
      %squeeze3A_1049 = vector.extract %slice3A_1048[0] : f32 from vector<1xf32>
      %broadcast_in_dim3A_1050 = vector.broadcast %squeeze3A_1049 : f32 to vector<16xf32>
      %get3A_1051 = arith.index_cast %add3A_1047 : i32 to index
      %get3A_1052 = arith.constant 0 : index
      %get3A_1053 = tpu.vector_load %arg13[%get3A_1051, %get3A_1052] {strides = array<i32>} : memref<160x64xf32, #tpu.memory_space<vmem>>, vector<1x16xf32>,
      %get3A_1054 = vector.shape_cast %get3A_1053 : vector<1x16xf32> to vector<16xf32>
      %mul3A_1055 = arith.mulf %get3A_1054, %broadcast_in_dim3A_1050 : vector<16xf32>
      %swap3A_1056 = arith.index_cast %add3A_1047 : i32 to index
      %swap3A_1057 = arith.constant 0 : index
      %swap3A_1058 = tpu.vector_load %arg13[%swap3A_1056, %swap3A_1057] {strides = array<i32>} : memref<160x64xf32, #tpu.memory_space<vmem>>, vector<1x16xf32>,
      %swap3A_1059 = vector.shape_cast %swap3A_1058 : vector<1x16xf32> to vector<16xf32>
      %swap3A_1060 = vector.shape_cast %mul3A_1055 : vector<16xf32> to vector<1x16xf32>
      tpu.vector_store %arg13[%swap3A_1056, %swap3A_1057], %swap3A_1060 {strides = array<i32>} : memref<160x64xf32, #tpu.memory_space<vmem>>, vector<1x16xf32>,
      %get3A_1061 = arith.index_cast %add3A_1047 : i32 to index
      %get3A_1062 = arith.constant 16 : index
      %get3A_1063 = tpu.vector_load %arg13[%get3A_1061, %get3A_1062] {strides = array<i32>} : memref<160x64xf32, #tpu.memory_space<vmem>>, vector<1x16xf32>,
      %get3A_1064 = vector.shape_cast %get3A_1063 : vector<1x16xf32> to vector<16xf32>
      %mul3A_1065 = arith.mulf %get3A_1064, %broadcast_in_dim3A_1050 : vector<16xf32>
      %swap3A_1066 = arith.index_cast %add3A_1047 : i32 to index
      %swap3A_1067 = arith.constant 16 : index
      %swap3A_1068 = tpu.vector_load %arg13[%swap3A_1066, %swap3A_1067] {strides = array<i32>} : memref<160x64xf32, #tpu.memory_space<vmem>>, vector<1x16xf32>,
      %swap3A_1069 = vector.shape_cast %swap3A_1068 : vector<1x16xf32> to vector<16xf32>
      %swap3A_1070 = vector.shape_cast %mul3A_1065 : vector<16xf32> to vector<1x16xf32>
      tpu.vector_store %arg13[%swap3A_1066, %swap3A_1067], %swap3A_1070 {strides = array<i32>} : memref<160x64xf32, #tpu.memory_space<vmem>>, vector<1x16xf32>,
      %get3A_1071 = arith.index_cast %add3A_1047 : i32 to index
      %get3A_1072 = arith.constant 32 : index
      %get3A_1073 = tpu.vector_load %arg13[%get3A_1071, %get3A_1072] {strides = array<i32>} : memref<160x64xf32, #tpu.memory_space<vmem>>, vector<1x16xf32>,
      %get3A_1074 = vector.shape_cast %get3A_1073 : vector<1x16xf32> to vector<16xf32>
      %mul3A_1075 = arith.mulf %get3A_1074, %broadcast_in_dim3A_1050 : vector<16xf32>
      %swap3A_1076 = arith.index_cast %add3A_1047 : i32 to index
      %swap3A_1077 = arith.constant 32 : index
      %swap3A_1078 = tpu.vector_load %arg13[%swap3A_1076, %swap3A_1077] {strides = array<i32>} : memref<160x64xf32, #tpu.memory_space<vmem>>, vector<1x16xf32>,
      %swap3A_1079 = vector.shape_cast %swap3A_1078 : vector<1x16xf32> to vector<16xf32>
      %swap3A_1080 = vector.shape_cast %mul3A_1075 : vector<16xf32> to vector<1x16xf32>
      tpu.vector_store %arg13[%swap3A_1076, %swap3A_1077], %swap3A_1080 {strides = array<i32>} : memref<160x64xf32, #tpu.memory_space<vmem>>, vector<1x16xf32>,
      %get3A_1081 = arith.index_cast %add3A_1047 : i32 to index
      %get3A_1082 = arith.constant 48 : index
      %get3A_1083 = tpu.vector_load %arg13[%get3A_1081, %get3A_1082] {strides = array<i32>} : memref<160x64xf32, #tpu.memory_space<vmem>>, vector<1x16xf32>,
      %get3A_1084 = vector.shape_cast %get3A_1083 : vector<1x16xf32> to vector<16xf32>
      %mul3A_1085 = arith.mulf %get3A_1084, %broadcast_in_dim3A_1050 : vector<16xf32>
      %swap3A_1086 = arith.index_cast %add3A_1047 : i32 to index
      %swap3A_1087 = arith.constant 48 : index
      %swap3A_1088 = tpu.vector_load %arg13[%swap3A_1086, %swap3A_1087] {strides = array<i32>} : memref<160x64xf32, #tpu.memory_space<vmem>>, vector<1x16xf32>,
      %swap3A_1089 = vector.shape_cast %swap3A_1088 : vector<1x16xf32> to vector<16xf32>
      %swap3A_1090 = vector.shape_cast %mul3A_1085 : vector<16xf32> to vector<1x16xf32>
      tpu.vector_store %arg13[%swap3A_1086, %swap3A_1087], %swap3A_1090 {strides = array<i32>} : memref<160x64xf32, #tpu.memory_space<vmem>>, vector<1x16xf32>,
      %mul3A_1091 = arith.constant 16 : i32
      %mul3A_1092 = arith.muli %scan3A_850, %mul3A_1091 : i32
      %add3A_1093 = arith.constant 5 : i32
      %add3A_1094 = arith.addi %mul3A_1092, %add3A_1093 : i32
      %slice3A_1095 = vector.extract_strided_slice %get3A_857 {offsets = [5], sizes = [1], strides = [1]} : vector<16xf32> to vector<1xf32>
      %squeeze3A_1096 = vector.extract %slice3A_1095[0] : f32 from vector<1xf32>
      %broadcast_in_dim3A_1097 = vector.broadcast %squeeze3A_1096 : f32 to vector<16xf32>
      %get3A_1098 = arith.index_cast %add3A_1094 : i32 to index
      %get3A_1099 = arith.constant 0 : index
      %get3A_1100 = tpu.vector_load %arg13[%get3A_1098, %get3A_1099] {strides = array<i32>} : memref<160x64xf32, #tpu.memory_space<vmem>>, vector<1x16xf32>,
      %get3A_1101 = vector.shape_cast %get3A_1100 : vector<1x16xf32> to vector<16xf32>
      %mul3A_1102 = arith.mulf %get3A_1101, %broadcast_in_dim3A_1097 : vector<16xf32>
      %swap3A_1103 = arith.index_cast %add3A_1094 : i32 to index
      %swap3A_1104 = arith.constant 0 : index
      %swap3A_1105 = tpu.vector_load %arg13[%swap3A_1103, %swap3A_1104] {strides = array<i32>} : memref<160x64xf32, #tpu.memory_space<vmem>>, vector<1x16xf32>,
      %swap3A_1106 = vector.shape_cast %swap3A_1105 : vector<1x16xf32> to vector<16xf32>
      %swap3A_1107 = vector.shape_cast %mul3A_1102 : vector<16xf32> to vector<1x16xf32>
      tpu.vector_store %arg13[%swap3A_1103, %swap3A_1104], %swap3A_1107 {strides = array<i32>} : memref<160x64xf32, #tpu.memory_space<vmem>>, vector<1x16xf32>,
      %get3A_1108 = arith.index_cast %add3A_1094 : i32 to index
      %get3A_1109 = arith.constant 16 : index
      %get3A_1110 = tpu.vector_load %arg13[%get3A_1108, %get3A_1109] {strides = array<i32>} : memref<160x64xf32, #tpu.memory_space<vmem>>, vector<1x16xf32>,
      %get3A_1111 = vector.shape_cast %get3A_1110 : vector<1x16xf32> to vector<16xf32>
      %mul3A_1112 = arith.mulf %get3A_1111, %broadcast_in_dim3A_1097 : vector<16xf32>
      %swap3A_1113 = arith.index_cast %add3A_1094 : i32 to index
      %swap3A_1114 = arith.constant 16 : index
      %swap3A_1115 = tpu.vector_load %arg13[%swap3A_1113, %swap3A_1114] {strides = array<i32>} : memref<160x64xf32, #tpu.memory_space<vmem>>, vector<1x16xf32>,
      %swap3A_1116 = vector.shape_cast %swap3A_1115 : vector<1x16xf32> to vector<16xf32>
      %swap3A_1117 = vector.shape_cast %mul3A_1112 : vector<16xf32> to vector<1x16xf32>
      tpu.vector_store %arg13[%swap3A_1113, %swap3A_1114], %swap3A_1117 {strides = array<i32>} : memref<160x64xf32, #tpu.memory_space<vmem>>, vector<1x16xf32>,
      %get3A_1118 = arith.index_cast %add3A_1094 : i32 to index
      %get3A_1119 = arith.constant 32 : index
      %get3A_1120 = tpu.vector_load %arg13[%get3A_1118, %get3A_1119] {strides = array<i32>} : memref<160x64xf32, #tpu.memory_space<vmem>>, vector<1x16xf32>,
      %get3A_1121 = vector.shape_cast %get3A_1120 : vector<1x16xf32> to vector<16xf32>
      %mul3A_1122 = arith.mulf %get3A_1121, %broadcast_in_dim3A_1097 : vector<16xf32>
      %swap3A_1123 = arith.index_cast %add3A_1094 : i32 to index
      %swap3A_1124 = arith.constant 32 : index
      %swap3A_1125 = tpu.vector_load %arg13[%swap3A_1123, %swap3A_1124] {strides = array<i32>} : memref<160x64xf32, #tpu.memory_space<vmem>>, vector<1x16xf32>,
      %swap3A_1126 = vector.shape_cast %swap3A_1125 : vector<1x16xf32> to vector<16xf32>
      %swap3A_1127 = vector.shape_cast %mul3A_1122 : vector<16xf32> to vector<1x16xf32>
      tpu.vector_store %arg13[%swap3A_1123, %swap3A_1124], %swap3A_1127 {strides = array<i32>} : memref<160x64xf32, #tpu.memory_space<vmem>>, vector<1x16xf32>,
      %get3A_1128 = arith.index_cast %add3A_1094 : i32 to index
      %get3A_1129 = arith.constant 48 : index
      %get3A_1130 = tpu.vector_load %arg13[%get3A_1128, %get3A_1129] {strides = array<i32>} : memref<160x64xf32, #tpu.memory_space<vmem>>, vector<1x16xf32>,
      %get3A_1131 = vector.shape_cast %get3A_1130 : vector<1x16xf32> to vector<16xf32>
      %mul3A_1132 = arith.mulf %get3A_1131, %broadcast_in_dim3A_1097 : vector<16xf32>
      %swap3A_1133 = arith.index_cast %add3A_1094 : i32 to index
      %swap3A_1134 = arith.constant 48 : index
      %swap3A_1135 = tpu.vector_load %arg13[%swap3A_1133, %swap3A_1134] {strides = array<i32>} : memref<160x64xf32, #tpu.memory_space<vmem>>, vector<1x16xf32>,
      %swap3A_1136 = vector.shape_cast %swap3A_1135 : vector<1x16xf32> to vector<16xf32>
      %swap3A_1137 = vector.shape_cast %mul3A_1132 : vector<16xf32> to vector<1x16xf32>
      tpu.vector_store %arg13[%swap3A_1133, %swap3A_1134], %swap3A_1137 {strides = array<i32>} : memref<160x64xf32, #tpu.memory_space<vmem>>, vector<1x16xf32>,
      %mul3A_1138 = arith.constant 16 : i32
      %mul3A_1139 = arith.muli %scan3A_850, %mul3A_1138 : i32
      %add3A_1140 = arith.constant 6 : i32
      %add3A_1141 = arith.addi %mul3A_1139, %add3A_1140 : i32
      %slice3A_1142 = vector.extract_strided_slice %get3A_857 {offsets = [6], sizes = [1], strides = [1]} : vector<16xf32> to vector<1xf32>
      %squeeze3A_1143 = vector.extract %slice3A_1142[0] : f32 from vector<1xf32>
      %broadcast_in_dim3A_1144 = vector.broadcast %squeeze3A_1143 : f32 to vector<16xf32>
      %get3A_1145 = arith.index_cast %add3A_1141 : i32 to index
      %get3A_1146 = arith.constant 0 : index
      %get3A_1147 = tpu.vector_load %arg13[%get3A_1145, %get3A_1146] {strides = array<i32>} : memref<160x64xf32, #tpu.memory_space<vmem>>, vector<1x16xf32>,
      %get3A_1148 = vector.shape_cast %get3A_1147 : vector<1x16xf32> to vector<16xf32>
      %mul3A_1149 = arith.mulf %get3A_1148, %broadcast_in_dim3A_1144 : vector<16xf32>
      %swap3A_1150 = arith.index_cast %add3A_1141 : i32 to index
      %swap3A_1151 = arith.constant 0 : index
      %swap3A_1152 = tpu.vector_load %arg13[%swap3A_1150, %swap3A_1151] {strides = array<i32>} : memref<160x64xf32, #tpu.memory_space<vmem>>, vector<1x16xf32>,
      %swap3A_1153 = vector.shape_cast %swap3A_1152 : vector<1x16xf32> to vector<16xf32>
      %swap3A_1154 = vector.shape_cast %mul3A_1149 : vector<16xf32> to vector<1x16xf32>
      tpu.vector_store %arg13[%swap3A_1150, %swap3A_1151], %swap3A_1154 {strides = array<i32>} : memref<160x64xf32, #tpu.memory_space<vmem>>, vector<1x16xf32>,
      %get3A_1155 = arith.index_cast %add3A_1141 : i32 to index
      %get3A_1156 = arith.constant 16 : index
      %get3A_1157 = tpu.vector_load %arg13[%get3A_1155, %get3A_1156] {strides = array<i32>} : memref<160x64xf32, #tpu.memory_space<vmem>>, vector<1x16xf32>,
      %get3A_1158 = vector.shape_cast %get3A_1157 : vector<1x16xf32> to vector<16xf32>
      %mul3A_1159 = arith.mulf %get3A_1158, %broadcast_in_dim3A_1144 : vector<16xf32>
      %swap3A_1160 = arith.index_cast %add3A_1141 : i32 to index
      %swap3A_1161 = arith.constant 16 : index
      %swap3A_1162 = tpu.vector_load %arg13[%swap3A_1160, %swap3A_1161] {strides = array<i32>} : memref<160x64xf32, #tpu.memory_space<vmem>>, vector<1x16xf32>,
      %swap3A_1163 = vector.shape_cast %swap3A_1162 : vector<1x16xf32> to vector<16xf32>
      %swap3A_1164 = vector.shape_cast %mul3A_1159 : vector<16xf32> to vector<1x16xf32>
      tpu.vector_store %arg13[%swap3A_1160, %swap3A_1161], %swap3A_1164 {strides = array<i32>} : memref<160x64xf32, #tpu.memory_space<vmem>>, vector<1x16xf32>,
      %get3A_1165 = arith.index_cast %add3A_1141 : i32 to index
      %get3A_1166 = arith.constant 32 : index
      %get3A_1167 = tpu.vector_load %arg13[%get3A_1165, %get3A_1166] {strides = array<i32>} : memref<160x64xf32, #tpu.memory_space<vmem>>, vector<1x16xf32>,
      %get3A_1168 = vector.shape_cast %get3A_1167 : vector<1x16xf32> to vector<16xf32>
      %mul3A_1169 = arith.mulf %get3A_1168, %broadcast_in_dim3A_1144 : vector<16xf32>
      %swap3A_1170 = arith.index_cast %add3A_1141 : i32 to index
      %swap3A_1171 = arith.constant 32 : index
      %swap3A_1172 = tpu.vector_load %arg13[%swap3A_1170, %swap3A_1171] {strides = array<i32>} : memref<160x64xf32, #tpu.memory_space<vmem>>, vector<1x16xf32>,
      %swap3A_1173 = vector.shape_cast %swap3A_1172 : vector<1x16xf32> to vector<16xf32>
      %swap3A_1174 = vector.shape_cast %mul3A_1169 : vector<16xf32> to vector<1x16xf32>
      tpu.vector_store %arg13[%swap3A_1170, %swap3A_1171], %swap3A_1174 {strides = array<i32>} : memref<160x64xf32, #tpu.memory_space<vmem>>, vector<1x16xf32>,
      %get3A_1175 = arith.index_cast %add3A_1141 : i32 to index
      %get3A_1176 = arith.constant 48 : index
      %get3A_1177 = tpu.vector_load %arg13[%get3A_1175, %get3A_1176] {strides = array<i32>} : memref<160x64xf32, #tpu.memory_space<vmem>>, vector<1x16xf32>,
      %get3A_1178 = vector.shape_cast %get3A_1177 : vector<1x16xf32> to vector<16xf32>
      %mul3A_1179 = arith.mulf %get3A_1178, %broadcast_in_dim3A_1144 : vector<16xf32>
      %swap3A_1180 = arith.index_cast %add3A_1141 : i32 to index
      %swap3A_1181 = arith.constant 48 : index
      %swap3A_1182 = tpu.vector_load %arg13[%swap3A_1180, %swap3A_1181] {strides = array<i32>} : memref<160x64xf32, #tpu.memory_space<vmem>>, vector<1x16xf32>,
      %swap3A_1183 = vector.shape_cast %swap3A_1182 : vector<1x16xf32> to vector<16xf32>
      %swap3A_1184 = vector.shape_cast %mul3A_1179 : vector<16xf32> to vector<1x16xf32>
      tpu.vector_store %arg13[%swap3A_1180, %swap3A_1181], %swap3A_1184 {strides = array<i32>} : memref<160x64xf32, #tpu.memory_space<vmem>>, vector<1x16xf32>,
      %mul3A_1185 = arith.constant 16 : i32
      %mul3A_1186 = arith.muli %scan3A_850, %mul3A_1185 : i32
      %add3A_1187 = arith.constant 7 : i32
      %add3A_1188 = arith.addi %mul3A_1186, %add3A_1187 : i32
      %slice3A_1189 = vector.extract_strided_slice %get3A_857 {offsets = [7], sizes = [1], strides = [1]} : vector<16xf32> to vector<1xf32>
      %squeeze3A_1190 = vector.extract %slice3A_1189[0] : f32 from vector<1xf32>
      %broadcast_in_dim3A_1191 = vector.broadcast %squeeze3A_1190 : f32 to vector<16xf32>
      %get3A_1192 = arith.index_cast %add3A_1188 : i32 to index
      %get3A_1193 = arith.constant 0 : index
      %get3A_1194 = tpu.vector_load %arg13[%get3A_1192, %get3A_1193] {strides = array<i32>} : memref<160x64xf32, #tpu.memory_space<vmem>>, vector<1x16xf32>,
      %get3A_1195 = vector.shape_cast %get3A_1194 : vector<1x16xf32> to vector<16xf32>
      %mul3A_1196 = arith.mulf %get3A_1195, %broadcast_in_dim3A_1191 : vector<16xf32>
      %swap3A_1197 = arith.index_cast %add3A_1188 : i32 to index
      %swap3A_1198 = arith.constant 0 : index
      %swap3A_1199 = tpu.vector_load %arg13[%swap3A_1197, %swap3A_1198] {strides = array<i32>} : memref<160x64xf32, #tpu.memory_space<vmem>>, vector<1x16xf32>,
      %swap3A_1200 = vector.shape_cast %swap3A_1199 : vector<1x16xf32> to vector<16xf32>
      %swap3A_1201 = vector.shape_cast %mul3A_1196 : vector<16xf32> to vector<1x16xf32>
      tpu.vector_store %arg13[%swap3A_1197, %swap3A_1198], %swap3A_1201 {strides = array<i32>} : memref<160x64xf32, #tpu.memory_space<vmem>>, vector<1x16xf32>,
      %get3A_1202 = arith.index_cast %add3A_1188 : i32 to index
      %get3A_1203 = arith.constant 16 : index
      %get3A_1204 = tpu.vector_load %arg13[%get3A_1202, %get3A_1203] {strides = array<i32>} : memref<160x64xf32, #tpu.memory_space<vmem>>, vector<1x16xf32>,
      %get3A_1205 = vector.shape_cast %get3A_1204 : vector<1x16xf32> to vector<16xf32>
      %mul3A_1206 = arith.mulf %get3A_1205, %broadcast_in_dim3A_1191 : vector<16xf32>
      %swap3A_1207 = arith.index_cast %add3A_1188 : i32 to index
      %swap3A_1208 = arith.constant 16 : index
      %swap3A_1209 = tpu.vector_load %arg13[%swap3A_1207, %swap3A_1208] {strides = array<i32>} : memref<160x64xf32, #tpu.memory_space<vmem>>, vector<1x16xf32>,
      %swap3A_1210 = vector.shape_cast %swap3A_1209 : vector<1x16xf32> to vector<16xf32>
      %swap3A_1211 = vector.shape_cast %mul3A_1206 : vector<16xf32> to vector<1x16xf32>
      tpu.vector_store %arg13[%swap3A_1207, %swap3A_1208], %swap3A_1211 {strides = array<i32>} : memref<160x64xf32, #tpu.memory_space<vmem>>, vector<1x16xf32>,
      %get3A_1212 = arith.index_cast %add3A_1188 : i32 to index
      %get3A_1213 = arith.constant 32 : index
      %get3A_1214 = tpu.vector_load %arg13[%get3A_1212, %get3A_1213] {strides = array<i32>} : memref<160x64xf32, #tpu.memory_space<vmem>>, vector<1x16xf32>,
      %get3A_1215 = vector.shape_cast %get3A_1214 : vector<1x16xf32> to vector<16xf32>
      %mul3A_1216 = arith.mulf %get3A_1215, %broadcast_in_dim3A_1191 : vector<16xf32>
      %swap3A_1217 = arith.index_cast %add3A_1188 : i32 to index
      %swap3A_1218 = arith.constant 32 : index
      %swap3A_1219 = tpu.vector_load %arg13[%swap3A_1217, %swap3A_1218] {strides = array<i32>} : memref<160x64xf32, #tpu.memory_space<vmem>>, vector<1x16xf32>,
      %swap3A_1220 = vector.shape_cast %swap3A_1219 : vector<1x16xf32> to vector<16xf32>
      %swap3A_1221 = vector.shape_cast %mul3A_1216 : vector<16xf32> to vector<1x16xf32>
      tpu.vector_store %arg13[%swap3A_1217, %swap3A_1218], %swap3A_1221 {strides = array<i32>} : memref<160x64xf32, #tpu.memory_space<vmem>>, vector<1x16xf32>,
      %get3A_1222 = arith.index_cast %add3A_1188 : i32 to index
      %get3A_1223 = arith.constant 48 : index
      %get3A_1224 = tpu.vector_load %arg13[%get3A_1222, %get3A_1223] {strides = array<i32>} : memref<160x64xf32, #tpu.memory_space<vmem>>, vector<1x16xf32>,
      %get3A_1225 = vector.shape_cast %get3A_1224 : vector<1x16xf32> to vector<16xf32>
      %mul3A_1226 = arith.mulf %get3A_1225, %broadcast_in_dim3A_1191 : vector<16xf32>
      %swap3A_1227 = arith.index_cast %add3A_1188 : i32 to index
      %swap3A_1228 = arith.constant 48 : index
      %swap3A_1229 = tpu.vector_load %arg13[%swap3A_1227, %swap3A_1228] {strides = array<i32>} : memref<160x64xf32, #tpu.memory_space<vmem>>, vector<1x16xf32>,
      %swap3A_1230 = vector.shape_cast %swap3A_1229 : vector<1x16xf32> to vector<16xf32>
      %swap3A_1231 = vector.shape_cast %mul3A_1226 : vector<16xf32> to vector<1x16xf32>
      tpu.vector_store %arg13[%swap3A_1227, %swap3A_1228], %swap3A_1231 {strides = array<i32>} : memref<160x64xf32, #tpu.memory_space<vmem>>, vector<1x16xf32>,
      %mul3A_1232 = arith.constant 16 : i32
      %mul3A_1233 = arith.muli %scan3A_850, %mul3A_1232 : i32
      %add3A_1234 = arith.constant 8 : i32
      %add3A_1235 = arith.addi %mul3A_1233, %add3A_1234 : i32
      %slice3A_1236 = vector.extract_strided_slice %get3A_857 {offsets = [8], sizes = [1], strides = [1]} : vector<16xf32> to vector<1xf32>
      %squeeze3A_1237 = vector.extract %slice3A_1236[0] : f32 from vector<1xf32>
      %broadcast_in_dim3A_1238 = vector.broadcast %squeeze3A_1237 : f32 to vector<16xf32>
      %get3A_1239 = arith.index_cast %add3A_1235 : i32 to index
      %get3A_1240 = arith.constant 0 : index
      %get3A_1241 = tpu.vector_load %arg13[%get3A_1239, %get3A_1240] {strides = array<i32>} : memref<160x64xf32, #tpu.memory_space<vmem>>, vector<1x16xf32>,
      %get3A_1242 = vector.shape_cast %get3A_1241 : vector<1x16xf32> to vector<16xf32>
      %mul3A_1243 = arith.mulf %get3A_1242, %broadcast_in_dim3A_1238 : vector<16xf32>
      %swap3A_1244 = arith.index_cast %add3A_1235 : i32 to index
      %swap3A_1245 = arith.constant 0 : index
      %swap3A_1246 = tpu.vector_load %arg13[%swap3A_1244, %swap3A_1245] {strides = array<i32>} : memref<160x64xf32, #tpu.memory_space<vmem>>, vector<1x16xf32>,
      %swap3A_1247 = vector.shape_cast %swap3A_1246 : vector<1x16xf32> to vector<16xf32>
      %swap3A_1248 = vector.shape_cast %mul3A_1243 : vector<16xf32> to vector<1x16xf32>
      tpu.vector_store %arg13[%swap3A_1244, %swap3A_1245], %swap3A_1248 {strides = array<i32>} : memref<160x64xf32, #tpu.memory_space<vmem>>, vector<1x16xf32>,
      %get3A_1249 = arith.index_cast %add3A_1235 : i32 to index
      %get3A_1250 = arith.constant 16 : index
      %get3A_1251 = tpu.vector_load %arg13[%get3A_1249, %get3A_1250] {strides = array<i32>} : memref<160x64xf32, #tpu.memory_space<vmem>>, vector<1x16xf32>,
      %get3A_1252 = vector.shape_cast %get3A_1251 : vector<1x16xf32> to vector<16xf32>
      %mul3A_1253 = arith.mulf %get3A_1252, %broadcast_in_dim3A_1238 : vector<16xf32>
      %swap3A_1254 = arith.index_cast %add3A_1235 : i32 to index
      %swap3A_1255 = arith.constant 16 : index
      %swap3A_1256 = tpu.vector_load %arg13[%swap3A_1254, %swap3A_1255] {strides = array<i32>} : memref<160x64xf32, #tpu.memory_space<vmem>>, vector<1x16xf32>,
      %swap3A_1257 = vector.shape_cast %swap3A_1256 : vector<1x16xf32> to vector<16xf32>
      %swap3A_1258 = vector.shape_cast %mul3A_1253 : vector<16xf32> to vector<1x16xf32>
      tpu.vector_store %arg13[%swap3A_1254, %swap3A_1255], %swap3A_1258 {strides = array<i32>} : memref<160x64xf32, #tpu.memory_space<vmem>>, vector<1x16xf32>,
      %get3A_1259 = arith.index_cast %add3A_1235 : i32 to index
      %get3A_1260 = arith.constant 32 : index
      %get3A_1261 = tpu.vector_load %arg13[%get3A_1259, %get3A_1260] {strides = array<i32>} : memref<160x64xf32, #tpu.memory_space<vmem>>, vector<1x16xf32>,
      %get3A_1262 = vector.shape_cast %get3A_1261 : vector<1x16xf32> to vector<16xf32>
      %mul3A_1263 = arith.mulf %get3A_1262, %broadcast_in_dim3A_1238 : vector<16xf32>
      %swap3A_1264 = arith.index_cast %add3A_1235 : i32 to index
      %swap3A_1265 = arith.constant 32 : index
      %swap3A_1266 = tpu.vector_load %arg13[%swap3A_1264, %swap3A_1265] {strides = array<i32>} : memref<160x64xf32, #tpu.memory_space<vmem>>, vector<1x16xf32>,
      %swap3A_1267 = vector.shape_cast %swap3A_1266 : vector<1x16xf32> to vector<16xf32>
      %swap3A_1268 = vector.shape_cast %mul3A_1263 : vector<16xf32> to vector<1x16xf32>
      tpu.vector_store %arg13[%swap3A_1264, %swap3A_1265], %swap3A_1268 {strides = array<i32>} : memref<160x64xf32, #tpu.memory_space<vmem>>, vector<1x16xf32>,
      %get3A_1269 = arith.index_cast %add3A_1235 : i32 to index
      %get3A_1270 = arith.constant 48 : index
      %get3A_1271 = tpu.vector_load %arg13[%get3A_1269, %get3A_1270] {strides = array<i32>} : memref<160x64xf32, #tpu.memory_space<vmem>>, vector<1x16xf32>,
      %get3A_1272 = vector.shape_cast %get3A_1271 : vector<1x16xf32> to vector<16xf32>
      %mul3A_1273 = arith.mulf %get3A_1272, %broadcast_in_dim3A_1238 : vector<16xf32>
      %swap3A_1274 = arith.index_cast %add3A_1235 : i32 to index
      %swap3A_1275 = arith.constant 48 : index
      %swap3A_1276 = tpu.vector_load %arg13[%swap3A_1274, %swap3A_1275] {strides = array<i32>} : memref<160x64xf32, #tpu.memory_space<vmem>>, vector<1x16xf32>,
      %swap3A_1277 = vector.shape_cast %swap3A_1276 : vector<1x16xf32> to vector<16xf32>
      %swap3A_1278 = vector.shape_cast %mul3A_1273 : vector<16xf32> to vector<1x16xf32>
      tpu.vector_store %arg13[%swap3A_1274, %swap3A_1275], %swap3A_1278 {strides = array<i32>} : memref<160x64xf32, #tpu.memory_space<vmem>>, vector<1x16xf32>,
      %mul3A_1279 = arith.constant 16 : i32
      %mul3A_1280 = arith.muli %scan3A_850, %mul3A_1279 : i32
      %add3A_1281 = arith.constant 9 : i32
      %add3A_1282 = arith.addi %mul3A_1280, %add3A_1281 : i32
      %slice3A_1283 = vector.extract_strided_slice %get3A_857 {offsets = [9], sizes = [1], strides = [1]} : vector<16xf32> to vector<1xf32>
      %squeeze3A_1284 = vector.extract %slice3A_1283[0] : f32 from vector<1xf32>
      %broadcast_in_dim3A_1285 = vector.broadcast %squeeze3A_1284 : f32 to vector<16xf32>
      %get3A_1286 = arith.index_cast %add3A_1282 : i32 to index
      %get3A_1287 = arith.constant 0 : index
      %get3A_1288 = tpu.vector_load %arg13[%get3A_1286, %get3A_1287] {strides = array<i32>} : memref<160x64xf32, #tpu.memory_space<vmem>>, vector<1x16xf32>,
      %get3A_1289 = vector.shape_cast %get3A_1288 : vector<1x16xf32> to vector<16xf32>
      %mul3A_1290 = arith.mulf %get3A_1289, %broadcast_in_dim3A_1285 : vector<16xf32>
      %swap3A_1291 = arith.index_cast %add3A_1282 : i32 to index
      %swap3A_1292 = arith.constant 0 : index
      %swap3A_1293 = tpu.vector_load %arg13[%swap3A_1291, %swap3A_1292] {strides = array<i32>} : memref<160x64xf32, #tpu.memory_space<vmem>>, vector<1x16xf32>,
      %swap3A_1294 = vector.shape_cast %swap3A_1293 : vector<1x16xf32> to vector<16xf32>
      %swap3A_1295 = vector.shape_cast %mul3A_1290 : vector<16xf32> to vector<1x16xf32>
      tpu.vector_store %arg13[%swap3A_1291, %swap3A_1292], %swap3A_1295 {strides = array<i32>} : memref<160x64xf32, #tpu.memory_space<vmem>>, vector<1x16xf32>,
      %get3A_1296 = arith.index_cast %add3A_1282 : i32 to index
      %get3A_1297 = arith.constant 16 : index
      %get3A_1298 = tpu.vector_load %arg13[%get3A_1296, %get3A_1297] {strides = array<i32>} : memref<160x64xf32, #tpu.memory_space<vmem>>, vector<1x16xf32>,
      %get3A_1299 = vector.shape_cast %get3A_1298 : vector<1x16xf32> to vector<16xf32>
      %mul3A_1300 = arith.mulf %get3A_1299, %broadcast_in_dim3A_1285 : vector<16xf32>
      %swap3A_1301 = arith.index_cast %add3A_1282 : i32 to index
      %swap3A_1302 = arith.constant 16 : index
      %swap3A_1303 = tpu.vector_load %arg13[%swap3A_1301, %swap3A_1302] {strides = array<i32>} : memref<160x64xf32, #tpu.memory_space<vmem>>, vector<1x16xf32>,
      %swap3A_1304 = vector.shape_cast %swap3A_1303 : vector<1x16xf32> to vector<16xf32>
      %swap3A_1305 = vector.shape_cast %mul3A_1300 : vector<16xf32> to vector<1x16xf32>
      tpu.vector_store %arg13[%swap3A_1301, %swap3A_1302], %swap3A_1305 {strides = array<i32>} : memref<160x64xf32, #tpu.memory_space<vmem>>, vector<1x16xf32>,
      %get3A_1306 = arith.index_cast %add3A_1282 : i32 to index
      %get3A_1307 = arith.constant 32 : index
      %get3A_1308 = tpu.vector_load %arg13[%get3A_1306, %get3A_1307] {strides = array<i32>} : memref<160x64xf32, #tpu.memory_space<vmem>>, vector<1x16xf32>,
      %get3A_1309 = vector.shape_cast %get3A_1308 : vector<1x16xf32> to vector<16xf32>
      %mul3A_1310 = arith.mulf %get3A_1309, %broadcast_in_dim3A_1285 : vector<16xf32>
      %swap3A_1311 = arith.index_cast %add3A_1282 : i32 to index
      %swap3A_1312 = arith.constant 32 : index
      %swap3A_1313 = tpu.vector_load %arg13[%swap3A_1311, %swap3A_1312] {strides = array<i32>} : memref<160x64xf32, #tpu.memory_space<vmem>>, vector<1x16xf32>,
      %swap3A_1314 = vector.shape_cast %swap3A_1313 : vector<1x16xf32> to vector<16xf32>
      %swap3A_1315 = vector.shape_cast %mul3A_1310 : vector<16xf32> to vector<1x16xf32>
      tpu.vector_store %arg13[%swap3A_1311, %swap3A_1312], %swap3A_1315 {strides = array<i32>} : memref<160x64xf32, #tpu.memory_space<vmem>>, vector<1x16xf32>,
      %get3A_1316 = arith.index_cast %add3A_1282 : i32 to index
      %get3A_1317 = arith.constant 48 : index
      %get3A_1318 = tpu.vector_load %arg13[%get3A_1316, %get3A_1317] {strides = array<i32>} : memref<160x64xf32, #tpu.memory_space<vmem>>, vector<1x16xf32>,
      %get3A_1319 = vector.shape_cast %get3A_1318 : vector<1x16xf32> to vector<16xf32>
      %mul3A_1320 = arith.mulf %get3A_1319, %broadcast_in_dim3A_1285 : vector<16xf32>
      %swap3A_1321 = arith.index_cast %add3A_1282 : i32 to index
      %swap3A_1322 = arith.constant 48 : index
      %swap3A_1323 = tpu.vector_load %arg13[%swap3A_1321, %swap3A_1322] {strides = array<i32>} : memref<160x64xf32, #tpu.memory_space<vmem>>, vector<1x16xf32>,
      %swap3A_1324 = vector.shape_cast %swap3A_1323 : vector<1x16xf32> to vector<16xf32>
      %swap3A_1325 = vector.shape_cast %mul3A_1320 : vector<16xf32> to vector<1x16xf32>
      tpu.vector_store %arg13[%swap3A_1321, %swap3A_1322], %swap3A_1325 {strides = array<i32>} : memref<160x64xf32, #tpu.memory_space<vmem>>, vector<1x16xf32>,
      %mul3A_1326 = arith.constant 16 : i32
      %mul3A_1327 = arith.muli %scan3A_850, %mul3A_1326 : i32
      %add3A_1328 = arith.constant 10 : i32
      %add3A_1329 = arith.addi %mul3A_1327, %add3A_1328 : i32
      %slice3A_1330 = vector.extract_strided_slice %get3A_857 {offsets = [10], sizes = [1], strides = [1]} : vector<16xf32> to vector<1xf32>
      %squeeze3A_1331 = vector.extract %slice3A_1330[0] : f32 from vector<1xf32>
      %broadcast_in_dim3A_1332 = vector.broadcast %squeeze3A_1331 : f32 to vector<16xf32>
      %get3A_1333 = arith.index_cast %add3A_1329 : i32 to index
      %get3A_1334 = arith.constant 0 : index
      %get3A_1335 = tpu.vector_load %arg13[%get3A_1333, %get3A_1334] {strides = array<i32>} : memref<160x64xf32, #tpu.memory_space<vmem>>, vector<1x16xf32>,
      %get3A_1336 = vector.shape_cast %get3A_1335 : vector<1x16xf32> to vector<16xf32>
      %mul3A_1337 = arith.mulf %get3A_1336, %broadcast_in_dim3A_1332 : vector<16xf32>
      %swap3A_1338 = arith.index_cast %add3A_1329 : i32 to index
      %swap3A_1339 = arith.constant 0 : index
      %swap3A_1340 = tpu.vector_load %arg13[%swap3A_1338, %swap3A_1339] {strides = array<i32>} : memref<160x64xf32, #tpu.memory_space<vmem>>, vector<1x16xf32>,
      %swap3A_1341 = vector.shape_cast %swap3A_1340 : vector<1x16xf32> to vector<16xf32>
      %swap3A_1342 = vector.shape_cast %mul3A_1337 : vector<16xf32> to vector<1x16xf32>
      tpu.vector_store %arg13[%swap3A_1338, %swap3A_1339], %swap3A_1342 {strides = array<i32>} : memref<160x64xf32, #tpu.memory_space<vmem>>, vector<1x16xf32>,
      %get3A_1343 = arith.index_cast %add3A_1329 : i32 to index
      %get3A_1344 = arith.constant 16 : index
      %get3A_1345 = tpu.vector_load %arg13[%get3A_1343, %get3A_1344] {strides = array<i32>} : memref<160x64xf32, #tpu.memory_space<vmem>>, vector<1x16xf32>,
      %get3A_1346 = vector.shape_cast %get3A_1345 : vector<1x16xf32> to vector<16xf32>
      %mul3A_1347 = arith.mulf %get3A_1346, %broadcast_in_dim3A_1332 : vector<16xf32>
      %swap3A_1348 = arith.index_cast %add3A_1329 : i32 to index
      %swap3A_1349 = arith.constant 16 : index
      %swap3A_1350 = tpu.vector_load %arg13[%swap3A_1348, %swap3A_1349] {strides = array<i32>} : memref<160x64xf32, #tpu.memory_space<vmem>>, vector<1x16xf32>,
      %swap3A_1351 = vector.shape_cast %swap3A_1350 : vector<1x16xf32> to vector<16xf32>
      %swap3A_1352 = vector.shape_cast %mul3A_1347 : vector<16xf32> to vector<1x16xf32>
      tpu.vector_store %arg13[%swap3A_1348, %swap3A_1349], %swap3A_1352 {strides = array<i32>} : memref<160x64xf32, #tpu.memory_space<vmem>>, vector<1x16xf32>,
      %get3A_1353 = arith.index_cast %add3A_1329 : i32 to index
      %get3A_1354 = arith.constant 32 : index
      %get3A_1355 = tpu.vector_load %arg13[%get3A_1353, %get3A_1354] {strides = array<i32>} : memref<160x64xf32, #tpu.memory_space<vmem>>, vector<1x16xf32>,
      %get3A_1356 = vector.shape_cast %get3A_1355 : vector<1x16xf32> to vector<16xf32>
      %mul3A_1357 = arith.mulf %get3A_1356, %broadcast_in_dim3A_1332 : vector<16xf32>
      %swap3A_1358 = arith.index_cast %add3A_1329 : i32 to index
      %swap3A_1359 = arith.constant 32 : index
      %swap3A_1360 = tpu.vector_load %arg13[%swap3A_1358, %swap3A_1359] {strides = array<i32>} : memref<160x64xf32, #tpu.memory_space<vmem>>, vector<1x16xf32>,
      %swap3A_1361 = vector.shape_cast %swap3A_1360 : vector<1x16xf32> to vector<16xf32>
      %swap3A_1362 = vector.shape_cast %mul3A_1357 : vector<16xf32> to vector<1x16xf32>
      tpu.vector_store %arg13[%swap3A_1358, %swap3A_1359], %swap3A_1362 {strides = array<i32>} : memref<160x64xf32, #tpu.memory_space<vmem>>, vector<1x16xf32>,
      %get3A_1363 = arith.index_cast %add3A_1329 : i32 to index
      %get3A_1364 = arith.constant 48 : index
      %get3A_1365 = tpu.vector_load %arg13[%get3A_1363, %get3A_1364] {strides = array<i32>} : memref<160x64xf32, #tpu.memory_space<vmem>>, vector<1x16xf32>,
      %get3A_1366 = vector.shape_cast %get3A_1365 : vector<1x16xf32> to vector<16xf32>
      %mul3A_1367 = arith.mulf %get3A_1366, %broadcast_in_dim3A_1332 : vector<16xf32>
      %swap3A_1368 = arith.index_cast %add3A_1329 : i32 to index
      %swap3A_1369 = arith.constant 48 : index
      %swap3A_1370 = tpu.vector_load %arg13[%swap3A_1368, %swap3A_1369] {strides = array<i32>} : memref<160x64xf32, #tpu.memory_space<vmem>>, vector<1x16xf32>,
      %swap3A_1371 = vector.shape_cast %swap3A_1370 : vector<1x16xf32> to vector<16xf32>
      %swap3A_1372 = vector.shape_cast %mul3A_1367 : vector<16xf32> to vector<1x16xf32>
      tpu.vector_store %arg13[%swap3A_1368, %swap3A_1369], %swap3A_1372 {strides = array<i32>} : memref<160x64xf32, #tpu.memory_space<vmem>>, vector<1x16xf32>,
      %mul3A_1373 = arith.constant 16 : i32
      %mul3A_1374 = arith.muli %scan3A_850, %mul3A_1373 : i32
      %add3A_1375 = arith.constant 11 : i32
      %add3A_1376 = arith.addi %mul3A_1374, %add3A_1375 : i32
      %slice3A_1377 = vector.extract_strided_slice %get3A_857 {offsets = [11], sizes = [1], strides = [1]} : vector<16xf32> to vector<1xf32>
      %squeeze3A_1378 = vector.extract %slice3A_1377[0] : f32 from vector<1xf32>
      %broadcast_in_dim3A_1379 = vector.broadcast %squeeze3A_1378 : f32 to vector<16xf32>
      %get3A_1380 = arith.index_cast %add3A_1376 : i32 to index
      %get3A_1381 = arith.constant 0 : index
      %get3A_1382 = tpu.vector_load %arg13[%get3A_1380, %get3A_1381] {strides = array<i32>} : memref<160x64xf32, #tpu.memory_space<vmem>>, vector<1x16xf32>,
      %get3A_1383 = vector.shape_cast %get3A_1382 : vector<1x16xf32> to vector<16xf32>
      %mul3A_1384 = arith.mulf %get3A_1383, %broadcast_in_dim3A_1379 : vector<16xf32>
      %swap3A_1385 = arith.index_cast %add3A_1376 : i32 to index
      %swap3A_1386 = arith.constant 0 : index
      %swap3A_1387 = tpu.vector_load %arg13[%swap3A_1385, %swap3A_1386] {strides = array<i32>} : memref<160x64xf32, #tpu.memory_space<vmem>>, vector<1x16xf32>,
      %swap3A_1388 = vector.shape_cast %swap3A_1387 : vector<1x16xf32> to vector<16xf32>
      %swap3A_1389 = vector.shape_cast %mul3A_1384 : vector<16xf32> to vector<1x16xf32>
      tpu.vector_store %arg13[%swap3A_1385, %swap3A_1386], %swap3A_1389 {strides = array<i32>} : memref<160x64xf32, #tpu.memory_space<vmem>>, vector<1x16xf32>,
      %get3A_1390 = arith.index_cast %add3A_1376 : i32 to index
      %get3A_1391 = arith.constant 16 : index
      %get3A_1392 = tpu.vector_load %arg13[%get3A_1390, %get3A_1391] {strides = array<i32>} : memref<160x64xf32, #tpu.memory_space<vmem>>, vector<1x16xf32>,
      %get3A_1393 = vector.shape_cast %get3A_1392 : vector<1x16xf32> to vector<16xf32>
      %mul3A_1394 = arith.mulf %get3A_1393, %broadcast_in_dim3A_1379 : vector<16xf32>
      %swap3A_1395 = arith.index_cast %add3A_1376 : i32 to index
      %swap3A_1396 = arith.constant 16 : index
      %swap3A_1397 = tpu.vector_load %arg13[%swap3A_1395, %swap3A_1396] {strides = array<i32>} : memref<160x64xf32, #tpu.memory_space<vmem>>, vector<1x16xf32>,
      %swap3A_1398 = vector.shape_cast %swap3A_1397 : vector<1x16xf32> to vector<16xf32>
      %swap3A_1399 = vector.shape_cast %mul3A_1394 : vector<16xf32> to vector<1x16xf32>
      tpu.vector_store %arg13[%swap3A_1395, %swap3A_1396], %swap3A_1399 {strides = array<i32>} : memref<160x64xf32, #tpu.memory_space<vmem>>, vector<1x16xf32>,
      %get3A_1400 = arith.index_cast %add3A_1376 : i32 to index
      %get3A_1401 = arith.constant 32 : index
      %get3A_1402 = tpu.vector_load %arg13[%get3A_1400, %get3A_1401] {strides = array<i32>} : memref<160x64xf32, #tpu.memory_space<vmem>>, vector<1x16xf32>,
      %get3A_1403 = vector.shape_cast %get3A_1402 : vector<1x16xf32> to vector<16xf32>
      %mul3A_1404 = arith.mulf %get3A_1403, %broadcast_in_dim3A_1379 : vector<16xf32>
      %swap3A_1405 = arith.index_cast %add3A_1376 : i32 to index
      %swap3A_1406 = arith.constant 32 : index
      %swap3A_1407 = tpu.vector_load %arg13[%swap3A_1405, %swap3A_1406] {strides = array<i32>} : memref<160x64xf32, #tpu.memory_space<vmem>>, vector<1x16xf32>,
      %swap3A_1408 = vector.shape_cast %swap3A_1407 : vector<1x16xf32> to vector<16xf32>
      %swap3A_1409 = vector.shape_cast %mul3A_1404 : vector<16xf32> to vector<1x16xf32>
      tpu.vector_store %arg13[%swap3A_1405, %swap3A_1406], %swap3A_1409 {strides = array<i32>} : memref<160x64xf32, #tpu.memory_space<vmem>>, vector<1x16xf32>,
      %get3A_1410 = arith.index_cast %add3A_1376 : i32 to index
      %get3A_1411 = arith.constant 48 : index
      %get3A_1412 = tpu.vector_load %arg13[%get3A_1410, %get3A_1411] {strides = array<i32>} : memref<160x64xf32, #tpu.memory_space<vmem>>, vector<1x16xf32>,
      %get3A_1413 = vector.shape_cast %get3A_1412 : vector<1x16xf32> to vector<16xf32>
      %mul3A_1414 = arith.mulf %get3A_1413, %broadcast_in_dim3A_1379 : vector<16xf32>
      %swap3A_1415 = arith.index_cast %add3A_1376 : i32 to index
      %swap3A_1416 = arith.constant 48 : index
      %swap3A_1417 = tpu.vector_load %arg13[%swap3A_1415, %swap3A_1416] {strides = array<i32>} : memref<160x64xf32, #tpu.memory_space<vmem>>, vector<1x16xf32>,
      %swap3A_1418 = vector.shape_cast %swap3A_1417 : vector<1x16xf32> to vector<16xf32>
      %swap3A_1419 = vector.shape_cast %mul3A_1414 : vector<16xf32> to vector<1x16xf32>
      tpu.vector_store %arg13[%swap3A_1415, %swap3A_1416], %swap3A_1419 {strides = array<i32>} : memref<160x64xf32, #tpu.memory_space<vmem>>, vector<1x16xf32>,
      %mul3A_1420 = arith.constant 16 : i32
      %mul3A_1421 = arith.muli %scan3A_850, %mul3A_1420 : i32
      %add3A_1422 = arith.constant 12 : i32
      %add3A_1423 = arith.addi %mul3A_1421, %add3A_1422 : i32
      %slice3A_1424 = vector.extract_strided_slice %get3A_857 {offsets = [12], sizes = [1], strides = [1]} : vector<16xf32> to vector<1xf32>
      %squeeze3A_1425 = vector.extract %slice3A_1424[0] : f32 from vector<1xf32>
      %broadcast_in_dim3A_1426 = vector.broadcast %squeeze3A_1425 : f32 to vector<16xf32>
      %get3A_1427 = arith.index_cast %add3A_1423 : i32 to index
      %get3A_1428 = arith.constant 0 : index
      %get3A_1429 = tpu.vector_load %arg13[%get3A_1427, %get3A_1428] {strides = array<i32>} : memref<160x64xf32, #tpu.memory_space<vmem>>, vector<1x16xf32>,
      %get3A_1430 = vector.shape_cast %get3A_1429 : vector<1x16xf32> to vector<16xf32>
      %mul3A_1431 = arith.mulf %get3A_1430, %broadcast_in_dim3A_1426 : vector<16xf32>
      %swap3A_1432 = arith.index_cast %add3A_1423 : i32 to index
      %swap3A_1433 = arith.constant 0 : index
      %swap3A_1434 = tpu.vector_load %arg13[%swap3A_1432, %swap3A_1433] {strides = array<i32>} : memref<160x64xf32, #tpu.memory_space<vmem>>, vector<1x16xf32>,
      %swap3A_1435 = vector.shape_cast %swap3A_1434 : vector<1x16xf32> to vector<16xf32>
      %swap3A_1436 = vector.shape_cast %mul3A_1431 : vector<16xf32> to vector<1x16xf32>
      tpu.vector_store %arg13[%swap3A_1432, %swap3A_1433], %swap3A_1436 {strides = array<i32>} : memref<160x64xf32, #tpu.memory_space<vmem>>, vector<1x16xf32>,
      %get3A_1437 = arith.index_cast %add3A_1423 : i32 to index
      %get3A_1438 = arith.constant 16 : index
      %get3A_1439 = tpu.vector_load %arg13[%get3A_1437, %get3A_1438] {strides = array<i32>} : memref<160x64xf32, #tpu.memory_space<vmem>>, vector<1x16xf32>,
      %get3A_1440 = vector.shape_cast %get3A_1439 : vector<1x16xf32> to vector<16xf32>
      %mul3A_1441 = arith.mulf %get3A_1440, %broadcast_in_dim3A_1426 : vector<16xf32>
      %swap3A_1442 = arith.index_cast %add3A_1423 : i32 to index
      %swap3A_1443 = arith.constant 16 : index
      %swap3A_1444 = tpu.vector_load %arg13[%swap3A_1442, %swap3A_1443] {strides = array<i32>} : memref<160x64xf32, #tpu.memory_space<vmem>>, vector<1x16xf32>,
      %swap3A_1445 = vector.shape_cast %swap3A_1444 : vector<1x16xf32> to vector<16xf32>
      %swap3A_1446 = vector.shape_cast %mul3A_1441 : vector<16xf32> to vector<1x16xf32>
      tpu.vector_store %arg13[%swap3A_1442, %swap3A_1443], %swap3A_1446 {strides = array<i32>} : memref<160x64xf32, #tpu.memory_space<vmem>>, vector<1x16xf32>,
      %get3A_1447 = arith.index_cast %add3A_1423 : i32 to index
      %get3A_1448 = arith.constant 32 : index
      %get3A_1449 = tpu.vector_load %arg13[%get3A_1447, %get3A_1448] {strides = array<i32>} : memref<160x64xf32, #tpu.memory_space<vmem>>, vector<1x16xf32>,
      %get3A_1450 = vector.shape_cast %get3A_1449 : vector<1x16xf32> to vector<16xf32>
      %mul3A_1451 = arith.mulf %get3A_1450, %broadcast_in_dim3A_1426 : vector<16xf32>
      %swap3A_1452 = arith.index_cast %add3A_1423 : i32 to index
      %swap3A_1453 = arith.constant 32 : index
      %swap3A_1454 = tpu.vector_load %arg13[%swap3A_1452, %swap3A_1453] {strides = array<i32>} : memref<160x64xf32, #tpu.memory_space<vmem>>, vector<1x16xf32>,
      %swap3A_1455 = vector.shape_cast %swap3A_1454 : vector<1x16xf32> to vector<16xf32>
      %swap3A_1456 = vector.shape_cast %mul3A_1451 : vector<16xf32> to vector<1x16xf32>
      tpu.vector_store %arg13[%swap3A_1452, %swap3A_1453], %swap3A_1456 {strides = array<i32>} : memref<160x64xf32, #tpu.memory_space<vmem>>, vector<1x16xf32>,
      %get3A_1457 = arith.index_cast %add3A_1423 : i32 to index
      %get3A_1458 = arith.constant 48 : index
      %get3A_1459 = tpu.vector_load %arg13[%get3A_1457, %get3A_1458] {strides = array<i32>} : memref<160x64xf32, #tpu.memory_space<vmem>>, vector<1x16xf32>,
      %get3A_1460 = vector.shape_cast %get3A_1459 : vector<1x16xf32> to vector<16xf32>
      %mul3A_1461 = arith.mulf %get3A_1460, %broadcast_in_dim3A_1426 : vector<16xf32>
      %swap3A_1462 = arith.index_cast %add3A_1423 : i32 to index
      %swap3A_1463 = arith.constant 48 : index
      %swap3A_1464 = tpu.vector_load %arg13[%swap3A_1462, %swap3A_1463] {strides = array<i32>} : memref<160x64xf32, #tpu.memory_space<vmem>>, vector<1x16xf32>,
      %swap3A_1465 = vector.shape_cast %swap3A_1464 : vector<1x16xf32> to vector<16xf32>
      %swap3A_1466 = vector.shape_cast %mul3A_1461 : vector<16xf32> to vector<1x16xf32>
      tpu.vector_store %arg13[%swap3A_1462, %swap3A_1463], %swap3A_1466 {strides = array<i32>} : memref<160x64xf32, #tpu.memory_space<vmem>>, vector<1x16xf32>,
      %mul3A_1467 = arith.constant 16 : i32
      %mul3A_1468 = arith.muli %scan3A_850, %mul3A_1467 : i32
      %add3A_1469 = arith.constant 13 : i32
      %add3A_1470 = arith.addi %mul3A_1468, %add3A_1469 : i32
      %slice3A_1471 = vector.extract_strided_slice %get3A_857 {offsets = [13], sizes = [1], strides = [1]} : vector<16xf32> to vector<1xf32>
      %squeeze3A_1472 = vector.extract %slice3A_1471[0] : f32 from vector<1xf32>
      %broadcast_in_dim3A_1473 = vector.broadcast %squeeze3A_1472 : f32 to vector<16xf32>
      %get3A_1474 = arith.index_cast %add3A_1470 : i32 to index
      %get3A_1475 = arith.constant 0 : index
      %get3A_1476 = tpu.vector_load %arg13[%get3A_1474, %get3A_1475] {strides = array<i32>} : memref<160x64xf32, #tpu.memory_space<vmem>>, vector<1x16xf32>,
      %get3A_1477 = vector.shape_cast %get3A_1476 : vector<1x16xf32> to vector<16xf32>
      %mul3A_1478 = arith.mulf %get3A_1477, %broadcast_in_dim3A_1473 : vector<16xf32>
      %swap3A_1479 = arith.index_cast %add3A_1470 : i32 to index
      %swap3A_1480 = arith.constant 0 : index
      %swap3A_1481 = tpu.vector_load %arg13[%swap3A_1479, %swap3A_1480] {strides = array<i32>} : memref<160x64xf32, #tpu.memory_space<vmem>>, vector<1x16xf32>,
      %swap3A_1482 = vector.shape_cast %swap3A_1481 : vector<1x16xf32> to vector<16xf32>
      %swap3A_1483 = vector.shape_cast %mul3A_1478 : vector<16xf32> to vector<1x16xf32>
      tpu.vector_store %arg13[%swap3A_1479, %swap3A_1480], %swap3A_1483 {strides = array<i32>} : memref<160x64xf32, #tpu.memory_space<vmem>>, vector<1x16xf32>,
      %get3A_1484 = arith.index_cast %add3A_1470 : i32 to index
      %get3A_1485 = arith.constant 16 : index
      %get3A_1486 = tpu.vector_load %arg13[%get3A_1484, %get3A_1485] {strides = array<i32>} : memref<160x64xf32, #tpu.memory_space<vmem>>, vector<1x16xf32>,
      %get3A_1487 = vector.shape_cast %get3A_1486 : vector<1x16xf32> to vector<16xf32>
      %mul3A_1488 = arith.mulf %get3A_1487, %broadcast_in_dim3A_1473 : vector<16xf32>
      %swap3A_1489 = arith.index_cast %add3A_1470 : i32 to index
      %swap3A_1490 = arith.constant 16 : index
      %swap3A_1491 = tpu.vector_load %arg13[%swap3A_1489, %swap3A_1490] {strides = array<i32>} : memref<160x64xf32, #tpu.memory_space<vmem>>, vector<1x16xf32>,
      %swap3A_1492 = vector.shape_cast %swap3A_1491 : vector<1x16xf32> to vector<16xf32>
      %swap3A_1493 = vector.shape_cast %mul3A_1488 : vector<16xf32> to vector<1x16xf32>
      tpu.vector_store %arg13[%swap3A_1489, %swap3A_1490], %swap3A_1493 {strides = array<i32>} : memref<160x64xf32, #tpu.memory_space<vmem>>, vector<1x16xf32>,
      %get3A_1494 = arith.index_cast %add3A_1470 : i32 to index
      %get3A_1495 = arith.constant 32 : index
      %get3A_1496 = tpu.vector_load %arg13[%get3A_1494, %get3A_1495] {strides = array<i32>} : memref<160x64xf32, #tpu.memory_space<vmem>>, vector<1x16xf32>,
      %get3A_1497 = vector.shape_cast %get3A_1496 : vector<1x16xf32> to vector<16xf32>
      %mul3A_1498 = arith.mulf %get3A_1497, %broadcast_in_dim3A_1473 : vector<16xf32>
      %swap3A_1499 = arith.index_cast %add3A_1470 : i32 to index
      %swap3A_1500 = arith.constant 32 : index
      %swap3A_1501 = tpu.vector_load %arg13[%swap3A_1499, %swap3A_1500] {strides = array<i32>} : memref<160x64xf32, #tpu.memory_space<vmem>>, vector<1x16xf32>,
      %swap3A_1502 = vector.shape_cast %swap3A_1501 : vector<1x16xf32> to vector<16xf32>
      %swap3A_1503 = vector.shape_cast %mul3A_1498 : vector<16xf32> to vector<1x16xf32>
      tpu.vector_store %arg13[%swap3A_1499, %swap3A_1500], %swap3A_1503 {strides = array<i32>} : memref<160x64xf32, #tpu.memory_space<vmem>>, vector<1x16xf32>,
      %get3A_1504 = arith.index_cast %add3A_1470 : i32 to index
      %get3A_1505 = arith.constant 48 : index
      %get3A_1506 = tpu.vector_load %arg13[%get3A_1504, %get3A_1505] {strides = array<i32>} : memref<160x64xf32, #tpu.memory_space<vmem>>, vector<1x16xf32>,
      %get3A_1507 = vector.shape_cast %get3A_1506 : vector<1x16xf32> to vector<16xf32>
      %mul3A_1508 = arith.mulf %get3A_1507, %broadcast_in_dim3A_1473 : vector<16xf32>
      %swap3A_1509 = arith.index_cast %add3A_1470 : i32 to index
      %swap3A_1510 = arith.constant 48 : index
      %swap3A_1511 = tpu.vector_load %arg13[%swap3A_1509, %swap3A_1510] {strides = array<i32>} : memref<160x64xf32, #tpu.memory_space<vmem>>, vector<1x16xf32>,
      %swap3A_1512 = vector.shape_cast %swap3A_1511 : vector<1x16xf32> to vector<16xf32>
      %swap3A_1513 = vector.shape_cast %mul3A_1508 : vector<16xf32> to vector<1x16xf32>
      tpu.vector_store %arg13[%swap3A_1509, %swap3A_1510], %swap3A_1513 {strides = array<i32>} : memref<160x64xf32, #tpu.memory_space<vmem>>, vector<1x16xf32>,
      %mul3A_1514 = arith.constant 16 : i32
      %mul3A_1515 = arith.muli %scan3A_850, %mul3A_1514 : i32
      %add3A_1516 = arith.constant 14 : i32
      %add3A_1517 = arith.addi %mul3A_1515, %add3A_1516 : i32
      %slice3A_1518 = vector.extract_strided_slice %get3A_857 {offsets = [14], sizes = [1], strides = [1]} : vector<16xf32> to vector<1xf32>
      %squeeze3A_1519 = vector.extract %slice3A_1518[0] : f32 from vector<1xf32>
      %broadcast_in_dim3A_1520 = vector.broadcast %squeeze3A_1519 : f32 to vector<16xf32>
      %get3A_1521 = arith.index_cast %add3A_1517 : i32 to index
      %get3A_1522 = arith.constant 0 : index
      %get3A_1523 = tpu.vector_load %arg13[%get3A_1521, %get3A_1522] {strides = array<i32>} : memref<160x64xf32, #tpu.memory_space<vmem>>, vector<1x16xf32>,
      %get3A_1524 = vector.shape_cast %get3A_1523 : vector<1x16xf32> to vector<16xf32>
      %mul3A_1525 = arith.mulf %get3A_1524, %broadcast_in_dim3A_1520 : vector<16xf32>
      %swap3A_1526 = arith.index_cast %add3A_1517 : i32 to index
      %swap3A_1527 = arith.constant 0 : index
      %swap3A_1528 = tpu.vector_load %arg13[%swap3A_1526, %swap3A_1527] {strides = array<i32>} : memref<160x64xf32, #tpu.memory_space<vmem>>, vector<1x16xf32>,
      %swap3A_1529 = vector.shape_cast %swap3A_1528 : vector<1x16xf32> to vector<16xf32>
      %swap3A_1530 = vector.shape_cast %mul3A_1525 : vector<16xf32> to vector<1x16xf32>
      tpu.vector_store %arg13[%swap3A_1526, %swap3A_1527], %swap3A_1530 {strides = array<i32>} : memref<160x64xf32, #tpu.memory_space<vmem>>, vector<1x16xf32>,
      %get3A_1531 = arith.index_cast %add3A_1517 : i32 to index
      %get3A_1532 = arith.constant 16 : index
      %get3A_1533 = tpu.vector_load %arg13[%get3A_1531, %get3A_1532] {strides = array<i32>} : memref<160x64xf32, #tpu.memory_space<vmem>>, vector<1x16xf32>,
      %get3A_1534 = vector.shape_cast %get3A_1533 : vector<1x16xf32> to vector<16xf32>
      %mul3A_1535 = arith.mulf %get3A_1534, %broadcast_in_dim3A_1520 : vector<16xf32>
      %swap3A_1536 = arith.index_cast %add3A_1517 : i32 to index
      %swap3A_1537 = arith.constant 16 : index
      %swap3A_1538 = tpu.vector_load %arg13[%swap3A_1536, %swap3A_1537] {strides = array<i32>} : memref<160x64xf32, #tpu.memory_space<vmem>>, vector<1x16xf32>,
      %swap3A_1539 = vector.shape_cast %swap3A_1538 : vector<1x16xf32> to vector<16xf32>
      %swap3A_1540 = vector.shape_cast %mul3A_1535 : vector<16xf32> to vector<1x16xf32>
      tpu.vector_store %arg13[%swap3A_1536, %swap3A_1537], %swap3A_1540 {strides = array<i32>} : memref<160x64xf32, #tpu.memory_space<vmem>>, vector<1x16xf32>,
      %get3A_1541 = arith.index_cast %add3A_1517 : i32 to index
      %get3A_1542 = arith.constant 32 : index
      %get3A_1543 = tpu.vector_load %arg13[%get3A_1541, %get3A_1542] {strides = array<i32>} : memref<160x64xf32, #tpu.memory_space<vmem>>, vector<1x16xf32>,
      %get3A_1544 = vector.shape_cast %get3A_1543 : vector<1x16xf32> to vector<16xf32>
      %mul3A_1545 = arith.mulf %get3A_1544, %broadcast_in_dim3A_1520 : vector<16xf32>
      %swap3A_1546 = arith.index_cast %add3A_1517 : i32 to index
      %swap3A_1547 = arith.constant 32 : index
      %swap3A_1548 = tpu.vector_load %arg13[%swap3A_1546, %swap3A_1547] {strides = array<i32>} : memref<160x64xf32, #tpu.memory_space<vmem>>, vector<1x16xf32>,
      %swap3A_1549 = vector.shape_cast %swap3A_1548 : vector<1x16xf32> to vector<16xf32>
      %swap3A_1550 = vector.shape_cast %mul3A_1545 : vector<16xf32> to vector<1x16xf32>
      tpu.vector_store %arg13[%swap3A_1546, %swap3A_1547], %swap3A_1550 {strides = array<i32>} : memref<160x64xf32, #tpu.memory_space<vmem>>, vector<1x16xf32>,
      %get3A_1551 = arith.index_cast %add3A_1517 : i32 to index
      %get3A_1552 = arith.constant 48 : index
      %get3A_1553 = tpu.vector_load %arg13[%get3A_1551, %get3A_1552] {strides = array<i32>} : memref<160x64xf32, #tpu.memory_space<vmem>>, vector<1x16xf32>,
      %get3A_1554 = vector.shape_cast %get3A_1553 : vector<1x16xf32> to vector<16xf32>
      %mul3A_1555 = arith.mulf %get3A_1554, %broadcast_in_dim3A_1520 : vector<16xf32>
      %swap3A_1556 = arith.index_cast %add3A_1517 : i32 to index
      %swap3A_1557 = arith.constant 48 : index
      %swap3A_1558 = tpu.vector_load %arg13[%swap3A_1556, %swap3A_1557] {strides = array<i32>} : memref<160x64xf32, #tpu.memory_space<vmem>>, vector<1x16xf32>,
      %swap3A_1559 = vector.shape_cast %swap3A_1558 : vector<1x16xf32> to vector<16xf32>
      %swap3A_1560 = vector.shape_cast %mul3A_1555 : vector<16xf32> to vector<1x16xf32>
      tpu.vector_store %arg13[%swap3A_1556, %swap3A_1557], %swap3A_1560 {strides = array<i32>} : memref<160x64xf32, #tpu.memory_space<vmem>>, vector<1x16xf32>,
      %mul3A_1561 = arith.constant 16 : i32
      %mul3A_1562 = arith.muli %scan3A_850, %mul3A_1561 : i32
      %add3A_1563 = arith.constant 15 : i32
      %add3A_1564 = arith.addi %mul3A_1562, %add3A_1563 : i32
      %slice3A_1565 = vector.extract_strided_slice %get3A_857 {offsets = [15], sizes = [1], strides = [1]} : vector<16xf32> to vector<1xf32>
      %squeeze3A_1566 = vector.extract %slice3A_1565[0] : f32 from vector<1xf32>
      %broadcast_in_dim3A_1567 = vector.broadcast %squeeze3A_1566 : f32 to vector<16xf32>
      %get3A_1568 = arith.index_cast %add3A_1564 : i32 to index
      %get3A_1569 = arith.constant 0 : index
      %get3A_1570 = tpu.vector_load %arg13[%get3A_1568, %get3A_1569] {strides = array<i32>} : memref<160x64xf32, #tpu.memory_space<vmem>>, vector<1x16xf32>,
      %get3A_1571 = vector.shape_cast %get3A_1570 : vector<1x16xf32> to vector<16xf32>
      %mul3A_1572 = arith.mulf %get3A_1571, %broadcast_in_dim3A_1567 : vector<16xf32>
      %swap3A_1573 = arith.index_cast %add3A_1564 : i32 to index
      %swap3A_1574 = arith.constant 0 : index
      %swap3A_1575 = tpu.vector_load %arg13[%swap3A_1573, %swap3A_1574] {strides = array<i32>} : memref<160x64xf32, #tpu.memory_space<vmem>>, vector<1x16xf32>,
      %swap3A_1576 = vector.shape_cast %swap3A_1575 : vector<1x16xf32> to vector<16xf32>
      %swap3A_1577 = vector.shape_cast %mul3A_1572 : vector<16xf32> to vector<1x16xf32>
      tpu.vector_store %arg13[%swap3A_1573, %swap3A_1574], %swap3A_1577 {strides = array<i32>} : memref<160x64xf32, #tpu.memory_space<vmem>>, vector<1x16xf32>,
      %get3A_1578 = arith.index_cast %add3A_1564 : i32 to index
      %get3A_1579 = arith.constant 16 : index
      %get3A_1580 = tpu.vector_load %arg13[%get3A_1578, %get3A_1579] {strides = array<i32>} : memref<160x64xf32, #tpu.memory_space<vmem>>, vector<1x16xf32>,
      %get3A_1581 = vector.shape_cast %get3A_1580 : vector<1x16xf32> to vector<16xf32>
      %mul3A_1582 = arith.mulf %get3A_1581, %broadcast_in_dim3A_1567 : vector<16xf32>
      %swap3A_1583 = arith.index_cast %add3A_1564 : i32 to index
      %swap3A_1584 = arith.constant 16 : index
      %swap3A_1585 = tpu.vector_load %arg13[%swap3A_1583, %swap3A_1584] {strides = array<i32>} : memref<160x64xf32, #tpu.memory_space<vmem>>, vector<1x16xf32>,
      %swap3A_1586 = vector.shape_cast %swap3A_1585 : vector<1x16xf32> to vector<16xf32>
      %swap3A_1587 = vector.shape_cast %mul3A_1582 : vector<16xf32> to vector<1x16xf32>
      tpu.vector_store %arg13[%swap3A_1583, %swap3A_1584], %swap3A_1587 {strides = array<i32>} : memref<160x64xf32, #tpu.memory_space<vmem>>, vector<1x16xf32>,
      %get3A_1588 = arith.index_cast %add3A_1564 : i32 to index
      %get3A_1589 = arith.constant 32 : index
      %get3A_1590 = tpu.vector_load %arg13[%get3A_1588, %get3A_1589] {strides = array<i32>} : memref<160x64xf32, #tpu.memory_space<vmem>>, vector<1x16xf32>,
      %get3A_1591 = vector.shape_cast %get3A_1590 : vector<1x16xf32> to vector<16xf32>
      %mul3A_1592 = arith.mulf %get3A_1591, %broadcast_in_dim3A_1567 : vector<16xf32>
      %swap3A_1593 = arith.index_cast %add3A_1564 : i32 to index
      %swap3A_1594 = arith.constant 32 : index
      %swap3A_1595 = tpu.vector_load %arg13[%swap3A_1593, %swap3A_1594] {strides = array<i32>} : memref<160x64xf32, #tpu.memory_space<vmem>>, vector<1x16xf32>,
      %swap3A_1596 = vector.shape_cast %swap3A_1595 : vector<1x16xf32> to vector<16xf32>
      %swap3A_1597 = vector.shape_cast %mul3A_1592 : vector<16xf32> to vector<1x16xf32>
      tpu.vector_store %arg13[%swap3A_1593, %swap3A_1594], %swap3A_1597 {strides = array<i32>} : memref<160x64xf32, #tpu.memory_space<vmem>>, vector<1x16xf32>,
      %get3A_1598 = arith.index_cast %add3A_1564 : i32 to index
      %get3A_1599 = arith.constant 48 : index
      %get3A_1600 = tpu.vector_load %arg13[%get3A_1598, %get3A_1599] {strides = array<i32>} : memref<160x64xf32, #tpu.memory_space<vmem>>, vector<1x16xf32>,
      %get3A_1601 = vector.shape_cast %get3A_1600 : vector<1x16xf32> to vector<16xf32>
      %mul3A_1602 = arith.mulf %get3A_1601, %broadcast_in_dim3A_1567 : vector<16xf32>
      %swap3A_1603 = arith.index_cast %add3A_1564 : i32 to index
      %swap3A_1604 = arith.constant 48 : index
      %swap3A_1605 = tpu.vector_load %arg13[%swap3A_1603, %swap3A_1604] {strides = array<i32>} : memref<160x64xf32, #tpu.memory_space<vmem>>, vector<1x16xf32>,
      %swap3A_1606 = vector.shape_cast %swap3A_1605 : vector<1x16xf32> to vector<16xf32>
      %swap3A_1607 = vector.shape_cast %mul3A_1602 : vector<16xf32> to vector<1x16xf32>
      tpu.vector_store %arg13[%swap3A_1603, %swap3A_1604], %swap3A_1607 {strides = array<i32>} : memref<160x64xf32, #tpu.memory_space<vmem>>, vector<1x16xf32>,
    }
    %scan3A_819 = arith.constant 10 : i32
    "tpu.region"() ({
      %run_scoped3A = tpu.sem_alloc : memref<!tpu.dma_semaphore, #tpu.memory_space<semaphore_mem>>
      %dma_start3A = arith.constant 0 : i32
      %dma_start3A_850 = arith.constant 0 : i32
      %dma_start3A_851 = tpu.memref_slice %arg7[%arg0, %arg1, %dma_start3A, %dma_start3A_850] : memref<2x16x640x64xf32, #tpu.memory_space<hbm>> -> memref<1x1x160x64xf32, #tpu.memory_space<hbm>>
      %dma_start3A_852 = tpu.memref_squeeze %dma_start3A_851 : memref<1x1x160x64xf32, #tpu.memory_space<hbm>> -> memref<160x64xf32, #tpu.memory_space<hbm>>
      %dma_start3A_853 = arith.constant 0 : i32
      %dma_start3A_854 = arith.constant 0 : i32
      %dma_start3A_855 = tpu.memref_slice %arg7[%arg0, %arg1, %dma_start3A_853, %dma_start3A_854] : memref<2x16x640x64xf32, #tpu.memory_space<hbm>> -> memref<1x1x160x64xf32, #tpu.memory_space<hbm>>
      %dma_start3A_856 = tpu.memref_squeeze %dma_start3A_855 : memref<1x1x160x64xf32, #tpu.memory_space<hbm>> -> memref<160x64xf32, #tpu.memory_space<hbm>>
      tpu.enqueue_dma source(%arg13 : memref<160x64xf32, #tpu.memory_space<vmem>>) target(%dma_start3A_856 : memref<160x64xf32, #tpu.memory_space<hbm>>) target_semaphore(%run_scoped3A : memref<!tpu.dma_semaphore, #tpu.memory_space<semaphore_mem>>)
      %dma_wait3A = arith.constant 0 : i32
      %dma_wait3A_857 = arith.constant 0 : i32
      %dma_wait3A_858 = tpu.memref_slice %arg7[%arg0, %arg1, %dma_wait3A, %dma_wait3A_857] : memref<2x16x640x64xf32, #tpu.memory_space<hbm>> -> memref<1x1x160x64xf32, #tpu.memory_space<hbm>>
      %dma_wait3A_859 = tpu.memref_squeeze %dma_wait3A_858 : memref<1x1x160x64xf32, #tpu.memory_space<hbm>> -> memref<160x64xf32, #tpu.memory_space<hbm>>
      %dma_wait3A_860 = arith.constant 0 : i32
      %dma_wait3A_861 = arith.constant 0 : i32
      %dma_wait3A_862 = tpu.memref_slice %arg7[%arg0, %arg1, %dma_wait3A_860, %dma_wait3A_861] : memref<2x16x640x64xf32, #tpu.memory_space<hbm>> -> memref<1x1x160x64xf32, #tpu.memory_space<hbm>>
      %dma_wait3A_863 = tpu.memref_squeeze %dma_wait3A_862 : memref<1x1x160x64xf32, #tpu.memory_space<hbm>> -> memref<160x64xf32, #tpu.memory_space<hbm>>
      tpu.wait_dma2 semaphore(%run_scoped3A : memref<!tpu.dma_semaphore, #tpu.memory_space<semaphore_mem>>) src(%arg13 : memref<160x64xf32, #tpu.memory_space<vmem>>) dst(%dma_wait3A_863 : memref<160x64xf32, #tpu.memory_space<hbm>>)
      tpu.yield
    }) : () -> ()
    %mul3A_820 = arith.constant 640 : i32
    %mul3A_821 = arith.muli %arg1, %mul3A_820 : i32
    %add3A_822 = arith.constant 160 : i32
    %add3A_823 = arith.addi %mul3A_821, %add3A_822 : i32
    "tpu.region"() ({
      %run_scoped3A = tpu.sem_alloc : memref<!tpu.dma_semaphore, #tpu.memory_space<semaphore_mem>>
      %dma_start3A = arith.constant 0 : i32
      %dma_start3A_850 = tpu.memref_slice %arg14[%add3A_823, %dma_start3A] : memref<10240x64xf32, #tpu.memory_space<vmem_shared>> -> memref<160x64xf32, #tpu.memory_space<vmem_shared>>
      %dma_start3A_851 = arith.constant 0 : i32
      %dma_start3A_852 = tpu.memref_slice %arg14[%add3A_823, %dma_start3A_851] : memref<10240x64xf32, #tpu.memory_space<vmem_shared>> -> memref<160x64xf32, #tpu.memory_space<vmem_shared>>
      tpu.enqueue_dma source(%dma_start3A_852 : memref<160x64xf32, #tpu.memory_space<vmem_shared>>) target(%arg13 : memref<160x64xf32, #tpu.memory_space<vmem>>) target_semaphore(%run_scoped3A : memref<!tpu.dma_semaphore, #tpu.memory_space<semaphore_mem>>)
      %dma_wait3A = arith.constant 0 : i32
      %dma_wait3A_853 = tpu.memref_slice %arg14[%add3A_823, %dma_wait3A] : memref<10240x64xf32, #tpu.memory_space<vmem_shared>> -> memref<160x64xf32, #tpu.memory_space<vmem_shared>>
      %dma_wait3A_854 = arith.constant 0 : i32
      %dma_wait3A_855 = tpu.memref_slice %arg14[%add3A_823, %dma_wait3A_854] : memref<10240x64xf32, #tpu.memory_space<vmem_shared>> -> memref<160x64xf32, #tpu.memory_space<vmem_shared>>
      tpu.wait_dma2 semaphore(%run_scoped3A : memref<!tpu.dma_semaphore, #tpu.memory_space<semaphore_mem>>) src(%dma_wait3A_855 : memref<160x64xf32, #tpu.memory_space<vmem_shared>>) dst(%arg13 : memref<160x64xf32, #tpu.memory_space<vmem>>)
      tpu.yield
    }) : () -> ()
    %scan3A_824 = arith.constant 0 : i32
    %scan3A_825 = arith.constant 0 : i32
    %scan3A_826 = arith.constant 10 : i32
    %scan3A_827 = arith.addi %scan3A_825, %scan3A_826 : i32
    %scan3A_828 = arith.constant 1 : i32
    scf.for %scan3A_850 = %scan3A_825 to %scan3A_827 step %scan3A_828  : i32 {
      %mul3A_851 = arith.constant 16 : i32
      %mul3A_852 = arith.muli %scan3A_850, %mul3A_851 : i32
      %add3A_853 = arith.constant 160 : i32
      %add3A_854 = arith.addi %add3A_853, %mul3A_852 : i32
      %get3A_855 = arith.index_cast %add3A_854 : i32 to index
      %get3A_856 = tpu.vector_load %arg12[%get3A_855] {strides = array<i32>} : memref<640xf32, #tpu.memory_space<vmem>>, vector<16xf32>,
      %get3A_857 = vector.shape_cast %get3A_856 : vector<16xf32> to vector<16xf32>
      %mul3A_858 = arith.constant 16 : i32
      %mul3A_859 = arith.muli %scan3A_850, %mul3A_858 : i32
      %add3A_860 = arith.constant 0 : i32
      %add3A_861 = arith.addi %mul3A_859, %add3A_860 : i32
      %slice3A = vector.extract_strided_slice %get3A_857 {offsets = [0], sizes = [1], strides = [1]} : vector<16xf32> to vector<1xf32>
      %squeeze3A = vector.extract %slice3A[0] : f32 from vector<1xf32>
      %broadcast_in_dim3A_862 = vector.broadcast %squeeze3A : f32 to vector<16xf32>
      %get3A_863 = arith.index_cast %add3A_861 : i32 to index
      %get3A_864 = arith.constant 0 : index
      %get3A_865 = tpu.vector_load %arg13[%get3A_863, %get3A_864] {strides = array<i32>} : memref<160x64xf32, #tpu.memory_space<vmem>>, vector<1x16xf32>,
      %get3A_866 = vector.shape_cast %get3A_865 : vector<1x16xf32> to vector<16xf32>
      %mul3A_867 = arith.mulf %get3A_866, %broadcast_in_dim3A_862 : vector<16xf32>
      %swap3A_868 = arith.index_cast %add3A_861 : i32 to index
      %swap3A_869 = arith.constant 0 : index
      %swap3A_870 = tpu.vector_load %arg13[%swap3A_868, %swap3A_869] {strides = array<i32>} : memref<160x64xf32, #tpu.memory_space<vmem>>, vector<1x16xf32>,
      %swap3A_871 = vector.shape_cast %swap3A_870 : vector<1x16xf32> to vector<16xf32>
      %swap3A_872 = vector.shape_cast %mul3A_867 : vector<16xf32> to vector<1x16xf32>
      tpu.vector_store %arg13[%swap3A_868, %swap3A_869], %swap3A_872 {strides = array<i32>} : memref<160x64xf32, #tpu.memory_space<vmem>>, vector<1x16xf32>,
      %get3A_873 = arith.index_cast %add3A_861 : i32 to index
      %get3A_874 = arith.constant 16 : index
      %get3A_875 = tpu.vector_load %arg13[%get3A_873, %get3A_874] {strides = array<i32>} : memref<160x64xf32, #tpu.memory_space<vmem>>, vector<1x16xf32>,
      %get3A_876 = vector.shape_cast %get3A_875 : vector<1x16xf32> to vector<16xf32>
      %mul3A_877 = arith.mulf %get3A_876, %broadcast_in_dim3A_862 : vector<16xf32>
      %swap3A_878 = arith.index_cast %add3A_861 : i32 to index
      %swap3A_879 = arith.constant 16 : index
      %swap3A_880 = tpu.vector_load %arg13[%swap3A_878, %swap3A_879] {strides = array<i32>} : memref<160x64xf32, #tpu.memory_space<vmem>>, vector<1x16xf32>,
      %swap3A_881 = vector.shape_cast %swap3A_880 : vector<1x16xf32> to vector<16xf32>
      %swap3A_882 = vector.shape_cast %mul3A_877 : vector<16xf32> to vector<1x16xf32>
      tpu.vector_store %arg13[%swap3A_878, %swap3A_879], %swap3A_882 {strides = array<i32>} : memref<160x64xf32, #tpu.memory_space<vmem>>, vector<1x16xf32>,
      %get3A_883 = arith.index_cast %add3A_861 : i32 to index
      %get3A_884 = arith.constant 32 : index
      %get3A_885 = tpu.vector_load %arg13[%get3A_883, %get3A_884] {strides = array<i32>} : memref<160x64xf32, #tpu.memory_space<vmem>>, vector<1x16xf32>,
      %get3A_886 = vector.shape_cast %get3A_885 : vector<1x16xf32> to vector<16xf32>
      %mul3A_887 = arith.mulf %get3A_886, %broadcast_in_dim3A_862 : vector<16xf32>
      %swap3A_888 = arith.index_cast %add3A_861 : i32 to index
      %swap3A_889 = arith.constant 32 : index
      %swap3A_890 = tpu.vector_load %arg13[%swap3A_888, %swap3A_889] {strides = array<i32>} : memref<160x64xf32, #tpu.memory_space<vmem>>, vector<1x16xf32>,
      %swap3A_891 = vector.shape_cast %swap3A_890 : vector<1x16xf32> to vector<16xf32>
      %swap3A_892 = vector.shape_cast %mul3A_887 : vector<16xf32> to vector<1x16xf32>
      tpu.vector_store %arg13[%swap3A_888, %swap3A_889], %swap3A_892 {strides = array<i32>} : memref<160x64xf32, #tpu.memory_space<vmem>>, vector<1x16xf32>,
      %get3A_893 = arith.index_cast %add3A_861 : i32 to index
      %get3A_894 = arith.constant 48 : index
      %get3A_895 = tpu.vector_load %arg13[%get3A_893, %get3A_894] {strides = array<i32>} : memref<160x64xf32, #tpu.memory_space<vmem>>, vector<1x16xf32>,
      %get3A_896 = vector.shape_cast %get3A_895 : vector<1x16xf32> to vector<16xf32>
      %mul3A_897 = arith.mulf %get3A_896, %broadcast_in_dim3A_862 : vector<16xf32>
      %swap3A_898 = arith.index_cast %add3A_861 : i32 to index
      %swap3A_899 = arith.constant 48 : index
      %swap3A_900 = tpu.vector_load %arg13[%swap3A_898, %swap3A_899] {strides = array<i32>} : memref<160x64xf32, #tpu.memory_space<vmem>>, vector<1x16xf32>,
      %swap3A_901 = vector.shape_cast %swap3A_900 : vector<1x16xf32> to vector<16xf32>
      %swap3A_902 = vector.shape_cast %mul3A_897 : vector<16xf32> to vector<1x16xf32>
      tpu.vector_store %arg13[%swap3A_898, %swap3A_899], %swap3A_902 {strides = array<i32>} : memref<160x64xf32, #tpu.memory_space<vmem>>, vector<1x16xf32>,
      %mul3A_903 = arith.constant 16 : i32
      %mul3A_904 = arith.muli %scan3A_850, %mul3A_903 : i32
      %add3A_905 = arith.constant 1 : i32
      %add3A_906 = arith.addi %mul3A_904, %add3A_905 : i32
      %slice3A_907 = vector.extract_strided_slice %get3A_857 {offsets = [1], sizes = [1], strides = [1]} : vector<16xf32> to vector<1xf32>
      %squeeze3A_908 = vector.extract %slice3A_907[0] : f32 from vector<1xf32>
      %broadcast_in_dim3A_909 = vector.broadcast %squeeze3A_908 : f32 to vector<16xf32>
      %get3A_910 = arith.index_cast %add3A_906 : i32 to index
      %get3A_911 = arith.constant 0 : index
      %get3A_912 = tpu.vector_load %arg13[%get3A_910, %get3A_911] {strides = array<i32>} : memref<160x64xf32, #tpu.memory_space<vmem>>, vector<1x16xf32>,
      %get3A_913 = vector.shape_cast %get3A_912 : vector<1x16xf32> to vector<16xf32>
      %mul3A_914 = arith.mulf %get3A_913, %broadcast_in_dim3A_909 : vector<16xf32>
      %swap3A_915 = arith.index_cast %add3A_906 : i32 to index
      %swap3A_916 = arith.constant 0 : index
      %swap3A_917 = tpu.vector_load %arg13[%swap3A_915, %swap3A_916] {strides = array<i32>} : memref<160x64xf32, #tpu.memory_space<vmem>>, vector<1x16xf32>,
      %swap3A_918 = vector.shape_cast %swap3A_917 : vector<1x16xf32> to vector<16xf32>
      %swap3A_919 = vector.shape_cast %mul3A_914 : vector<16xf32> to vector<1x16xf32>
      tpu.vector_store %arg13[%swap3A_915, %swap3A_916], %swap3A_919 {strides = array<i32>} : memref<160x64xf32, #tpu.memory_space<vmem>>, vector<1x16xf32>,
      %get3A_920 = arith.index_cast %add3A_906 : i32 to index
      %get3A_921 = arith.constant 16 : index
      %get3A_922 = tpu.vector_load %arg13[%get3A_920, %get3A_921] {strides = array<i32>} : memref<160x64xf32, #tpu.memory_space<vmem>>, vector<1x16xf32>,
      %get3A_923 = vector.shape_cast %get3A_922 : vector<1x16xf32> to vector<16xf32>
      %mul3A_924 = arith.mulf %get3A_923, %broadcast_in_dim3A_909 : vector<16xf32>
      %swap3A_925 = arith.index_cast %add3A_906 : i32 to index
      %swap3A_926 = arith.constant 16 : index
      %swap3A_927 = tpu.vector_load %arg13[%swap3A_925, %swap3A_926] {strides = array<i32>} : memref<160x64xf32, #tpu.memory_space<vmem>>, vector<1x16xf32>,
      %swap3A_928 = vector.shape_cast %swap3A_927 : vector<1x16xf32> to vector<16xf32>
      %swap3A_929 = vector.shape_cast %mul3A_924 : vector<16xf32> to vector<1x16xf32>
      tpu.vector_store %arg13[%swap3A_925, %swap3A_926], %swap3A_929 {strides = array<i32>} : memref<160x64xf32, #tpu.memory_space<vmem>>, vector<1x16xf32>,
      %get3A_930 = arith.index_cast %add3A_906 : i32 to index
      %get3A_931 = arith.constant 32 : index
      %get3A_932 = tpu.vector_load %arg13[%get3A_930, %get3A_931] {strides = array<i32>} : memref<160x64xf32, #tpu.memory_space<vmem>>, vector<1x16xf32>,
      %get3A_933 = vector.shape_cast %get3A_932 : vector<1x16xf32> to vector<16xf32>
      %mul3A_934 = arith.mulf %get3A_933, %broadcast_in_dim3A_909 : vector<16xf32>
      %swap3A_935 = arith.index_cast %add3A_906 : i32 to index
      %swap3A_936 = arith.constant 32 : index
      %swap3A_937 = tpu.vector_load %arg13[%swap3A_935, %swap3A_936] {strides = array<i32>} : memref<160x64xf32, #tpu.memory_space<vmem>>, vector<1x16xf32>,
      %swap3A_938 = vector.shape_cast %swap3A_937 : vector<1x16xf32> to vector<16xf32>
      %swap3A_939 = vector.shape_cast %mul3A_934 : vector<16xf32> to vector<1x16xf32>
      tpu.vector_store %arg13[%swap3A_935, %swap3A_936], %swap3A_939 {strides = array<i32>} : memref<160x64xf32, #tpu.memory_space<vmem>>, vector<1x16xf32>,
      %get3A_940 = arith.index_cast %add3A_906 : i32 to index
      %get3A_941 = arith.constant 48 : index
      %get3A_942 = tpu.vector_load %arg13[%get3A_940, %get3A_941] {strides = array<i32>} : memref<160x64xf32, #tpu.memory_space<vmem>>, vector<1x16xf32>,
      %get3A_943 = vector.shape_cast %get3A_942 : vector<1x16xf32> to vector<16xf32>
      %mul3A_944 = arith.mulf %get3A_943, %broadcast_in_dim3A_909 : vector<16xf32>
      %swap3A_945 = arith.index_cast %add3A_906 : i32 to index
      %swap3A_946 = arith.constant 48 : index
      %swap3A_947 = tpu.vector_load %arg13[%swap3A_945, %swap3A_946] {strides = array<i32>} : memref<160x64xf32, #tpu.memory_space<vmem>>, vector<1x16xf32>,
      %swap3A_948 = vector.shape_cast %swap3A_947 : vector<1x16xf32> to vector<16xf32>
      %swap3A_949 = vector.shape_cast %mul3A_944 : vector<16xf32> to vector<1x16xf32>
      tpu.vector_store %arg13[%swap3A_945, %swap3A_946], %swap3A_949 {strides = array<i32>} : memref<160x64xf32, #tpu.memory_space<vmem>>, vector<1x16xf32>,
      %mul3A_950 = arith.constant 16 : i32
      %mul3A_951 = arith.muli %scan3A_850, %mul3A_950 : i32
      %add3A_952 = arith.constant 2 : i32
      %add3A_953 = arith.addi %mul3A_951, %add3A_952 : i32
      %slice3A_954 = vector.extract_strided_slice %get3A_857 {offsets = [2], sizes = [1], strides = [1]} : vector<16xf32> to vector<1xf32>
      %squeeze3A_955 = vector.extract %slice3A_954[0] : f32 from vector<1xf32>
      %broadcast_in_dim3A_956 = vector.broadcast %squeeze3A_955 : f32 to vector<16xf32>
      %get3A_957 = arith.index_cast %add3A_953 : i32 to index
      %get3A_958 = arith.constant 0 : index
      %get3A_959 = tpu.vector_load %arg13[%get3A_957, %get3A_958] {strides = array<i32>} : memref<160x64xf32, #tpu.memory_space<vmem>>, vector<1x16xf32>,
      %get3A_960 = vector.shape_cast %get3A_959 : vector<1x16xf32> to vector<16xf32>
      %mul3A_961 = arith.mulf %get3A_960, %broadcast_in_dim3A_956 : vector<16xf32>
      %swap3A_962 = arith.index_cast %add3A_953 : i32 to index
      %swap3A_963 = arith.constant 0 : index
      %swap3A_964 = tpu.vector_load %arg13[%swap3A_962, %swap3A_963] {strides = array<i32>} : memref<160x64xf32, #tpu.memory_space<vmem>>, vector<1x16xf32>,
      %swap3A_965 = vector.shape_cast %swap3A_964 : vector<1x16xf32> to vector<16xf32>
      %swap3A_966 = vector.shape_cast %mul3A_961 : vector<16xf32> to vector<1x16xf32>
      tpu.vector_store %arg13[%swap3A_962, %swap3A_963], %swap3A_966 {strides = array<i32>} : memref<160x64xf32, #tpu.memory_space<vmem>>, vector<1x16xf32>,
      %get3A_967 = arith.index_cast %add3A_953 : i32 to index
      %get3A_968 = arith.constant 16 : index
      %get3A_969 = tpu.vector_load %arg13[%get3A_967, %get3A_968] {strides = array<i32>} : memref<160x64xf32, #tpu.memory_space<vmem>>, vector<1x16xf32>,
      %get3A_970 = vector.shape_cast %get3A_969 : vector<1x16xf32> to vector<16xf32>
      %mul3A_971 = arith.mulf %get3A_970, %broadcast_in_dim3A_956 : vector<16xf32>
      %swap3A_972 = arith.index_cast %add3A_953 : i32 to index
      %swap3A_973 = arith.constant 16 : index
      %swap3A_974 = tpu.vector_load %arg13[%swap3A_972, %swap3A_973] {strides = array<i32>} : memref<160x64xf32, #tpu.memory_space<vmem>>, vector<1x16xf32>,
      %swap3A_975 = vector.shape_cast %swap3A_974 : vector<1x16xf32> to vector<16xf32>
      %swap3A_976 = vector.shape_cast %mul3A_971 : vector<16xf32> to vector<1x16xf32>
      tpu.vector_store %arg13[%swap3A_972, %swap3A_973], %swap3A_976 {strides = array<i32>} : memref<160x64xf32, #tpu.memory_space<vmem>>, vector<1x16xf32>,
      %get3A_977 = arith.index_cast %add3A_953 : i32 to index
      %get3A_978 = arith.constant 32 : index
      %get3A_979 = tpu.vector_load %arg13[%get3A_977, %get3A_978] {strides = array<i32>} : memref<160x64xf32, #tpu.memory_space<vmem>>, vector<1x16xf32>,
      %get3A_980 = vector.shape_cast %get3A_979 : vector<1x16xf32> to vector<16xf32>
      %mul3A_981 = arith.mulf %get3A_980, %broadcast_in_dim3A_956 : vector<16xf32>
      %swap3A_982 = arith.index_cast %add3A_953 : i32 to index
      %swap3A_983 = arith.constant 32 : index
      %swap3A_984 = tpu.vector_load %arg13[%swap3A_982, %swap3A_983] {strides = array<i32>} : memref<160x64xf32, #tpu.memory_space<vmem>>, vector<1x16xf32>,
      %swap3A_985 = vector.shape_cast %swap3A_984 : vector<1x16xf32> to vector<16xf32>
      %swap3A_986 = vector.shape_cast %mul3A_981 : vector<16xf32> to vector<1x16xf32>
      tpu.vector_store %arg13[%swap3A_982, %swap3A_983], %swap3A_986 {strides = array<i32>} : memref<160x64xf32, #tpu.memory_space<vmem>>, vector<1x16xf32>,
      %get3A_987 = arith.index_cast %add3A_953 : i32 to index
      %get3A_988 = arith.constant 48 : index
      %get3A_989 = tpu.vector_load %arg13[%get3A_987, %get3A_988] {strides = array<i32>} : memref<160x64xf32, #tpu.memory_space<vmem>>, vector<1x16xf32>,
      %get3A_990 = vector.shape_cast %get3A_989 : vector<1x16xf32> to vector<16xf32>
      %mul3A_991 = arith.mulf %get3A_990, %broadcast_in_dim3A_956 : vector<16xf32>
      %swap3A_992 = arith.index_cast %add3A_953 : i32 to index
      %swap3A_993 = arith.constant 48 : index
      %swap3A_994 = tpu.vector_load %arg13[%swap3A_992, %swap3A_993] {strides = array<i32>} : memref<160x64xf32, #tpu.memory_space<vmem>>, vector<1x16xf32>,
      %swap3A_995 = vector.shape_cast %swap3A_994 : vector<1x16xf32> to vector<16xf32>
      %swap3A_996 = vector.shape_cast %mul3A_991 : vector<16xf32> to vector<1x16xf32>
      tpu.vector_store %arg13[%swap3A_992, %swap3A_993], %swap3A_996 {strides = array<i32>} : memref<160x64xf32, #tpu.memory_space<vmem>>, vector<1x16xf32>,
      %mul3A_997 = arith.constant 16 : i32
      %mul3A_998 = arith.muli %scan3A_850, %mul3A_997 : i32
      %add3A_999 = arith.constant 3 : i32
      %add3A_1000 = arith.addi %mul3A_998, %add3A_999 : i32
      %slice3A_1001 = vector.extract_strided_slice %get3A_857 {offsets = [3], sizes = [1], strides = [1]} : vector<16xf32> to vector<1xf32>
      %squeeze3A_1002 = vector.extract %slice3A_1001[0] : f32 from vector<1xf32>
      %broadcast_in_dim3A_1003 = vector.broadcast %squeeze3A_1002 : f32 to vector<16xf32>
      %get3A_1004 = arith.index_cast %add3A_1000 : i32 to index
      %get3A_1005 = arith.constant 0 : index
      %get3A_1006 = tpu.vector_load %arg13[%get3A_1004, %get3A_1005] {strides = array<i32>} : memref<160x64xf32, #tpu.memory_space<vmem>>, vector<1x16xf32>,
      %get3A_1007 = vector.shape_cast %get3A_1006 : vector<1x16xf32> to vector<16xf32>
      %mul3A_1008 = arith.mulf %get3A_1007, %broadcast_in_dim3A_1003 : vector<16xf32>
      %swap3A_1009 = arith.index_cast %add3A_1000 : i32 to index
      %swap3A_1010 = arith.constant 0 : index
      %swap3A_1011 = tpu.vector_load %arg13[%swap3A_1009, %swap3A_1010] {strides = array<i32>} : memref<160x64xf32, #tpu.memory_space<vmem>>, vector<1x16xf32>,
      %swap3A_1012 = vector.shape_cast %swap3A_1011 : vector<1x16xf32> to vector<16xf32>
      %swap3A_1013 = vector.shape_cast %mul3A_1008 : vector<16xf32> to vector<1x16xf32>
      tpu.vector_store %arg13[%swap3A_1009, %swap3A_1010], %swap3A_1013 {strides = array<i32>} : memref<160x64xf32, #tpu.memory_space<vmem>>, vector<1x16xf32>,
      %get3A_1014 = arith.index_cast %add3A_1000 : i32 to index
      %get3A_1015 = arith.constant 16 : index
      %get3A_1016 = tpu.vector_load %arg13[%get3A_1014, %get3A_1015] {strides = array<i32>} : memref<160x64xf32, #tpu.memory_space<vmem>>, vector<1x16xf32>,
      %get3A_1017 = vector.shape_cast %get3A_1016 : vector<1x16xf32> to vector<16xf32>
      %mul3A_1018 = arith.mulf %get3A_1017, %broadcast_in_dim3A_1003 : vector<16xf32>
      %swap3A_1019 = arith.index_cast %add3A_1000 : i32 to index
      %swap3A_1020 = arith.constant 16 : index
      %swap3A_1021 = tpu.vector_load %arg13[%swap3A_1019, %swap3A_1020] {strides = array<i32>} : memref<160x64xf32, #tpu.memory_space<vmem>>, vector<1x16xf32>,
      %swap3A_1022 = vector.shape_cast %swap3A_1021 : vector<1x16xf32> to vector<16xf32>
      %swap3A_1023 = vector.shape_cast %mul3A_1018 : vector<16xf32> to vector<1x16xf32>
      tpu.vector_store %arg13[%swap3A_1019, %swap3A_1020], %swap3A_1023 {strides = array<i32>} : memref<160x64xf32, #tpu.memory_space<vmem>>, vector<1x16xf32>,
      %get3A_1024 = arith.index_cast %add3A_1000 : i32 to index
      %get3A_1025 = arith.constant 32 : index
      %get3A_1026 = tpu.vector_load %arg13[%get3A_1024, %get3A_1025] {strides = array<i32>} : memref<160x64xf32, #tpu.memory_space<vmem>>, vector<1x16xf32>,
      %get3A_1027 = vector.shape_cast %get3A_1026 : vector<1x16xf32> to vector<16xf32>
      %mul3A_1028 = arith.mulf %get3A_1027, %broadcast_in_dim3A_1003 : vector<16xf32>
      %swap3A_1029 = arith.index_cast %add3A_1000 : i32 to index
      %swap3A_1030 = arith.constant 32 : index
      %swap3A_1031 = tpu.vector_load %arg13[%swap3A_1029, %swap3A_1030] {strides = array<i32>} : memref<160x64xf32, #tpu.memory_space<vmem>>, vector<1x16xf32>,
      %swap3A_1032 = vector.shape_cast %swap3A_1031 : vector<1x16xf32> to vector<16xf32>
      %swap3A_1033 = vector.shape_cast %mul3A_1028 : vector<16xf32> to vector<1x16xf32>
      tpu.vector_store %arg13[%swap3A_1029, %swap3A_1030], %swap3A_1033 {strides = array<i32>} : memref<160x64xf32, #tpu.memory_space<vmem>>, vector<1x16xf32>,
      %get3A_1034 = arith.index_cast %add3A_1000 : i32 to index
      %get3A_1035 = arith.constant 48 : index
      %get3A_1036 = tpu.vector_load %arg13[%get3A_1034, %get3A_1035] {strides = array<i32>} : memref<160x64xf32, #tpu.memory_space<vmem>>, vector<1x16xf32>,
      %get3A_1037 = vector.shape_cast %get3A_1036 : vector<1x16xf32> to vector<16xf32>
      %mul3A_1038 = arith.mulf %get3A_1037, %broadcast_in_dim3A_1003 : vector<16xf32>
      %swap3A_1039 = arith.index_cast %add3A_1000 : i32 to index
      %swap3A_1040 = arith.constant 48 : index
      %swap3A_1041 = tpu.vector_load %arg13[%swap3A_1039, %swap3A_1040] {strides = array<i32>} : memref<160x64xf32, #tpu.memory_space<vmem>>, vector<1x16xf32>,
      %swap3A_1042 = vector.shape_cast %swap3A_1041 : vector<1x16xf32> to vector<16xf32>
      %swap3A_1043 = vector.shape_cast %mul3A_1038 : vector<16xf32> to vector<1x16xf32>
      tpu.vector_store %arg13[%swap3A_1039, %swap3A_1040], %swap3A_1043 {strides = array<i32>} : memref<160x64xf32, #tpu.memory_space<vmem>>, vector<1x16xf32>,
      %mul3A_1044 = arith.constant 16 : i32
      %mul3A_1045 = arith.muli %scan3A_850, %mul3A_1044 : i32
      %add3A_1046 = arith.constant 4 : i32
      %add3A_1047 = arith.addi %mul3A_1045, %add3A_1046 : i32
      %slice3A_1048 = vector.extract_strided_slice %get3A_857 {offsets = [4], sizes = [1], strides = [1]} : vector<16xf32> to vector<1xf32>
      %squeeze3A_1049 = vector.extract %slice3A_1048[0] : f32 from vector<1xf32>
      %broadcast_in_dim3A_1050 = vector.broadcast %squeeze3A_1049 : f32 to vector<16xf32>
      %get3A_1051 = arith.index_cast %add3A_1047 : i32 to index
      %get3A_1052 = arith.constant 0 : index
      %get3A_1053 = tpu.vector_load %arg13[%get3A_1051, %get3A_1052] {strides = array<i32>} : memref<160x64xf32, #tpu.memory_space<vmem>>, vector<1x16xf32>,
      %get3A_1054 = vector.shape_cast %get3A_1053 : vector<1x16xf32> to vector<16xf32>
      %mul3A_1055 = arith.mulf %get3A_1054, %broadcast_in_dim3A_1050 : vector<16xf32>
      %swap3A_1056 = arith.index_cast %add3A_1047 : i32 to index
      %swap3A_1057 = arith.constant 0 : index
      %swap3A_1058 = tpu.vector_load %arg13[%swap3A_1056, %swap3A_1057] {strides = array<i32>} : memref<160x64xf32, #tpu.memory_space<vmem>>, vector<1x16xf32>,
      %swap3A_1059 = vector.shape_cast %swap3A_1058 : vector<1x16xf32> to vector<16xf32>
      %swap3A_1060 = vector.shape_cast %mul3A_1055 : vector<16xf32> to vector<1x16xf32>
      tpu.vector_store %arg13[%swap3A_1056, %swap3A_1057], %swap3A_1060 {strides = array<i32>} : memref<160x64xf32, #tpu.memory_space<vmem>>, vector<1x16xf32>,
      %get3A_1061 = arith.index_cast %add3A_1047 : i32 to index
      %get3A_1062 = arith.constant 16 : index
      %get3A_1063 = tpu.vector_load %arg13[%get3A_1061, %get3A_1062] {strides = array<i32>} : memref<160x64xf32, #tpu.memory_space<vmem>>, vector<1x16xf32>,
      %get3A_1064 = vector.shape_cast %get3A_1063 : vector<1x16xf32> to vector<16xf32>
      %mul3A_1065 = arith.mulf %get3A_1064, %broadcast_in_dim3A_1050 : vector<16xf32>
      %swap3A_1066 = arith.index_cast %add3A_1047 : i32 to index
      %swap3A_1067 = arith.constant 16 : index
      %swap3A_1068 = tpu.vector_load %arg13[%swap3A_1066, %swap3A_1067] {strides = array<i32>} : memref<160x64xf32, #tpu.memory_space<vmem>>, vector<1x16xf32>,
      %swap3A_1069 = vector.shape_cast %swap3A_1068 : vector<1x16xf32> to vector<16xf32>
      %swap3A_1070 = vector.shape_cast %mul3A_1065 : vector<16xf32> to vector<1x16xf32>
      tpu.vector_store %arg13[%swap3A_1066, %swap3A_1067], %swap3A_1070 {strides = array<i32>} : memref<160x64xf32, #tpu.memory_space<vmem>>, vector<1x16xf32>,
      %get3A_1071 = arith.index_cast %add3A_1047 : i32 to index
      %get3A_1072 = arith.constant 32 : index
      %get3A_1073 = tpu.vector_load %arg13[%get3A_1071, %get3A_1072] {strides = array<i32>} : memref<160x64xf32, #tpu.memory_space<vmem>>, vector<1x16xf32>,
      %get3A_1074 = vector.shape_cast %get3A_1073 : vector<1x16xf32> to vector<16xf32>
      %mul3A_1075 = arith.mulf %get3A_1074, %broadcast_in_dim3A_1050 : vector<16xf32>
      %swap3A_1076 = arith.index_cast %add3A_1047 : i32 to index
      %swap3A_1077 = arith.constant 32 : index
      %swap3A_1078 = tpu.vector_load %arg13[%swap3A_1076, %swap3A_1077] {strides = array<i32>} : memref<160x64xf32, #tpu.memory_space<vmem>>, vector<1x16xf32>,
      %swap3A_1079 = vector.shape_cast %swap3A_1078 : vector<1x16xf32> to vector<16xf32>
      %swap3A_1080 = vector.shape_cast %mul3A_1075 : vector<16xf32> to vector<1x16xf32>
      tpu.vector_store %arg13[%swap3A_1076, %swap3A_1077], %swap3A_1080 {strides = array<i32>} : memref<160x64xf32, #tpu.memory_space<vmem>>, vector<1x16xf32>,
      %get3A_1081 = arith.index_cast %add3A_1047 : i32 to index
      %get3A_1082 = arith.constant 48 : index
      %get3A_1083 = tpu.vector_load %arg13[%get3A_1081, %get3A_1082] {strides = array<i32>} : memref<160x64xf32, #tpu.memory_space<vmem>>, vector<1x16xf32>,
      %get3A_1084 = vector.shape_cast %get3A_1083 : vector<1x16xf32> to vector<16xf32>
      %mul3A_1085 = arith.mulf %get3A_1084, %broadcast_in_dim3A_1050 : vector<16xf32>
      %swap3A_1086 = arith.index_cast %add3A_1047 : i32 to index
      %swap3A_1087 = arith.constant 48 : index
      %swap3A_1088 = tpu.vector_load %arg13[%swap3A_1086, %swap3A_1087] {strides = array<i32>} : memref<160x64xf32, #tpu.memory_space<vmem>>, vector<1x16xf32>,
      %swap3A_1089 = vector.shape_cast %swap3A_1088 : vector<1x16xf32> to vector<16xf32>
      %swap3A_1090 = vector.shape_cast %mul3A_1085 : vector<16xf32> to vector<1x16xf32>
      tpu.vector_store %arg13[%swap3A_1086, %swap3A_1087], %swap3A_1090 {strides = array<i32>} : memref<160x64xf32, #tpu.memory_space<vmem>>, vector<1x16xf32>,
      %mul3A_1091 = arith.constant 16 : i32
      %mul3A_1092 = arith.muli %scan3A_850, %mul3A_1091 : i32
      %add3A_1093 = arith.constant 5 : i32
      %add3A_1094 = arith.addi %mul3A_1092, %add3A_1093 : i32
      %slice3A_1095 = vector.extract_strided_slice %get3A_857 {offsets = [5], sizes = [1], strides = [1]} : vector<16xf32> to vector<1xf32>
      %squeeze3A_1096 = vector.extract %slice3A_1095[0] : f32 from vector<1xf32>
      %broadcast_in_dim3A_1097 = vector.broadcast %squeeze3A_1096 : f32 to vector<16xf32>
      %get3A_1098 = arith.index_cast %add3A_1094 : i32 to index
      %get3A_1099 = arith.constant 0 : index
      %get3A_1100 = tpu.vector_load %arg13[%get3A_1098, %get3A_1099] {strides = array<i32>} : memref<160x64xf32, #tpu.memory_space<vmem>>, vector<1x16xf32>,
      %get3A_1101 = vector.shape_cast %get3A_1100 : vector<1x16xf32> to vector<16xf32>
      %mul3A_1102 = arith.mulf %get3A_1101, %broadcast_in_dim3A_1097 : vector<16xf32>
      %swap3A_1103 = arith.index_cast %add3A_1094 : i32 to index
      %swap3A_1104 = arith.constant 0 : index
      %swap3A_1105 = tpu.vector_load %arg13[%swap3A_1103, %swap3A_1104] {strides = array<i32>} : memref<160x64xf32, #tpu.memory_space<vmem>>, vector<1x16xf32>,
      %swap3A_1106 = vector.shape_cast %swap3A_1105 : vector<1x16xf32> to vector<16xf32>
      %swap3A_1107 = vector.shape_cast %mul3A_1102 : vector<16xf32> to vector<1x16xf32>
      tpu.vector_store %arg13[%swap3A_1103, %swap3A_1104], %swap3A_1107 {strides = array<i32>} : memref<160x64xf32, #tpu.memory_space<vmem>>, vector<1x16xf32>,
      %get3A_1108 = arith.index_cast %add3A_1094 : i32 to index
      %get3A_1109 = arith.constant 16 : index
      %get3A_1110 = tpu.vector_load %arg13[%get3A_1108, %get3A_1109] {strides = array<i32>} : memref<160x64xf32, #tpu.memory_space<vmem>>, vector<1x16xf32>,
      %get3A_1111 = vector.shape_cast %get3A_1110 : vector<1x16xf32> to vector<16xf32>
      %mul3A_1112 = arith.mulf %get3A_1111, %broadcast_in_dim3A_1097 : vector<16xf32>
      %swap3A_1113 = arith.index_cast %add3A_1094 : i32 to index
      %swap3A_1114 = arith.constant 16 : index
      %swap3A_1115 = tpu.vector_load %arg13[%swap3A_1113, %swap3A_1114] {strides = array<i32>} : memref<160x64xf32, #tpu.memory_space<vmem>>, vector<1x16xf32>,
      %swap3A_1116 = vector.shape_cast %swap3A_1115 : vector<1x16xf32> to vector<16xf32>
      %swap3A_1117 = vector.shape_cast %mul3A_1112 : vector<16xf32> to vector<1x16xf32>
      tpu.vector_store %arg13[%swap3A_1113, %swap3A_1114], %swap3A_1117 {strides = array<i32>} : memref<160x64xf32, #tpu.memory_space<vmem>>, vector<1x16xf32>,
      %get3A_1118 = arith.index_cast %add3A_1094 : i32 to index
      %get3A_1119 = arith.constant 32 : index
      %get3A_1120 = tpu.vector_load %arg13[%get3A_1118, %get3A_1119] {strides = array<i32>} : memref<160x64xf32, #tpu.memory_space<vmem>>, vector<1x16xf32>,
      %get3A_1121 = vector.shape_cast %get3A_1120 : vector<1x16xf32> to vector<16xf32>
      %mul3A_1122 = arith.mulf %get3A_1121, %broadcast_in_dim3A_1097 : vector<16xf32>
      %swap3A_1123 = arith.index_cast %add3A_1094 : i32 to index
      %swap3A_1124 = arith.constant 32 : index
      %swap3A_1125 = tpu.vector_load %arg13[%swap3A_1123, %swap3A_1124] {strides = array<i32>} : memref<160x64xf32, #tpu.memory_space<vmem>>, vector<1x16xf32>,
      %swap3A_1126 = vector.shape_cast %swap3A_1125 : vector<1x16xf32> to vector<16xf32>
      %swap3A_1127 = vector.shape_cast %mul3A_1122 : vector<16xf32> to vector<1x16xf32>
      tpu.vector_store %arg13[%swap3A_1123, %swap3A_1124], %swap3A_1127 {strides = array<i32>} : memref<160x64xf32, #tpu.memory_space<vmem>>, vector<1x16xf32>,
      %get3A_1128 = arith.index_cast %add3A_1094 : i32 to index
      %get3A_1129 = arith.constant 48 : index
      %get3A_1130 = tpu.vector_load %arg13[%get3A_1128, %get3A_1129] {strides = array<i32>} : memref<160x64xf32, #tpu.memory_space<vmem>>, vector<1x16xf32>,
      %get3A_1131 = vector.shape_cast %get3A_1130 : vector<1x16xf32> to vector<16xf32>
      %mul3A_1132 = arith.mulf %get3A_1131, %broadcast_in_dim3A_1097 : vector<16xf32>
      %swap3A_1133 = arith.index_cast %add3A_1094 : i32 to index
      %swap3A_1134 = arith.constant 48 : index
      %swap3A_1135 = tpu.vector_load %arg13[%swap3A_1133, %swap3A_1134] {strides = array<i32>} : memref<160x64xf32, #tpu.memory_space<vmem>>, vector<1x16xf32>,
      %swap3A_1136 = vector.shape_cast %swap3A_1135 : vector<1x16xf32> to vector<16xf32>
      %swap3A_1137 = vector.shape_cast %mul3A_1132 : vector<16xf32> to vector<1x16xf32>
      tpu.vector_store %arg13[%swap3A_1133, %swap3A_1134], %swap3A_1137 {strides = array<i32>} : memref<160x64xf32, #tpu.memory_space<vmem>>, vector<1x16xf32>,
      %mul3A_1138 = arith.constant 16 : i32
      %mul3A_1139 = arith.muli %scan3A_850, %mul3A_1138 : i32
      %add3A_1140 = arith.constant 6 : i32
      %add3A_1141 = arith.addi %mul3A_1139, %add3A_1140 : i32
      %slice3A_1142 = vector.extract_strided_slice %get3A_857 {offsets = [6], sizes = [1], strides = [1]} : vector<16xf32> to vector<1xf32>
      %squeeze3A_1143 = vector.extract %slice3A_1142[0] : f32 from vector<1xf32>
      %broadcast_in_dim3A_1144 = vector.broadcast %squeeze3A_1143 : f32 to vector<16xf32>
      %get3A_1145 = arith.index_cast %add3A_1141 : i32 to index
      %get3A_1146 = arith.constant 0 : index
      %get3A_1147 = tpu.vector_load %arg13[%get3A_1145, %get3A_1146] {strides = array<i32>} : memref<160x64xf32, #tpu.memory_space<vmem>>, vector<1x16xf32>,
      %get3A_1148 = vector.shape_cast %get3A_1147 : vector<1x16xf32> to vector<16xf32>
      %mul3A_1149 = arith.mulf %get3A_1148, %broadcast_in_dim3A_1144 : vector<16xf32>
      %swap3A_1150 = arith.index_cast %add3A_1141 : i32 to index
      %swap3A_1151 = arith.constant 0 : index
      %swap3A_1152 = tpu.vector_load %arg13[%swap3A_1150, %swap3A_1151] {strides = array<i32>} : memref<160x64xf32, #tpu.memory_space<vmem>>, vector<1x16xf32>,
      %swap3A_1153 = vector.shape_cast %swap3A_1152 : vector<1x16xf32> to vector<16xf32>
      %swap3A_1154 = vector.shape_cast %mul3A_1149 : vector<16xf32> to vector<1x16xf32>
      tpu.vector_store %arg13[%swap3A_1150, %swap3A_1151], %swap3A_1154 {strides = array<i32>} : memref<160x64xf32, #tpu.memory_space<vmem>>, vector<1x16xf32>,
      %get3A_1155 = arith.index_cast %add3A_1141 : i32 to index
      %get3A_1156 = arith.constant 16 : index
      %get3A_1157 = tpu.vector_load %arg13[%get3A_1155, %get3A_1156] {strides = array<i32>} : memref<160x64xf32, #tpu.memory_space<vmem>>, vector<1x16xf32>,
      %get3A_1158 = vector.shape_cast %get3A_1157 : vector<1x16xf32> to vector<16xf32>
      %mul3A_1159 = arith.mulf %get3A_1158, %broadcast_in_dim3A_1144 : vector<16xf32>
      %swap3A_1160 = arith.index_cast %add3A_1141 : i32 to index
      %swap3A_1161 = arith.constant 16 : index
      %swap3A_1162 = tpu.vector_load %arg13[%swap3A_1160, %swap3A_1161] {strides = array<i32>} : memref<160x64xf32, #tpu.memory_space<vmem>>, vector<1x16xf32>,
      %swap3A_1163 = vector.shape_cast %swap3A_1162 : vector<1x16xf32> to vector<16xf32>
      %swap3A_1164 = vector.shape_cast %mul3A_1159 : vector<16xf32> to vector<1x16xf32>
      tpu.vector_store %arg13[%swap3A_1160, %swap3A_1161], %swap3A_1164 {strides = array<i32>} : memref<160x64xf32, #tpu.memory_space<vmem>>, vector<1x16xf32>,
      %get3A_1165 = arith.index_cast %add3A_1141 : i32 to index
      %get3A_1166 = arith.constant 32 : index
      %get3A_1167 = tpu.vector_load %arg13[%get3A_1165, %get3A_1166] {strides = array<i32>} : memref<160x64xf32, #tpu.memory_space<vmem>>, vector<1x16xf32>,
      %get3A_1168 = vector.shape_cast %get3A_1167 : vector<1x16xf32> to vector<16xf32>
      %mul3A_1169 = arith.mulf %get3A_1168, %broadcast_in_dim3A_1144 : vector<16xf32>
      %swap3A_1170 = arith.index_cast %add3A_1141 : i32 to index
      %swap3A_1171 = arith.constant 32 : index
      %swap3A_1172 = tpu.vector_load %arg13[%swap3A_1170, %swap3A_1171] {strides = array<i32>} : memref<160x64xf32, #tpu.memory_space<vmem>>, vector<1x16xf32>,
      %swap3A_1173 = vector.shape_cast %swap3A_1172 : vector<1x16xf32> to vector<16xf32>
      %swap3A_1174 = vector.shape_cast %mul3A_1169 : vector<16xf32> to vector<1x16xf32>
      tpu.vector_store %arg13[%swap3A_1170, %swap3A_1171], %swap3A_1174 {strides = array<i32>} : memref<160x64xf32, #tpu.memory_space<vmem>>, vector<1x16xf32>,
      %get3A_1175 = arith.index_cast %add3A_1141 : i32 to index
      %get3A_1176 = arith.constant 48 : index
      %get3A_1177 = tpu.vector_load %arg13[%get3A_1175, %get3A_1176] {strides = array<i32>} : memref<160x64xf32, #tpu.memory_space<vmem>>, vector<1x16xf32>,
      %get3A_1178 = vector.shape_cast %get3A_1177 : vector<1x16xf32> to vector<16xf32>
      %mul3A_1179 = arith.mulf %get3A_1178, %broadcast_in_dim3A_1144 : vector<16xf32>
      %swap3A_1180 = arith.index_cast %add3A_1141 : i32 to index
      %swap3A_1181 = arith.constant 48 : index
      %swap3A_1182 = tpu.vector_load %arg13[%swap3A_1180, %swap3A_1181] {strides = array<i32>} : memref<160x64xf32, #tpu.memory_space<vmem>>, vector<1x16xf32>,
      %swap3A_1183 = vector.shape_cast %swap3A_1182 : vector<1x16xf32> to vector<16xf32>
      %swap3A_1184 = vector.shape_cast %mul3A_1179 : vector<16xf32> to vector<1x16xf32>
      tpu.vector_store %arg13[%swap3A_1180, %swap3A_1181], %swap3A_1184 {strides = array<i32>} : memref<160x64xf32, #tpu.memory_space<vmem>>, vector<1x16xf32>,
      %mul3A_1185 = arith.constant 16 : i32
      %mul3A_1186 = arith.muli %scan3A_850, %mul3A_1185 : i32
      %add3A_1187 = arith.constant 7 : i32
      %add3A_1188 = arith.addi %mul3A_1186, %add3A_1187 : i32
      %slice3A_1189 = vector.extract_strided_slice %get3A_857 {offsets = [7], sizes = [1], strides = [1]} : vector<16xf32> to vector<1xf32>
      %squeeze3A_1190 = vector.extract %slice3A_1189[0] : f32 from vector<1xf32>
      %broadcast_in_dim3A_1191 = vector.broadcast %squeeze3A_1190 : f32 to vector<16xf32>
      %get3A_1192 = arith.index_cast %add3A_1188 : i32 to index
      %get3A_1193 = arith.constant 0 : index
      %get3A_1194 = tpu.vector_load %arg13[%get3A_1192, %get3A_1193] {strides = array<i32>} : memref<160x64xf32, #tpu.memory_space<vmem>>, vector<1x16xf32>,
      %get3A_1195 = vector.shape_cast %get3A_1194 : vector<1x16xf32> to vector<16xf32>
      %mul3A_1196 = arith.mulf %get3A_1195, %broadcast_in_dim3A_1191 : vector<16xf32>
      %swap3A_1197 = arith.index_cast %add3A_1188 : i32 to index
      %swap3A_1198 = arith.constant 0 : index
      %swap3A_1199 = tpu.vector_load %arg13[%swap3A_1197, %swap3A_1198] {strides = array<i32>} : memref<160x64xf32, #tpu.memory_space<vmem>>, vector<1x16xf32>,
      %swap3A_1200 = vector.shape_cast %swap3A_1199 : vector<1x16xf32> to vector<16xf32>
      %swap3A_1201 = vector.shape_cast %mul3A_1196 : vector<16xf32> to vector<1x16xf32>
      tpu.vector_store %arg13[%swap3A_1197, %swap3A_1198], %swap3A_1201 {strides = array<i32>} : memref<160x64xf32, #tpu.memory_space<vmem>>, vector<1x16xf32>,
      %get3A_1202 = arith.index_cast %add3A_1188 : i32 to index
      %get3A_1203 = arith.constant 16 : index
      %get3A_1204 = tpu.vector_load %arg13[%get3A_1202, %get3A_1203] {strides = array<i32>} : memref<160x64xf32, #tpu.memory_space<vmem>>, vector<1x16xf32>,
      %get3A_1205 = vector.shape_cast %get3A_1204 : vector<1x16xf32> to vector<16xf32>
      %mul3A_1206 = arith.mulf %get3A_1205, %broadcast_in_dim3A_1191 : vector<16xf32>
      %swap3A_1207 = arith.index_cast %add3A_1188 : i32 to index
      %swap3A_1208 = arith.constant 16 : index
      %swap3A_1209 = tpu.vector_load %arg13[%swap3A_1207, %swap3A_1208] {strides = array<i32>} : memref<160x64xf32, #tpu.memory_space<vmem>>, vector<1x16xf32>,
      %swap3A_1210 = vector.shape_cast %swap3A_1209 : vector<1x16xf32> to vector<16xf32>
      %swap3A_1211 = vector.shape_cast %mul3A_1206 : vector<16xf32> to vector<1x16xf32>
      tpu.vector_store %arg13[%swap3A_1207, %swap3A_1208], %swap3A_1211 {strides = array<i32>} : memref<160x64xf32, #tpu.memory_space<vmem>>, vector<1x16xf32>,
      %get3A_1212 = arith.index_cast %add3A_1188 : i32 to index
      %get3A_1213 = arith.constant 32 : index
      %get3A_1214 = tpu.vector_load %arg13[%get3A_1212, %get3A_1213] {strides = array<i32>} : memref<160x64xf32, #tpu.memory_space<vmem>>, vector<1x16xf32>,
      %get3A_1215 = vector.shape_cast %get3A_1214 : vector<1x16xf32> to vector<16xf32>
      %mul3A_1216 = arith.mulf %get3A_1215, %broadcast_in_dim3A_1191 : vector<16xf32>
      %swap3A_1217 = arith.index_cast %add3A_1188 : i32 to index
      %swap3A_1218 = arith.constant 32 : index
      %swap3A_1219 = tpu.vector_load %arg13[%swap3A_1217, %swap3A_1218] {strides = array<i32>} : memref<160x64xf32, #tpu.memory_space<vmem>>, vector<1x16xf32>,
      %swap3A_1220 = vector.shape_cast %swap3A_1219 : vector<1x16xf32> to vector<16xf32>
      %swap3A_1221 = vector.shape_cast %mul3A_1216 : vector<16xf32> to vector<1x16xf32>
      tpu.vector_store %arg13[%swap3A_1217, %swap3A_1218], %swap3A_1221 {strides = array<i32>} : memref<160x64xf32, #tpu.memory_space<vmem>>, vector<1x16xf32>,
      %get3A_1222 = arith.index_cast %add3A_1188 : i32 to index
      %get3A_1223 = arith.constant 48 : index
      %get3A_1224 = tpu.vector_load %arg13[%get3A_1222, %get3A_1223] {strides = array<i32>} : memref<160x64xf32, #tpu.memory_space<vmem>>, vector<1x16xf32>,
      %get3A_1225 = vector.shape_cast %get3A_1224 : vector<1x16xf32> to vector<16xf32>
      %mul3A_1226 = arith.mulf %get3A_1225, %broadcast_in_dim3A_1191 : vector<16xf32>
      %swap3A_1227 = arith.index_cast %add3A_1188 : i32 to index
      %swap3A_1228 = arith.constant 48 : index
      %swap3A_1229 = tpu.vector_load %arg13[%swap3A_1227, %swap3A_1228] {strides = array<i32>} : memref<160x64xf32, #tpu.memory_space<vmem>>, vector<1x16xf32>,
      %swap3A_1230 = vector.shape_cast %swap3A_1229 : vector<1x16xf32> to vector<16xf32>
      %swap3A_1231 = vector.shape_cast %mul3A_1226 : vector<16xf32> to vector<1x16xf32>
      tpu.vector_store %arg13[%swap3A_1227, %swap3A_1228], %swap3A_1231 {strides = array<i32>} : memref<160x64xf32, #tpu.memory_space<vmem>>, vector<1x16xf32>,
      %mul3A_1232 = arith.constant 16 : i32
      %mul3A_1233 = arith.muli %scan3A_850, %mul3A_1232 : i32
      %add3A_1234 = arith.constant 8 : i32
      %add3A_1235 = arith.addi %mul3A_1233, %add3A_1234 : i32
      %slice3A_1236 = vector.extract_strided_slice %get3A_857 {offsets = [8], sizes = [1], strides = [1]} : vector<16xf32> to vector<1xf32>
      %squeeze3A_1237 = vector.extract %slice3A_1236[0] : f32 from vector<1xf32>
      %broadcast_in_dim3A_1238 = vector.broadcast %squeeze3A_1237 : f32 to vector<16xf32>
      %get3A_1239 = arith.index_cast %add3A_1235 : i32 to index
      %get3A_1240 = arith.constant 0 : index
      %get3A_1241 = tpu.vector_load %arg13[%get3A_1239, %get3A_1240] {strides = array<i32>} : memref<160x64xf32, #tpu.memory_space<vmem>>, vector<1x16xf32>,
      %get3A_1242 = vector.shape_cast %get3A_1241 : vector<1x16xf32> to vector<16xf32>
      %mul3A_1243 = arith.mulf %get3A_1242, %broadcast_in_dim3A_1238 : vector<16xf32>
      %swap3A_1244 = arith.index_cast %add3A_1235 : i32 to index
      %swap3A_1245 = arith.constant 0 : index
      %swap3A_1246 = tpu.vector_load %arg13[%swap3A_1244, %swap3A_1245] {strides = array<i32>} : memref<160x64xf32, #tpu.memory_space<vmem>>, vector<1x16xf32>,
      %swap3A_1247 = vector.shape_cast %swap3A_1246 : vector<1x16xf32> to vector<16xf32>
      %swap3A_1248 = vector.shape_cast %mul3A_1243 : vector<16xf32> to vector<1x16xf32>
      tpu.vector_store %arg13[%swap3A_1244, %swap3A_1245], %swap3A_1248 {strides = array<i32>} : memref<160x64xf32, #tpu.memory_space<vmem>>, vector<1x16xf32>,
      %get3A_1249 = arith.index_cast %add3A_1235 : i32 to index
      %get3A_1250 = arith.constant 16 : index
      %get3A_1251 = tpu.vector_load %arg13[%get3A_1249, %get3A_1250] {strides = array<i32>} : memref<160x64xf32, #tpu.memory_space<vmem>>, vector<1x16xf32>,
      %get3A_1252 = vector.shape_cast %get3A_1251 : vector<1x16xf32> to vector<16xf32>
      %mul3A_1253 = arith.mulf %get3A_1252, %broadcast_in_dim3A_1238 : vector<16xf32>
      %swap3A_1254 = arith.index_cast %add3A_1235 : i32 to index
      %swap3A_1255 = arith.constant 16 : index
      %swap3A_1256 = tpu.vector_load %arg13[%swap3A_1254, %swap3A_1255] {strides = array<i32>} : memref<160x64xf32, #tpu.memory_space<vmem>>, vector<1x16xf32>,
      %swap3A_1257 = vector.shape_cast %swap3A_1256 : vector<1x16xf32> to vector<16xf32>
      %swap3A_1258 = vector.shape_cast %mul3A_1253 : vector<16xf32> to vector<1x16xf32>
      tpu.vector_store %arg13[%swap3A_1254, %swap3A_1255], %swap3A_1258 {strides = array<i32>} : memref<160x64xf32, #tpu.memory_space<vmem>>, vector<1x16xf32>,
      %get3A_1259 = arith.index_cast %add3A_1235 : i32 to index
      %get3A_1260 = arith.constant 32 : index
      %get3A_1261 = tpu.vector_load %arg13[%get3A_1259, %get3A_1260] {strides = array<i32>} : memref<160x64xf32, #tpu.memory_space<vmem>>, vector<1x16xf32>,
      %get3A_1262 = vector.shape_cast %get3A_1261 : vector<1x16xf32> to vector<16xf32>
      %mul3A_1263 = arith.mulf %get3A_1262, %broadcast_in_dim3A_1238 : vector<16xf32>
      %swap3A_1264 = arith.index_cast %add3A_1235 : i32 to index
      %swap3A_1265 = arith.constant 32 : index
      %swap3A_1266 = tpu.vector_load %arg13[%swap3A_1264, %swap3A_1265] {strides = array<i32>} : memref<160x64xf32, #tpu.memory_space<vmem>>, vector<1x16xf32>,
      %swap3A_1267 = vector.shape_cast %swap3A_1266 : vector<1x16xf32> to vector<16xf32>
      %swap3A_1268 = vector.shape_cast %mul3A_1263 : vector<16xf32> to vector<1x16xf32>
      tpu.vector_store %arg13[%swap3A_1264, %swap3A_1265], %swap3A_1268 {strides = array<i32>} : memref<160x64xf32, #tpu.memory_space<vmem>>, vector<1x16xf32>,
      %get3A_1269 = arith.index_cast %add3A_1235 : i32 to index
      %get3A_1270 = arith.constant 48 : index
      %get3A_1271 = tpu.vector_load %arg13[%get3A_1269, %get3A_1270] {strides = array<i32>} : memref<160x64xf32, #tpu.memory_space<vmem>>, vector<1x16xf32>,
      %get3A_1272 = vector.shape_cast %get3A_1271 : vector<1x16xf32> to vector<16xf32>
      %mul3A_1273 = arith.mulf %get3A_1272, %broadcast_in_dim3A_1238 : vector<16xf32>
      %swap3A_1274 = arith.index_cast %add3A_1235 : i32 to index
      %swap3A_1275 = arith.constant 48 : index
      %swap3A_1276 = tpu.vector_load %arg13[%swap3A_1274, %swap3A_1275] {strides = array<i32>} : memref<160x64xf32, #tpu.memory_space<vmem>>, vector<1x16xf32>,
      %swap3A_1277 = vector.shape_cast %swap3A_1276 : vector<1x16xf32> to vector<16xf32>
      %swap3A_1278 = vector.shape_cast %mul3A_1273 : vector<16xf32> to vector<1x16xf32>
      tpu.vector_store %arg13[%swap3A_1274, %swap3A_1275], %swap3A_1278 {strides = array<i32>} : memref<160x64xf32, #tpu.memory_space<vmem>>, vector<1x16xf32>,
      %mul3A_1279 = arith.constant 16 : i32
      %mul3A_1280 = arith.muli %scan3A_850, %mul3A_1279 : i32
      %add3A_1281 = arith.constant 9 : i32
      %add3A_1282 = arith.addi %mul3A_1280, %add3A_1281 : i32
      %slice3A_1283 = vector.extract_strided_slice %get3A_857 {offsets = [9], sizes = [1], strides = [1]} : vector<16xf32> to vector<1xf32>
      %squeeze3A_1284 = vector.extract %slice3A_1283[0] : f32 from vector<1xf32>
      %broadcast_in_dim3A_1285 = vector.broadcast %squeeze3A_1284 : f32 to vector<16xf32>
      %get3A_1286 = arith.index_cast %add3A_1282 : i32 to index
      %get3A_1287 = arith.constant 0 : index
      %get3A_1288 = tpu.vector_load %arg13[%get3A_1286, %get3A_1287] {strides = array<i32>} : memref<160x64xf32, #tpu.memory_space<vmem>>, vector<1x16xf32>,
      %get3A_1289 = vector.shape_cast %get3A_1288 : vector<1x16xf32> to vector<16xf32>
      %mul3A_1290 = arith.mulf %get3A_1289, %broadcast_in_dim3A_1285 : vector<16xf32>
      %swap3A_1291 = arith.index_cast %add3A_1282 : i32 to index
      %swap3A_1292 = arith.constant 0 : index
      %swap3A_1293 = tpu.vector_load %arg13[%swap3A_1291, %swap3A_1292] {strides = array<i32>} : memref<160x64xf32, #tpu.memory_space<vmem>>, vector<1x16xf32>,
      %swap3A_1294 = vector.shape_cast %swap3A_1293 : vector<1x16xf32> to vector<16xf32>
      %swap3A_1295 = vector.shape_cast %mul3A_1290 : vector<16xf32> to vector<1x16xf32>
      tpu.vector_store %arg13[%swap3A_1291, %swap3A_1292], %swap3A_1295 {strides = array<i32>} : memref<160x64xf32, #tpu.memory_space<vmem>>, vector<1x16xf32>,
      %get3A_1296 = arith.index_cast %add3A_1282 : i32 to index
      %get3A_1297 = arith.constant 16 : index
      %get3A_1298 = tpu.vector_load %arg13[%get3A_1296, %get3A_1297] {strides = array<i32>} : memref<160x64xf32, #tpu.memory_space<vmem>>, vector<1x16xf32>,
      %get3A_1299 = vector.shape_cast %get3A_1298 : vector<1x16xf32> to vector<16xf32>
      %mul3A_1300 = arith.mulf %get3A_1299, %broadcast_in_dim3A_1285 : vector<16xf32>
      %swap3A_1301 = arith.index_cast %add3A_1282 : i32 to index
      %swap3A_1302 = arith.constant 16 : index
      %swap3A_1303 = tpu.vector_load %arg13[%swap3A_1301, %swap3A_1302] {strides = array<i32>} : memref<160x64xf32, #tpu.memory_space<vmem>>, vector<1x16xf32>,
      %swap3A_1304 = vector.shape_cast %swap3A_1303 : vector<1x16xf32> to vector<16xf32>
      %swap3A_1305 = vector.shape_cast %mul3A_1300 : vector<16xf32> to vector<1x16xf32>
      tpu.vector_store %arg13[%swap3A_1301, %swap3A_1302], %swap3A_1305 {strides = array<i32>} : memref<160x64xf32, #tpu.memory_space<vmem>>, vector<1x16xf32>,
      %get3A_1306 = arith.index_cast %add3A_1282 : i32 to index
      %get3A_1307 = arith.constant 32 : index
      %get3A_1308 = tpu.vector_load %arg13[%get3A_1306, %get3A_1307] {strides = array<i32>} : memref<160x64xf32, #tpu.memory_space<vmem>>, vector<1x16xf32>,
      %get3A_1309 = vector.shape_cast %get3A_1308 : vector<1x16xf32> to vector<16xf32>
      %mul3A_1310 = arith.mulf %get3A_1309, %broadcast_in_dim3A_1285 : vector<16xf32>
      %swap3A_1311 = arith.index_cast %add3A_1282 : i32 to index
      %swap3A_1312 = arith.constant 32 : index
      %swap3A_1313 = tpu.vector_load %arg13[%swap3A_1311, %swap3A_1312] {strides = array<i32>} : memref<160x64xf32, #tpu.memory_space<vmem>>, vector<1x16xf32>,
      %swap3A_1314 = vector.shape_cast %swap3A_1313 : vector<1x16xf32> to vector<16xf32>
      %swap3A_1315 = vector.shape_cast %mul3A_1310 : vector<16xf32> to vector<1x16xf32>
      tpu.vector_store %arg13[%swap3A_1311, %swap3A_1312], %swap3A_1315 {strides = array<i32>} : memref<160x64xf32, #tpu.memory_space<vmem>>, vector<1x16xf32>,
      %get3A_1316 = arith.index_cast %add3A_1282 : i32 to index
      %get3A_1317 = arith.constant 48 : index
      %get3A_1318 = tpu.vector_load %arg13[%get3A_1316, %get3A_1317] {strides = array<i32>} : memref<160x64xf32, #tpu.memory_space<vmem>>, vector<1x16xf32>,
      %get3A_1319 = vector.shape_cast %get3A_1318 : vector<1x16xf32> to vector<16xf32>
      %mul3A_1320 = arith.mulf %get3A_1319, %broadcast_in_dim3A_1285 : vector<16xf32>
      %swap3A_1321 = arith.index_cast %add3A_1282 : i32 to index
      %swap3A_1322 = arith.constant 48 : index
      %swap3A_1323 = tpu.vector_load %arg13[%swap3A_1321, %swap3A_1322] {strides = array<i32>} : memref<160x64xf32, #tpu.memory_space<vmem>>, vector<1x16xf32>,
      %swap3A_1324 = vector.shape_cast %swap3A_1323 : vector<1x16xf32> to vector<16xf32>
      %swap3A_1325 = vector.shape_cast %mul3A_1320 : vector<16xf32> to vector<1x16xf32>
      tpu.vector_store %arg13[%swap3A_1321, %swap3A_1322], %swap3A_1325 {strides = array<i32>} : memref<160x64xf32, #tpu.memory_space<vmem>>, vector<1x16xf32>,
      %mul3A_1326 = arith.constant 16 : i32
      %mul3A_1327 = arith.muli %scan3A_850, %mul3A_1326 : i32
      %add3A_1328 = arith.constant 10 : i32
      %add3A_1329 = arith.addi %mul3A_1327, %add3A_1328 : i32
      %slice3A_1330 = vector.extract_strided_slice %get3A_857 {offsets = [10], sizes = [1], strides = [1]} : vector<16xf32> to vector<1xf32>
      %squeeze3A_1331 = vector.extract %slice3A_1330[0] : f32 from vector<1xf32>
      %broadcast_in_dim3A_1332 = vector.broadcast %squeeze3A_1331 : f32 to vector<16xf32>
      %get3A_1333 = arith.index_cast %add3A_1329 : i32 to index
      %get3A_1334 = arith.constant 0 : index
      %get3A_1335 = tpu.vector_load %arg13[%get3A_1333, %get3A_1334] {strides = array<i32>} : memref<160x64xf32, #tpu.memory_space<vmem>>, vector<1x16xf32>,
      %get3A_1336 = vector.shape_cast %get3A_1335 : vector<1x16xf32> to vector<16xf32>
      %mul3A_1337 = arith.mulf %get3A_1336, %broadcast_in_dim3A_1332 : vector<16xf32>
      %swap3A_1338 = arith.index_cast %add3A_1329 : i32 to index
      %swap3A_1339 = arith.constant 0 : index
      %swap3A_1340 = tpu.vector_load %arg13[%swap3A_1338, %swap3A_1339] {strides = array<i32>} : memref<160x64xf32, #tpu.memory_space<vmem>>, vector<1x16xf32>,
      %swap3A_1341 = vector.shape_cast %swap3A_1340 : vector<1x16xf32> to vector<16xf32>
      %swap3A_1342 = vector.shape_cast %mul3A_1337 : vector<16xf32> to vector<1x16xf32>
      tpu.vector_store %arg13[%swap3A_1338, %swap3A_1339], %swap3A_1342 {strides = array<i32>} : memref<160x64xf32, #tpu.memory_space<vmem>>, vector<1x16xf32>,
      %get3A_1343 = arith.index_cast %add3A_1329 : i32 to index
      %get3A_1344 = arith.constant 16 : index
      %get3A_1345 = tpu.vector_load %arg13[%get3A_1343, %get3A_1344] {strides = array<i32>} : memref<160x64xf32, #tpu.memory_space<vmem>>, vector<1x16xf32>,
      %get3A_1346 = vector.shape_cast %get3A_1345 : vector<1x16xf32> to vector<16xf32>
      %mul3A_1347 = arith.mulf %get3A_1346, %broadcast_in_dim3A_1332 : vector<16xf32>
      %swap3A_1348 = arith.index_cast %add3A_1329 : i32 to index
      %swap3A_1349 = arith.constant 16 : index
      %swap3A_1350 = tpu.vector_load %arg13[%swap3A_1348, %swap3A_1349] {strides = array<i32>} : memref<160x64xf32, #tpu.memory_space<vmem>>, vector<1x16xf32>,
      %swap3A_1351 = vector.shape_cast %swap3A_1350 : vector<1x16xf32> to vector<16xf32>
      %swap3A_1352 = vector.shape_cast %mul3A_1347 : vector<16xf32> to vector<1x16xf32>
      tpu.vector_store %arg13[%swap3A_1348, %swap3A_1349], %swap3A_1352 {strides = array<i32>} : memref<160x64xf32, #tpu.memory_space<vmem>>, vector<1x16xf32>,
      %get3A_1353 = arith.index_cast %add3A_1329 : i32 to index
      %get3A_1354 = arith.constant 32 : index
      %get3A_1355 = tpu.vector_load %arg13[%get3A_1353, %get3A_1354] {strides = array<i32>} : memref<160x64xf32, #tpu.memory_space<vmem>>, vector<1x16xf32>,
      %get3A_1356 = vector.shape_cast %get3A_1355 : vector<1x16xf32> to vector<16xf32>
      %mul3A_1357 = arith.mulf %get3A_1356, %broadcast_in_dim3A_1332 : vector<16xf32>
      %swap3A_1358 = arith.index_cast %add3A_1329 : i32 to index
      %swap3A_1359 = arith.constant 32 : index
      %swap3A_1360 = tpu.vector_load %arg13[%swap3A_1358, %swap3A_1359] {strides = array<i32>} : memref<160x64xf32, #tpu.memory_space<vmem>>, vector<1x16xf32>,
      %swap3A_1361 = vector.shape_cast %swap3A_1360 : vector<1x16xf32> to vector<16xf32>
      %swap3A_1362 = vector.shape_cast %mul3A_1357 : vector<16xf32> to vector<1x16xf32>
      tpu.vector_store %arg13[%swap3A_1358, %swap3A_1359], %swap3A_1362 {strides = array<i32>} : memref<160x64xf32, #tpu.memory_space<vmem>>, vector<1x16xf32>,
      %get3A_1363 = arith.index_cast %add3A_1329 : i32 to index
      %get3A_1364 = arith.constant 48 : index
      %get3A_1365 = tpu.vector_load %arg13[%get3A_1363, %get3A_1364] {strides = array<i32>} : memref<160x64xf32, #tpu.memory_space<vmem>>, vector<1x16xf32>,
      %get3A_1366 = vector.shape_cast %get3A_1365 : vector<1x16xf32> to vector<16xf32>
      %mul3A_1367 = arith.mulf %get3A_1366, %broadcast_in_dim3A_1332 : vector<16xf32>
      %swap3A_1368 = arith.index_cast %add3A_1329 : i32 to index
      %swap3A_1369 = arith.constant 48 : index
      %swap3A_1370 = tpu.vector_load %arg13[%swap3A_1368, %swap3A_1369] {strides = array<i32>} : memref<160x64xf32, #tpu.memory_space<vmem>>, vector<1x16xf32>,
      %swap3A_1371 = vector.shape_cast %swap3A_1370 : vector<1x16xf32> to vector<16xf32>
      %swap3A_1372 = vector.shape_cast %mul3A_1367 : vector<16xf32> to vector<1x16xf32>
      tpu.vector_store %arg13[%swap3A_1368, %swap3A_1369], %swap3A_1372 {strides = array<i32>} : memref<160x64xf32, #tpu.memory_space<vmem>>, vector<1x16xf32>,
      %mul3A_1373 = arith.constant 16 : i32
      %mul3A_1374 = arith.muli %scan3A_850, %mul3A_1373 : i32
      %add3A_1375 = arith.constant 11 : i32
      %add3A_1376 = arith.addi %mul3A_1374, %add3A_1375 : i32
      %slice3A_1377 = vector.extract_strided_slice %get3A_857 {offsets = [11], sizes = [1], strides = [1]} : vector<16xf32> to vector<1xf32>
      %squeeze3A_1378 = vector.extract %slice3A_1377[0] : f32 from vector<1xf32>
      %broadcast_in_dim3A_1379 = vector.broadcast %squeeze3A_1378 : f32 to vector<16xf32>
      %get3A_1380 = arith.index_cast %add3A_1376 : i32 to index
      %get3A_1381 = arith.constant 0 : index
      %get3A_1382 = tpu.vector_load %arg13[%get3A_1380, %get3A_1381] {strides = array<i32>} : memref<160x64xf32, #tpu.memory_space<vmem>>, vector<1x16xf32>,
      %get3A_1383 = vector.shape_cast %get3A_1382 : vector<1x16xf32> to vector<16xf32>
      %mul3A_1384 = arith.mulf %get3A_1383, %broadcast_in_dim3A_1379 : vector<16xf32>
      %swap3A_1385 = arith.index_cast %add3A_1376 : i32 to index
      %swap3A_1386 = arith.constant 0 : index
      %swap3A_1387 = tpu.vector_load %arg13[%swap3A_1385, %swap3A_1386] {strides = array<i32>} : memref<160x64xf32, #tpu.memory_space<vmem>>, vector<1x16xf32>,
      %swap3A_1388 = vector.shape_cast %swap3A_1387 : vector<1x16xf32> to vector<16xf32>
      %swap3A_1389 = vector.shape_cast %mul3A_1384 : vector<16xf32> to vector<1x16xf32>
      tpu.vector_store %arg13[%swap3A_1385, %swap3A_1386], %swap3A_1389 {strides = array<i32>} : memref<160x64xf32, #tpu.memory_space<vmem>>, vector<1x16xf32>,
      %get3A_1390 = arith.index_cast %add3A_1376 : i32 to index
      %get3A_1391 = arith.constant 16 : index
      %get3A_1392 = tpu.vector_load %arg13[%get3A_1390, %get3A_1391] {strides = array<i32>} : memref<160x64xf32, #tpu.memory_space<vmem>>, vector<1x16xf32>,
      %get3A_1393 = vector.shape_cast %get3A_1392 : vector<1x16xf32> to vector<16xf32>
      %mul3A_1394 = arith.mulf %get3A_1393, %broadcast_in_dim3A_1379 : vector<16xf32>
      %swap3A_1395 = arith.index_cast %add3A_1376 : i32 to index
      %swap3A_1396 = arith.constant 16 : index
      %swap3A_1397 = tpu.vector_load %arg13[%swap3A_1395, %swap3A_1396] {strides = array<i32>} : memref<160x64xf32, #tpu.memory_space<vmem>>, vector<1x16xf32>,
      %swap3A_1398 = vector.shape_cast %swap3A_1397 : vector<1x16xf32> to vector<16xf32>
      %swap3A_1399 = vector.shape_cast %mul3A_1394 : vector<16xf32> to vector<1x16xf32>
      tpu.vector_store %arg13[%swap3A_1395, %swap3A_1396], %swap3A_1399 {strides = array<i32>} : memref<160x64xf32, #tpu.memory_space<vmem>>, vector<1x16xf32>,
      %get3A_1400 = arith.index_cast %add3A_1376 : i32 to index
      %get3A_1401 = arith.constant 32 : index
      %get3A_1402 = tpu.vector_load %arg13[%get3A_1400, %get3A_1401] {strides = array<i32>} : memref<160x64xf32, #tpu.memory_space<vmem>>, vector<1x16xf32>,
      %get3A_1403 = vector.shape_cast %get3A_1402 : vector<1x16xf32> to vector<16xf32>
      %mul3A_1404 = arith.mulf %get3A_1403, %broadcast_in_dim3A_1379 : vector<16xf32>
      %swap3A_1405 = arith.index_cast %add3A_1376 : i32 to index
      %swap3A_1406 = arith.constant 32 : index
      %swap3A_1407 = tpu.vector_load %arg13[%swap3A_1405, %swap3A_1406] {strides = array<i32>} : memref<160x64xf32, #tpu.memory_space<vmem>>, vector<1x16xf32>,
      %swap3A_1408 = vector.shape_cast %swap3A_1407 : vector<1x16xf32> to vector<16xf32>
      %swap3A_1409 = vector.shape_cast %mul3A_1404 : vector<16xf32> to vector<1x16xf32>
      tpu.vector_store %arg13[%swap3A_1405, %swap3A_1406], %swap3A_1409 {strides = array<i32>} : memref<160x64xf32, #tpu.memory_space<vmem>>, vector<1x16xf32>,
      %get3A_1410 = arith.index_cast %add3A_1376 : i32 to index
      %get3A_1411 = arith.constant 48 : index
      %get3A_1412 = tpu.vector_load %arg13[%get3A_1410, %get3A_1411] {strides = array<i32>} : memref<160x64xf32, #tpu.memory_space<vmem>>, vector<1x16xf32>,
      %get3A_1413 = vector.shape_cast %get3A_1412 : vector<1x16xf32> to vector<16xf32>
      %mul3A_1414 = arith.mulf %get3A_1413, %broadcast_in_dim3A_1379 : vector<16xf32>
      %swap3A_1415 = arith.index_cast %add3A_1376 : i32 to index
      %swap3A_1416 = arith.constant 48 : index
      %swap3A_1417 = tpu.vector_load %arg13[%swap3A_1415, %swap3A_1416] {strides = array<i32>} : memref<160x64xf32, #tpu.memory_space<vmem>>, vector<1x16xf32>,
      %swap3A_1418 = vector.shape_cast %swap3A_1417 : vector<1x16xf32> to vector<16xf32>
      %swap3A_1419 = vector.shape_cast %mul3A_1414 : vector<16xf32> to vector<1x16xf32>
      tpu.vector_store %arg13[%swap3A_1415, %swap3A_1416], %swap3A_1419 {strides = array<i32>} : memref<160x64xf32, #tpu.memory_space<vmem>>, vector<1x16xf32>,
      %mul3A_1420 = arith.constant 16 : i32
      %mul3A_1421 = arith.muli %scan3A_850, %mul3A_1420 : i32
      %add3A_1422 = arith.constant 12 : i32
      %add3A_1423 = arith.addi %mul3A_1421, %add3A_1422 : i32
      %slice3A_1424 = vector.extract_strided_slice %get3A_857 {offsets = [12], sizes = [1], strides = [1]} : vector<16xf32> to vector<1xf32>
      %squeeze3A_1425 = vector.extract %slice3A_1424[0] : f32 from vector<1xf32>
      %broadcast_in_dim3A_1426 = vector.broadcast %squeeze3A_1425 : f32 to vector<16xf32>
      %get3A_1427 = arith.index_cast %add3A_1423 : i32 to index
      %get3A_1428 = arith.constant 0 : index
      %get3A_1429 = tpu.vector_load %arg13[%get3A_1427, %get3A_1428] {strides = array<i32>} : memref<160x64xf32, #tpu.memory_space<vmem>>, vector<1x16xf32>,
      %get3A_1430 = vector.shape_cast %get3A_1429 : vector<1x16xf32> to vector<16xf32>
      %mul3A_1431 = arith.mulf %get3A_1430, %broadcast_in_dim3A_1426 : vector<16xf32>
      %swap3A_1432 = arith.index_cast %add3A_1423 : i32 to index
      %swap3A_1433 = arith.constant 0 : index
      %swap3A_1434 = tpu.vector_load %arg13[%swap3A_1432, %swap3A_1433] {strides = array<i32>} : memref<160x64xf32, #tpu.memory_space<vmem>>, vector<1x16xf32>,
      %swap3A_1435 = vector.shape_cast %swap3A_1434 : vector<1x16xf32> to vector<16xf32>
      %swap3A_1436 = vector.shape_cast %mul3A_1431 : vector<16xf32> to vector<1x16xf32>
      tpu.vector_store %arg13[%swap3A_1432, %swap3A_1433], %swap3A_1436 {strides = array<i32>} : memref<160x64xf32, #tpu.memory_space<vmem>>, vector<1x16xf32>,
      %get3A_1437 = arith.index_cast %add3A_1423 : i32 to index
      %get3A_1438 = arith.constant 16 : index
      %get3A_1439 = tpu.vector_load %arg13[%get3A_1437, %get3A_1438] {strides = array<i32>} : memref<160x64xf32, #tpu.memory_space<vmem>>, vector<1x16xf32>,
      %get3A_1440 = vector.shape_cast %get3A_1439 : vector<1x16xf32> to vector<16xf32>
      %mul3A_1441 = arith.mulf %get3A_1440, %broadcast_in_dim3A_1426 : vector<16xf32>
      %swap3A_1442 = arith.index_cast %add3A_1423 : i32 to index
      %swap3A_1443 = arith.constant 16 : index
      %swap3A_1444 = tpu.vector_load %arg13[%swap3A_1442, %swap3A_1443] {strides = array<i32>} : memref<160x64xf32, #tpu.memory_space<vmem>>, vector<1x16xf32>,
      %swap3A_1445 = vector.shape_cast %swap3A_1444 : vector<1x16xf32> to vector<16xf32>
      %swap3A_1446 = vector.shape_cast %mul3A_1441 : vector<16xf32> to vector<1x16xf32>
      tpu.vector_store %arg13[%swap3A_1442, %swap3A_1443], %swap3A_1446 {strides = array<i32>} : memref<160x64xf32, #tpu.memory_space<vmem>>, vector<1x16xf32>,
      %get3A_1447 = arith.index_cast %add3A_1423 : i32 to index
      %get3A_1448 = arith.constant 32 : index
      %get3A_1449 = tpu.vector_load %arg13[%get3A_1447, %get3A_1448] {strides = array<i32>} : memref<160x64xf32, #tpu.memory_space<vmem>>, vector<1x16xf32>,
      %get3A_1450 = vector.shape_cast %get3A_1449 : vector<1x16xf32> to vector<16xf32>
      %mul3A_1451 = arith.mulf %get3A_1450, %broadcast_in_dim3A_1426 : vector<16xf32>
      %swap3A_1452 = arith.index_cast %add3A_1423 : i32 to index
      %swap3A_1453 = arith.constant 32 : index
      %swap3A_1454 = tpu.vector_load %arg13[%swap3A_1452, %swap3A_1453] {strides = array<i32>} : memref<160x64xf32, #tpu.memory_space<vmem>>, vector<1x16xf32>,
      %swap3A_1455 = vector.shape_cast %swap3A_1454 : vector<1x16xf32> to vector<16xf32>
      %swap3A_1456 = vector.shape_cast %mul3A_1451 : vector<16xf32> to vector<1x16xf32>
      tpu.vector_store %arg13[%swap3A_1452, %swap3A_1453], %swap3A_1456 {strides = array<i32>} : memref<160x64xf32, #tpu.memory_space<vmem>>, vector<1x16xf32>,
      %get3A_1457 = arith.index_cast %add3A_1423 : i32 to index
      %get3A_1458 = arith.constant 48 : index
      %get3A_1459 = tpu.vector_load %arg13[%get3A_1457, %get3A_1458] {strides = array<i32>} : memref<160x64xf32, #tpu.memory_space<vmem>>, vector<1x16xf32>,
      %get3A_1460 = vector.shape_cast %get3A_1459 : vector<1x16xf32> to vector<16xf32>
      %mul3A_1461 = arith.mulf %get3A_1460, %broadcast_in_dim3A_1426 : vector<16xf32>
      %swap3A_1462 = arith.index_cast %add3A_1423 : i32 to index
      %swap3A_1463 = arith.constant 48 : index
      %swap3A_1464 = tpu.vector_load %arg13[%swap3A_1462, %swap3A_1463] {strides = array<i32>} : memref<160x64xf32, #tpu.memory_space<vmem>>, vector<1x16xf32>,
      %swap3A_1465 = vector.shape_cast %swap3A_1464 : vector<1x16xf32> to vector<16xf32>
      %swap3A_1466 = vector.shape_cast %mul3A_1461 : vector<16xf32> to vector<1x16xf32>
      tpu.vector_store %arg13[%swap3A_1462, %swap3A_1463], %swap3A_1466 {strides = array<i32>} : memref<160x64xf32, #tpu.memory_space<vmem>>, vector<1x16xf32>,
      %mul3A_1467 = arith.constant 16 : i32
      %mul3A_1468 = arith.muli %scan3A_850, %mul3A_1467 : i32
      %add3A_1469 = arith.constant 13 : i32
      %add3A_1470 = arith.addi %mul3A_1468, %add3A_1469 : i32
      %slice3A_1471 = vector.extract_strided_slice %get3A_857 {offsets = [13], sizes = [1], strides = [1]} : vector<16xf32> to vector<1xf32>
      %squeeze3A_1472 = vector.extract %slice3A_1471[0] : f32 from vector<1xf32>
      %broadcast_in_dim3A_1473 = vector.broadcast %squeeze3A_1472 : f32 to vector<16xf32>
      %get3A_1474 = arith.index_cast %add3A_1470 : i32 to index
      %get3A_1475 = arith.constant 0 : index
      %get3A_1476 = tpu.vector_load %arg13[%get3A_1474, %get3A_1475] {strides = array<i32>} : memref<160x64xf32, #tpu.memory_space<vmem>>, vector<1x16xf32>,
      %get3A_1477 = vector.shape_cast %get3A_1476 : vector<1x16xf32> to vector<16xf32>
      %mul3A_1478 = arith.mulf %get3A_1477, %broadcast_in_dim3A_1473 : vector<16xf32>
      %swap3A_1479 = arith.index_cast %add3A_1470 : i32 to index
      %swap3A_1480 = arith.constant 0 : index
      %swap3A_1481 = tpu.vector_load %arg13[%swap3A_1479, %swap3A_1480] {strides = array<i32>} : memref<160x64xf32, #tpu.memory_space<vmem>>, vector<1x16xf32>,
      %swap3A_1482 = vector.shape_cast %swap3A_1481 : vector<1x16xf32> to vector<16xf32>
      %swap3A_1483 = vector.shape_cast %mul3A_1478 : vector<16xf32> to vector<1x16xf32>
      tpu.vector_store %arg13[%swap3A_1479, %swap3A_1480], %swap3A_1483 {strides = array<i32>} : memref<160x64xf32, #tpu.memory_space<vmem>>, vector<1x16xf32>,
      %get3A_1484 = arith.index_cast %add3A_1470 : i32 to index
      %get3A_1485 = arith.constant 16 : index
      %get3A_1486 = tpu.vector_load %arg13[%get3A_1484, %get3A_1485] {strides = array<i32>} : memref<160x64xf32, #tpu.memory_space<vmem>>, vector<1x16xf32>,
      %get3A_1487 = vector.shape_cast %get3A_1486 : vector<1x16xf32> to vector<16xf32>
      %mul3A_1488 = arith.mulf %get3A_1487, %broadcast_in_dim3A_1473 : vector<16xf32>
      %swap3A_1489 = arith.index_cast %add3A_1470 : i32 to index
      %swap3A_1490 = arith.constant 16 : index
      %swap3A_1491 = tpu.vector_load %arg13[%swap3A_1489, %swap3A_1490] {strides = array<i32>} : memref<160x64xf32, #tpu.memory_space<vmem>>, vector<1x16xf32>,
      %swap3A_1492 = vector.shape_cast %swap3A_1491 : vector<1x16xf32> to vector<16xf32>
      %swap3A_1493 = vector.shape_cast %mul3A_1488 : vector<16xf32> to vector<1x16xf32>
      tpu.vector_store %arg13[%swap3A_1489, %swap3A_1490], %swap3A_1493 {strides = array<i32>} : memref<160x64xf32, #tpu.memory_space<vmem>>, vector<1x16xf32>,
      %get3A_1494 = arith.index_cast %add3A_1470 : i32 to index
      %get3A_1495 = arith.constant 32 : index
      %get3A_1496 = tpu.vector_load %arg13[%get3A_1494, %get3A_1495] {strides = array<i32>} : memref<160x64xf32, #tpu.memory_space<vmem>>, vector<1x16xf32>,
      %get3A_1497 = vector.shape_cast %get3A_1496 : vector<1x16xf32> to vector<16xf32>
      %mul3A_1498 = arith.mulf %get3A_1497, %broadcast_in_dim3A_1473 : vector<16xf32>
      %swap3A_1499 = arith.index_cast %add3A_1470 : i32 to index
      %swap3A_1500 = arith.constant 32 : index
      %swap3A_1501 = tpu.vector_load %arg13[%swap3A_1499, %swap3A_1500] {strides = array<i32>} : memref<160x64xf32, #tpu.memory_space<vmem>>, vector<1x16xf32>,
      %swap3A_1502 = vector.shape_cast %swap3A_1501 : vector<1x16xf32> to vector<16xf32>
      %swap3A_1503 = vector.shape_cast %mul3A_1498 : vector<16xf32> to vector<1x16xf32>
      tpu.vector_store %arg13[%swap3A_1499, %swap3A_1500], %swap3A_1503 {strides = array<i32>} : memref<160x64xf32, #tpu.memory_space<vmem>>, vector<1x16xf32>,
      %get3A_1504 = arith.index_cast %add3A_1470 : i32 to index
      %get3A_1505 = arith.constant 48 : index
      %get3A_1506 = tpu.vector_load %arg13[%get3A_1504, %get3A_1505] {strides = array<i32>} : memref<160x64xf32, #tpu.memory_space<vmem>>, vector<1x16xf32>,
      %get3A_1507 = vector.shape_cast %get3A_1506 : vector<1x16xf32> to vector<16xf32>
      %mul3A_1508 = arith.mulf %get3A_1507, %broadcast_in_dim3A_1473 : vector<16xf32>
      %swap3A_1509 = arith.index_cast %add3A_1470 : i32 to index
      %swap3A_1510 = arith.constant 48 : index
      %swap3A_1511 = tpu.vector_load %arg13[%swap3A_1509, %swap3A_1510] {strides = array<i32>} : memref<160x64xf32, #tpu.memory_space<vmem>>, vector<1x16xf32>,
      %swap3A_1512 = vector.shape_cast %swap3A_1511 : vector<1x16xf32> to vector<16xf32>
      %swap3A_1513 = vector.shape_cast %mul3A_1508 : vector<16xf32> to vector<1x16xf32>
      tpu.vector_store %arg13[%swap3A_1509, %swap3A_1510], %swap3A_1513 {strides = array<i32>} : memref<160x64xf32, #tpu.memory_space<vmem>>, vector<1x16xf32>,
      %mul3A_1514 = arith.constant 16 : i32
      %mul3A_1515 = arith.muli %scan3A_850, %mul3A_1514 : i32
      %add3A_1516 = arith.constant 14 : i32
      %add3A_1517 = arith.addi %mul3A_1515, %add3A_1516 : i32
      %slice3A_1518 = vector.extract_strided_slice %get3A_857 {offsets = [14], sizes = [1], strides = [1]} : vector<16xf32> to vector<1xf32>
      %squeeze3A_1519 = vector.extract %slice3A_1518[0] : f32 from vector<1xf32>
      %broadcast_in_dim3A_1520 = vector.broadcast %squeeze3A_1519 : f32 to vector<16xf32>
      %get3A_1521 = arith.index_cast %add3A_1517 : i32 to index
      %get3A_1522 = arith.constant 0 : index
      %get3A_1523 = tpu.vector_load %arg13[%get3A_1521, %get3A_1522] {strides = array<i32>} : memref<160x64xf32, #tpu.memory_space<vmem>>, vector<1x16xf32>,
      %get3A_1524 = vector.shape_cast %get3A_1523 : vector<1x16xf32> to vector<16xf32>
      %mul3A_1525 = arith.mulf %get3A_1524, %broadcast_in_dim3A_1520 : vector<16xf32>
      %swap3A_1526 = arith.index_cast %add3A_1517 : i32 to index
      %swap3A_1527 = arith.constant 0 : index
      %swap3A_1528 = tpu.vector_load %arg13[%swap3A_1526, %swap3A_1527] {strides = array<i32>} : memref<160x64xf32, #tpu.memory_space<vmem>>, vector<1x16xf32>,
      %swap3A_1529 = vector.shape_cast %swap3A_1528 : vector<1x16xf32> to vector<16xf32>
      %swap3A_1530 = vector.shape_cast %mul3A_1525 : vector<16xf32> to vector<1x16xf32>
      tpu.vector_store %arg13[%swap3A_1526, %swap3A_1527], %swap3A_1530 {strides = array<i32>} : memref<160x64xf32, #tpu.memory_space<vmem>>, vector<1x16xf32>,
      %get3A_1531 = arith.index_cast %add3A_1517 : i32 to index
      %get3A_1532 = arith.constant 16 : index
      %get3A_1533 = tpu.vector_load %arg13[%get3A_1531, %get3A_1532] {strides = array<i32>} : memref<160x64xf32, #tpu.memory_space<vmem>>, vector<1x16xf32>,
      %get3A_1534 = vector.shape_cast %get3A_1533 : vector<1x16xf32> to vector<16xf32>
      %mul3A_1535 = arith.mulf %get3A_1534, %broadcast_in_dim3A_1520 : vector<16xf32>
      %swap3A_1536 = arith.index_cast %add3A_1517 : i32 to index
      %swap3A_1537 = arith.constant 16 : index
      %swap3A_1538 = tpu.vector_load %arg13[%swap3A_1536, %swap3A_1537] {strides = array<i32>} : memref<160x64xf32, #tpu.memory_space<vmem>>, vector<1x16xf32>,
      %swap3A_1539 = vector.shape_cast %swap3A_1538 : vector<1x16xf32> to vector<16xf32>
      %swap3A_1540 = vector.shape_cast %mul3A_1535 : vector<16xf32> to vector<1x16xf32>
      tpu.vector_store %arg13[%swap3A_1536, %swap3A_1537], %swap3A_1540 {strides = array<i32>} : memref<160x64xf32, #tpu.memory_space<vmem>>, vector<1x16xf32>,
      %get3A_1541 = arith.index_cast %add3A_1517 : i32 to index
      %get3A_1542 = arith.constant 32 : index
      %get3A_1543 = tpu.vector_load %arg13[%get3A_1541, %get3A_1542] {strides = array<i32>} : memref<160x64xf32, #tpu.memory_space<vmem>>, vector<1x16xf32>,
      %get3A_1544 = vector.shape_cast %get3A_1543 : vector<1x16xf32> to vector<16xf32>
      %mul3A_1545 = arith.mulf %get3A_1544, %broadcast_in_dim3A_1520 : vector<16xf32>
      %swap3A_1546 = arith.index_cast %add3A_1517 : i32 to index
      %swap3A_1547 = arith.constant 32 : index
      %swap3A_1548 = tpu.vector_load %arg13[%swap3A_1546, %swap3A_1547] {strides = array<i32>} : memref<160x64xf32, #tpu.memory_space<vmem>>, vector<1x16xf32>,
      %swap3A_1549 = vector.shape_cast %swap3A_1548 : vector<1x16xf32> to vector<16xf32>
      %swap3A_1550 = vector.shape_cast %mul3A_1545 : vector<16xf32> to vector<1x16xf32>
      tpu.vector_store %arg13[%swap3A_1546, %swap3A_1547], %swap3A_1550 {strides = array<i32>} : memref<160x64xf32, #tpu.memory_space<vmem>>, vector<1x16xf32>,
      %get3A_1551 = arith.index_cast %add3A_1517 : i32 to index
      %get3A_1552 = arith.constant 48 : index
      %get3A_1553 = tpu.vector_load %arg13[%get3A_1551, %get3A_1552] {strides = array<i32>} : memref<160x64xf32, #tpu.memory_space<vmem>>, vector<1x16xf32>,
      %get3A_1554 = vector.shape_cast %get3A_1553 : vector<1x16xf32> to vector<16xf32>
      %mul3A_1555 = arith.mulf %get3A_1554, %broadcast_in_dim3A_1520 : vector<16xf32>
      %swap3A_1556 = arith.index_cast %add3A_1517 : i32 to index
      %swap3A_1557 = arith.constant 48 : index
      %swap3A_1558 = tpu.vector_load %arg13[%swap3A_1556, %swap3A_1557] {strides = array<i32>} : memref<160x64xf32, #tpu.memory_space<vmem>>, vector<1x16xf32>,
      %swap3A_1559 = vector.shape_cast %swap3A_1558 : vector<1x16xf32> to vector<16xf32>
      %swap3A_1560 = vector.shape_cast %mul3A_1555 : vector<16xf32> to vector<1x16xf32>
      tpu.vector_store %arg13[%swap3A_1556, %swap3A_1557], %swap3A_1560 {strides = array<i32>} : memref<160x64xf32, #tpu.memory_space<vmem>>, vector<1x16xf32>,
      %mul3A_1561 = arith.constant 16 : i32
      %mul3A_1562 = arith.muli %scan3A_850, %mul3A_1561 : i32
      %add3A_1563 = arith.constant 15 : i32
      %add3A_1564 = arith.addi %mul3A_1562, %add3A_1563 : i32
      %slice3A_1565 = vector.extract_strided_slice %get3A_857 {offsets = [15], sizes = [1], strides = [1]} : vector<16xf32> to vector<1xf32>
      %squeeze3A_1566 = vector.extract %slice3A_1565[0] : f32 from vector<1xf32>
      %broadcast_in_dim3A_1567 = vector.broadcast %squeeze3A_1566 : f32 to vector<16xf32>
      %get3A_1568 = arith.index_cast %add3A_1564 : i32 to index
      %get3A_1569 = arith.constant 0 : index
      %get3A_1570 = tpu.vector_load %arg13[%get3A_1568, %get3A_1569] {strides = array<i32>} : memref<160x64xf32, #tpu.memory_space<vmem>>, vector<1x16xf32>,
      %get3A_1571 = vector.shape_cast %get3A_1570 : vector<1x16xf32> to vector<16xf32>
      %mul3A_1572 = arith.mulf %get3A_1571, %broadcast_in_dim3A_1567 : vector<16xf32>
      %swap3A_1573 = arith.index_cast %add3A_1564 : i32 to index
      %swap3A_1574 = arith.constant 0 : index
      %swap3A_1575 = tpu.vector_load %arg13[%swap3A_1573, %swap3A_1574] {strides = array<i32>} : memref<160x64xf32, #tpu.memory_space<vmem>>, vector<1x16xf32>,
      %swap3A_1576 = vector.shape_cast %swap3A_1575 : vector<1x16xf32> to vector<16xf32>
      %swap3A_1577 = vector.shape_cast %mul3A_1572 : vector<16xf32> to vector<1x16xf32>
      tpu.vector_store %arg13[%swap3A_1573, %swap3A_1574], %swap3A_1577 {strides = array<i32>} : memref<160x64xf32, #tpu.memory_space<vmem>>, vector<1x16xf32>,
      %get3A_1578 = arith.index_cast %add3A_1564 : i32 to index
      %get3A_1579 = arith.constant 16 : index
      %get3A_1580 = tpu.vector_load %arg13[%get3A_1578, %get3A_1579] {strides = array<i32>} : memref<160x64xf32, #tpu.memory_space<vmem>>, vector<1x16xf32>,
      %get3A_1581 = vector.shape_cast %get3A_1580 : vector<1x16xf32> to vector<16xf32>
      %mul3A_1582 = arith.mulf %get3A_1581, %broadcast_in_dim3A_1567 : vector<16xf32>
      %swap3A_1583 = arith.index_cast %add3A_1564 : i32 to index
      %swap3A_1584 = arith.constant 16 : index
      %swap3A_1585 = tpu.vector_load %arg13[%swap3A_1583, %swap3A_1584] {strides = array<i32>} : memref<160x64xf32, #tpu.memory_space<vmem>>, vector<1x16xf32>,
      %swap3A_1586 = vector.shape_cast %swap3A_1585 : vector<1x16xf32> to vector<16xf32>
      %swap3A_1587 = vector.shape_cast %mul3A_1582 : vector<16xf32> to vector<1x16xf32>
      tpu.vector_store %arg13[%swap3A_1583, %swap3A_1584], %swap3A_1587 {strides = array<i32>} : memref<160x64xf32, #tpu.memory_space<vmem>>, vector<1x16xf32>,
      %get3A_1588 = arith.index_cast %add3A_1564 : i32 to index
      %get3A_1589 = arith.constant 32 : index
      %get3A_1590 = tpu.vector_load %arg13[%get3A_1588, %get3A_1589] {strides = array<i32>} : memref<160x64xf32, #tpu.memory_space<vmem>>, vector<1x16xf32>,
      %get3A_1591 = vector.shape_cast %get3A_1590 : vector<1x16xf32> to vector<16xf32>
      %mul3A_1592 = arith.mulf %get3A_1591, %broadcast_in_dim3A_1567 : vector<16xf32>
      %swap3A_1593 = arith.index_cast %add3A_1564 : i32 to index
      %swap3A_1594 = arith.constant 32 : index
      %swap3A_1595 = tpu.vector_load %arg13[%swap3A_1593, %swap3A_1594] {strides = array<i32>} : memref<160x64xf32, #tpu.memory_space<vmem>>, vector<1x16xf32>,
      %swap3A_1596 = vector.shape_cast %swap3A_1595 : vector<1x16xf32> to vector<16xf32>
      %swap3A_1597 = vector.shape_cast %mul3A_1592 : vector<16xf32> to vector<1x16xf32>
      tpu.vector_store %arg13[%swap3A_1593, %swap3A_1594], %swap3A_1597 {strides = array<i32>} : memref<160x64xf32, #tpu.memory_space<vmem>>, vector<1x16xf32>,
      %get3A_1598 = arith.index_cast %add3A_1564 : i32 to index
      %get3A_1599 = arith.constant 48 : index
      %get3A_1600 = tpu.vector_load %arg13[%get3A_1598, %get3A_1599] {strides = array<i32>} : memref<160x64xf32, #tpu.memory_space<vmem>>, vector<1x16xf32>,
      %get3A_1601 = vector.shape_cast %get3A_1600 : vector<1x16xf32> to vector<16xf32>
      %mul3A_1602 = arith.mulf %get3A_1601, %broadcast_in_dim3A_1567 : vector<16xf32>
      %swap3A_1603 = arith.index_cast %add3A_1564 : i32 to index
      %swap3A_1604 = arith.constant 48 : index
      %swap3A_1605 = tpu.vector_load %arg13[%swap3A_1603, %swap3A_1604] {strides = array<i32>} : memref<160x64xf32, #tpu.memory_space<vmem>>, vector<1x16xf32>,
      %swap3A_1606 = vector.shape_cast %swap3A_1605 : vector<1x16xf32> to vector<16xf32>
      %swap3A_1607 = vector.shape_cast %mul3A_1602 : vector<16xf32> to vector<1x16xf32>
      tpu.vector_store %arg13[%swap3A_1603, %swap3A_1604], %swap3A_1607 {strides = array<i32>} : memref<160x64xf32, #tpu.memory_space<vmem>>, vector<1x16xf32>,
    }
    %scan3A_829 = arith.constant 10 : i32
    "tpu.region"() ({
      %run_scoped3A = tpu.sem_alloc : memref<!tpu.dma_semaphore, #tpu.memory_space<semaphore_mem>>
      %dma_start3A = arith.constant 160 : i32
      %dma_start3A_850 = arith.constant 0 : i32
      %dma_start3A_851 = tpu.memref_slice %arg7[%arg0, %arg1, %dma_start3A, %dma_start3A_850] : memref<2x16x640x64xf32, #tpu.memory_space<hbm>> -> memref<1x1x160x64xf32, #tpu.memory_space<hbm>>
      %dma_start3A_852 = tpu.memref_squeeze %dma_start3A_851 : memref<1x1x160x64xf32, #tpu.memory_space<hbm>> -> memref<160x64xf32, #tpu.memory_space<hbm>>
      %dma_start3A_853 = arith.constant 160 : i32
      %dma_start3A_854 = arith.constant 0 : i32
      %dma_start3A_855 = tpu.memref_slice %arg7[%arg0, %arg1, %dma_start3A_853, %dma_start3A_854] : memref<2x16x640x64xf32, #tpu.memory_space<hbm>> -> memref<1x1x160x64xf32, #tpu.memory_space<hbm>>
      %dma_start3A_856 = tpu.memref_squeeze %dma_start3A_855 : memref<1x1x160x64xf32, #tpu.memory_space<hbm>> -> memref<160x64xf32, #tpu.memory_space<hbm>>
      tpu.enqueue_dma source(%arg13 : memref<160x64xf32, #tpu.memory_space<vmem>>) target(%dma_start3A_856 : memref<160x64xf32, #tpu.memory_space<hbm>>) target_semaphore(%run_scoped3A : memref<!tpu.dma_semaphore, #tpu.memory_space<semaphore_mem>>)
      %dma_wait3A = arith.constant 160 : i32
      %dma_wait3A_857 = arith.constant 0 : i32
      %dma_wait3A_858 = tpu.memref_slice %arg7[%arg0, %arg1, %dma_wait3A, %dma_wait3A_857] : memref<2x16x640x64xf32, #tpu.memory_space<hbm>> -> memref<1x1x160x64xf32, #tpu.memory_space<hbm>>
      %dma_wait3A_859 = tpu.memref_squeeze %dma_wait3A_858 : memref<1x1x160x64xf32, #tpu.memory_space<hbm>> -> memref<160x64xf32, #tpu.memory_space<hbm>>
      %dma_wait3A_860 = arith.constant 160 : i32
      %dma_wait3A_861 = arith.constant 0 : i32
      %dma_wait3A_862 = tpu.memref_slice %arg7[%arg0, %arg1, %dma_wait3A_860, %dma_wait3A_861] : memref<2x16x640x64xf32, #tpu.memory_space<hbm>> -> memref<1x1x160x64xf32, #tpu.memory_space<hbm>>
      %dma_wait3A_863 = tpu.memref_squeeze %dma_wait3A_862 : memref<1x1x160x64xf32, #tpu.memory_space<hbm>> -> memref<160x64xf32, #tpu.memory_space<hbm>>
      tpu.wait_dma2 semaphore(%run_scoped3A : memref<!tpu.dma_semaphore, #tpu.memory_space<semaphore_mem>>) src(%arg13 : memref<160x64xf32, #tpu.memory_space<vmem>>) dst(%dma_wait3A_863 : memref<160x64xf32, #tpu.memory_space<hbm>>)
      tpu.yield
    }) : () -> ()
    %mul3A_830 = arith.constant 640 : i32
    %mul3A_831 = arith.muli %arg1, %mul3A_830 : i32
    %add3A_832 = arith.constant 320 : i32
    %add3A_833 = arith.addi %mul3A_831, %add3A_832 : i32
    "tpu.region"() ({
      %run_scoped3A = tpu.sem_alloc : memref<!tpu.dma_semaphore, #tpu.memory_space<semaphore_mem>>
      %dma_start3A = arith.constant 0 : i32
      %dma_start3A_850 = tpu.memref_slice %arg14[%add3A_833, %dma_start3A] : memref<10240x64xf32, #tpu.memory_space<vmem_shared>> -> memref<160x64xf32, #tpu.memory_space<vmem_shared>>
      %dma_start3A_851 = arith.constant 0 : i32
      %dma_start3A_852 = tpu.memref_slice %arg14[%add3A_833, %dma_start3A_851] : memref<10240x64xf32, #tpu.memory_space<vmem_shared>> -> memref<160x64xf32, #tpu.memory_space<vmem_shared>>
      tpu.enqueue_dma source(%dma_start3A_852 : memref<160x64xf32, #tpu.memory_space<vmem_shared>>) target(%arg13 : memref<160x64xf32, #tpu.memory_space<vmem>>) target_semaphore(%run_scoped3A : memref<!tpu.dma_semaphore, #tpu.memory_space<semaphore_mem>>)
      %dma_wait3A = arith.constant 0 : i32
      %dma_wait3A_853 = tpu.memref_slice %arg14[%add3A_833, %dma_wait3A] : memref<10240x64xf32, #tpu.memory_space<vmem_shared>> -> memref<160x64xf32, #tpu.memory_space<vmem_shared>>
      %dma_wait3A_854 = arith.constant 0 : i32
      %dma_wait3A_855 = tpu.memref_slice %arg14[%add3A_833, %dma_wait3A_854] : memref<10240x64xf32, #tpu.memory_space<vmem_shared>> -> memref<160x64xf32, #tpu.memory_space<vmem_shared>>
      tpu.wait_dma2 semaphore(%run_scoped3A : memref<!tpu.dma_semaphore, #tpu.memory_space<semaphore_mem>>) src(%dma_wait3A_855 : memref<160x64xf32, #tpu.memory_space<vmem_shared>>) dst(%arg13 : memref<160x64xf32, #tpu.memory_space<vmem>>)
      tpu.yield
    }) : () -> ()
    %scan3A_834 = arith.constant 0 : i32
    %scan3A_835 = arith.constant 0 : i32
    %scan3A_836 = arith.constant 10 : i32
    %scan3A_837 = arith.addi %scan3A_835, %scan3A_836 : i32
    %scan3A_838 = arith.constant 1 : i32
    scf.for %scan3A_850 = %scan3A_835 to %scan3A_837 step %scan3A_838  : i32 {
      %mul3A_851 = arith.constant 16 : i32
      %mul3A_852 = arith.muli %scan3A_850, %mul3A_851 : i32
      %add3A_853 = arith.constant 320 : i32
      %add3A_854 = arith.addi %add3A_853, %mul3A_852 : i32
      %get3A_855 = arith.index_cast %add3A_854 : i32 to index
      %get3A_856 = tpu.vector_load %arg12[%get3A_855] {strides = array<i32>} : memref<640xf32, #tpu.memory_space<vmem>>, vector<16xf32>,
      %get3A_857 = vector.shape_cast %get3A_856 : vector<16xf32> to vector<16xf32>
      %mul3A_858 = arith.constant 16 : i32
      %mul3A_859 = arith.muli %scan3A_850, %mul3A_858 : i32
      %add3A_860 = arith.constant 0 : i32
      %add3A_861 = arith.addi %mul3A_859, %add3A_860 : i32
      %slice3A = vector.extract_strided_slice %get3A_857 {offsets = [0], sizes = [1], strides = [1]} : vector<16xf32> to vector<1xf32>
      %squeeze3A = vector.extract %slice3A[0] : f32 from vector<1xf32>
      %broadcast_in_dim3A_862 = vector.broadcast %squeeze3A : f32 to vector<16xf32>
      %get3A_863 = arith.index_cast %add3A_861 : i32 to index
      %get3A_864 = arith.constant 0 : index
      %get3A_865 = tpu.vector_load %arg13[%get3A_863, %get3A_864] {strides = array<i32>} : memref<160x64xf32, #tpu.memory_space<vmem>>, vector<1x16xf32>,
      %get3A_866 = vector.shape_cast %get3A_865 : vector<1x16xf32> to vector<16xf32>
      %mul3A_867 = arith.mulf %get3A_866, %broadcast_in_dim3A_862 : vector<16xf32>
      %swap3A_868 = arith.index_cast %add3A_861 : i32 to index
      %swap3A_869 = arith.constant 0 : index
      %swap3A_870 = tpu.vector_load %arg13[%swap3A_868, %swap3A_869] {strides = array<i32>} : memref<160x64xf32, #tpu.memory_space<vmem>>, vector<1x16xf32>,
      %swap3A_871 = vector.shape_cast %swap3A_870 : vector<1x16xf32> to vector<16xf32>
      %swap3A_872 = vector.shape_cast %mul3A_867 : vector<16xf32> to vector<1x16xf32>
      tpu.vector_store %arg13[%swap3A_868, %swap3A_869], %swap3A_872 {strides = array<i32>} : memref<160x64xf32, #tpu.memory_space<vmem>>, vector<1x16xf32>,
      %get3A_873 = arith.index_cast %add3A_861 : i32 to index
      %get3A_874 = arith.constant 16 : index
      %get3A_875 = tpu.vector_load %arg13[%get3A_873, %get3A_874] {strides = array<i32>} : memref<160x64xf32, #tpu.memory_space<vmem>>, vector<1x16xf32>,
      %get3A_876 = vector.shape_cast %get3A_875 : vector<1x16xf32> to vector<16xf32>
      %mul3A_877 = arith.mulf %get3A_876, %broadcast_in_dim3A_862 : vector<16xf32>
      %swap3A_878 = arith.index_cast %add3A_861 : i32 to index
      %swap3A_879 = arith.constant 16 : index
      %swap3A_880 = tpu.vector_load %arg13[%swap3A_878, %swap3A_879] {strides = array<i32>} : memref<160x64xf32, #tpu.memory_space<vmem>>, vector<1x16xf32>,
      %swap3A_881 = vector.shape_cast %swap3A_880 : vector<1x16xf32> to vector<16xf32>
      %swap3A_882 = vector.shape_cast %mul3A_877 : vector<16xf32> to vector<1x16xf32>
      tpu.vector_store %arg13[%swap3A_878, %swap3A_879], %swap3A_882 {strides = array<i32>} : memref<160x64xf32, #tpu.memory_space<vmem>>, vector<1x16xf32>,
      %get3A_883 = arith.index_cast %add3A_861 : i32 to index
      %get3A_884 = arith.constant 32 : index
      %get3A_885 = tpu.vector_load %arg13[%get3A_883, %get3A_884] {strides = array<i32>} : memref<160x64xf32, #tpu.memory_space<vmem>>, vector<1x16xf32>,
      %get3A_886 = vector.shape_cast %get3A_885 : vector<1x16xf32> to vector<16xf32>
      %mul3A_887 = arith.mulf %get3A_886, %broadcast_in_dim3A_862 : vector<16xf32>
      %swap3A_888 = arith.index_cast %add3A_861 : i32 to index
      %swap3A_889 = arith.constant 32 : index
      %swap3A_890 = tpu.vector_load %arg13[%swap3A_888, %swap3A_889] {strides = array<i32>} : memref<160x64xf32, #tpu.memory_space<vmem>>, vector<1x16xf32>,
      %swap3A_891 = vector.shape_cast %swap3A_890 : vector<1x16xf32> to vector<16xf32>
      %swap3A_892 = vector.shape_cast %mul3A_887 : vector<16xf32> to vector<1x16xf32>
      tpu.vector_store %arg13[%swap3A_888, %swap3A_889], %swap3A_892 {strides = array<i32>} : memref<160x64xf32, #tpu.memory_space<vmem>>, vector<1x16xf32>,
      %get3A_893 = arith.index_cast %add3A_861 : i32 to index
      %get3A_894 = arith.constant 48 : index
      %get3A_895 = tpu.vector_load %arg13[%get3A_893, %get3A_894] {strides = array<i32>} : memref<160x64xf32, #tpu.memory_space<vmem>>, vector<1x16xf32>,
      %get3A_896 = vector.shape_cast %get3A_895 : vector<1x16xf32> to vector<16xf32>
      %mul3A_897 = arith.mulf %get3A_896, %broadcast_in_dim3A_862 : vector<16xf32>
      %swap3A_898 = arith.index_cast %add3A_861 : i32 to index
      %swap3A_899 = arith.constant 48 : index
      %swap3A_900 = tpu.vector_load %arg13[%swap3A_898, %swap3A_899] {strides = array<i32>} : memref<160x64xf32, #tpu.memory_space<vmem>>, vector<1x16xf32>,
      %swap3A_901 = vector.shape_cast %swap3A_900 : vector<1x16xf32> to vector<16xf32>
      %swap3A_902 = vector.shape_cast %mul3A_897 : vector<16xf32> to vector<1x16xf32>
      tpu.vector_store %arg13[%swap3A_898, %swap3A_899], %swap3A_902 {strides = array<i32>} : memref<160x64xf32, #tpu.memory_space<vmem>>, vector<1x16xf32>,
      %mul3A_903 = arith.constant 16 : i32
      %mul3A_904 = arith.muli %scan3A_850, %mul3A_903 : i32
      %add3A_905 = arith.constant 1 : i32
      %add3A_906 = arith.addi %mul3A_904, %add3A_905 : i32
      %slice3A_907 = vector.extract_strided_slice %get3A_857 {offsets = [1], sizes = [1], strides = [1]} : vector<16xf32> to vector<1xf32>
      %squeeze3A_908 = vector.extract %slice3A_907[0] : f32 from vector<1xf32>
      %broadcast_in_dim3A_909 = vector.broadcast %squeeze3A_908 : f32 to vector<16xf32>
      %get3A_910 = arith.index_cast %add3A_906 : i32 to index
      %get3A_911 = arith.constant 0 : index
      %get3A_912 = tpu.vector_load %arg13[%get3A_910, %get3A_911] {strides = array<i32>} : memref<160x64xf32, #tpu.memory_space<vmem>>, vector<1x16xf32>,
      %get3A_913 = vector.shape_cast %get3A_912 : vector<1x16xf32> to vector<16xf32>
      %mul3A_914 = arith.mulf %get3A_913, %broadcast_in_dim3A_909 : vector<16xf32>
      %swap3A_915 = arith.index_cast %add3A_906 : i32 to index
      %swap3A_916 = arith.constant 0 : index
      %swap3A_917 = tpu.vector_load %arg13[%swap3A_915, %swap3A_916] {strides = array<i32>} : memref<160x64xf32, #tpu.memory_space<vmem>>, vector<1x16xf32>,
      %swap3A_918 = vector.shape_cast %swap3A_917 : vector<1x16xf32> to vector<16xf32>
      %swap3A_919 = vector.shape_cast %mul3A_914 : vector<16xf32> to vector<1x16xf32>
      tpu.vector_store %arg13[%swap3A_915, %swap3A_916], %swap3A_919 {strides = array<i32>} : memref<160x64xf32, #tpu.memory_space<vmem>>, vector<1x16xf32>,
      %get3A_920 = arith.index_cast %add3A_906 : i32 to index
      %get3A_921 = arith.constant 16 : index
      %get3A_922 = tpu.vector_load %arg13[%get3A_920, %get3A_921] {strides = array<i32>} : memref<160x64xf32, #tpu.memory_space<vmem>>, vector<1x16xf32>,
      %get3A_923 = vector.shape_cast %get3A_922 : vector<1x16xf32> to vector<16xf32>
      %mul3A_924 = arith.mulf %get3A_923, %broadcast_in_dim3A_909 : vector<16xf32>
      %swap3A_925 = arith.index_cast %add3A_906 : i32 to index
      %swap3A_926 = arith.constant 16 : index
      %swap3A_927 = tpu.vector_load %arg13[%swap3A_925, %swap3A_926] {strides = array<i32>} : memref<160x64xf32, #tpu.memory_space<vmem>>, vector<1x16xf32>,
      %swap3A_928 = vector.shape_cast %swap3A_927 : vector<1x16xf32> to vector<16xf32>
      %swap3A_929 = vector.shape_cast %mul3A_924 : vector<16xf32> to vector<1x16xf32>
      tpu.vector_store %arg13[%swap3A_925, %swap3A_926], %swap3A_929 {strides = array<i32>} : memref<160x64xf32, #tpu.memory_space<vmem>>, vector<1x16xf32>,
      %get3A_930 = arith.index_cast %add3A_906 : i32 to index
      %get3A_931 = arith.constant 32 : index
      %get3A_932 = tpu.vector_load %arg13[%get3A_930, %get3A_931] {strides = array<i32>} : memref<160x64xf32, #tpu.memory_space<vmem>>, vector<1x16xf32>,
      %get3A_933 = vector.shape_cast %get3A_932 : vector<1x16xf32> to vector<16xf32>
      %mul3A_934 = arith.mulf %get3A_933, %broadcast_in_dim3A_909 : vector<16xf32>
      %swap3A_935 = arith.index_cast %add3A_906 : i32 to index
      %swap3A_936 = arith.constant 32 : index
      %swap3A_937 = tpu.vector_load %arg13[%swap3A_935, %swap3A_936] {strides = array<i32>} : memref<160x64xf32, #tpu.memory_space<vmem>>, vector<1x16xf32>,
      %swap3A_938 = vector.shape_cast %swap3A_937 : vector<1x16xf32> to vector<16xf32>
      %swap3A_939 = vector.shape_cast %mul3A_934 : vector<16xf32> to vector<1x16xf32>
      tpu.vector_store %arg13[%swap3A_935, %swap3A_936], %swap3A_939 {strides = array<i32>} : memref<160x64xf32, #tpu.memory_space<vmem>>, vector<1x16xf32>,
      %get3A_940 = arith.index_cast %add3A_906 : i32 to index
      %get3A_941 = arith.constant 48 : index
      %get3A_942 = tpu.vector_load %arg13[%get3A_940, %get3A_941] {strides = array<i32>} : memref<160x64xf32, #tpu.memory_space<vmem>>, vector<1x16xf32>,
      %get3A_943 = vector.shape_cast %get3A_942 : vector<1x16xf32> to vector<16xf32>
      %mul3A_944 = arith.mulf %get3A_943, %broadcast_in_dim3A_909 : vector<16xf32>
      %swap3A_945 = arith.index_cast %add3A_906 : i32 to index
      %swap3A_946 = arith.constant 48 : index
      %swap3A_947 = tpu.vector_load %arg13[%swap3A_945, %swap3A_946] {strides = array<i32>} : memref<160x64xf32, #tpu.memory_space<vmem>>, vector<1x16xf32>,
      %swap3A_948 = vector.shape_cast %swap3A_947 : vector<1x16xf32> to vector<16xf32>
      %swap3A_949 = vector.shape_cast %mul3A_944 : vector<16xf32> to vector<1x16xf32>
      tpu.vector_store %arg13[%swap3A_945, %swap3A_946], %swap3A_949 {strides = array<i32>} : memref<160x64xf32, #tpu.memory_space<vmem>>, vector<1x16xf32>,
      %mul3A_950 = arith.constant 16 : i32
      %mul3A_951 = arith.muli %scan3A_850, %mul3A_950 : i32
      %add3A_952 = arith.constant 2 : i32
      %add3A_953 = arith.addi %mul3A_951, %add3A_952 : i32
      %slice3A_954 = vector.extract_strided_slice %get3A_857 {offsets = [2], sizes = [1], strides = [1]} : vector<16xf32> to vector<1xf32>
      %squeeze3A_955 = vector.extract %slice3A_954[0] : f32 from vector<1xf32>
      %broadcast_in_dim3A_956 = vector.broadcast %squeeze3A_955 : f32 to vector<16xf32>
      %get3A_957 = arith.index_cast %add3A_953 : i32 to index
      %get3A_958 = arith.constant 0 : index
      %get3A_959 = tpu.vector_load %arg13[%get3A_957, %get3A_958] {strides = array<i32>} : memref<160x64xf32, #tpu.memory_space<vmem>>, vector<1x16xf32>,
      %get3A_960 = vector.shape_cast %get3A_959 : vector<1x16xf32> to vector<16xf32>
      %mul3A_961 = arith.mulf %get3A_960, %broadcast_in_dim3A_956 : vector<16xf32>
      %swap3A_962 = arith.index_cast %add3A_953 : i32 to index
      %swap3A_963 = arith.constant 0 : index
      %swap3A_964 = tpu.vector_load %arg13[%swap3A_962, %swap3A_963] {strides = array<i32>} : memref<160x64xf32, #tpu.memory_space<vmem>>, vector<1x16xf32>,
      %swap3A_965 = vector.shape_cast %swap3A_964 : vector<1x16xf32> to vector<16xf32>
      %swap3A_966 = vector.shape_cast %mul3A_961 : vector<16xf32> to vector<1x16xf32>
      tpu.vector_store %arg13[%swap3A_962, %swap3A_963], %swap3A_966 {strides = array<i32>} : memref<160x64xf32, #tpu.memory_space<vmem>>, vector<1x16xf32>,
      %get3A_967 = arith.index_cast %add3A_953 : i32 to index
      %get3A_968 = arith.constant 16 : index
      %get3A_969 = tpu.vector_load %arg13[%get3A_967, %get3A_968] {strides = array<i32>} : memref<160x64xf32, #tpu.memory_space<vmem>>, vector<1x16xf32>,
      %get3A_970 = vector.shape_cast %get3A_969 : vector<1x16xf32> to vector<16xf32>
      %mul3A_971 = arith.mulf %get3A_970, %broadcast_in_dim3A_956 : vector<16xf32>
      %swap3A_972 = arith.index_cast %add3A_953 : i32 to index
      %swap3A_973 = arith.constant 16 : index
      %swap3A_974 = tpu.vector_load %arg13[%swap3A_972, %swap3A_973] {strides = array<i32>} : memref<160x64xf32, #tpu.memory_space<vmem>>, vector<1x16xf32>,
      %swap3A_975 = vector.shape_cast %swap3A_974 : vector<1x16xf32> to vector<16xf32>
      %swap3A_976 = vector.shape_cast %mul3A_971 : vector<16xf32> to vector<1x16xf32>
      tpu.vector_store %arg13[%swap3A_972, %swap3A_973], %swap3A_976 {strides = array<i32>} : memref<160x64xf32, #tpu.memory_space<vmem>>, vector<1x16xf32>,
      %get3A_977 = arith.index_cast %add3A_953 : i32 to index
      %get3A_978 = arith.constant 32 : index
      %get3A_979 = tpu.vector_load %arg13[%get3A_977, %get3A_978] {strides = array<i32>} : memref<160x64xf32, #tpu.memory_space<vmem>>, vector<1x16xf32>,
      %get3A_980 = vector.shape_cast %get3A_979 : vector<1x16xf32> to vector<16xf32>
      %mul3A_981 = arith.mulf %get3A_980, %broadcast_in_dim3A_956 : vector<16xf32>
      %swap3A_982 = arith.index_cast %add3A_953 : i32 to index
      %swap3A_983 = arith.constant 32 : index
      %swap3A_984 = tpu.vector_load %arg13[%swap3A_982, %swap3A_983] {strides = array<i32>} : memref<160x64xf32, #tpu.memory_space<vmem>>, vector<1x16xf32>,
      %swap3A_985 = vector.shape_cast %swap3A_984 : vector<1x16xf32> to vector<16xf32>
      %swap3A_986 = vector.shape_cast %mul3A_981 : vector<16xf32> to vector<1x16xf32>
      tpu.vector_store %arg13[%swap3A_982, %swap3A_983], %swap3A_986 {strides = array<i32>} : memref<160x64xf32, #tpu.memory_space<vmem>>, vector<1x16xf32>,
      %get3A_987 = arith.index_cast %add3A_953 : i32 to index
      %get3A_988 = arith.constant 48 : index
      %get3A_989 = tpu.vector_load %arg13[%get3A_987, %get3A_988] {strides = array<i32>} : memref<160x64xf32, #tpu.memory_space<vmem>>, vector<1x16xf32>,
      %get3A_990 = vector.shape_cast %get3A_989 : vector<1x16xf32> to vector<16xf32>
      %mul3A_991 = arith.mulf %get3A_990, %broadcast_in_dim3A_956 : vector<16xf32>
      %swap3A_992 = arith.index_cast %add3A_953 : i32 to index
      %swap3A_993 = arith.constant 48 : index
      %swap3A_994 = tpu.vector_load %arg13[%swap3A_992, %swap3A_993] {strides = array<i32>} : memref<160x64xf32, #tpu.memory_space<vmem>>, vector<1x16xf32>,
      %swap3A_995 = vector.shape_cast %swap3A_994 : vector<1x16xf32> to vector<16xf32>
      %swap3A_996 = vector.shape_cast %mul3A_991 : vector<16xf32> to vector<1x16xf32>
      tpu.vector_store %arg13[%swap3A_992, %swap3A_993], %swap3A_996 {strides = array<i32>} : memref<160x64xf32, #tpu.memory_space<vmem>>, vector<1x16xf32>,
      %mul3A_997 = arith.constant 16 : i32
      %mul3A_998 = arith.muli %scan3A_850, %mul3A_997 : i32
      %add3A_999 = arith.constant 3 : i32
      %add3A_1000 = arith.addi %mul3A_998, %add3A_999 : i32
      %slice3A_1001 = vector.extract_strided_slice %get3A_857 {offsets = [3], sizes = [1], strides = [1]} : vector<16xf32> to vector<1xf32>
      %squeeze3A_1002 = vector.extract %slice3A_1001[0] : f32 from vector<1xf32>
      %broadcast_in_dim3A_1003 = vector.broadcast %squeeze3A_1002 : f32 to vector<16xf32>
      %get3A_1004 = arith.index_cast %add3A_1000 : i32 to index
      %get3A_1005 = arith.constant 0 : index
      %get3A_1006 = tpu.vector_load %arg13[%get3A_1004, %get3A_1005] {strides = array<i32>} : memref<160x64xf32, #tpu.memory_space<vmem>>, vector<1x16xf32>,
      %get3A_1007 = vector.shape_cast %get3A_1006 : vector<1x16xf32> to vector<16xf32>
      %mul3A_1008 = arith.mulf %get3A_1007, %broadcast_in_dim3A_1003 : vector<16xf32>
      %swap3A_1009 = arith.index_cast %add3A_1000 : i32 to index
      %swap3A_1010 = arith.constant 0 : index
      %swap3A_1011 = tpu.vector_load %arg13[%swap3A_1009, %swap3A_1010] {strides = array<i32>} : memref<160x64xf32, #tpu.memory_space<vmem>>, vector<1x16xf32>,
      %swap3A_1012 = vector.shape_cast %swap3A_1011 : vector<1x16xf32> to vector<16xf32>
      %swap3A_1013 = vector.shape_cast %mul3A_1008 : vector<16xf32> to vector<1x16xf32>
      tpu.vector_store %arg13[%swap3A_1009, %swap3A_1010], %swap3A_1013 {strides = array<i32>} : memref<160x64xf32, #tpu.memory_space<vmem>>, vector<1x16xf32>,
      %get3A_1014 = arith.index_cast %add3A_1000 : i32 to index
      %get3A_1015 = arith.constant 16 : index
      %get3A_1016 = tpu.vector_load %arg13[%get3A_1014, %get3A_1015] {strides = array<i32>} : memref<160x64xf32, #tpu.memory_space<vmem>>, vector<1x16xf32>,
      %get3A_1017 = vector.shape_cast %get3A_1016 : vector<1x16xf32> to vector<16xf32>
      %mul3A_1018 = arith.mulf %get3A_1017, %broadcast_in_dim3A_1003 : vector<16xf32>
      %swap3A_1019 = arith.index_cast %add3A_1000 : i32 to index
      %swap3A_1020 = arith.constant 16 : index
      %swap3A_1021 = tpu.vector_load %arg13[%swap3A_1019, %swap3A_1020] {strides = array<i32>} : memref<160x64xf32, #tpu.memory_space<vmem>>, vector<1x16xf32>,
      %swap3A_1022 = vector.shape_cast %swap3A_1021 : vector<1x16xf32> to vector<16xf32>
      %swap3A_1023 = vector.shape_cast %mul3A_1018 : vector<16xf32> to vector<1x16xf32>
      tpu.vector_store %arg13[%swap3A_1019, %swap3A_1020], %swap3A_1023 {strides = array<i32>} : memref<160x64xf32, #tpu.memory_space<vmem>>, vector<1x16xf32>,
      %get3A_1024 = arith.index_cast %add3A_1000 : i32 to index
      %get3A_1025 = arith.constant 32 : index
      %get3A_1026 = tpu.vector_load %arg13[%get3A_1024, %get3A_1025] {strides = array<i32>} : memref<160x64xf32, #tpu.memory_space<vmem>>, vector<1x16xf32>,
      %get3A_1027 = vector.shape_cast %get3A_1026 : vector<1x16xf32> to vector<16xf32>
      %mul3A_1028 = arith.mulf %get3A_1027, %broadcast_in_dim3A_1003 : vector<16xf32>
      %swap3A_1029 = arith.index_cast %add3A_1000 : i32 to index
      %swap3A_1030 = arith.constant 32 : index
      %swap3A_1031 = tpu.vector_load %arg13[%swap3A_1029, %swap3A_1030] {strides = array<i32>} : memref<160x64xf32, #tpu.memory_space<vmem>>, vector<1x16xf32>,
      %swap3A_1032 = vector.shape_cast %swap3A_1031 : vector<1x16xf32> to vector<16xf32>
      %swap3A_1033 = vector.shape_cast %mul3A_1028 : vector<16xf32> to vector<1x16xf32>
      tpu.vector_store %arg13[%swap3A_1029, %swap3A_1030], %swap3A_1033 {strides = array<i32>} : memref<160x64xf32, #tpu.memory_space<vmem>>, vector<1x16xf32>,
      %get3A_1034 = arith.index_cast %add3A_1000 : i32 to index
      %get3A_1035 = arith.constant 48 : index
      %get3A_1036 = tpu.vector_load %arg13[%get3A_1034, %get3A_1035] {strides = array<i32>} : memref<160x64xf32, #tpu.memory_space<vmem>>, vector<1x16xf32>,
      %get3A_1037 = vector.shape_cast %get3A_1036 : vector<1x16xf32> to vector<16xf32>
      %mul3A_1038 = arith.mulf %get3A_1037, %broadcast_in_dim3A_1003 : vector<16xf32>
      %swap3A_1039 = arith.index_cast %add3A_1000 : i32 to index
      %swap3A_1040 = arith.constant 48 : index
      %swap3A_1041 = tpu.vector_load %arg13[%swap3A_1039, %swap3A_1040] {strides = array<i32>} : memref<160x64xf32, #tpu.memory_space<vmem>>, vector<1x16xf32>,
      %swap3A_1042 = vector.shape_cast %swap3A_1041 : vector<1x16xf32> to vector<16xf32>
      %swap3A_1043 = vector.shape_cast %mul3A_1038 : vector<16xf32> to vector<1x16xf32>
      tpu.vector_store %arg13[%swap3A_1039, %swap3A_1040], %swap3A_1043 {strides = array<i32>} : memref<160x64xf32, #tpu.memory_space<vmem>>, vector<1x16xf32>,
      %mul3A_1044 = arith.constant 16 : i32
      %mul3A_1045 = arith.muli %scan3A_850, %mul3A_1044 : i32
      %add3A_1046 = arith.constant 4 : i32
      %add3A_1047 = arith.addi %mul3A_1045, %add3A_1046 : i32
      %slice3A_1048 = vector.extract_strided_slice %get3A_857 {offsets = [4], sizes = [1], strides = [1]} : vector<16xf32> to vector<1xf32>
      %squeeze3A_1049 = vector.extract %slice3A_1048[0] : f32 from vector<1xf32>
      %broadcast_in_dim3A_1050 = vector.broadcast %squeeze3A_1049 : f32 to vector<16xf32>
      %get3A_1051 = arith.index_cast %add3A_1047 : i32 to index
      %get3A_1052 = arith.constant 0 : index
      %get3A_1053 = tpu.vector_load %arg13[%get3A_1051, %get3A_1052] {strides = array<i32>} : memref<160x64xf32, #tpu.memory_space<vmem>>, vector<1x16xf32>,
      %get3A_1054 = vector.shape_cast %get3A_1053 : vector<1x16xf32> to vector<16xf32>
      %mul3A_1055 = arith.mulf %get3A_1054, %broadcast_in_dim3A_1050 : vector<16xf32>
      %swap3A_1056 = arith.index_cast %add3A_1047 : i32 to index
      %swap3A_1057 = arith.constant 0 : index
      %swap3A_1058 = tpu.vector_load %arg13[%swap3A_1056, %swap3A_1057] {strides = array<i32>} : memref<160x64xf32, #tpu.memory_space<vmem>>, vector<1x16xf32>,
      %swap3A_1059 = vector.shape_cast %swap3A_1058 : vector<1x16xf32> to vector<16xf32>
      %swap3A_1060 = vector.shape_cast %mul3A_1055 : vector<16xf32> to vector<1x16xf32>
      tpu.vector_store %arg13[%swap3A_1056, %swap3A_1057], %swap3A_1060 {strides = array<i32>} : memref<160x64xf32, #tpu.memory_space<vmem>>, vector<1x16xf32>,
      %get3A_1061 = arith.index_cast %add3A_1047 : i32 to index
      %get3A_1062 = arith.constant 16 : index
      %get3A_1063 = tpu.vector_load %arg13[%get3A_1061, %get3A_1062] {strides = array<i32>} : memref<160x64xf32, #tpu.memory_space<vmem>>, vector<1x16xf32>,
      %get3A_1064 = vector.shape_cast %get3A_1063 : vector<1x16xf32> to vector<16xf32>
      %mul3A_1065 = arith.mulf %get3A_1064, %broadcast_in_dim3A_1050 : vector<16xf32>
      %swap3A_1066 = arith.index_cast %add3A_1047 : i32 to index
      %swap3A_1067 = arith.constant 16 : index
      %swap3A_1068 = tpu.vector_load %arg13[%swap3A_1066, %swap3A_1067] {strides = array<i32>} : memref<160x64xf32, #tpu.memory_space<vmem>>, vector<1x16xf32>,
      %swap3A_1069 = vector.shape_cast %swap3A_1068 : vector<1x16xf32> to vector<16xf32>
      %swap3A_1070 = vector.shape_cast %mul3A_1065 : vector<16xf32> to vector<1x16xf32>
      tpu.vector_store %arg13[%swap3A_1066, %swap3A_1067], %swap3A_1070 {strides = array<i32>} : memref<160x64xf32, #tpu.memory_space<vmem>>, vector<1x16xf32>,
      %get3A_1071 = arith.index_cast %add3A_1047 : i32 to index
      %get3A_1072 = arith.constant 32 : index
      %get3A_1073 = tpu.vector_load %arg13[%get3A_1071, %get3A_1072] {strides = array<i32>} : memref<160x64xf32, #tpu.memory_space<vmem>>, vector<1x16xf32>,
      %get3A_1074 = vector.shape_cast %get3A_1073 : vector<1x16xf32> to vector<16xf32>
      %mul3A_1075 = arith.mulf %get3A_1074, %broadcast_in_dim3A_1050 : vector<16xf32>
      %swap3A_1076 = arith.index_cast %add3A_1047 : i32 to index
      %swap3A_1077 = arith.constant 32 : index
      %swap3A_1078 = tpu.vector_load %arg13[%swap3A_1076, %swap3A_1077] {strides = array<i32>} : memref<160x64xf32, #tpu.memory_space<vmem>>, vector<1x16xf32>,
      %swap3A_1079 = vector.shape_cast %swap3A_1078 : vector<1x16xf32> to vector<16xf32>
      %swap3A_1080 = vector.shape_cast %mul3A_1075 : vector<16xf32> to vector<1x16xf32>
      tpu.vector_store %arg13[%swap3A_1076, %swap3A_1077], %swap3A_1080 {strides = array<i32>} : memref<160x64xf32, #tpu.memory_space<vmem>>, vector<1x16xf32>,
      %get3A_1081 = arith.index_cast %add3A_1047 : i32 to index
      %get3A_1082 = arith.constant 48 : index
      %get3A_1083 = tpu.vector_load %arg13[%get3A_1081, %get3A_1082] {strides = array<i32>} : memref<160x64xf32, #tpu.memory_space<vmem>>, vector<1x16xf32>,
      %get3A_1084 = vector.shape_cast %get3A_1083 : vector<1x16xf32> to vector<16xf32>
      %mul3A_1085 = arith.mulf %get3A_1084, %broadcast_in_dim3A_1050 : vector<16xf32>
      %swap3A_1086 = arith.index_cast %add3A_1047 : i32 to index
      %swap3A_1087 = arith.constant 48 : index
      %swap3A_1088 = tpu.vector_load %arg13[%swap3A_1086, %swap3A_1087] {strides = array<i32>} : memref<160x64xf32, #tpu.memory_space<vmem>>, vector<1x16xf32>,
      %swap3A_1089 = vector.shape_cast %swap3A_1088 : vector<1x16xf32> to vector<16xf32>
      %swap3A_1090 = vector.shape_cast %mul3A_1085 : vector<16xf32> to vector<1x16xf32>
      tpu.vector_store %arg13[%swap3A_1086, %swap3A_1087], %swap3A_1090 {strides = array<i32>} : memref<160x64xf32, #tpu.memory_space<vmem>>, vector<1x16xf32>,
      %mul3A_1091 = arith.constant 16 : i32
      %mul3A_1092 = arith.muli %scan3A_850, %mul3A_1091 : i32
      %add3A_1093 = arith.constant 5 : i32
      %add3A_1094 = arith.addi %mul3A_1092, %add3A_1093 : i32
      %slice3A_1095 = vector.extract_strided_slice %get3A_857 {offsets = [5], sizes = [1], strides = [1]} : vector<16xf32> to vector<1xf32>
      %squeeze3A_1096 = vector.extract %slice3A_1095[0] : f32 from vector<1xf32>
      %broadcast_in_dim3A_1097 = vector.broadcast %squeeze3A_1096 : f32 to vector<16xf32>
      %get3A_1098 = arith.index_cast %add3A_1094 : i32 to index
      %get3A_1099 = arith.constant 0 : index
      %get3A_1100 = tpu.vector_load %arg13[%get3A_1098, %get3A_1099] {strides = array<i32>} : memref<160x64xf32, #tpu.memory_space<vmem>>, vector<1x16xf32>,
      %get3A_1101 = vector.shape_cast %get3A_1100 : vector<1x16xf32> to vector<16xf32>
      %mul3A_1102 = arith.mulf %get3A_1101, %broadcast_in_dim3A_1097 : vector<16xf32>
      %swap3A_1103 = arith.index_cast %add3A_1094 : i32 to index
      %swap3A_1104 = arith.constant 0 : index
      %swap3A_1105 = tpu.vector_load %arg13[%swap3A_1103, %swap3A_1104] {strides = array<i32>} : memref<160x64xf32, #tpu.memory_space<vmem>>, vector<1x16xf32>,
      %swap3A_1106 = vector.shape_cast %swap3A_1105 : vector<1x16xf32> to vector<16xf32>
      %swap3A_1107 = vector.shape_cast %mul3A_1102 : vector<16xf32> to vector<1x16xf32>
      tpu.vector_store %arg13[%swap3A_1103, %swap3A_1104], %swap3A_1107 {strides = array<i32>} : memref<160x64xf32, #tpu.memory_space<vmem>>, vector<1x16xf32>,
      %get3A_1108 = arith.index_cast %add3A_1094 : i32 to index
      %get3A_1109 = arith.constant 16 : index
      %get3A_1110 = tpu.vector_load %arg13[%get3A_1108, %get3A_1109] {strides = array<i32>} : memref<160x64xf32, #tpu.memory_space<vmem>>, vector<1x16xf32>,
      %get3A_1111 = vector.shape_cast %get3A_1110 : vector<1x16xf32> to vector<16xf32>
      %mul3A_1112 = arith.mulf %get3A_1111, %broadcast_in_dim3A_1097 : vector<16xf32>
      %swap3A_1113 = arith.index_cast %add3A_1094 : i32 to index
      %swap3A_1114 = arith.constant 16 : index
      %swap3A_1115 = tpu.vector_load %arg13[%swap3A_1113, %swap3A_1114] {strides = array<i32>} : memref<160x64xf32, #tpu.memory_space<vmem>>, vector<1x16xf32>,
      %swap3A_1116 = vector.shape_cast %swap3A_1115 : vector<1x16xf32> to vector<16xf32>
      %swap3A_1117 = vector.shape_cast %mul3A_1112 : vector<16xf32> to vector<1x16xf32>
      tpu.vector_store %arg13[%swap3A_1113, %swap3A_1114], %swap3A_1117 {strides = array<i32>} : memref<160x64xf32, #tpu.memory_space<vmem>>, vector<1x16xf32>,
      %get3A_1118 = arith.index_cast %add3A_1094 : i32 to index
      %get3A_1119 = arith.constant 32 : index
      %get3A_1120 = tpu.vector_load %arg13[%get3A_1118, %get3A_1119] {strides = array<i32>} : memref<160x64xf32, #tpu.memory_space<vmem>>, vector<1x16xf32>,
      %get3A_1121 = vector.shape_cast %get3A_1120 : vector<1x16xf32> to vector<16xf32>
      %mul3A_1122 = arith.mulf %get3A_1121, %broadcast_in_dim3A_1097 : vector<16xf32>
      %swap3A_1123 = arith.index_cast %add3A_1094 : i32 to index
      %swap3A_1124 = arith.constant 32 : index
      %swap3A_1125 = tpu.vector_load %arg13[%swap3A_1123, %swap3A_1124] {strides = array<i32>} : memref<160x64xf32, #tpu.memory_space<vmem>>, vector<1x16xf32>,
      %swap3A_1126 = vector.shape_cast %swap3A_1125 : vector<1x16xf32> to vector<16xf32>
      %swap3A_1127 = vector.shape_cast %mul3A_1122 : vector<16xf32> to vector<1x16xf32>
      tpu.vector_store %arg13[%swap3A_1123, %swap3A_1124], %swap3A_1127 {strides = array<i32>} : memref<160x64xf32, #tpu.memory_space<vmem>>, vector<1x16xf32>,
      %get3A_1128 = arith.index_cast %add3A_1094 : i32 to index
      %get3A_1129 = arith.constant 48 : index
      %get3A_1130 = tpu.vector_load %arg13[%get3A_1128, %get3A_1129] {strides = array<i32>} : memref<160x64xf32, #tpu.memory_space<vmem>>, vector<1x16xf32>,
      %get3A_1131 = vector.shape_cast %get3A_1130 : vector<1x16xf32> to vector<16xf32>
      %mul3A_1132 = arith.mulf %get3A_1131, %broadcast_in_dim3A_1097 : vector<16xf32>
      %swap3A_1133 = arith.index_cast %add3A_1094 : i32 to index
      %swap3A_1134 = arith.constant 48 : index
      %swap3A_1135 = tpu.vector_load %arg13[%swap3A_1133, %swap3A_1134] {strides = array<i32>} : memref<160x64xf32, #tpu.memory_space<vmem>>, vector<1x16xf32>,
      %swap3A_1136 = vector.shape_cast %swap3A_1135 : vector<1x16xf32> to vector<16xf32>
      %swap3A_1137 = vector.shape_cast %mul3A_1132 : vector<16xf32> to vector<1x16xf32>
      tpu.vector_store %arg13[%swap3A_1133, %swap3A_1134], %swap3A_1137 {strides = array<i32>} : memref<160x64xf32, #tpu.memory_space<vmem>>, vector<1x16xf32>,
      %mul3A_1138 = arith.constant 16 : i32
      %mul3A_1139 = arith.muli %scan3A_850, %mul3A_1138 : i32
      %add3A_1140 = arith.constant 6 : i32
      %add3A_1141 = arith.addi %mul3A_1139, %add3A_1140 : i32
      %slice3A_1142 = vector.extract_strided_slice %get3A_857 {offsets = [6], sizes = [1], strides = [1]} : vector<16xf32> to vector<1xf32>
      %squeeze3A_1143 = vector.extract %slice3A_1142[0] : f32 from vector<1xf32>
      %broadcast_in_dim3A_1144 = vector.broadcast %squeeze3A_1143 : f32 to vector<16xf32>
      %get3A_1145 = arith.index_cast %add3A_1141 : i32 to index
      %get3A_1146 = arith.constant 0 : index
      %get3A_1147 = tpu.vector_load %arg13[%get3A_1145, %get3A_1146] {strides = array<i32>} : memref<160x64xf32, #tpu.memory_space<vmem>>, vector<1x16xf32>,
      %get3A_1148 = vector.shape_cast %get3A_1147 : vector<1x16xf32> to vector<16xf32>
      %mul3A_1149 = arith.mulf %get3A_1148, %broadcast_in_dim3A_1144 : vector<16xf32>
      %swap3A_1150 = arith.index_cast %add3A_1141 : i32 to index
      %swap3A_1151 = arith.constant 0 : index
      %swap3A_1152 = tpu.vector_load %arg13[%swap3A_1150, %swap3A_1151] {strides = array<i32>} : memref<160x64xf32, #tpu.memory_space<vmem>>, vector<1x16xf32>,
      %swap3A_1153 = vector.shape_cast %swap3A_1152 : vector<1x16xf32> to vector<16xf32>
      %swap3A_1154 = vector.shape_cast %mul3A_1149 : vector<16xf32> to vector<1x16xf32>
      tpu.vector_store %arg13[%swap3A_1150, %swap3A_1151], %swap3A_1154 {strides = array<i32>} : memref<160x64xf32, #tpu.memory_space<vmem>>, vector<1x16xf32>,
      %get3A_1155 = arith.index_cast %add3A_1141 : i32 to index
      %get3A_1156 = arith.constant 16 : index
      %get3A_1157 = tpu.vector_load %arg13[%get3A_1155, %get3A_1156] {strides = array<i32>} : memref<160x64xf32, #tpu.memory_space<vmem>>, vector<1x16xf32>,
      %get3A_1158 = vector.shape_cast %get3A_1157 : vector<1x16xf32> to vector<16xf32>
      %mul3A_1159 = arith.mulf %get3A_1158, %broadcast_in_dim3A_1144 : vector<16xf32>
      %swap3A_1160 = arith.index_cast %add3A_1141 : i32 to index
      %swap3A_1161 = arith.constant 16 : index
      %swap3A_1162 = tpu.vector_load %arg13[%swap3A_1160, %swap3A_1161] {strides = array<i32>} : memref<160x64xf32, #tpu.memory_space<vmem>>, vector<1x16xf32>,
      %swap3A_1163 = vector.shape_cast %swap3A_1162 : vector<1x16xf32> to vector<16xf32>
      %swap3A_1164 = vector.shape_cast %mul3A_1159 : vector<16xf32> to vector<1x16xf32>
      tpu.vector_store %arg13[%swap3A_1160, %swap3A_1161], %swap3A_1164 {strides = array<i32>} : memref<160x64xf32, #tpu.memory_space<vmem>>, vector<1x16xf32>,
      %get3A_1165 = arith.index_cast %add3A_1141 : i32 to index
      %get3A_1166 = arith.constant 32 : index
      %get3A_1167 = tpu.vector_load %arg13[%get3A_1165, %get3A_1166] {strides = array<i32>} : memref<160x64xf32, #tpu.memory_space<vmem>>, vector<1x16xf32>,
      %get3A_1168 = vector.shape_cast %get3A_1167 : vector<1x16xf32> to vector<16xf32>
      %mul3A_1169 = arith.mulf %get3A_1168, %broadcast_in_dim3A_1144 : vector<16xf32>
      %swap3A_1170 = arith.index_cast %add3A_1141 : i32 to index
      %swap3A_1171 = arith.constant 32 : index
      %swap3A_1172 = tpu.vector_load %arg13[%swap3A_1170, %swap3A_1171] {strides = array<i32>} : memref<160x64xf32, #tpu.memory_space<vmem>>, vector<1x16xf32>,
      %swap3A_1173 = vector.shape_cast %swap3A_1172 : vector<1x16xf32> to vector<16xf32>
      %swap3A_1174 = vector.shape_cast %mul3A_1169 : vector<16xf32> to vector<1x16xf32>
      tpu.vector_store %arg13[%swap3A_1170, %swap3A_1171], %swap3A_1174 {strides = array<i32>} : memref<160x64xf32, #tpu.memory_space<vmem>>, vector<1x16xf32>,
      %get3A_1175 = arith.index_cast %add3A_1141 : i32 to index
      %get3A_1176 = arith.constant 48 : index
      %get3A_1177 = tpu.vector_load %arg13[%get3A_1175, %get3A_1176] {strides = array<i32>} : memref<160x64xf32, #tpu.memory_space<vmem>>, vector<1x16xf32>,
      %get3A_1178 = vector.shape_cast %get3A_1177 : vector<1x16xf32> to vector<16xf32>
      %mul3A_1179 = arith.mulf %get3A_1178, %broadcast_in_dim3A_1144 : vector<16xf32>
      %swap3A_1180 = arith.index_cast %add3A_1141 : i32 to index
      %swap3A_1181 = arith.constant 48 : index
      %swap3A_1182 = tpu.vector_load %arg13[%swap3A_1180, %swap3A_1181] {strides = array<i32>} : memref<160x64xf32, #tpu.memory_space<vmem>>, vector<1x16xf32>,
      %swap3A_1183 = vector.shape_cast %swap3A_1182 : vector<1x16xf32> to vector<16xf32>
      %swap3A_1184 = vector.shape_cast %mul3A_1179 : vector<16xf32> to vector<1x16xf32>
      tpu.vector_store %arg13[%swap3A_1180, %swap3A_1181], %swap3A_1184 {strides = array<i32>} : memref<160x64xf32, #tpu.memory_space<vmem>>, vector<1x16xf32>,
      %mul3A_1185 = arith.constant 16 : i32
      %mul3A_1186 = arith.muli %scan3A_850, %mul3A_1185 : i32
      %add3A_1187 = arith.constant 7 : i32
      %add3A_1188 = arith.addi %mul3A_1186, %add3A_1187 : i32
      %slice3A_1189 = vector.extract_strided_slice %get3A_857 {offsets = [7], sizes = [1], strides = [1]} : vector<16xf32> to vector<1xf32>
      %squeeze3A_1190 = vector.extract %slice3A_1189[0] : f32 from vector<1xf32>
      %broadcast_in_dim3A_1191 = vector.broadcast %squeeze3A_1190 : f32 to vector<16xf32>
      %get3A_1192 = arith.index_cast %add3A_1188 : i32 to index
      %get3A_1193 = arith.constant 0 : index
      %get3A_1194 = tpu.vector_load %arg13[%get3A_1192, %get3A_1193] {strides = array<i32>} : memref<160x64xf32, #tpu.memory_space<vmem>>, vector<1x16xf32>,
      %get3A_1195 = vector.shape_cast %get3A_1194 : vector<1x16xf32> to vector<16xf32>
      %mul3A_1196 = arith.mulf %get3A_1195, %broadcast_in_dim3A_1191 : vector<16xf32>
      %swap3A_1197 = arith.index_cast %add3A_1188 : i32 to index
      %swap3A_1198 = arith.constant 0 : index
      %swap3A_1199 = tpu.vector_load %arg13[%swap3A_1197, %swap3A_1198] {strides = array<i32>} : memref<160x64xf32, #tpu.memory_space<vmem>>, vector<1x16xf32>,
      %swap3A_1200 = vector.shape_cast %swap3A_1199 : vector<1x16xf32> to vector<16xf32>
      %swap3A_1201 = vector.shape_cast %mul3A_1196 : vector<16xf32> to vector<1x16xf32>
      tpu.vector_store %arg13[%swap3A_1197, %swap3A_1198], %swap3A_1201 {strides = array<i32>} : memref<160x64xf32, #tpu.memory_space<vmem>>, vector<1x16xf32>,
      %get3A_1202 = arith.index_cast %add3A_1188 : i32 to index
      %get3A_1203 = arith.constant 16 : index
      %get3A_1204 = tpu.vector_load %arg13[%get3A_1202, %get3A_1203] {strides = array<i32>} : memref<160x64xf32, #tpu.memory_space<vmem>>, vector<1x16xf32>,
      %get3A_1205 = vector.shape_cast %get3A_1204 : vector<1x16xf32> to vector<16xf32>
      %mul3A_1206 = arith.mulf %get3A_1205, %broadcast_in_dim3A_1191 : vector<16xf32>
      %swap3A_1207 = arith.index_cast %add3A_1188 : i32 to index
      %swap3A_1208 = arith.constant 16 : index
      %swap3A_1209 = tpu.vector_load %arg13[%swap3A_1207, %swap3A_1208] {strides = array<i32>} : memref<160x64xf32, #tpu.memory_space<vmem>>, vector<1x16xf32>,
      %swap3A_1210 = vector.shape_cast %swap3A_1209 : vector<1x16xf32> to vector<16xf32>
      %swap3A_1211 = vector.shape_cast %mul3A_1206 : vector<16xf32> to vector<1x16xf32>
      tpu.vector_store %arg13[%swap3A_1207, %swap3A_1208], %swap3A_1211 {strides = array<i32>} : memref<160x64xf32, #tpu.memory_space<vmem>>, vector<1x16xf32>,
      %get3A_1212 = arith.index_cast %add3A_1188 : i32 to index
      %get3A_1213 = arith.constant 32 : index
      %get3A_1214 = tpu.vector_load %arg13[%get3A_1212, %get3A_1213] {strides = array<i32>} : memref<160x64xf32, #tpu.memory_space<vmem>>, vector<1x16xf32>,
      %get3A_1215 = vector.shape_cast %get3A_1214 : vector<1x16xf32> to vector<16xf32>
      %mul3A_1216 = arith.mulf %get3A_1215, %broadcast_in_dim3A_1191 : vector<16xf32>
      %swap3A_1217 = arith.index_cast %add3A_1188 : i32 to index
      %swap3A_1218 = arith.constant 32 : index
      %swap3A_1219 = tpu.vector_load %arg13[%swap3A_1217, %swap3A_1218] {strides = array<i32>} : memref<160x64xf32, #tpu.memory_space<vmem>>, vector<1x16xf32>,
      %swap3A_1220 = vector.shape_cast %swap3A_1219 : vector<1x16xf32> to vector<16xf32>
      %swap3A_1221 = vector.shape_cast %mul3A_1216 : vector<16xf32> to vector<1x16xf32>
      tpu.vector_store %arg13[%swap3A_1217, %swap3A_1218], %swap3A_1221 {strides = array<i32>} : memref<160x64xf32, #tpu.memory_space<vmem>>, vector<1x16xf32>,
      %get3A_1222 = arith.index_cast %add3A_1188 : i32 to index
      %get3A_1223 = arith.constant 48 : index
      %get3A_1224 = tpu.vector_load %arg13[%get3A_1222, %get3A_1223] {strides = array<i32>} : memref<160x64xf32, #tpu.memory_space<vmem>>, vector<1x16xf32>,
      %get3A_1225 = vector.shape_cast %get3A_1224 : vector<1x16xf32> to vector<16xf32>
      %mul3A_1226 = arith.mulf %get3A_1225, %broadcast_in_dim3A_1191 : vector<16xf32>
      %swap3A_1227 = arith.index_cast %add3A_1188 : i32 to index
      %swap3A_1228 = arith.constant 48 : index
      %swap3A_1229 = tpu.vector_load %arg13[%swap3A_1227, %swap3A_1228] {strides = array<i32>} : memref<160x64xf32, #tpu.memory_space<vmem>>, vector<1x16xf32>,
      %swap3A_1230 = vector.shape_cast %swap3A_1229 : vector<1x16xf32> to vector<16xf32>
      %swap3A_1231 = vector.shape_cast %mul3A_1226 : vector<16xf32> to vector<1x16xf32>
      tpu.vector_store %arg13[%swap3A_1227, %swap3A_1228], %swap3A_1231 {strides = array<i32>} : memref<160x64xf32, #tpu.memory_space<vmem>>, vector<1x16xf32>,
      %mul3A_1232 = arith.constant 16 : i32
      %mul3A_1233 = arith.muli %scan3A_850, %mul3A_1232 : i32
      %add3A_1234 = arith.constant 8 : i32
      %add3A_1235 = arith.addi %mul3A_1233, %add3A_1234 : i32
      %slice3A_1236 = vector.extract_strided_slice %get3A_857 {offsets = [8], sizes = [1], strides = [1]} : vector<16xf32> to vector<1xf32>
      %squeeze3A_1237 = vector.extract %slice3A_1236[0] : f32 from vector<1xf32>
      %broadcast_in_dim3A_1238 = vector.broadcast %squeeze3A_1237 : f32 to vector<16xf32>
      %get3A_1239 = arith.index_cast %add3A_1235 : i32 to index
      %get3A_1240 = arith.constant 0 : index
      %get3A_1241 = tpu.vector_load %arg13[%get3A_1239, %get3A_1240] {strides = array<i32>} : memref<160x64xf32, #tpu.memory_space<vmem>>, vector<1x16xf32>,
      %get3A_1242 = vector.shape_cast %get3A_1241 : vector<1x16xf32> to vector<16xf32>
      %mul3A_1243 = arith.mulf %get3A_1242, %broadcast_in_dim3A_1238 : vector<16xf32>
      %swap3A_1244 = arith.index_cast %add3A_1235 : i32 to index
      %swap3A_1245 = arith.constant 0 : index
      %swap3A_1246 = tpu.vector_load %arg13[%swap3A_1244, %swap3A_1245] {strides = array<i32>} : memref<160x64xf32, #tpu.memory_space<vmem>>, vector<1x16xf32>,
      %swap3A_1247 = vector.shape_cast %swap3A_1246 : vector<1x16xf32> to vector<16xf32>
      %swap3A_1248 = vector.shape_cast %mul3A_1243 : vector<16xf32> to vector<1x16xf32>
      tpu.vector_store %arg13[%swap3A_1244, %swap3A_1245], %swap3A_1248 {strides = array<i32>} : memref<160x64xf32, #tpu.memory_space<vmem>>, vector<1x16xf32>,
      %get3A_1249 = arith.index_cast %add3A_1235 : i32 to index
      %get3A_1250 = arith.constant 16 : index
      %get3A_1251 = tpu.vector_load %arg13[%get3A_1249, %get3A_1250] {strides = array<i32>} : memref<160x64xf32, #tpu.memory_space<vmem>>, vector<1x16xf32>,
      %get3A_1252 = vector.shape_cast %get3A_1251 : vector<1x16xf32> to vector<16xf32>
      %mul3A_1253 = arith.mulf %get3A_1252, %broadcast_in_dim3A_1238 : vector<16xf32>
      %swap3A_1254 = arith.index_cast %add3A_1235 : i32 to index
      %swap3A_1255 = arith.constant 16 : index
      %swap3A_1256 = tpu.vector_load %arg13[%swap3A_1254, %swap3A_1255] {strides = array<i32>} : memref<160x64xf32, #tpu.memory_space<vmem>>, vector<1x16xf32>,
      %swap3A_1257 = vector.shape_cast %swap3A_1256 : vector<1x16xf32> to vector<16xf32>
      %swap3A_1258 = vector.shape_cast %mul3A_1253 : vector<16xf32> to vector<1x16xf32>
      tpu.vector_store %arg13[%swap3A_1254, %swap3A_1255], %swap3A_1258 {strides = array<i32>} : memref<160x64xf32, #tpu.memory_space<vmem>>, vector<1x16xf32>,
      %get3A_1259 = arith.index_cast %add3A_1235 : i32 to index
      %get3A_1260 = arith.constant 32 : index
      %get3A_1261 = tpu.vector_load %arg13[%get3A_1259, %get3A_1260] {strides = array<i32>} : memref<160x64xf32, #tpu.memory_space<vmem>>, vector<1x16xf32>,
      %get3A_1262 = vector.shape_cast %get3A_1261 : vector<1x16xf32> to vector<16xf32>
      %mul3A_1263 = arith.mulf %get3A_1262, %broadcast_in_dim3A_1238 : vector<16xf32>
      %swap3A_1264 = arith.index_cast %add3A_1235 : i32 to index
      %swap3A_1265 = arith.constant 32 : index
      %swap3A_1266 = tpu.vector_load %arg13[%swap3A_1264, %swap3A_1265] {strides = array<i32>} : memref<160x64xf32, #tpu.memory_space<vmem>>, vector<1x16xf32>,
      %swap3A_1267 = vector.shape_cast %swap3A_1266 : vector<1x16xf32> to vector<16xf32>
      %swap3A_1268 = vector.shape_cast %mul3A_1263 : vector<16xf32> to vector<1x16xf32>
      tpu.vector_store %arg13[%swap3A_1264, %swap3A_1265], %swap3A_1268 {strides = array<i32>} : memref<160x64xf32, #tpu.memory_space<vmem>>, vector<1x16xf32>,
      %get3A_1269 = arith.index_cast %add3A_1235 : i32 to index
      %get3A_1270 = arith.constant 48 : index
      %get3A_1271 = tpu.vector_load %arg13[%get3A_1269, %get3A_1270] {strides = array<i32>} : memref<160x64xf32, #tpu.memory_space<vmem>>, vector<1x16xf32>,
      %get3A_1272 = vector.shape_cast %get3A_1271 : vector<1x16xf32> to vector<16xf32>
      %mul3A_1273 = arith.mulf %get3A_1272, %broadcast_in_dim3A_1238 : vector<16xf32>
      %swap3A_1274 = arith.index_cast %add3A_1235 : i32 to index
      %swap3A_1275 = arith.constant 48 : index
      %swap3A_1276 = tpu.vector_load %arg13[%swap3A_1274, %swap3A_1275] {strides = array<i32>} : memref<160x64xf32, #tpu.memory_space<vmem>>, vector<1x16xf32>,
      %swap3A_1277 = vector.shape_cast %swap3A_1276 : vector<1x16xf32> to vector<16xf32>
      %swap3A_1278 = vector.shape_cast %mul3A_1273 : vector<16xf32> to vector<1x16xf32>
      tpu.vector_store %arg13[%swap3A_1274, %swap3A_1275], %swap3A_1278 {strides = array<i32>} : memref<160x64xf32, #tpu.memory_space<vmem>>, vector<1x16xf32>,
      %mul3A_1279 = arith.constant 16 : i32
      %mul3A_1280 = arith.muli %scan3A_850, %mul3A_1279 : i32
      %add3A_1281 = arith.constant 9 : i32
      %add3A_1282 = arith.addi %mul3A_1280, %add3A_1281 : i32
      %slice3A_1283 = vector.extract_strided_slice %get3A_857 {offsets = [9], sizes = [1], strides = [1]} : vector<16xf32> to vector<1xf32>
      %squeeze3A_1284 = vector.extract %slice3A_1283[0] : f32 from vector<1xf32>
      %broadcast_in_dim3A_1285 = vector.broadcast %squeeze3A_1284 : f32 to vector<16xf32>
      %get3A_1286 = arith.index_cast %add3A_1282 : i32 to index
      %get3A_1287 = arith.constant 0 : index
      %get3A_1288 = tpu.vector_load %arg13[%get3A_1286, %get3A_1287] {strides = array<i32>} : memref<160x64xf32, #tpu.memory_space<vmem>>, vector<1x16xf32>,
      %get3A_1289 = vector.shape_cast %get3A_1288 : vector<1x16xf32> to vector<16xf32>
      %mul3A_1290 = arith.mulf %get3A_1289, %broadcast_in_dim3A_1285 : vector<16xf32>
      %swap3A_1291 = arith.index_cast %add3A_1282 : i32 to index
      %swap3A_1292 = arith.constant 0 : index
      %swap3A_1293 = tpu.vector_load %arg13[%swap3A_1291, %swap3A_1292] {strides = array<i32>} : memref<160x64xf32, #tpu.memory_space<vmem>>, vector<1x16xf32>,
      %swap3A_1294 = vector.shape_cast %swap3A_1293 : vector<1x16xf32> to vector<16xf32>
      %swap3A_1295 = vector.shape_cast %mul3A_1290 : vector<16xf32> to vector<1x16xf32>
      tpu.vector_store %arg13[%swap3A_1291, %swap3A_1292], %swap3A_1295 {strides = array<i32>} : memref<160x64xf32, #tpu.memory_space<vmem>>, vector<1x16xf32>,
      %get3A_1296 = arith.index_cast %add3A_1282 : i32 to index
      %get3A_1297 = arith.constant 16 : index
      %get3A_1298 = tpu.vector_load %arg13[%get3A_1296, %get3A_1297] {strides = array<i32>} : memref<160x64xf32, #tpu.memory_space<vmem>>, vector<1x16xf32>,
      %get3A_1299 = vector.shape_cast %get3A_1298 : vector<1x16xf32> to vector<16xf32>
      %mul3A_1300 = arith.mulf %get3A_1299, %broadcast_in_dim3A_1285 : vector<16xf32>
      %swap3A_1301 = arith.index_cast %add3A_1282 : i32 to index
      %swap3A_1302 = arith.constant 16 : index
      %swap3A_1303 = tpu.vector_load %arg13[%swap3A_1301, %swap3A_1302] {strides = array<i32>} : memref<160x64xf32, #tpu.memory_space<vmem>>, vector<1x16xf32>,
      %swap3A_1304 = vector.shape_cast %swap3A_1303 : vector<1x16xf32> to vector<16xf32>
      %swap3A_1305 = vector.shape_cast %mul3A_1300 : vector<16xf32> to vector<1x16xf32>
      tpu.vector_store %arg13[%swap3A_1301, %swap3A_1302], %swap3A_1305 {strides = array<i32>} : memref<160x64xf32, #tpu.memory_space<vmem>>, vector<1x16xf32>,
      %get3A_1306 = arith.index_cast %add3A_1282 : i32 to index
      %get3A_1307 = arith.constant 32 : index
      %get3A_1308 = tpu.vector_load %arg13[%get3A_1306, %get3A_1307] {strides = array<i32>} : memref<160x64xf32, #tpu.memory_space<vmem>>, vector<1x16xf32>,
      %get3A_1309 = vector.shape_cast %get3A_1308 : vector<1x16xf32> to vector<16xf32>
      %mul3A_1310 = arith.mulf %get3A_1309, %broadcast_in_dim3A_1285 : vector<16xf32>
      %swap3A_1311 = arith.index_cast %add3A_1282 : i32 to index
      %swap3A_1312 = arith.constant 32 : index
      %swap3A_1313 = tpu.vector_load %arg13[%swap3A_1311, %swap3A_1312] {strides = array<i32>} : memref<160x64xf32, #tpu.memory_space<vmem>>, vector<1x16xf32>,
      %swap3A_1314 = vector.shape_cast %swap3A_1313 : vector<1x16xf32> to vector<16xf32>
      %swap3A_1315 = vector.shape_cast %mul3A_1310 : vector<16xf32> to vector<1x16xf32>
      tpu.vector_store %arg13[%swap3A_1311, %swap3A_1312], %swap3A_1315 {strides = array<i32>} : memref<160x64xf32, #tpu.memory_space<vmem>>, vector<1x16xf32>,
      %get3A_1316 = arith.index_cast %add3A_1282 : i32 to index
      %get3A_1317 = arith.constant 48 : index
      %get3A_1318 = tpu.vector_load %arg13[%get3A_1316, %get3A_1317] {strides = array<i32>} : memref<160x64xf32, #tpu.memory_space<vmem>>, vector<1x16xf32>,
      %get3A_1319 = vector.shape_cast %get3A_1318 : vector<1x16xf32> to vector<16xf32>
      %mul3A_1320 = arith.mulf %get3A_1319, %broadcast_in_dim3A_1285 : vector<16xf32>
      %swap3A_1321 = arith.index_cast %add3A_1282 : i32 to index
      %swap3A_1322 = arith.constant 48 : index
      %swap3A_1323 = tpu.vector_load %arg13[%swap3A_1321, %swap3A_1322] {strides = array<i32>} : memref<160x64xf32, #tpu.memory_space<vmem>>, vector<1x16xf32>,
      %swap3A_1324 = vector.shape_cast %swap3A_1323 : vector<1x16xf32> to vector<16xf32>
      %swap3A_1325 = vector.shape_cast %mul3A_1320 : vector<16xf32> to vector<1x16xf32>
      tpu.vector_store %arg13[%swap3A_1321, %swap3A_1322], %swap3A_1325 {strides = array<i32>} : memref<160x64xf32, #tpu.memory_space<vmem>>, vector<1x16xf32>,
      %mul3A_1326 = arith.constant 16 : i32
      %mul3A_1327 = arith.muli %scan3A_850, %mul3A_1326 : i32
      %add3A_1328 = arith.constant 10 : i32
      %add3A_1329 = arith.addi %mul3A_1327, %add3A_1328 : i32
      %slice3A_1330 = vector.extract_strided_slice %get3A_857 {offsets = [10], sizes = [1], strides = [1]} : vector<16xf32> to vector<1xf32>
      %squeeze3A_1331 = vector.extract %slice3A_1330[0] : f32 from vector<1xf32>
      %broadcast_in_dim3A_1332 = vector.broadcast %squeeze3A_1331 : f32 to vector<16xf32>
      %get3A_1333 = arith.index_cast %add3A_1329 : i32 to index
      %get3A_1334 = arith.constant 0 : index
      %get3A_1335 = tpu.vector_load %arg13[%get3A_1333, %get3A_1334] {strides = array<i32>} : memref<160x64xf32, #tpu.memory_space<vmem>>, vector<1x16xf32>,
      %get3A_1336 = vector.shape_cast %get3A_1335 : vector<1x16xf32> to vector<16xf32>
      %mul3A_1337 = arith.mulf %get3A_1336, %broadcast_in_dim3A_1332 : vector<16xf32>
      %swap3A_1338 = arith.index_cast %add3A_1329 : i32 to index
      %swap3A_1339 = arith.constant 0 : index
      %swap3A_1340 = tpu.vector_load %arg13[%swap3A_1338, %swap3A_1339] {strides = array<i32>} : memref<160x64xf32, #tpu.memory_space<vmem>>, vector<1x16xf32>,
      %swap3A_1341 = vector.shape_cast %swap3A_1340 : vector<1x16xf32> to vector<16xf32>
      %swap3A_1342 = vector.shape_cast %mul3A_1337 : vector<16xf32> to vector<1x16xf32>
      tpu.vector_store %arg13[%swap3A_1338, %swap3A_1339], %swap3A_1342 {strides = array<i32>} : memref<160x64xf32, #tpu.memory_space<vmem>>, vector<1x16xf32>,
      %get3A_1343 = arith.index_cast %add3A_1329 : i32 to index
      %get3A_1344 = arith.constant 16 : index
      %get3A_1345 = tpu.vector_load %arg13[%get3A_1343, %get3A_1344] {strides = array<i32>} : memref<160x64xf32, #tpu.memory_space<vmem>>, vector<1x16xf32>,
      %get3A_1346 = vector.shape_cast %get3A_1345 : vector<1x16xf32> to vector<16xf32>
      %mul3A_1347 = arith.mulf %get3A_1346, %broadcast_in_dim3A_1332 : vector<16xf32>
      %swap3A_1348 = arith.index_cast %add3A_1329 : i32 to index
      %swap3A_1349 = arith.constant 16 : index
      %swap3A_1350 = tpu.vector_load %arg13[%swap3A_1348, %swap3A_1349] {strides = array<i32>} : memref<160x64xf32, #tpu.memory_space<vmem>>, vector<1x16xf32>,
      %swap3A_1351 = vector.shape_cast %swap3A_1350 : vector<1x16xf32> to vector<16xf32>
      %swap3A_1352 = vector.shape_cast %mul3A_1347 : vector<16xf32> to vector<1x16xf32>
      tpu.vector_store %arg13[%swap3A_1348, %swap3A_1349], %swap3A_1352 {strides = array<i32>} : memref<160x64xf32, #tpu.memory_space<vmem>>, vector<1x16xf32>,
      %get3A_1353 = arith.index_cast %add3A_1329 : i32 to index
      %get3A_1354 = arith.constant 32 : index
      %get3A_1355 = tpu.vector_load %arg13[%get3A_1353, %get3A_1354] {strides = array<i32>} : memref<160x64xf32, #tpu.memory_space<vmem>>, vector<1x16xf32>,
      %get3A_1356 = vector.shape_cast %get3A_1355 : vector<1x16xf32> to vector<16xf32>
      %mul3A_1357 = arith.mulf %get3A_1356, %broadcast_in_dim3A_1332 : vector<16xf32>
      %swap3A_1358 = arith.index_cast %add3A_1329 : i32 to index
      %swap3A_1359 = arith.constant 32 : index
      %swap3A_1360 = tpu.vector_load %arg13[%swap3A_1358, %swap3A_1359] {strides = array<i32>} : memref<160x64xf32, #tpu.memory_space<vmem>>, vector<1x16xf32>,
      %swap3A_1361 = vector.shape_cast %swap3A_1360 : vector<1x16xf32> to vector<16xf32>
      %swap3A_1362 = vector.shape_cast %mul3A_1357 : vector<16xf32> to vector<1x16xf32>
      tpu.vector_store %arg13[%swap3A_1358, %swap3A_1359], %swap3A_1362 {strides = array<i32>} : memref<160x64xf32, #tpu.memory_space<vmem>>, vector<1x16xf32>,
      %get3A_1363 = arith.index_cast %add3A_1329 : i32 to index
      %get3A_1364 = arith.constant 48 : index
      %get3A_1365 = tpu.vector_load %arg13[%get3A_1363, %get3A_1364] {strides = array<i32>} : memref<160x64xf32, #tpu.memory_space<vmem>>, vector<1x16xf32>,
      %get3A_1366 = vector.shape_cast %get3A_1365 : vector<1x16xf32> to vector<16xf32>
      %mul3A_1367 = arith.mulf %get3A_1366, %broadcast_in_dim3A_1332 : vector<16xf32>
      %swap3A_1368 = arith.index_cast %add3A_1329 : i32 to index
      %swap3A_1369 = arith.constant 48 : index
      %swap3A_1370 = tpu.vector_load %arg13[%swap3A_1368, %swap3A_1369] {strides = array<i32>} : memref<160x64xf32, #tpu.memory_space<vmem>>, vector<1x16xf32>,
      %swap3A_1371 = vector.shape_cast %swap3A_1370 : vector<1x16xf32> to vector<16xf32>
      %swap3A_1372 = vector.shape_cast %mul3A_1367 : vector<16xf32> to vector<1x16xf32>
      tpu.vector_store %arg13[%swap3A_1368, %swap3A_1369], %swap3A_1372 {strides = array<i32>} : memref<160x64xf32, #tpu.memory_space<vmem>>, vector<1x16xf32>,
      %mul3A_1373 = arith.constant 16 : i32
      %mul3A_1374 = arith.muli %scan3A_850, %mul3A_1373 : i32
      %add3A_1375 = arith.constant 11 : i32
      %add3A_1376 = arith.addi %mul3A_1374, %add3A_1375 : i32
      %slice3A_1377 = vector.extract_strided_slice %get3A_857 {offsets = [11], sizes = [1], strides = [1]} : vector<16xf32> to vector<1xf32>
      %squeeze3A_1378 = vector.extract %slice3A_1377[0] : f32 from vector<1xf32>
      %broadcast_in_dim3A_1379 = vector.broadcast %squeeze3A_1378 : f32 to vector<16xf32>
      %get3A_1380 = arith.index_cast %add3A_1376 : i32 to index
      %get3A_1381 = arith.constant 0 : index
      %get3A_1382 = tpu.vector_load %arg13[%get3A_1380, %get3A_1381] {strides = array<i32>} : memref<160x64xf32, #tpu.memory_space<vmem>>, vector<1x16xf32>,
      %get3A_1383 = vector.shape_cast %get3A_1382 : vector<1x16xf32> to vector<16xf32>
      %mul3A_1384 = arith.mulf %get3A_1383, %broadcast_in_dim3A_1379 : vector<16xf32>
      %swap3A_1385 = arith.index_cast %add3A_1376 : i32 to index
      %swap3A_1386 = arith.constant 0 : index
      %swap3A_1387 = tpu.vector_load %arg13[%swap3A_1385, %swap3A_1386] {strides = array<i32>} : memref<160x64xf32, #tpu.memory_space<vmem>>, vector<1x16xf32>,
      %swap3A_1388 = vector.shape_cast %swap3A_1387 : vector<1x16xf32> to vector<16xf32>
      %swap3A_1389 = vector.shape_cast %mul3A_1384 : vector<16xf32> to vector<1x16xf32>
      tpu.vector_store %arg13[%swap3A_1385, %swap3A_1386], %swap3A_1389 {strides = array<i32>} : memref<160x64xf32, #tpu.memory_space<vmem>>, vector<1x16xf32>,
      %get3A_1390 = arith.index_cast %add3A_1376 : i32 to index
      %get3A_1391 = arith.constant 16 : index
      %get3A_1392 = tpu.vector_load %arg13[%get3A_1390, %get3A_1391] {strides = array<i32>} : memref<160x64xf32, #tpu.memory_space<vmem>>, vector<1x16xf32>,
      %get3A_1393 = vector.shape_cast %get3A_1392 : vector<1x16xf32> to vector<16xf32>
      %mul3A_1394 = arith.mulf %get3A_1393, %broadcast_in_dim3A_1379 : vector<16xf32>
      %swap3A_1395 = arith.index_cast %add3A_1376 : i32 to index
      %swap3A_1396 = arith.constant 16 : index
      %swap3A_1397 = tpu.vector_load %arg13[%swap3A_1395, %swap3A_1396] {strides = array<i32>} : memref<160x64xf32, #tpu.memory_space<vmem>>, vector<1x16xf32>,
      %swap3A_1398 = vector.shape_cast %swap3A_1397 : vector<1x16xf32> to vector<16xf32>
      %swap3A_1399 = vector.shape_cast %mul3A_1394 : vector<16xf32> to vector<1x16xf32>
      tpu.vector_store %arg13[%swap3A_1395, %swap3A_1396], %swap3A_1399 {strides = array<i32>} : memref<160x64xf32, #tpu.memory_space<vmem>>, vector<1x16xf32>,
      %get3A_1400 = arith.index_cast %add3A_1376 : i32 to index
      %get3A_1401 = arith.constant 32 : index
      %get3A_1402 = tpu.vector_load %arg13[%get3A_1400, %get3A_1401] {strides = array<i32>} : memref<160x64xf32, #tpu.memory_space<vmem>>, vector<1x16xf32>,
      %get3A_1403 = vector.shape_cast %get3A_1402 : vector<1x16xf32> to vector<16xf32>
      %mul3A_1404 = arith.mulf %get3A_1403, %broadcast_in_dim3A_1379 : vector<16xf32>
      %swap3A_1405 = arith.index_cast %add3A_1376 : i32 to index
      %swap3A_1406 = arith.constant 32 : index
      %swap3A_1407 = tpu.vector_load %arg13[%swap3A_1405, %swap3A_1406] {strides = array<i32>} : memref<160x64xf32, #tpu.memory_space<vmem>>, vector<1x16xf32>,
      %swap3A_1408 = vector.shape_cast %swap3A_1407 : vector<1x16xf32> to vector<16xf32>
      %swap3A_1409 = vector.shape_cast %mul3A_1404 : vector<16xf32> to vector<1x16xf32>
      tpu.vector_store %arg13[%swap3A_1405, %swap3A_1406], %swap3A_1409 {strides = array<i32>} : memref<160x64xf32, #tpu.memory_space<vmem>>, vector<1x16xf32>,
      %get3A_1410 = arith.index_cast %add3A_1376 : i32 to index
      %get3A_1411 = arith.constant 48 : index
      %get3A_1412 = tpu.vector_load %arg13[%get3A_1410, %get3A_1411] {strides = array<i32>} : memref<160x64xf32, #tpu.memory_space<vmem>>, vector<1x16xf32>,
      %get3A_1413 = vector.shape_cast %get3A_1412 : vector<1x16xf32> to vector<16xf32>
      %mul3A_1414 = arith.mulf %get3A_1413, %broadcast_in_dim3A_1379 : vector<16xf32>
      %swap3A_1415 = arith.index_cast %add3A_1376 : i32 to index
      %swap3A_1416 = arith.constant 48 : index
      %swap3A_1417 = tpu.vector_load %arg13[%swap3A_1415, %swap3A_1416] {strides = array<i32>} : memref<160x64xf32, #tpu.memory_space<vmem>>, vector<1x16xf32>,
      %swap3A_1418 = vector.shape_cast %swap3A_1417 : vector<1x16xf32> to vector<16xf32>
      %swap3A_1419 = vector.shape_cast %mul3A_1414 : vector<16xf32> to vector<1x16xf32>
      tpu.vector_store %arg13[%swap3A_1415, %swap3A_1416], %swap3A_1419 {strides = array<i32>} : memref<160x64xf32, #tpu.memory_space<vmem>>, vector<1x16xf32>,
      %mul3A_1420 = arith.constant 16 : i32
      %mul3A_1421 = arith.muli %scan3A_850, %mul3A_1420 : i32
      %add3A_1422 = arith.constant 12 : i32
      %add3A_1423 = arith.addi %mul3A_1421, %add3A_1422 : i32
      %slice3A_1424 = vector.extract_strided_slice %get3A_857 {offsets = [12], sizes = [1], strides = [1]} : vector<16xf32> to vector<1xf32>
      %squeeze3A_1425 = vector.extract %slice3A_1424[0] : f32 from vector<1xf32>
      %broadcast_in_dim3A_1426 = vector.broadcast %squeeze3A_1425 : f32 to vector<16xf32>
      %get3A_1427 = arith.index_cast %add3A_1423 : i32 to index
      %get3A_1428 = arith.constant 0 : index
      %get3A_1429 = tpu.vector_load %arg13[%get3A_1427, %get3A_1428] {strides = array<i32>} : memref<160x64xf32, #tpu.memory_space<vmem>>, vector<1x16xf32>,
      %get3A_1430 = vector.shape_cast %get3A_1429 : vector<1x16xf32> to vector<16xf32>
      %mul3A_1431 = arith.mulf %get3A_1430, %broadcast_in_dim3A_1426 : vector<16xf32>
      %swap3A_1432 = arith.index_cast %add3A_1423 : i32 to index
      %swap3A_1433 = arith.constant 0 : index
      %swap3A_1434 = tpu.vector_load %arg13[%swap3A_1432, %swap3A_1433] {strides = array<i32>} : memref<160x64xf32, #tpu.memory_space<vmem>>, vector<1x16xf32>,
      %swap3A_1435 = vector.shape_cast %swap3A_1434 : vector<1x16xf32> to vector<16xf32>
      %swap3A_1436 = vector.shape_cast %mul3A_1431 : vector<16xf32> to vector<1x16xf32>
      tpu.vector_store %arg13[%swap3A_1432, %swap3A_1433], %swap3A_1436 {strides = array<i32>} : memref<160x64xf32, #tpu.memory_space<vmem>>, vector<1x16xf32>,
      %get3A_1437 = arith.index_cast %add3A_1423 : i32 to index
      %get3A_1438 = arith.constant 16 : index
      %get3A_1439 = tpu.vector_load %arg13[%get3A_1437, %get3A_1438] {strides = array<i32>} : memref<160x64xf32, #tpu.memory_space<vmem>>, vector<1x16xf32>,
      %get3A_1440 = vector.shape_cast %get3A_1439 : vector<1x16xf32> to vector<16xf32>
      %mul3A_1441 = arith.mulf %get3A_1440, %broadcast_in_dim3A_1426 : vector<16xf32>
      %swap3A_1442 = arith.index_cast %add3A_1423 : i32 to index
      %swap3A_1443 = arith.constant 16 : index
      %swap3A_1444 = tpu.vector_load %arg13[%swap3A_1442, %swap3A_1443] {strides = array<i32>} : memref<160x64xf32, #tpu.memory_space<vmem>>, vector<1x16xf32>,
      %swap3A_1445 = vector.shape_cast %swap3A_1444 : vector<1x16xf32> to vector<16xf32>
      %swap3A_1446 = vector.shape_cast %mul3A_1441 : vector<16xf32> to vector<1x16xf32>
      tpu.vector_store %arg13[%swap3A_1442, %swap3A_1443], %swap3A_1446 {strides = array<i32>} : memref<160x64xf32, #tpu.memory_space<vmem>>, vector<1x16xf32>,
      %get3A_1447 = arith.index_cast %add3A_1423 : i32 to index
      %get3A_1448 = arith.constant 32 : index
      %get3A_1449 = tpu.vector_load %arg13[%get3A_1447, %get3A_1448] {strides = array<i32>} : memref<160x64xf32, #tpu.memory_space<vmem>>, vector<1x16xf32>,
      %get3A_1450 = vector.shape_cast %get3A_1449 : vector<1x16xf32> to vector<16xf32>
      %mul3A_1451 = arith.mulf %get3A_1450, %broadcast_in_dim3A_1426 : vector<16xf32>
      %swap3A_1452 = arith.index_cast %add3A_1423 : i32 to index
      %swap3A_1453 = arith.constant 32 : index
      %swap3A_1454 = tpu.vector_load %arg13[%swap3A_1452, %swap3A_1453] {strides = array<i32>} : memref<160x64xf32, #tpu.memory_space<vmem>>, vector<1x16xf32>,
      %swap3A_1455 = vector.shape_cast %swap3A_1454 : vector<1x16xf32> to vector<16xf32>
      %swap3A_1456 = vector.shape_cast %mul3A_1451 : vector<16xf32> to vector<1x16xf32>
      tpu.vector_store %arg13[%swap3A_1452, %swap3A_1453], %swap3A_1456 {strides = array<i32>} : memref<160x64xf32, #tpu.memory_space<vmem>>, vector<1x16xf32>,
      %get3A_1457 = arith.index_cast %add3A_1423 : i32 to index
      %get3A_1458 = arith.constant 48 : index
      %get3A_1459 = tpu.vector_load %arg13[%get3A_1457, %get3A_1458] {strides = array<i32>} : memref<160x64xf32, #tpu.memory_space<vmem>>, vector<1x16xf32>,
      %get3A_1460 = vector.shape_cast %get3A_1459 : vector<1x16xf32> to vector<16xf32>
      %mul3A_1461 = arith.mulf %get3A_1460, %broadcast_in_dim3A_1426 : vector<16xf32>
      %swap3A_1462 = arith.index_cast %add3A_1423 : i32 to index
      %swap3A_1463 = arith.constant 48 : index
      %swap3A_1464 = tpu.vector_load %arg13[%swap3A_1462, %swap3A_1463] {strides = array<i32>} : memref<160x64xf32, #tpu.memory_space<vmem>>, vector<1x16xf32>,
      %swap3A_1465 = vector.shape_cast %swap3A_1464 : vector<1x16xf32> to vector<16xf32>
      %swap3A_1466 = vector.shape_cast %mul3A_1461 : vector<16xf32> to vector<1x16xf32>
      tpu.vector_store %arg13[%swap3A_1462, %swap3A_1463], %swap3A_1466 {strides = array<i32>} : memref<160x64xf32, #tpu.memory_space<vmem>>, vector<1x16xf32>,
      %mul3A_1467 = arith.constant 16 : i32
      %mul3A_1468 = arith.muli %scan3A_850, %mul3A_1467 : i32
      %add3A_1469 = arith.constant 13 : i32
      %add3A_1470 = arith.addi %mul3A_1468, %add3A_1469 : i32
      %slice3A_1471 = vector.extract_strided_slice %get3A_857 {offsets = [13], sizes = [1], strides = [1]} : vector<16xf32> to vector<1xf32>
      %squeeze3A_1472 = vector.extract %slice3A_1471[0] : f32 from vector<1xf32>
      %broadcast_in_dim3A_1473 = vector.broadcast %squeeze3A_1472 : f32 to vector<16xf32>
      %get3A_1474 = arith.index_cast %add3A_1470 : i32 to index
      %get3A_1475 = arith.constant 0 : index
      %get3A_1476 = tpu.vector_load %arg13[%get3A_1474, %get3A_1475] {strides = array<i32>} : memref<160x64xf32, #tpu.memory_space<vmem>>, vector<1x16xf32>,
      %get3A_1477 = vector.shape_cast %get3A_1476 : vector<1x16xf32> to vector<16xf32>
      %mul3A_1478 = arith.mulf %get3A_1477, %broadcast_in_dim3A_1473 : vector<16xf32>
      %swap3A_1479 = arith.index_cast %add3A_1470 : i32 to index
      %swap3A_1480 = arith.constant 0 : index
      %swap3A_1481 = tpu.vector_load %arg13[%swap3A_1479, %swap3A_1480] {strides = array<i32>} : memref<160x64xf32, #tpu.memory_space<vmem>>, vector<1x16xf32>,
      %swap3A_1482 = vector.shape_cast %swap3A_1481 : vector<1x16xf32> to vector<16xf32>
      %swap3A_1483 = vector.shape_cast %mul3A_1478 : vector<16xf32> to vector<1x16xf32>
      tpu.vector_store %arg13[%swap3A_1479, %swap3A_1480], %swap3A_1483 {strides = array<i32>} : memref<160x64xf32, #tpu.memory_space<vmem>>, vector<1x16xf32>,
      %get3A_1484 = arith.index_cast %add3A_1470 : i32 to index
      %get3A_1485 = arith.constant 16 : index
      %get3A_1486 = tpu.vector_load %arg13[%get3A_1484, %get3A_1485] {strides = array<i32>} : memref<160x64xf32, #tpu.memory_space<vmem>>, vector<1x16xf32>,
      %get3A_1487 = vector.shape_cast %get3A_1486 : vector<1x16xf32> to vector<16xf32>
      %mul3A_1488 = arith.mulf %get3A_1487, %broadcast_in_dim3A_1473 : vector<16xf32>
      %swap3A_1489 = arith.index_cast %add3A_1470 : i32 to index
      %swap3A_1490 = arith.constant 16 : index
      %swap3A_1491 = tpu.vector_load %arg13[%swap3A_1489, %swap3A_1490] {strides = array<i32>} : memref<160x64xf32, #tpu.memory_space<vmem>>, vector<1x16xf32>,
      %swap3A_1492 = vector.shape_cast %swap3A_1491 : vector<1x16xf32> to vector<16xf32>
      %swap3A_1493 = vector.shape_cast %mul3A_1488 : vector<16xf32> to vector<1x16xf32>
      tpu.vector_store %arg13[%swap3A_1489, %swap3A_1490], %swap3A_1493 {strides = array<i32>} : memref<160x64xf32, #tpu.memory_space<vmem>>, vector<1x16xf32>,
      %get3A_1494 = arith.index_cast %add3A_1470 : i32 to index
      %get3A_1495 = arith.constant 32 : index
      %get3A_1496 = tpu.vector_load %arg13[%get3A_1494, %get3A_1495] {strides = array<i32>} : memref<160x64xf32, #tpu.memory_space<vmem>>, vector<1x16xf32>,
      %get3A_1497 = vector.shape_cast %get3A_1496 : vector<1x16xf32> to vector<16xf32>
      %mul3A_1498 = arith.mulf %get3A_1497, %broadcast_in_dim3A_1473 : vector<16xf32>
      %swap3A_1499 = arith.index_cast %add3A_1470 : i32 to index
      %swap3A_1500 = arith.constant 32 : index
      %swap3A_1501 = tpu.vector_load %arg13[%swap3A_1499, %swap3A_1500] {strides = array<i32>} : memref<160x64xf32, #tpu.memory_space<vmem>>, vector<1x16xf32>,
      %swap3A_1502 = vector.shape_cast %swap3A_1501 : vector<1x16xf32> to vector<16xf32>
      %swap3A_1503 = vector.shape_cast %mul3A_1498 : vector<16xf32> to vector<1x16xf32>
      tpu.vector_store %arg13[%swap3A_1499, %swap3A_1500], %swap3A_1503 {strides = array<i32>} : memref<160x64xf32, #tpu.memory_space<vmem>>, vector<1x16xf32>,
      %get3A_1504 = arith.index_cast %add3A_1470 : i32 to index
      %get3A_1505 = arith.constant 48 : index
      %get3A_1506 = tpu.vector_load %arg13[%get3A_1504, %get3A_1505] {strides = array<i32>} : memref<160x64xf32, #tpu.memory_space<vmem>>, vector<1x16xf32>,
      %get3A_1507 = vector.shape_cast %get3A_1506 : vector<1x16xf32> to vector<16xf32>
      %mul3A_1508 = arith.mulf %get3A_1507, %broadcast_in_dim3A_1473 : vector<16xf32>
      %swap3A_1509 = arith.index_cast %add3A_1470 : i32 to index
      %swap3A_1510 = arith.constant 48 : index
      %swap3A_1511 = tpu.vector_load %arg13[%swap3A_1509, %swap3A_1510] {strides = array<i32>} : memref<160x64xf32, #tpu.memory_space<vmem>>, vector<1x16xf32>,
      %swap3A_1512 = vector.shape_cast %swap3A_1511 : vector<1x16xf32> to vector<16xf32>
      %swap3A_1513 = vector.shape_cast %mul3A_1508 : vector<16xf32> to vector<1x16xf32>
      tpu.vector_store %arg13[%swap3A_1509, %swap3A_1510], %swap3A_1513 {strides = array<i32>} : memref<160x64xf32, #tpu.memory_space<vmem>>, vector<1x16xf32>,
      %mul3A_1514 = arith.constant 16 : i32
      %mul3A_1515 = arith.muli %scan3A_850, %mul3A_1514 : i32
      %add3A_1516 = arith.constant 14 : i32
      %add3A_1517 = arith.addi %mul3A_1515, %add3A_1516 : i32
      %slice3A_1518 = vector.extract_strided_slice %get3A_857 {offsets = [14], sizes = [1], strides = [1]} : vector<16xf32> to vector<1xf32>
      %squeeze3A_1519 = vector.extract %slice3A_1518[0] : f32 from vector<1xf32>
      %broadcast_in_dim3A_1520 = vector.broadcast %squeeze3A_1519 : f32 to vector<16xf32>
      %get3A_1521 = arith.index_cast %add3A_1517 : i32 to index
      %get3A_1522 = arith.constant 0 : index
      %get3A_1523 = tpu.vector_load %arg13[%get3A_1521, %get3A_1522] {strides = array<i32>} : memref<160x64xf32, #tpu.memory_space<vmem>>, vector<1x16xf32>,
      %get3A_1524 = vector.shape_cast %get3A_1523 : vector<1x16xf32> to vector<16xf32>
      %mul3A_1525 = arith.mulf %get3A_1524, %broadcast_in_dim3A_1520 : vector<16xf32>
      %swap3A_1526 = arith.index_cast %add3A_1517 : i32 to index
      %swap3A_1527 = arith.constant 0 : index
      %swap3A_1528 = tpu.vector_load %arg13[%swap3A_1526, %swap3A_1527] {strides = array<i32>} : memref<160x64xf32, #tpu.memory_space<vmem>>, vector<1x16xf32>,
      %swap3A_1529 = vector.shape_cast %swap3A_1528 : vector<1x16xf32> to vector<16xf32>
      %swap3A_1530 = vector.shape_cast %mul3A_1525 : vector<16xf32> to vector<1x16xf32>
      tpu.vector_store %arg13[%swap3A_1526, %swap3A_1527], %swap3A_1530 {strides = array<i32>} : memref<160x64xf32, #tpu.memory_space<vmem>>, vector<1x16xf32>,
      %get3A_1531 = arith.index_cast %add3A_1517 : i32 to index
      %get3A_1532 = arith.constant 16 : index
      %get3A_1533 = tpu.vector_load %arg13[%get3A_1531, %get3A_1532] {strides = array<i32>} : memref<160x64xf32, #tpu.memory_space<vmem>>, vector<1x16xf32>,
      %get3A_1534 = vector.shape_cast %get3A_1533 : vector<1x16xf32> to vector<16xf32>
      %mul3A_1535 = arith.mulf %get3A_1534, %broadcast_in_dim3A_1520 : vector<16xf32>
      %swap3A_1536 = arith.index_cast %add3A_1517 : i32 to index
      %swap3A_1537 = arith.constant 16 : index
      %swap3A_1538 = tpu.vector_load %arg13[%swap3A_1536, %swap3A_1537] {strides = array<i32>} : memref<160x64xf32, #tpu.memory_space<vmem>>, vector<1x16xf32>,
      %swap3A_1539 = vector.shape_cast %swap3A_1538 : vector<1x16xf32> to vector<16xf32>
      %swap3A_1540 = vector.shape_cast %mul3A_1535 : vector<16xf32> to vector<1x16xf32>
      tpu.vector_store %arg13[%swap3A_1536, %swap3A_1537], %swap3A_1540 {strides = array<i32>} : memref<160x64xf32, #tpu.memory_space<vmem>>, vector<1x16xf32>,
      %get3A_1541 = arith.index_cast %add3A_1517 : i32 to index
      %get3A_1542 = arith.constant 32 : index
      %get3A_1543 = tpu.vector_load %arg13[%get3A_1541, %get3A_1542] {strides = array<i32>} : memref<160x64xf32, #tpu.memory_space<vmem>>, vector<1x16xf32>,
      %get3A_1544 = vector.shape_cast %get3A_1543 : vector<1x16xf32> to vector<16xf32>
      %mul3A_1545 = arith.mulf %get3A_1544, %broadcast_in_dim3A_1520 : vector<16xf32>
      %swap3A_1546 = arith.index_cast %add3A_1517 : i32 to index
      %swap3A_1547 = arith.constant 32 : index
      %swap3A_1548 = tpu.vector_load %arg13[%swap3A_1546, %swap3A_1547] {strides = array<i32>} : memref<160x64xf32, #tpu.memory_space<vmem>>, vector<1x16xf32>,
      %swap3A_1549 = vector.shape_cast %swap3A_1548 : vector<1x16xf32> to vector<16xf32>
      %swap3A_1550 = vector.shape_cast %mul3A_1545 : vector<16xf32> to vector<1x16xf32>
      tpu.vector_store %arg13[%swap3A_1546, %swap3A_1547], %swap3A_1550 {strides = array<i32>} : memref<160x64xf32, #tpu.memory_space<vmem>>, vector<1x16xf32>,
      %get3A_1551 = arith.index_cast %add3A_1517 : i32 to index
      %get3A_1552 = arith.constant 48 : index
      %get3A_1553 = tpu.vector_load %arg13[%get3A_1551, %get3A_1552] {strides = array<i32>} : memref<160x64xf32, #tpu.memory_space<vmem>>, vector<1x16xf32>,
      %get3A_1554 = vector.shape_cast %get3A_1553 : vector<1x16xf32> to vector<16xf32>
      %mul3A_1555 = arith.mulf %get3A_1554, %broadcast_in_dim3A_1520 : vector<16xf32>
      %swap3A_1556 = arith.index_cast %add3A_1517 : i32 to index
      %swap3A_1557 = arith.constant 48 : index
      %swap3A_1558 = tpu.vector_load %arg13[%swap3A_1556, %swap3A_1557] {strides = array<i32>} : memref<160x64xf32, #tpu.memory_space<vmem>>, vector<1x16xf32>,
      %swap3A_1559 = vector.shape_cast %swap3A_1558 : vector<1x16xf32> to vector<16xf32>
      %swap3A_1560 = vector.shape_cast %mul3A_1555 : vector<16xf32> to vector<1x16xf32>
      tpu.vector_store %arg13[%swap3A_1556, %swap3A_1557], %swap3A_1560 {strides = array<i32>} : memref<160x64xf32, #tpu.memory_space<vmem>>, vector<1x16xf32>,
      %mul3A_1561 = arith.constant 16 : i32
      %mul3A_1562 = arith.muli %scan3A_850, %mul3A_1561 : i32
      %add3A_1563 = arith.constant 15 : i32
      %add3A_1564 = arith.addi %mul3A_1562, %add3A_1563 : i32
      %slice3A_1565 = vector.extract_strided_slice %get3A_857 {offsets = [15], sizes = [1], strides = [1]} : vector<16xf32> to vector<1xf32>
      %squeeze3A_1566 = vector.extract %slice3A_1565[0] : f32 from vector<1xf32>
      %broadcast_in_dim3A_1567 = vector.broadcast %squeeze3A_1566 : f32 to vector<16xf32>
      %get3A_1568 = arith.index_cast %add3A_1564 : i32 to index
      %get3A_1569 = arith.constant 0 : index
      %get3A_1570 = tpu.vector_load %arg13[%get3A_1568, %get3A_1569] {strides = array<i32>} : memref<160x64xf32, #tpu.memory_space<vmem>>, vector<1x16xf32>,
      %get3A_1571 = vector.shape_cast %get3A_1570 : vector<1x16xf32> to vector<16xf32>
      %mul3A_1572 = arith.mulf %get3A_1571, %broadcast_in_dim3A_1567 : vector<16xf32>
      %swap3A_1573 = arith.index_cast %add3A_1564 : i32 to index
      %swap3A_1574 = arith.constant 0 : index
      %swap3A_1575 = tpu.vector_load %arg13[%swap3A_1573, %swap3A_1574] {strides = array<i32>} : memref<160x64xf32, #tpu.memory_space<vmem>>, vector<1x16xf32>,
      %swap3A_1576 = vector.shape_cast %swap3A_1575 : vector<1x16xf32> to vector<16xf32>
      %swap3A_1577 = vector.shape_cast %mul3A_1572 : vector<16xf32> to vector<1x16xf32>
      tpu.vector_store %arg13[%swap3A_1573, %swap3A_1574], %swap3A_1577 {strides = array<i32>} : memref<160x64xf32, #tpu.memory_space<vmem>>, vector<1x16xf32>,
      %get3A_1578 = arith.index_cast %add3A_1564 : i32 to index
      %get3A_1579 = arith.constant 16 : index
      %get3A_1580 = tpu.vector_load %arg13[%get3A_1578, %get3A_1579] {strides = array<i32>} : memref<160x64xf32, #tpu.memory_space<vmem>>, vector<1x16xf32>,
      %get3A_1581 = vector.shape_cast %get3A_1580 : vector<1x16xf32> to vector<16xf32>
      %mul3A_1582 = arith.mulf %get3A_1581, %broadcast_in_dim3A_1567 : vector<16xf32>
      %swap3A_1583 = arith.index_cast %add3A_1564 : i32 to index
      %swap3A_1584 = arith.constant 16 : index
      %swap3A_1585 = tpu.vector_load %arg13[%swap3A_1583, %swap3A_1584] {strides = array<i32>} : memref<160x64xf32, #tpu.memory_space<vmem>>, vector<1x16xf32>,
      %swap3A_1586 = vector.shape_cast %swap3A_1585 : vector<1x16xf32> to vector<16xf32>
      %swap3A_1587 = vector.shape_cast %mul3A_1582 : vector<16xf32> to vector<1x16xf32>
      tpu.vector_store %arg13[%swap3A_1583, %swap3A_1584], %swap3A_1587 {strides = array<i32>} : memref<160x64xf32, #tpu.memory_space<vmem>>, vector<1x16xf32>,
      %get3A_1588 = arith.index_cast %add3A_1564 : i32 to index
      %get3A_1589 = arith.constant 32 : index
      %get3A_1590 = tpu.vector_load %arg13[%get3A_1588, %get3A_1589] {strides = array<i32>} : memref<160x64xf32, #tpu.memory_space<vmem>>, vector<1x16xf32>,
      %get3A_1591 = vector.shape_cast %get3A_1590 : vector<1x16xf32> to vector<16xf32>
      %mul3A_1592 = arith.mulf %get3A_1591, %broadcast_in_dim3A_1567 : vector<16xf32>
      %swap3A_1593 = arith.index_cast %add3A_1564 : i32 to index
      %swap3A_1594 = arith.constant 32 : index
      %swap3A_1595 = tpu.vector_load %arg13[%swap3A_1593, %swap3A_1594] {strides = array<i32>} : memref<160x64xf32, #tpu.memory_space<vmem>>, vector<1x16xf32>,
      %swap3A_1596 = vector.shape_cast %swap3A_1595 : vector<1x16xf32> to vector<16xf32>
      %swap3A_1597 = vector.shape_cast %mul3A_1592 : vector<16xf32> to vector<1x16xf32>
      tpu.vector_store %arg13[%swap3A_1593, %swap3A_1594], %swap3A_1597 {strides = array<i32>} : memref<160x64xf32, #tpu.memory_space<vmem>>, vector<1x16xf32>,
      %get3A_1598 = arith.index_cast %add3A_1564 : i32 to index
      %get3A_1599 = arith.constant 48 : index
      %get3A_1600 = tpu.vector_load %arg13[%get3A_1598, %get3A_1599] {strides = array<i32>} : memref<160x64xf32, #tpu.memory_space<vmem>>, vector<1x16xf32>,
      %get3A_1601 = vector.shape_cast %get3A_1600 : vector<1x16xf32> to vector<16xf32>
      %mul3A_1602 = arith.mulf %get3A_1601, %broadcast_in_dim3A_1567 : vector<16xf32>
      %swap3A_1603 = arith.index_cast %add3A_1564 : i32 to index
      %swap3A_1604 = arith.constant 48 : index
      %swap3A_1605 = tpu.vector_load %arg13[%swap3A_1603, %swap3A_1604] {strides = array<i32>} : memref<160x64xf32, #tpu.memory_space<vmem>>, vector<1x16xf32>,
      %swap3A_1606 = vector.shape_cast %swap3A_1605 : vector<1x16xf32> to vector<16xf32>
      %swap3A_1607 = vector.shape_cast %mul3A_1602 : vector<16xf32> to vector<1x16xf32>
      tpu.vector_store %arg13[%swap3A_1603, %swap3A_1604], %swap3A_1607 {strides = array<i32>} : memref<160x64xf32, #tpu.memory_space<vmem>>, vector<1x16xf32>,
    }
    %scan3A_839 = arith.constant 10 : i32
    "tpu.region"() ({
      %run_scoped3A = tpu.sem_alloc : memref<!tpu.dma_semaphore, #tpu.memory_space<semaphore_mem>>
      %dma_start3A = arith.constant 320 : i32
      %dma_start3A_850 = arith.constant 0 : i32
      %dma_start3A_851 = tpu.memref_slice %arg7[%arg0, %arg1, %dma_start3A, %dma_start3A_850] : memref<2x16x640x64xf32, #tpu.memory_space<hbm>> -> memref<1x1x160x64xf32, #tpu.memory_space<hbm>>
      %dma_start3A_852 = tpu.memref_squeeze %dma_start3A_851 : memref<1x1x160x64xf32, #tpu.memory_space<hbm>> -> memref<160x64xf32, #tpu.memory_space<hbm>>
      %dma_start3A_853 = arith.constant 320 : i32
      %dma_start3A_854 = arith.constant 0 : i32
      %dma_start3A_855 = tpu.memref_slice %arg7[%arg0, %arg1, %dma_start3A_853, %dma_start3A_854] : memref<2x16x640x64xf32, #tpu.memory_space<hbm>> -> memref<1x1x160x64xf32, #tpu.memory_space<hbm>>
      %dma_start3A_856 = tpu.memref_squeeze %dma_start3A_855 : memref<1x1x160x64xf32, #tpu.memory_space<hbm>> -> memref<160x64xf32, #tpu.memory_space<hbm>>
      tpu.enqueue_dma source(%arg13 : memref<160x64xf32, #tpu.memory_space<vmem>>) target(%dma_start3A_856 : memref<160x64xf32, #tpu.memory_space<hbm>>) target_semaphore(%run_scoped3A : memref<!tpu.dma_semaphore, #tpu.memory_space<semaphore_mem>>)
      %dma_wait3A = arith.constant 320 : i32
      %dma_wait3A_857 = arith.constant 0 : i32
      %dma_wait3A_858 = tpu.memref_slice %arg7[%arg0, %arg1, %dma_wait3A, %dma_wait3A_857] : memref<2x16x640x64xf32, #tpu.memory_space<hbm>> -> memref<1x1x160x64xf32, #tpu.memory_space<hbm>>
      %dma_wait3A_859 = tpu.memref_squeeze %dma_wait3A_858 : memref<1x1x160x64xf32, #tpu.memory_space<hbm>> -> memref<160x64xf32, #tpu.memory_space<hbm>>
      %dma_wait3A_860 = arith.constant 320 : i32
      %dma_wait3A_861 = arith.constant 0 : i32
      %dma_wait3A_862 = tpu.memref_slice %arg7[%arg0, %arg1, %dma_wait3A_860, %dma_wait3A_861] : memref<2x16x640x64xf32, #tpu.memory_space<hbm>> -> memref<1x1x160x64xf32, #tpu.memory_space<hbm>>
      %dma_wait3A_863 = tpu.memref_squeeze %dma_wait3A_862 : memref<1x1x160x64xf32, #tpu.memory_space<hbm>> -> memref<160x64xf32, #tpu.memory_space<hbm>>
      tpu.wait_dma2 semaphore(%run_scoped3A : memref<!tpu.dma_semaphore, #tpu.memory_space<semaphore_mem>>) src(%arg13 : memref<160x64xf32, #tpu.memory_space<vmem>>) dst(%dma_wait3A_863 : memref<160x64xf32, #tpu.memory_space<hbm>>)
      tpu.yield
    }) : () -> ()
    %mul3A_840 = arith.constant 640 : i32
    %mul3A_841 = arith.muli %arg1, %mul3A_840 : i32
    %add3A_842 = arith.constant 480 : i32
    %add3A_843 = arith.addi %mul3A_841, %add3A_842 : i32
    "tpu.region"() ({
      %run_scoped3A = tpu.sem_alloc : memref<!tpu.dma_semaphore, #tpu.memory_space<semaphore_mem>>
      %dma_start3A = arith.constant 0 : i32
      %dma_start3A_850 = tpu.memref_slice %arg14[%add3A_843, %dma_start3A] : memref<10240x64xf32, #tpu.memory_space<vmem_shared>> -> memref<160x64xf32, #tpu.memory_space<vmem_shared>>
      %dma_start3A_851 = arith.constant 0 : i32
      %dma_start3A_852 = tpu.memref_slice %arg14[%add3A_843, %dma_start3A_851] : memref<10240x64xf32, #tpu.memory_space<vmem_shared>> -> memref<160x64xf32, #tpu.memory_space<vmem_shared>>
      tpu.enqueue_dma source(%dma_start3A_852 : memref<160x64xf32, #tpu.memory_space<vmem_shared>>) target(%arg13 : memref<160x64xf32, #tpu.memory_space<vmem>>) target_semaphore(%run_scoped3A : memref<!tpu.dma_semaphore, #tpu.memory_space<semaphore_mem>>)
      %dma_wait3A = arith.constant 0 : i32
      %dma_wait3A_853 = tpu.memref_slice %arg14[%add3A_843, %dma_wait3A] : memref<10240x64xf32, #tpu.memory_space<vmem_shared>> -> memref<160x64xf32, #tpu.memory_space<vmem_shared>>
      %dma_wait3A_854 = arith.constant 0 : i32
      %dma_wait3A_855 = tpu.memref_slice %arg14[%add3A_843, %dma_wait3A_854] : memref<10240x64xf32, #tpu.memory_space<vmem_shared>> -> memref<160x64xf32, #tpu.memory_space<vmem_shared>>
      tpu.wait_dma2 semaphore(%run_scoped3A : memref<!tpu.dma_semaphore, #tpu.memory_space<semaphore_mem>>) src(%dma_wait3A_855 : memref<160x64xf32, #tpu.memory_space<vmem_shared>>) dst(%arg13 : memref<160x64xf32, #tpu.memory_space<vmem>>)
      tpu.yield
    }) : () -> ()
    %scan3A_844 = arith.constant 0 : i32
    %scan3A_845 = arith.constant 0 : i32
    %scan3A_846 = arith.constant 10 : i32
    %scan3A_847 = arith.addi %scan3A_845, %scan3A_846 : i32
    %scan3A_848 = arith.constant 1 : i32
    scf.for %scan3A_850 = %scan3A_845 to %scan3A_847 step %scan3A_848  : i32 {
      %mul3A_851 = arith.constant 16 : i32
      %mul3A_852 = arith.muli %scan3A_850, %mul3A_851 : i32
      %add3A_853 = arith.constant 480 : i32
      %add3A_854 = arith.addi %add3A_853, %mul3A_852 : i32
      %get3A_855 = arith.index_cast %add3A_854 : i32 to index
      %get3A_856 = tpu.vector_load %arg12[%get3A_855] {strides = array<i32>} : memref<640xf32, #tpu.memory_space<vmem>>, vector<16xf32>,
      %get3A_857 = vector.shape_cast %get3A_856 : vector<16xf32> to vector<16xf32>
      %mul3A_858 = arith.constant 16 : i32
      %mul3A_859 = arith.muli %scan3A_850, %mul3A_858 : i32
      %add3A_860 = arith.constant 0 : i32
      %add3A_861 = arith.addi %mul3A_859, %add3A_860 : i32
      %slice3A = vector.extract_strided_slice %get3A_857 {offsets = [0], sizes = [1], strides = [1]} : vector<16xf32> to vector<1xf32>
      %squeeze3A = vector.extract %slice3A[0] : f32 from vector<1xf32>
      %broadcast_in_dim3A_862 = vector.broadcast %squeeze3A : f32 to vector<16xf32>
      %get3A_863 = arith.index_cast %add3A_861 : i32 to index
      %get3A_864 = arith.constant 0 : index
      %get3A_865 = tpu.vector_load %arg13[%get3A_863, %get3A_864] {strides = array<i32>} : memref<160x64xf32, #tpu.memory_space<vmem>>, vector<1x16xf32>,
      %get3A_866 = vector.shape_cast %get3A_865 : vector<1x16xf32> to vector<16xf32>
      %mul3A_867 = arith.mulf %get3A_866, %broadcast_in_dim3A_862 : vector<16xf32>
      %swap3A_868 = arith.index_cast %add3A_861 : i32 to index
      %swap3A_869 = arith.constant 0 : index
      %swap3A_870 = tpu.vector_load %arg13[%swap3A_868, %swap3A_869] {strides = array<i32>} : memref<160x64xf32, #tpu.memory_space<vmem>>, vector<1x16xf32>,
      %swap3A_871 = vector.shape_cast %swap3A_870 : vector<1x16xf32> to vector<16xf32>
      %swap3A_872 = vector.shape_cast %mul3A_867 : vector<16xf32> to vector<1x16xf32>
      tpu.vector_store %arg13[%swap3A_868, %swap3A_869], %swap3A_872 {strides = array<i32>} : memref<160x64xf32, #tpu.memory_space<vmem>>, vector<1x16xf32>,
      %get3A_873 = arith.index_cast %add3A_861 : i32 to index
      %get3A_874 = arith.constant 16 : index
      %get3A_875 = tpu.vector_load %arg13[%get3A_873, %get3A_874] {strides = array<i32>} : memref<160x64xf32, #tpu.memory_space<vmem>>, vector<1x16xf32>,
      %get3A_876 = vector.shape_cast %get3A_875 : vector<1x16xf32> to vector<16xf32>
      %mul3A_877 = arith.mulf %get3A_876, %broadcast_in_dim3A_862 : vector<16xf32>
      %swap3A_878 = arith.index_cast %add3A_861 : i32 to index
      %swap3A_879 = arith.constant 16 : index
      %swap3A_880 = tpu.vector_load %arg13[%swap3A_878, %swap3A_879] {strides = array<i32>} : memref<160x64xf32, #tpu.memory_space<vmem>>, vector<1x16xf32>,
      %swap3A_881 = vector.shape_cast %swap3A_880 : vector<1x16xf32> to vector<16xf32>
      %swap3A_882 = vector.shape_cast %mul3A_877 : vector<16xf32> to vector<1x16xf32>
      tpu.vector_store %arg13[%swap3A_878, %swap3A_879], %swap3A_882 {strides = array<i32>} : memref<160x64xf32, #tpu.memory_space<vmem>>, vector<1x16xf32>,
      %get3A_883 = arith.index_cast %add3A_861 : i32 to index
      %get3A_884 = arith.constant 32 : index
      %get3A_885 = tpu.vector_load %arg13[%get3A_883, %get3A_884] {strides = array<i32>} : memref<160x64xf32, #tpu.memory_space<vmem>>, vector<1x16xf32>,
      %get3A_886 = vector.shape_cast %get3A_885 : vector<1x16xf32> to vector<16xf32>
      %mul3A_887 = arith.mulf %get3A_886, %broadcast_in_dim3A_862 : vector<16xf32>
      %swap3A_888 = arith.index_cast %add3A_861 : i32 to index
      %swap3A_889 = arith.constant 32 : index
      %swap3A_890 = tpu.vector_load %arg13[%swap3A_888, %swap3A_889] {strides = array<i32>} : memref<160x64xf32, #tpu.memory_space<vmem>>, vector<1x16xf32>,
      %swap3A_891 = vector.shape_cast %swap3A_890 : vector<1x16xf32> to vector<16xf32>
      %swap3A_892 = vector.shape_cast %mul3A_887 : vector<16xf32> to vector<1x16xf32>
      tpu.vector_store %arg13[%swap3A_888, %swap3A_889], %swap3A_892 {strides = array<i32>} : memref<160x64xf32, #tpu.memory_space<vmem>>, vector<1x16xf32>,
      %get3A_893 = arith.index_cast %add3A_861 : i32 to index
      %get3A_894 = arith.constant 48 : index
      %get3A_895 = tpu.vector_load %arg13[%get3A_893, %get3A_894] {strides = array<i32>} : memref<160x64xf32, #tpu.memory_space<vmem>>, vector<1x16xf32>,
      %get3A_896 = vector.shape_cast %get3A_895 : vector<1x16xf32> to vector<16xf32>
      %mul3A_897 = arith.mulf %get3A_896, %broadcast_in_dim3A_862 : vector<16xf32>
      %swap3A_898 = arith.index_cast %add3A_861 : i32 to index
      %swap3A_899 = arith.constant 48 : index
      %swap3A_900 = tpu.vector_load %arg13[%swap3A_898, %swap3A_899] {strides = array<i32>} : memref<160x64xf32, #tpu.memory_space<vmem>>, vector<1x16xf32>,
      %swap3A_901 = vector.shape_cast %swap3A_900 : vector<1x16xf32> to vector<16xf32>
      %swap3A_902 = vector.shape_cast %mul3A_897 : vector<16xf32> to vector<1x16xf32>
      tpu.vector_store %arg13[%swap3A_898, %swap3A_899], %swap3A_902 {strides = array<i32>} : memref<160x64xf32, #tpu.memory_space<vmem>>, vector<1x16xf32>,
      %mul3A_903 = arith.constant 16 : i32
      %mul3A_904 = arith.muli %scan3A_850, %mul3A_903 : i32
      %add3A_905 = arith.constant 1 : i32
      %add3A_906 = arith.addi %mul3A_904, %add3A_905 : i32
      %slice3A_907 = vector.extract_strided_slice %get3A_857 {offsets = [1], sizes = [1], strides = [1]} : vector<16xf32> to vector<1xf32>
      %squeeze3A_908 = vector.extract %slice3A_907[0] : f32 from vector<1xf32>
      %broadcast_in_dim3A_909 = vector.broadcast %squeeze3A_908 : f32 to vector<16xf32>
      %get3A_910 = arith.index_cast %add3A_906 : i32 to index
      %get3A_911 = arith.constant 0 : index
      %get3A_912 = tpu.vector_load %arg13[%get3A_910, %get3A_911] {strides = array<i32>} : memref<160x64xf32, #tpu.memory_space<vmem>>, vector<1x16xf32>,
      %get3A_913 = vector.shape_cast %get3A_912 : vector<1x16xf32> to vector<16xf32>
      %mul3A_914 = arith.mulf %get3A_913, %broadcast_in_dim3A_909 : vector<16xf32>
      %swap3A_915 = arith.index_cast %add3A_906 : i32 to index
      %swap3A_916 = arith.constant 0 : index
      %swap3A_917 = tpu.vector_load %arg13[%swap3A_915, %swap3A_916] {strides = array<i32>} : memref<160x64xf32, #tpu.memory_space<vmem>>, vector<1x16xf32>,
      %swap3A_918 = vector.shape_cast %swap3A_917 : vector<1x16xf32> to vector<16xf32>
      %swap3A_919 = vector.shape_cast %mul3A_914 : vector<16xf32> to vector<1x16xf32>
      tpu.vector_store %arg13[%swap3A_915, %swap3A_916], %swap3A_919 {strides = array<i32>} : memref<160x64xf32, #tpu.memory_space<vmem>>, vector<1x16xf32>,
      %get3A_920 = arith.index_cast %add3A_906 : i32 to index
      %get3A_921 = arith.constant 16 : index
      %get3A_922 = tpu.vector_load %arg13[%get3A_920, %get3A_921] {strides = array<i32>} : memref<160x64xf32, #tpu.memory_space<vmem>>, vector<1x16xf32>,
      %get3A_923 = vector.shape_cast %get3A_922 : vector<1x16xf32> to vector<16xf32>
      %mul3A_924 = arith.mulf %get3A_923, %broadcast_in_dim3A_909 : vector<16xf32>
      %swap3A_925 = arith.index_cast %add3A_906 : i32 to index
      %swap3A_926 = arith.constant 16 : index
      %swap3A_927 = tpu.vector_load %arg13[%swap3A_925, %swap3A_926] {strides = array<i32>} : memref<160x64xf32, #tpu.memory_space<vmem>>, vector<1x16xf32>,
      %swap3A_928 = vector.shape_cast %swap3A_927 : vector<1x16xf32> to vector<16xf32>
      %swap3A_929 = vector.shape_cast %mul3A_924 : vector<16xf32> to vector<1x16xf32>
      tpu.vector_store %arg13[%swap3A_925, %swap3A_926], %swap3A_929 {strides = array<i32>} : memref<160x64xf32, #tpu.memory_space<vmem>>, vector<1x16xf32>,
      %get3A_930 = arith.index_cast %add3A_906 : i32 to index
      %get3A_931 = arith.constant 32 : index
      %get3A_932 = tpu.vector_load %arg13[%get3A_930, %get3A_931] {strides = array<i32>} : memref<160x64xf32, #tpu.memory_space<vmem>>, vector<1x16xf32>,
      %get3A_933 = vector.shape_cast %get3A_932 : vector<1x16xf32> to vector<16xf32>
      %mul3A_934 = arith.mulf %get3A_933, %broadcast_in_dim3A_909 : vector<16xf32>
      %swap3A_935 = arith.index_cast %add3A_906 : i32 to index
      %swap3A_936 = arith.constant 32 : index
      %swap3A_937 = tpu.vector_load %arg13[%swap3A_935, %swap3A_936] {strides = array<i32>} : memref<160x64xf32, #tpu.memory_space<vmem>>, vector<1x16xf32>,
      %swap3A_938 = vector.shape_cast %swap3A_937 : vector<1x16xf32> to vector<16xf32>
      %swap3A_939 = vector.shape_cast %mul3A_934 : vector<16xf32> to vector<1x16xf32>
      tpu.vector_store %arg13[%swap3A_935, %swap3A_936], %swap3A_939 {strides = array<i32>} : memref<160x64xf32, #tpu.memory_space<vmem>>, vector<1x16xf32>,
      %get3A_940 = arith.index_cast %add3A_906 : i32 to index
      %get3A_941 = arith.constant 48 : index
      %get3A_942 = tpu.vector_load %arg13[%get3A_940, %get3A_941] {strides = array<i32>} : memref<160x64xf32, #tpu.memory_space<vmem>>, vector<1x16xf32>,
      %get3A_943 = vector.shape_cast %get3A_942 : vector<1x16xf32> to vector<16xf32>
      %mul3A_944 = arith.mulf %get3A_943, %broadcast_in_dim3A_909 : vector<16xf32>
      %swap3A_945 = arith.index_cast %add3A_906 : i32 to index
      %swap3A_946 = arith.constant 48 : index
      %swap3A_947 = tpu.vector_load %arg13[%swap3A_945, %swap3A_946] {strides = array<i32>} : memref<160x64xf32, #tpu.memory_space<vmem>>, vector<1x16xf32>,
      %swap3A_948 = vector.shape_cast %swap3A_947 : vector<1x16xf32> to vector<16xf32>
      %swap3A_949 = vector.shape_cast %mul3A_944 : vector<16xf32> to vector<1x16xf32>
      tpu.vector_store %arg13[%swap3A_945, %swap3A_946], %swap3A_949 {strides = array<i32>} : memref<160x64xf32, #tpu.memory_space<vmem>>, vector<1x16xf32>,
      %mul3A_950 = arith.constant 16 : i32
      %mul3A_951 = arith.muli %scan3A_850, %mul3A_950 : i32
      %add3A_952 = arith.constant 2 : i32
      %add3A_953 = arith.addi %mul3A_951, %add3A_952 : i32
      %slice3A_954 = vector.extract_strided_slice %get3A_857 {offsets = [2], sizes = [1], strides = [1]} : vector<16xf32> to vector<1xf32>
      %squeeze3A_955 = vector.extract %slice3A_954[0] : f32 from vector<1xf32>
      %broadcast_in_dim3A_956 = vector.broadcast %squeeze3A_955 : f32 to vector<16xf32>
      %get3A_957 = arith.index_cast %add3A_953 : i32 to index
      %get3A_958 = arith.constant 0 : index
      %get3A_959 = tpu.vector_load %arg13[%get3A_957, %get3A_958] {strides = array<i32>} : memref<160x64xf32, #tpu.memory_space<vmem>>, vector<1x16xf32>,
      %get3A_960 = vector.shape_cast %get3A_959 : vector<1x16xf32> to vector<16xf32>
      %mul3A_961 = arith.mulf %get3A_960, %broadcast_in_dim3A_956 : vector<16xf32>
      %swap3A_962 = arith.index_cast %add3A_953 : i32 to index
      %swap3A_963 = arith.constant 0 : index
      %swap3A_964 = tpu.vector_load %arg13[%swap3A_962, %swap3A_963] {strides = array<i32>} : memref<160x64xf32, #tpu.memory_space<vmem>>, vector<1x16xf32>,
      %swap3A_965 = vector.shape_cast %swap3A_964 : vector<1x16xf32> to vector<16xf32>
      %swap3A_966 = vector.shape_cast %mul3A_961 : vector<16xf32> to vector<1x16xf32>
      tpu.vector_store %arg13[%swap3A_962, %swap3A_963], %swap3A_966 {strides = array<i32>} : memref<160x64xf32, #tpu.memory_space<vmem>>, vector<1x16xf32>,
      %get3A_967 = arith.index_cast %add3A_953 : i32 to index
      %get3A_968 = arith.constant 16 : index
      %get3A_969 = tpu.vector_load %arg13[%get3A_967, %get3A_968] {strides = array<i32>} : memref<160x64xf32, #tpu.memory_space<vmem>>, vector<1x16xf32>,
      %get3A_970 = vector.shape_cast %get3A_969 : vector<1x16xf32> to vector<16xf32>
      %mul3A_971 = arith.mulf %get3A_970, %broadcast_in_dim3A_956 : vector<16xf32>
      %swap3A_972 = arith.index_cast %add3A_953 : i32 to index
      %swap3A_973 = arith.constant 16 : index
      %swap3A_974 = tpu.vector_load %arg13[%swap3A_972, %swap3A_973] {strides = array<i32>} : memref<160x64xf32, #tpu.memory_space<vmem>>, vector<1x16xf32>,
      %swap3A_975 = vector.shape_cast %swap3A_974 : vector<1x16xf32> to vector<16xf32>
      %swap3A_976 = vector.shape_cast %mul3A_971 : vector<16xf32> to vector<1x16xf32>
      tpu.vector_store %arg13[%swap3A_972, %swap3A_973], %swap3A_976 {strides = array<i32>} : memref<160x64xf32, #tpu.memory_space<vmem>>, vector<1x16xf32>,
      %get3A_977 = arith.index_cast %add3A_953 : i32 to index
      %get3A_978 = arith.constant 32 : index
      %get3A_979 = tpu.vector_load %arg13[%get3A_977, %get3A_978] {strides = array<i32>} : memref<160x64xf32, #tpu.memory_space<vmem>>, vector<1x16xf32>,
      %get3A_980 = vector.shape_cast %get3A_979 : vector<1x16xf32> to vector<16xf32>
      %mul3A_981 = arith.mulf %get3A_980, %broadcast_in_dim3A_956 : vector<16xf32>
      %swap3A_982 = arith.index_cast %add3A_953 : i32 to index
      %swap3A_983 = arith.constant 32 : index
      %swap3A_984 = tpu.vector_load %arg13[%swap3A_982, %swap3A_983] {strides = array<i32>} : memref<160x64xf32, #tpu.memory_space<vmem>>, vector<1x16xf32>,
      %swap3A_985 = vector.shape_cast %swap3A_984 : vector<1x16xf32> to vector<16xf32>
      %swap3A_986 = vector.shape_cast %mul3A_981 : vector<16xf32> to vector<1x16xf32>
      tpu.vector_store %arg13[%swap3A_982, %swap3A_983], %swap3A_986 {strides = array<i32>} : memref<160x64xf32, #tpu.memory_space<vmem>>, vector<1x16xf32>,
      %get3A_987 = arith.index_cast %add3A_953 : i32 to index
      %get3A_988 = arith.constant 48 : index
      %get3A_989 = tpu.vector_load %arg13[%get3A_987, %get3A_988] {strides = array<i32>} : memref<160x64xf32, #tpu.memory_space<vmem>>, vector<1x16xf32>,
      %get3A_990 = vector.shape_cast %get3A_989 : vector<1x16xf32> to vector<16xf32>
      %mul3A_991 = arith.mulf %get3A_990, %broadcast_in_dim3A_956 : vector<16xf32>
      %swap3A_992 = arith.index_cast %add3A_953 : i32 to index
      %swap3A_993 = arith.constant 48 : index
      %swap3A_994 = tpu.vector_load %arg13[%swap3A_992, %swap3A_993] {strides = array<i32>} : memref<160x64xf32, #tpu.memory_space<vmem>>, vector<1x16xf32>,
      %swap3A_995 = vector.shape_cast %swap3A_994 : vector<1x16xf32> to vector<16xf32>
      %swap3A_996 = vector.shape_cast %mul3A_991 : vector<16xf32> to vector<1x16xf32>
      tpu.vector_store %arg13[%swap3A_992, %swap3A_993], %swap3A_996 {strides = array<i32>} : memref<160x64xf32, #tpu.memory_space<vmem>>, vector<1x16xf32>,
      %mul3A_997 = arith.constant 16 : i32
      %mul3A_998 = arith.muli %scan3A_850, %mul3A_997 : i32
      %add3A_999 = arith.constant 3 : i32
      %add3A_1000 = arith.addi %mul3A_998, %add3A_999 : i32
      %slice3A_1001 = vector.extract_strided_slice %get3A_857 {offsets = [3], sizes = [1], strides = [1]} : vector<16xf32> to vector<1xf32>
      %squeeze3A_1002 = vector.extract %slice3A_1001[0] : f32 from vector<1xf32>
      %broadcast_in_dim3A_1003 = vector.broadcast %squeeze3A_1002 : f32 to vector<16xf32>
      %get3A_1004 = arith.index_cast %add3A_1000 : i32 to index
      %get3A_1005 = arith.constant 0 : index
      %get3A_1006 = tpu.vector_load %arg13[%get3A_1004, %get3A_1005] {strides = array<i32>} : memref<160x64xf32, #tpu.memory_space<vmem>>, vector<1x16xf32>,
      %get3A_1007 = vector.shape_cast %get3A_1006 : vector<1x16xf32> to vector<16xf32>
      %mul3A_1008 = arith.mulf %get3A_1007, %broadcast_in_dim3A_1003 : vector<16xf32>
      %swap3A_1009 = arith.index_cast %add3A_1000 : i32 to index
      %swap3A_1010 = arith.constant 0 : index
      %swap3A_1011 = tpu.vector_load %arg13[%swap3A_1009, %swap3A_1010] {strides = array<i32>} : memref<160x64xf32, #tpu.memory_space<vmem>>, vector<1x16xf32>,
      %swap3A_1012 = vector.shape_cast %swap3A_1011 : vector<1x16xf32> to vector<16xf32>
      %swap3A_1013 = vector.shape_cast %mul3A_1008 : vector<16xf32> to vector<1x16xf32>
      tpu.vector_store %arg13[%swap3A_1009, %swap3A_1010], %swap3A_1013 {strides = array<i32>} : memref<160x64xf32, #tpu.memory_space<vmem>>, vector<1x16xf32>,
      %get3A_1014 = arith.index_cast %add3A_1000 : i32 to index
      %get3A_1015 = arith.constant 16 : index
      %get3A_1016 = tpu.vector_load %arg13[%get3A_1014, %get3A_1015] {strides = array<i32>} : memref<160x64xf32, #tpu.memory_space<vmem>>, vector<1x16xf32>,
      %get3A_1017 = vector.shape_cast %get3A_1016 : vector<1x16xf32> to vector<16xf32>
      %mul3A_1018 = arith.mulf %get3A_1017, %broadcast_in_dim3A_1003 : vector<16xf32>
      %swap3A_1019 = arith.index_cast %add3A_1000 : i32 to index
      %swap3A_1020 = arith.constant 16 : index
      %swap3A_1021 = tpu.vector_load %arg13[%swap3A_1019, %swap3A_1020] {strides = array<i32>} : memref<160x64xf32, #tpu.memory_space<vmem>>, vector<1x16xf32>,
      %swap3A_1022 = vector.shape_cast %swap3A_1021 : vector<1x16xf32> to vector<16xf32>
      %swap3A_1023 = vector.shape_cast %mul3A_1018 : vector<16xf32> to vector<1x16xf32>
      tpu.vector_store %arg13[%swap3A_1019, %swap3A_1020], %swap3A_1023 {strides = array<i32>} : memref<160x64xf32, #tpu.memory_space<vmem>>, vector<1x16xf32>,
      %get3A_1024 = arith.index_cast %add3A_1000 : i32 to index
      %get3A_1025 = arith.constant 32 : index
      %get3A_1026 = tpu.vector_load %arg13[%get3A_1024, %get3A_1025] {strides = array<i32>} : memref<160x64xf32, #tpu.memory_space<vmem>>, vector<1x16xf32>,
      %get3A_1027 = vector.shape_cast %get3A_1026 : vector<1x16xf32> to vector<16xf32>
      %mul3A_1028 = arith.mulf %get3A_1027, %broadcast_in_dim3A_1003 : vector<16xf32>
      %swap3A_1029 = arith.index_cast %add3A_1000 : i32 to index
      %swap3A_1030 = arith.constant 32 : index
      %swap3A_1031 = tpu.vector_load %arg13[%swap3A_1029, %swap3A_1030] {strides = array<i32>} : memref<160x64xf32, #tpu.memory_space<vmem>>, vector<1x16xf32>,
      %swap3A_1032 = vector.shape_cast %swap3A_1031 : vector<1x16xf32> to vector<16xf32>
      %swap3A_1033 = vector.shape_cast %mul3A_1028 : vector<16xf32> to vector<1x16xf32>
      tpu.vector_store %arg13[%swap3A_1029, %swap3A_1030], %swap3A_1033 {strides = array<i32>} : memref<160x64xf32, #tpu.memory_space<vmem>>, vector<1x16xf32>,
      %get3A_1034 = arith.index_cast %add3A_1000 : i32 to index
      %get3A_1035 = arith.constant 48 : index
      %get3A_1036 = tpu.vector_load %arg13[%get3A_1034, %get3A_1035] {strides = array<i32>} : memref<160x64xf32, #tpu.memory_space<vmem>>, vector<1x16xf32>,
      %get3A_1037 = vector.shape_cast %get3A_1036 : vector<1x16xf32> to vector<16xf32>
      %mul3A_1038 = arith.mulf %get3A_1037, %broadcast_in_dim3A_1003 : vector<16xf32>
      %swap3A_1039 = arith.index_cast %add3A_1000 : i32 to index
      %swap3A_1040 = arith.constant 48 : index
      %swap3A_1041 = tpu.vector_load %arg13[%swap3A_1039, %swap3A_1040] {strides = array<i32>} : memref<160x64xf32, #tpu.memory_space<vmem>>, vector<1x16xf32>,
      %swap3A_1042 = vector.shape_cast %swap3A_1041 : vector<1x16xf32> to vector<16xf32>
      %swap3A_1043 = vector.shape_cast %mul3A_1038 : vector<16xf32> to vector<1x16xf32>
      tpu.vector_store %arg13[%swap3A_1039, %swap3A_1040], %swap3A_1043 {strides = array<i32>} : memref<160x64xf32, #tpu.memory_space<vmem>>, vector<1x16xf32>,
      %mul3A_1044 = arith.constant 16 : i32
      %mul3A_1045 = arith.muli %scan3A_850, %mul3A_1044 : i32
      %add3A_1046 = arith.constant 4 : i32
      %add3A_1047 = arith.addi %mul3A_1045, %add3A_1046 : i32
      %slice3A_1048 = vector.extract_strided_slice %get3A_857 {offsets = [4], sizes = [1], strides = [1]} : vector<16xf32> to vector<1xf32>
      %squeeze3A_1049 = vector.extract %slice3A_1048[0] : f32 from vector<1xf32>
      %broadcast_in_dim3A_1050 = vector.broadcast %squeeze3A_1049 : f32 to vector<16xf32>
      %get3A_1051 = arith.index_cast %add3A_1047 : i32 to index
      %get3A_1052 = arith.constant 0 : index
      %get3A_1053 = tpu.vector_load %arg13[%get3A_1051, %get3A_1052] {strides = array<i32>} : memref<160x64xf32, #tpu.memory_space<vmem>>, vector<1x16xf32>,
      %get3A_1054 = vector.shape_cast %get3A_1053 : vector<1x16xf32> to vector<16xf32>
      %mul3A_1055 = arith.mulf %get3A_1054, %broadcast_in_dim3A_1050 : vector<16xf32>
      %swap3A_1056 = arith.index_cast %add3A_1047 : i32 to index
      %swap3A_1057 = arith.constant 0 : index
      %swap3A_1058 = tpu.vector_load %arg13[%swap3A_1056, %swap3A_1057] {strides = array<i32>} : memref<160x64xf32, #tpu.memory_space<vmem>>, vector<1x16xf32>,
      %swap3A_1059 = vector.shape_cast %swap3A_1058 : vector<1x16xf32> to vector<16xf32>
      %swap3A_1060 = vector.shape_cast %mul3A_1055 : vector<16xf32> to vector<1x16xf32>
      tpu.vector_store %arg13[%swap3A_1056, %swap3A_1057], %swap3A_1060 {strides = array<i32>} : memref<160x64xf32, #tpu.memory_space<vmem>>, vector<1x16xf32>,
      %get3A_1061 = arith.index_cast %add3A_1047 : i32 to index
      %get3A_1062 = arith.constant 16 : index
      %get3A_1063 = tpu.vector_load %arg13[%get3A_1061, %get3A_1062] {strides = array<i32>} : memref<160x64xf32, #tpu.memory_space<vmem>>, vector<1x16xf32>,
      %get3A_1064 = vector.shape_cast %get3A_1063 : vector<1x16xf32> to vector<16xf32>
      %mul3A_1065 = arith.mulf %get3A_1064, %broadcast_in_dim3A_1050 : vector<16xf32>
      %swap3A_1066 = arith.index_cast %add3A_1047 : i32 to index
      %swap3A_1067 = arith.constant 16 : index
      %swap3A_1068 = tpu.vector_load %arg13[%swap3A_1066, %swap3A_1067] {strides = array<i32>} : memref<160x64xf32, #tpu.memory_space<vmem>>, vector<1x16xf32>,
      %swap3A_1069 = vector.shape_cast %swap3A_1068 : vector<1x16xf32> to vector<16xf32>
      %swap3A_1070 = vector.shape_cast %mul3A_1065 : vector<16xf32> to vector<1x16xf32>
      tpu.vector_store %arg13[%swap3A_1066, %swap3A_1067], %swap3A_1070 {strides = array<i32>} : memref<160x64xf32, #tpu.memory_space<vmem>>, vector<1x16xf32>,
      %get3A_1071 = arith.index_cast %add3A_1047 : i32 to index
      %get3A_1072 = arith.constant 32 : index
      %get3A_1073 = tpu.vector_load %arg13[%get3A_1071, %get3A_1072] {strides = array<i32>} : memref<160x64xf32, #tpu.memory_space<vmem>>, vector<1x16xf32>,
      %get3A_1074 = vector.shape_cast %get3A_1073 : vector<1x16xf32> to vector<16xf32>
      %mul3A_1075 = arith.mulf %get3A_1074, %broadcast_in_dim3A_1050 : vector<16xf32>
      %swap3A_1076 = arith.index_cast %add3A_1047 : i32 to index
      %swap3A_1077 = arith.constant 32 : index
      %swap3A_1078 = tpu.vector_load %arg13[%swap3A_1076, %swap3A_1077] {strides = array<i32>} : memref<160x64xf32, #tpu.memory_space<vmem>>, vector<1x16xf32>,
      %swap3A_1079 = vector.shape_cast %swap3A_1078 : vector<1x16xf32> to vector<16xf32>
      %swap3A_1080 = vector.shape_cast %mul3A_1075 : vector<16xf32> to vector<1x16xf32>
      tpu.vector_store %arg13[%swap3A_1076, %swap3A_1077], %swap3A_1080 {strides = array<i32>} : memref<160x64xf32, #tpu.memory_space<vmem>>, vector<1x16xf32>,
      %get3A_1081 = arith.index_cast %add3A_1047 : i32 to index
      %get3A_1082 = arith.constant 48 : index
      %get3A_1083 = tpu.vector_load %arg13[%get3A_1081, %get3A_1082] {strides = array<i32>} : memref<160x64xf32, #tpu.memory_space<vmem>>, vector<1x16xf32>,
      %get3A_1084 = vector.shape_cast %get3A_1083 : vector<1x16xf32> to vector<16xf32>
      %mul3A_1085 = arith.mulf %get3A_1084, %broadcast_in_dim3A_1050 : vector<16xf32>
      %swap3A_1086 = arith.index_cast %add3A_1047 : i32 to index
      %swap3A_1087 = arith.constant 48 : index
      %swap3A_1088 = tpu.vector_load %arg13[%swap3A_1086, %swap3A_1087] {strides = array<i32>} : memref<160x64xf32, #tpu.memory_space<vmem>>, vector<1x16xf32>,
      %swap3A_1089 = vector.shape_cast %swap3A_1088 : vector<1x16xf32> to vector<16xf32>
      %swap3A_1090 = vector.shape_cast %mul3A_1085 : vector<16xf32> to vector<1x16xf32>
      tpu.vector_store %arg13[%swap3A_1086, %swap3A_1087], %swap3A_1090 {strides = array<i32>} : memref<160x64xf32, #tpu.memory_space<vmem>>, vector<1x16xf32>,
      %mul3A_1091 = arith.constant 16 : i32
      %mul3A_1092 = arith.muli %scan3A_850, %mul3A_1091 : i32
      %add3A_1093 = arith.constant 5 : i32
      %add3A_1094 = arith.addi %mul3A_1092, %add3A_1093 : i32
      %slice3A_1095 = vector.extract_strided_slice %get3A_857 {offsets = [5], sizes = [1], strides = [1]} : vector<16xf32> to vector<1xf32>
      %squeeze3A_1096 = vector.extract %slice3A_1095[0] : f32 from vector<1xf32>
      %broadcast_in_dim3A_1097 = vector.broadcast %squeeze3A_1096 : f32 to vector<16xf32>
      %get3A_1098 = arith.index_cast %add3A_1094 : i32 to index
      %get3A_1099 = arith.constant 0 : index
      %get3A_1100 = tpu.vector_load %arg13[%get3A_1098, %get3A_1099] {strides = array<i32>} : memref<160x64xf32, #tpu.memory_space<vmem>>, vector<1x16xf32>,
      %get3A_1101 = vector.shape_cast %get3A_1100 : vector<1x16xf32> to vector<16xf32>
      %mul3A_1102 = arith.mulf %get3A_1101, %broadcast_in_dim3A_1097 : vector<16xf32>
      %swap3A_1103 = arith.index_cast %add3A_1094 : i32 to index
      %swap3A_1104 = arith.constant 0 : index
      %swap3A_1105 = tpu.vector_load %arg13[%swap3A_1103, %swap3A_1104] {strides = array<i32>} : memref<160x64xf32, #tpu.memory_space<vmem>>, vector<1x16xf32>,
      %swap3A_1106 = vector.shape_cast %swap3A_1105 : vector<1x16xf32> to vector<16xf32>
      %swap3A_1107 = vector.shape_cast %mul3A_1102 : vector<16xf32> to vector<1x16xf32>
      tpu.vector_store %arg13[%swap3A_1103, %swap3A_1104], %swap3A_1107 {strides = array<i32>} : memref<160x64xf32, #tpu.memory_space<vmem>>, vector<1x16xf32>,
      %get3A_1108 = arith.index_cast %add3A_1094 : i32 to index
      %get3A_1109 = arith.constant 16 : index
      %get3A_1110 = tpu.vector_load %arg13[%get3A_1108, %get3A_1109] {strides = array<i32>} : memref<160x64xf32, #tpu.memory_space<vmem>>, vector<1x16xf32>,
      %get3A_1111 = vector.shape_cast %get3A_1110 : vector<1x16xf32> to vector<16xf32>
      %mul3A_1112 = arith.mulf %get3A_1111, %broadcast_in_dim3A_1097 : vector<16xf32>
      %swap3A_1113 = arith.index_cast %add3A_1094 : i32 to index
      %swap3A_1114 = arith.constant 16 : index
      %swap3A_1115 = tpu.vector_load %arg13[%swap3A_1113, %swap3A_1114] {strides = array<i32>} : memref<160x64xf32, #tpu.memory_space<vmem>>, vector<1x16xf32>,
      %swap3A_1116 = vector.shape_cast %swap3A_1115 : vector<1x16xf32> to vector<16xf32>
      %swap3A_1117 = vector.shape_cast %mul3A_1112 : vector<16xf32> to vector<1x16xf32>
      tpu.vector_store %arg13[%swap3A_1113, %swap3A_1114], %swap3A_1117 {strides = array<i32>} : memref<160x64xf32, #tpu.memory_space<vmem>>, vector<1x16xf32>,
      %get3A_1118 = arith.index_cast %add3A_1094 : i32 to index
      %get3A_1119 = arith.constant 32 : index
      %get3A_1120 = tpu.vector_load %arg13[%get3A_1118, %get3A_1119] {strides = array<i32>} : memref<160x64xf32, #tpu.memory_space<vmem>>, vector<1x16xf32>,
      %get3A_1121 = vector.shape_cast %get3A_1120 : vector<1x16xf32> to vector<16xf32>
      %mul3A_1122 = arith.mulf %get3A_1121, %broadcast_in_dim3A_1097 : vector<16xf32>
      %swap3A_1123 = arith.index_cast %add3A_1094 : i32 to index
      %swap3A_1124 = arith.constant 32 : index
      %swap3A_1125 = tpu.vector_load %arg13[%swap3A_1123, %swap3A_1124] {strides = array<i32>} : memref<160x64xf32, #tpu.memory_space<vmem>>, vector<1x16xf32>,
      %swap3A_1126 = vector.shape_cast %swap3A_1125 : vector<1x16xf32> to vector<16xf32>
      %swap3A_1127 = vector.shape_cast %mul3A_1122 : vector<16xf32> to vector<1x16xf32>
      tpu.vector_store %arg13[%swap3A_1123, %swap3A_1124], %swap3A_1127 {strides = array<i32>} : memref<160x64xf32, #tpu.memory_space<vmem>>, vector<1x16xf32>,
      %get3A_1128 = arith.index_cast %add3A_1094 : i32 to index
      %get3A_1129 = arith.constant 48 : index
      %get3A_1130 = tpu.vector_load %arg13[%get3A_1128, %get3A_1129] {strides = array<i32>} : memref<160x64xf32, #tpu.memory_space<vmem>>, vector<1x16xf32>,
      %get3A_1131 = vector.shape_cast %get3A_1130 : vector<1x16xf32> to vector<16xf32>
      %mul3A_1132 = arith.mulf %get3A_1131, %broadcast_in_dim3A_1097 : vector<16xf32>
      %swap3A_1133 = arith.index_cast %add3A_1094 : i32 to index
      %swap3A_1134 = arith.constant 48 : index
      %swap3A_1135 = tpu.vector_load %arg13[%swap3A_1133, %swap3A_1134] {strides = array<i32>} : memref<160x64xf32, #tpu.memory_space<vmem>>, vector<1x16xf32>,
      %swap3A_1136 = vector.shape_cast %swap3A_1135 : vector<1x16xf32> to vector<16xf32>
      %swap3A_1137 = vector.shape_cast %mul3A_1132 : vector<16xf32> to vector<1x16xf32>
      tpu.vector_store %arg13[%swap3A_1133, %swap3A_1134], %swap3A_1137 {strides = array<i32>} : memref<160x64xf32, #tpu.memory_space<vmem>>, vector<1x16xf32>,
      %mul3A_1138 = arith.constant 16 : i32
      %mul3A_1139 = arith.muli %scan3A_850, %mul3A_1138 : i32
      %add3A_1140 = arith.constant 6 : i32
      %add3A_1141 = arith.addi %mul3A_1139, %add3A_1140 : i32
      %slice3A_1142 = vector.extract_strided_slice %get3A_857 {offsets = [6], sizes = [1], strides = [1]} : vector<16xf32> to vector<1xf32>
      %squeeze3A_1143 = vector.extract %slice3A_1142[0] : f32 from vector<1xf32>
      %broadcast_in_dim3A_1144 = vector.broadcast %squeeze3A_1143 : f32 to vector<16xf32>
      %get3A_1145 = arith.index_cast %add3A_1141 : i32 to index
      %get3A_1146 = arith.constant 0 : index
      %get3A_1147 = tpu.vector_load %arg13[%get3A_1145, %get3A_1146] {strides = array<i32>} : memref<160x64xf32, #tpu.memory_space<vmem>>, vector<1x16xf32>,
      %get3A_1148 = vector.shape_cast %get3A_1147 : vector<1x16xf32> to vector<16xf32>
      %mul3A_1149 = arith.mulf %get3A_1148, %broadcast_in_dim3A_1144 : vector<16xf32>
      %swap3A_1150 = arith.index_cast %add3A_1141 : i32 to index
      %swap3A_1151 = arith.constant 0 : index
      %swap3A_1152 = tpu.vector_load %arg13[%swap3A_1150, %swap3A_1151] {strides = array<i32>} : memref<160x64xf32, #tpu.memory_space<vmem>>, vector<1x16xf32>,
      %swap3A_1153 = vector.shape_cast %swap3A_1152 : vector<1x16xf32> to vector<16xf32>
      %swap3A_1154 = vector.shape_cast %mul3A_1149 : vector<16xf32> to vector<1x16xf32>
      tpu.vector_store %arg13[%swap3A_1150, %swap3A_1151], %swap3A_1154 {strides = array<i32>} : memref<160x64xf32, #tpu.memory_space<vmem>>, vector<1x16xf32>,
      %get3A_1155 = arith.index_cast %add3A_1141 : i32 to index
      %get3A_1156 = arith.constant 16 : index
      %get3A_1157 = tpu.vector_load %arg13[%get3A_1155, %get3A_1156] {strides = array<i32>} : memref<160x64xf32, #tpu.memory_space<vmem>>, vector<1x16xf32>,
      %get3A_1158 = vector.shape_cast %get3A_1157 : vector<1x16xf32> to vector<16xf32>
      %mul3A_1159 = arith.mulf %get3A_1158, %broadcast_in_dim3A_1144 : vector<16xf32>
      %swap3A_1160 = arith.index_cast %add3A_1141 : i32 to index
      %swap3A_1161 = arith.constant 16 : index
      %swap3A_1162 = tpu.vector_load %arg13[%swap3A_1160, %swap3A_1161] {strides = array<i32>} : memref<160x64xf32, #tpu.memory_space<vmem>>, vector<1x16xf32>,
      %swap3A_1163 = vector.shape_cast %swap3A_1162 : vector<1x16xf32> to vector<16xf32>
      %swap3A_1164 = vector.shape_cast %mul3A_1159 : vector<16xf32> to vector<1x16xf32>
      tpu.vector_store %arg13[%swap3A_1160, %swap3A_1161], %swap3A_1164 {strides = array<i32>} : memref<160x64xf32, #tpu.memory_space<vmem>>, vector<1x16xf32>,
      %get3A_1165 = arith.index_cast %add3A_1141 : i32 to index
      %get3A_1166 = arith.constant 32 : index
      %get3A_1167 = tpu.vector_load %arg13[%get3A_1165, %get3A_1166] {strides = array<i32>} : memref<160x64xf32, #tpu.memory_space<vmem>>, vector<1x16xf32>,
      %get3A_1168 = vector.shape_cast %get3A_1167 : vector<1x16xf32> to vector<16xf32>
      %mul3A_1169 = arith.mulf %get3A_1168, %broadcast_in_dim3A_1144 : vector<16xf32>
      %swap3A_1170 = arith.index_cast %add3A_1141 : i32 to index
      %swap3A_1171 = arith.constant 32 : index
      %swap3A_1172 = tpu.vector_load %arg13[%swap3A_1170, %swap3A_1171] {strides = array<i32>} : memref<160x64xf32, #tpu.memory_space<vmem>>, vector<1x16xf32>,
      %swap3A_1173 = vector.shape_cast %swap3A_1172 : vector<1x16xf32> to vector<16xf32>
      %swap3A_1174 = vector.shape_cast %mul3A_1169 : vector<16xf32> to vector<1x16xf32>
      tpu.vector_store %arg13[%swap3A_1170, %swap3A_1171], %swap3A_1174 {strides = array<i32>} : memref<160x64xf32, #tpu.memory_space<vmem>>, vector<1x16xf32>,
      %get3A_1175 = arith.index_cast %add3A_1141 : i32 to index
      %get3A_1176 = arith.constant 48 : index
      %get3A_1177 = tpu.vector_load %arg13[%get3A_1175, %get3A_1176] {strides = array<i32>} : memref<160x64xf32, #tpu.memory_space<vmem>>, vector<1x16xf32>,
      %get3A_1178 = vector.shape_cast %get3A_1177 : vector<1x16xf32> to vector<16xf32>
      %mul3A_1179 = arith.mulf %get3A_1178, %broadcast_in_dim3A_1144 : vector<16xf32>
      %swap3A_1180 = arith.index_cast %add3A_1141 : i32 to index
      %swap3A_1181 = arith.constant 48 : index
      %swap3A_1182 = tpu.vector_load %arg13[%swap3A_1180, %swap3A_1181] {strides = array<i32>} : memref<160x64xf32, #tpu.memory_space<vmem>>, vector<1x16xf32>,
      %swap3A_1183 = vector.shape_cast %swap3A_1182 : vector<1x16xf32> to vector<16xf32>
      %swap3A_1184 = vector.shape_cast %mul3A_1179 : vector<16xf32> to vector<1x16xf32>
      tpu.vector_store %arg13[%swap3A_1180, %swap3A_1181], %swap3A_1184 {strides = array<i32>} : memref<160x64xf32, #tpu.memory_space<vmem>>, vector<1x16xf32>,
      %mul3A_1185 = arith.constant 16 : i32
      %mul3A_1186 = arith.muli %scan3A_850, %mul3A_1185 : i32
      %add3A_1187 = arith.constant 7 : i32
      %add3A_1188 = arith.addi %mul3A_1186, %add3A_1187 : i32
      %slice3A_1189 = vector.extract_strided_slice %get3A_857 {offsets = [7], sizes = [1], strides = [1]} : vector<16xf32> to vector<1xf32>
      %squeeze3A_1190 = vector.extract %slice3A_1189[0] : f32 from vector<1xf32>
      %broadcast_in_dim3A_1191 = vector.broadcast %squeeze3A_1190 : f32 to vector<16xf32>
      %get3A_1192 = arith.index_cast %add3A_1188 : i32 to index
      %get3A_1193 = arith.constant 0 : index
      %get3A_1194 = tpu.vector_load %arg13[%get3A_1192, %get3A_1193] {strides = array<i32>} : memref<160x64xf32, #tpu.memory_space<vmem>>, vector<1x16xf32>,
      %get3A_1195 = vector.shape_cast %get3A_1194 : vector<1x16xf32> to vector<16xf32>
      %mul3A_1196 = arith.mulf %get3A_1195, %broadcast_in_dim3A_1191 : vector<16xf32>
      %swap3A_1197 = arith.index_cast %add3A_1188 : i32 to index
      %swap3A_1198 = arith.constant 0 : index
      %swap3A_1199 = tpu.vector_load %arg13[%swap3A_1197, %swap3A_1198] {strides = array<i32>} : memref<160x64xf32, #tpu.memory_space<vmem>>, vector<1x16xf32>,
      %swap3A_1200 = vector.shape_cast %swap3A_1199 : vector<1x16xf32> to vector<16xf32>
      %swap3A_1201 = vector.shape_cast %mul3A_1196 : vector<16xf32> to vector<1x16xf32>
      tpu.vector_store %arg13[%swap3A_1197, %swap3A_1198], %swap3A_1201 {strides = array<i32>} : memref<160x64xf32, #tpu.memory_space<vmem>>, vector<1x16xf32>,
      %get3A_1202 = arith.index_cast %add3A_1188 : i32 to index
      %get3A_1203 = arith.constant 16 : index
      %get3A_1204 = tpu.vector_load %arg13[%get3A_1202, %get3A_1203] {strides = array<i32>} : memref<160x64xf32, #tpu.memory_space<vmem>>, vector<1x16xf32>,
      %get3A_1205 = vector.shape_cast %get3A_1204 : vector<1x16xf32> to vector<16xf32>
      %mul3A_1206 = arith.mulf %get3A_1205, %broadcast_in_dim3A_1191 : vector<16xf32>
      %swap3A_1207 = arith.index_cast %add3A_1188 : i32 to index
      %swap3A_1208 = arith.constant 16 : index
      %swap3A_1209 = tpu.vector_load %arg13[%swap3A_1207, %swap3A_1208] {strides = array<i32>} : memref<160x64xf32, #tpu.memory_space<vmem>>, vector<1x16xf32>,
      %swap3A_1210 = vector.shape_cast %swap3A_1209 : vector<1x16xf32> to vector<16xf32>
      %swap3A_1211 = vector.shape_cast %mul3A_1206 : vector<16xf32> to vector<1x16xf32>
      tpu.vector_store %arg13[%swap3A_1207, %swap3A_1208], %swap3A_1211 {strides = array<i32>} : memref<160x64xf32, #tpu.memory_space<vmem>>, vector<1x16xf32>,
      %get3A_1212 = arith.index_cast %add3A_1188 : i32 to index
      %get3A_1213 = arith.constant 32 : index
      %get3A_1214 = tpu.vector_load %arg13[%get3A_1212, %get3A_1213] {strides = array<i32>} : memref<160x64xf32, #tpu.memory_space<vmem>>, vector<1x16xf32>,
      %get3A_1215 = vector.shape_cast %get3A_1214 : vector<1x16xf32> to vector<16xf32>
      %mul3A_1216 = arith.mulf %get3A_1215, %broadcast_in_dim3A_1191 : vector<16xf32>
      %swap3A_1217 = arith.index_cast %add3A_1188 : i32 to index
      %swap3A_1218 = arith.constant 32 : index
      %swap3A_1219 = tpu.vector_load %arg13[%swap3A_1217, %swap3A_1218] {strides = array<i32>} : memref<160x64xf32, #tpu.memory_space<vmem>>, vector<1x16xf32>,
      %swap3A_1220 = vector.shape_cast %swap3A_1219 : vector<1x16xf32> to vector<16xf32>
      %swap3A_1221 = vector.shape_cast %mul3A_1216 : vector<16xf32> to vector<1x16xf32>
      tpu.vector_store %arg13[%swap3A_1217, %swap3A_1218], %swap3A_1221 {strides = array<i32>} : memref<160x64xf32, #tpu.memory_space<vmem>>, vector<1x16xf32>,
      %get3A_1222 = arith.index_cast %add3A_1188 : i32 to index
      %get3A_1223 = arith.constant 48 : index
      %get3A_1224 = tpu.vector_load %arg13[%get3A_1222, %get3A_1223] {strides = array<i32>} : memref<160x64xf32, #tpu.memory_space<vmem>>, vector<1x16xf32>,
      %get3A_1225 = vector.shape_cast %get3A_1224 : vector<1x16xf32> to vector<16xf32>
      %mul3A_1226 = arith.mulf %get3A_1225, %broadcast_in_dim3A_1191 : vector<16xf32>
      %swap3A_1227 = arith.index_cast %add3A_1188 : i32 to index
      %swap3A_1228 = arith.constant 48 : index
      %swap3A_1229 = tpu.vector_load %arg13[%swap3A_1227, %swap3A_1228] {strides = array<i32>} : memref<160x64xf32, #tpu.memory_space<vmem>>, vector<1x16xf32>,
      %swap3A_1230 = vector.shape_cast %swap3A_1229 : vector<1x16xf32> to vector<16xf32>
      %swap3A_1231 = vector.shape_cast %mul3A_1226 : vector<16xf32> to vector<1x16xf32>
      tpu.vector_store %arg13[%swap3A_1227, %swap3A_1228], %swap3A_1231 {strides = array<i32>} : memref<160x64xf32, #tpu.memory_space<vmem>>, vector<1x16xf32>,
      %mul3A_1232 = arith.constant 16 : i32
      %mul3A_1233 = arith.muli %scan3A_850, %mul3A_1232 : i32
      %add3A_1234 = arith.constant 8 : i32
      %add3A_1235 = arith.addi %mul3A_1233, %add3A_1234 : i32
      %slice3A_1236 = vector.extract_strided_slice %get3A_857 {offsets = [8], sizes = [1], strides = [1]} : vector<16xf32> to vector<1xf32>
      %squeeze3A_1237 = vector.extract %slice3A_1236[0] : f32 from vector<1xf32>
      %broadcast_in_dim3A_1238 = vector.broadcast %squeeze3A_1237 : f32 to vector<16xf32>
      %get3A_1239 = arith.index_cast %add3A_1235 : i32 to index
      %get3A_1240 = arith.constant 0 : index
      %get3A_1241 = tpu.vector_load %arg13[%get3A_1239, %get3A_1240] {strides = array<i32>} : memref<160x64xf32, #tpu.memory_space<vmem>>, vector<1x16xf32>,
      %get3A_1242 = vector.shape_cast %get3A_1241 : vector<1x16xf32> to vector<16xf32>
      %mul3A_1243 = arith.mulf %get3A_1242, %broadcast_in_dim3A_1238 : vector<16xf32>
      %swap3A_1244 = arith.index_cast %add3A_1235 : i32 to index
      %swap3A_1245 = arith.constant 0 : index
      %swap3A_1246 = tpu.vector_load %arg13[%swap3A_1244, %swap3A_1245] {strides = array<i32>} : memref<160x64xf32, #tpu.memory_space<vmem>>, vector<1x16xf32>,
      %swap3A_1247 = vector.shape_cast %swap3A_1246 : vector<1x16xf32> to vector<16xf32>
      %swap3A_1248 = vector.shape_cast %mul3A_1243 : vector<16xf32> to vector<1x16xf32>
      tpu.vector_store %arg13[%swap3A_1244, %swap3A_1245], %swap3A_1248 {strides = array<i32>} : memref<160x64xf32, #tpu.memory_space<vmem>>, vector<1x16xf32>,
      %get3A_1249 = arith.index_cast %add3A_1235 : i32 to index
      %get3A_1250 = arith.constant 16 : index
      %get3A_1251 = tpu.vector_load %arg13[%get3A_1249, %get3A_1250] {strides = array<i32>} : memref<160x64xf32, #tpu.memory_space<vmem>>, vector<1x16xf32>,
      %get3A_1252 = vector.shape_cast %get3A_1251 : vector<1x16xf32> to vector<16xf32>
      %mul3A_1253 = arith.mulf %get3A_1252, %broadcast_in_dim3A_1238 : vector<16xf32>
      %swap3A_1254 = arith.index_cast %add3A_1235 : i32 to index
      %swap3A_1255 = arith.constant 16 : index
      %swap3A_1256 = tpu.vector_load %arg13[%swap3A_1254, %swap3A_1255] {strides = array<i32>} : memref<160x64xf32, #tpu.memory_space<vmem>>, vector<1x16xf32>,
      %swap3A_1257 = vector.shape_cast %swap3A_1256 : vector<1x16xf32> to vector<16xf32>
      %swap3A_1258 = vector.shape_cast %mul3A_1253 : vector<16xf32> to vector<1x16xf32>
      tpu.vector_store %arg13[%swap3A_1254, %swap3A_1255], %swap3A_1258 {strides = array<i32>} : memref<160x64xf32, #tpu.memory_space<vmem>>, vector<1x16xf32>,
      %get3A_1259 = arith.index_cast %add3A_1235 : i32 to index
      %get3A_1260 = arith.constant 32 : index
      %get3A_1261 = tpu.vector_load %arg13[%get3A_1259, %get3A_1260] {strides = array<i32>} : memref<160x64xf32, #tpu.memory_space<vmem>>, vector<1x16xf32>,
      %get3A_1262 = vector.shape_cast %get3A_1261 : vector<1x16xf32> to vector<16xf32>
      %mul3A_1263 = arith.mulf %get3A_1262, %broadcast_in_dim3A_1238 : vector<16xf32>
      %swap3A_1264 = arith.index_cast %add3A_1235 : i32 to index
      %swap3A_1265 = arith.constant 32 : index
      %swap3A_1266 = tpu.vector_load %arg13[%swap3A_1264, %swap3A_1265] {strides = array<i32>} : memref<160x64xf32, #tpu.memory_space<vmem>>, vector<1x16xf32>,
      %swap3A_1267 = vector.shape_cast %swap3A_1266 : vector<1x16xf32> to vector<16xf32>
      %swap3A_1268 = vector.shape_cast %mul3A_1263 : vector<16xf32> to vector<1x16xf32>
      tpu.vector_store %arg13[%swap3A_1264, %swap3A_1265], %swap3A_1268 {strides = array<i32>} : memref<160x64xf32, #tpu.memory_space<vmem>>, vector<1x16xf32>,
      %get3A_1269 = arith.index_cast %add3A_1235 : i32 to index
      %get3A_1270 = arith.constant 48 : index
      %get3A_1271 = tpu.vector_load %arg13[%get3A_1269, %get3A_1270] {strides = array<i32>} : memref<160x64xf32, #tpu.memory_space<vmem>>, vector<1x16xf32>,
      %get3A_1272 = vector.shape_cast %get3A_1271 : vector<1x16xf32> to vector<16xf32>
      %mul3A_1273 = arith.mulf %get3A_1272, %broadcast_in_dim3A_1238 : vector<16xf32>
      %swap3A_1274 = arith.index_cast %add3A_1235 : i32 to index
      %swap3A_1275 = arith.constant 48 : index
      %swap3A_1276 = tpu.vector_load %arg13[%swap3A_1274, %swap3A_1275] {strides = array<i32>} : memref<160x64xf32, #tpu.memory_space<vmem>>, vector<1x16xf32>,
      %swap3A_1277 = vector.shape_cast %swap3A_1276 : vector<1x16xf32> to vector<16xf32>
      %swap3A_1278 = vector.shape_cast %mul3A_1273 : vector<16xf32> to vector<1x16xf32>
      tpu.vector_store %arg13[%swap3A_1274, %swap3A_1275], %swap3A_1278 {strides = array<i32>} : memref<160x64xf32, #tpu.memory_space<vmem>>, vector<1x16xf32>,
      %mul3A_1279 = arith.constant 16 : i32
      %mul3A_1280 = arith.muli %scan3A_850, %mul3A_1279 : i32
      %add3A_1281 = arith.constant 9 : i32
      %add3A_1282 = arith.addi %mul3A_1280, %add3A_1281 : i32
      %slice3A_1283 = vector.extract_strided_slice %get3A_857 {offsets = [9], sizes = [1], strides = [1]} : vector<16xf32> to vector<1xf32>
      %squeeze3A_1284 = vector.extract %slice3A_1283[0] : f32 from vector<1xf32>
      %broadcast_in_dim3A_1285 = vector.broadcast %squeeze3A_1284 : f32 to vector<16xf32>
      %get3A_1286 = arith.index_cast %add3A_1282 : i32 to index
      %get3A_1287 = arith.constant 0 : index
      %get3A_1288 = tpu.vector_load %arg13[%get3A_1286, %get3A_1287] {strides = array<i32>} : memref<160x64xf32, #tpu.memory_space<vmem>>, vector<1x16xf32>,
      %get3A_1289 = vector.shape_cast %get3A_1288 : vector<1x16xf32> to vector<16xf32>
      %mul3A_1290 = arith.mulf %get3A_1289, %broadcast_in_dim3A_1285 : vector<16xf32>
      %swap3A_1291 = arith.index_cast %add3A_1282 : i32 to index
      %swap3A_1292 = arith.constant 0 : index
      %swap3A_1293 = tpu.vector_load %arg13[%swap3A_1291, %swap3A_1292] {strides = array<i32>} : memref<160x64xf32, #tpu.memory_space<vmem>>, vector<1x16xf32>,
      %swap3A_1294 = vector.shape_cast %swap3A_1293 : vector<1x16xf32> to vector<16xf32>
      %swap3A_1295 = vector.shape_cast %mul3A_1290 : vector<16xf32> to vector<1x16xf32>
      tpu.vector_store %arg13[%swap3A_1291, %swap3A_1292], %swap3A_1295 {strides = array<i32>} : memref<160x64xf32, #tpu.memory_space<vmem>>, vector<1x16xf32>,
      %get3A_1296 = arith.index_cast %add3A_1282 : i32 to index
      %get3A_1297 = arith.constant 16 : index
      %get3A_1298 = tpu.vector_load %arg13[%get3A_1296, %get3A_1297] {strides = array<i32>} : memref<160x64xf32, #tpu.memory_space<vmem>>, vector<1x16xf32>,
      %get3A_1299 = vector.shape_cast %get3A_1298 : vector<1x16xf32> to vector<16xf32>
      %mul3A_1300 = arith.mulf %get3A_1299, %broadcast_in_dim3A_1285 : vector<16xf32>
      %swap3A_1301 = arith.index_cast %add3A_1282 : i32 to index
      %swap3A_1302 = arith.constant 16 : index
      %swap3A_1303 = tpu.vector_load %arg13[%swap3A_1301, %swap3A_1302] {strides = array<i32>} : memref<160x64xf32, #tpu.memory_space<vmem>>, vector<1x16xf32>,
      %swap3A_1304 = vector.shape_cast %swap3A_1303 : vector<1x16xf32> to vector<16xf32>
      %swap3A_1305 = vector.shape_cast %mul3A_1300 : vector<16xf32> to vector<1x16xf32>
      tpu.vector_store %arg13[%swap3A_1301, %swap3A_1302], %swap3A_1305 {strides = array<i32>} : memref<160x64xf32, #tpu.memory_space<vmem>>, vector<1x16xf32>,
      %get3A_1306 = arith.index_cast %add3A_1282 : i32 to index
      %get3A_1307 = arith.constant 32 : index
      %get3A_1308 = tpu.vector_load %arg13[%get3A_1306, %get3A_1307] {strides = array<i32>} : memref<160x64xf32, #tpu.memory_space<vmem>>, vector<1x16xf32>,
      %get3A_1309 = vector.shape_cast %get3A_1308 : vector<1x16xf32> to vector<16xf32>
      %mul3A_1310 = arith.mulf %get3A_1309, %broadcast_in_dim3A_1285 : vector<16xf32>
      %swap3A_1311 = arith.index_cast %add3A_1282 : i32 to index
      %swap3A_1312 = arith.constant 32 : index
      %swap3A_1313 = tpu.vector_load %arg13[%swap3A_1311, %swap3A_1312] {strides = array<i32>} : memref<160x64xf32, #tpu.memory_space<vmem>>, vector<1x16xf32>,
      %swap3A_1314 = vector.shape_cast %swap3A_1313 : vector<1x16xf32> to vector<16xf32>
      %swap3A_1315 = vector.shape_cast %mul3A_1310 : vector<16xf32> to vector<1x16xf32>
      tpu.vector_store %arg13[%swap3A_1311, %swap3A_1312], %swap3A_1315 {strides = array<i32>} : memref<160x64xf32, #tpu.memory_space<vmem>>, vector<1x16xf32>,
      %get3A_1316 = arith.index_cast %add3A_1282 : i32 to index
      %get3A_1317 = arith.constant 48 : index
      %get3A_1318 = tpu.vector_load %arg13[%get3A_1316, %get3A_1317] {strides = array<i32>} : memref<160x64xf32, #tpu.memory_space<vmem>>, vector<1x16xf32>,
      %get3A_1319 = vector.shape_cast %get3A_1318 : vector<1x16xf32> to vector<16xf32>
      %mul3A_1320 = arith.mulf %get3A_1319, %broadcast_in_dim3A_1285 : vector<16xf32>
      %swap3A_1321 = arith.index_cast %add3A_1282 : i32 to index
      %swap3A_1322 = arith.constant 48 : index
      %swap3A_1323 = tpu.vector_load %arg13[%swap3A_1321, %swap3A_1322] {strides = array<i32>} : memref<160x64xf32, #tpu.memory_space<vmem>>, vector<1x16xf32>,
      %swap3A_1324 = vector.shape_cast %swap3A_1323 : vector<1x16xf32> to vector<16xf32>
      %swap3A_1325 = vector.shape_cast %mul3A_1320 : vector<16xf32> to vector<1x16xf32>
      tpu.vector_store %arg13[%swap3A_1321, %swap3A_1322], %swap3A_1325 {strides = array<i32>} : memref<160x64xf32, #tpu.memory_space<vmem>>, vector<1x16xf32>,
      %mul3A_1326 = arith.constant 16 : i32
      %mul3A_1327 = arith.muli %scan3A_850, %mul3A_1326 : i32
      %add3A_1328 = arith.constant 10 : i32
      %add3A_1329 = arith.addi %mul3A_1327, %add3A_1328 : i32
      %slice3A_1330 = vector.extract_strided_slice %get3A_857 {offsets = [10], sizes = [1], strides = [1]} : vector<16xf32> to vector<1xf32>
      %squeeze3A_1331 = vector.extract %slice3A_1330[0] : f32 from vector<1xf32>
      %broadcast_in_dim3A_1332 = vector.broadcast %squeeze3A_1331 : f32 to vector<16xf32>
      %get3A_1333 = arith.index_cast %add3A_1329 : i32 to index
      %get3A_1334 = arith.constant 0 : index
      %get3A_1335 = tpu.vector_load %arg13[%get3A_1333, %get3A_1334] {strides = array<i32>} : memref<160x64xf32, #tpu.memory_space<vmem>>, vector<1x16xf32>,
      %get3A_1336 = vector.shape_cast %get3A_1335 : vector<1x16xf32> to vector<16xf32>
      %mul3A_1337 = arith.mulf %get3A_1336, %broadcast_in_dim3A_1332 : vector<16xf32>
      %swap3A_1338 = arith.index_cast %add3A_1329 : i32 to index
      %swap3A_1339 = arith.constant 0 : index
      %swap3A_1340 = tpu.vector_load %arg13[%swap3A_1338, %swap3A_1339] {strides = array<i32>} : memref<160x64xf32, #tpu.memory_space<vmem>>, vector<1x16xf32>,
      %swap3A_1341 = vector.shape_cast %swap3A_1340 : vector<1x16xf32> to vector<16xf32>
      %swap3A_1342 = vector.shape_cast %mul3A_1337 : vector<16xf32> to vector<1x16xf32>
      tpu.vector_store %arg13[%swap3A_1338, %swap3A_1339], %swap3A_1342 {strides = array<i32>} : memref<160x64xf32, #tpu.memory_space<vmem>>, vector<1x16xf32>,
      %get3A_1343 = arith.index_cast %add3A_1329 : i32 to index
      %get3A_1344 = arith.constant 16 : index
      %get3A_1345 = tpu.vector_load %arg13[%get3A_1343, %get3A_1344] {strides = array<i32>} : memref<160x64xf32, #tpu.memory_space<vmem>>, vector<1x16xf32>,
      %get3A_1346 = vector.shape_cast %get3A_1345 : vector<1x16xf32> to vector<16xf32>
      %mul3A_1347 = arith.mulf %get3A_1346, %broadcast_in_dim3A_1332 : vector<16xf32>
      %swap3A_1348 = arith.index_cast %add3A_1329 : i32 to index
      %swap3A_1349 = arith.constant 16 : index
      %swap3A_1350 = tpu.vector_load %arg13[%swap3A_1348, %swap3A_1349] {strides = array<i32>} : memref<160x64xf32, #tpu.memory_space<vmem>>, vector<1x16xf32>,
      %swap3A_1351 = vector.shape_cast %swap3A_1350 : vector<1x16xf32> to vector<16xf32>
      %swap3A_1352 = vector.shape_cast %mul3A_1347 : vector<16xf32> to vector<1x16xf32>
      tpu.vector_store %arg13[%swap3A_1348, %swap3A_1349], %swap3A_1352 {strides = array<i32>} : memref<160x64xf32, #tpu.memory_space<vmem>>, vector<1x16xf32>,
      %get3A_1353 = arith.index_cast %add3A_1329 : i32 to index
      %get3A_1354 = arith.constant 32 : index
      %get3A_1355 = tpu.vector_load %arg13[%get3A_1353, %get3A_1354] {strides = array<i32>} : memref<160x64xf32, #tpu.memory_space<vmem>>, vector<1x16xf32>,
      %get3A_1356 = vector.shape_cast %get3A_1355 : vector<1x16xf32> to vector<16xf32>
      %mul3A_1357 = arith.mulf %get3A_1356, %broadcast_in_dim3A_1332 : vector<16xf32>
      %swap3A_1358 = arith.index_cast %add3A_1329 : i32 to index
      %swap3A_1359 = arith.constant 32 : index
      %swap3A_1360 = tpu.vector_load %arg13[%swap3A_1358, %swap3A_1359] {strides = array<i32>} : memref<160x64xf32, #tpu.memory_space<vmem>>, vector<1x16xf32>,
      %swap3A_1361 = vector.shape_cast %swap3A_1360 : vector<1x16xf32> to vector<16xf32>
      %swap3A_1362 = vector.shape_cast %mul3A_1357 : vector<16xf32> to vector<1x16xf32>
      tpu.vector_store %arg13[%swap3A_1358, %swap3A_1359], %swap3A_1362 {strides = array<i32>} : memref<160x64xf32, #tpu.memory_space<vmem>>, vector<1x16xf32>,
      %get3A_1363 = arith.index_cast %add3A_1329 : i32 to index
      %get3A_1364 = arith.constant 48 : index
      %get3A_1365 = tpu.vector_load %arg13[%get3A_1363, %get3A_1364] {strides = array<i32>} : memref<160x64xf32, #tpu.memory_space<vmem>>, vector<1x16xf32>,
      %get3A_1366 = vector.shape_cast %get3A_1365 : vector<1x16xf32> to vector<16xf32>
      %mul3A_1367 = arith.mulf %get3A_1366, %broadcast_in_dim3A_1332 : vector<16xf32>
      %swap3A_1368 = arith.index_cast %add3A_1329 : i32 to index
      %swap3A_1369 = arith.constant 48 : index
      %swap3A_1370 = tpu.vector_load %arg13[%swap3A_1368, %swap3A_1369] {strides = array<i32>} : memref<160x64xf32, #tpu.memory_space<vmem>>, vector<1x16xf32>,
      %swap3A_1371 = vector.shape_cast %swap3A_1370 : vector<1x16xf32> to vector<16xf32>
      %swap3A_1372 = vector.shape_cast %mul3A_1367 : vector<16xf32> to vector<1x16xf32>
      tpu.vector_store %arg13[%swap3A_1368, %swap3A_1369], %swap3A_1372 {strides = array<i32>} : memref<160x64xf32, #tpu.memory_space<vmem>>, vector<1x16xf32>,
      %mul3A_1373 = arith.constant 16 : i32
      %mul3A_1374 = arith.muli %scan3A_850, %mul3A_1373 : i32
      %add3A_1375 = arith.constant 11 : i32
      %add3A_1376 = arith.addi %mul3A_1374, %add3A_1375 : i32
      %slice3A_1377 = vector.extract_strided_slice %get3A_857 {offsets = [11], sizes = [1], strides = [1]} : vector<16xf32> to vector<1xf32>
      %squeeze3A_1378 = vector.extract %slice3A_1377[0] : f32 from vector<1xf32>
      %broadcast_in_dim3A_1379 = vector.broadcast %squeeze3A_1378 : f32 to vector<16xf32>
      %get3A_1380 = arith.index_cast %add3A_1376 : i32 to index
      %get3A_1381 = arith.constant 0 : index
      %get3A_1382 = tpu.vector_load %arg13[%get3A_1380, %get3A_1381] {strides = array<i32>} : memref<160x64xf32, #tpu.memory_space<vmem>>, vector<1x16xf32>,
      %get3A_1383 = vector.shape_cast %get3A_1382 : vector<1x16xf32> to vector<16xf32>
      %mul3A_1384 = arith.mulf %get3A_1383, %broadcast_in_dim3A_1379 : vector<16xf32>
      %swap3A_1385 = arith.index_cast %add3A_1376 : i32 to index
      %swap3A_1386 = arith.constant 0 : index
      %swap3A_1387 = tpu.vector_load %arg13[%swap3A_1385, %swap3A_1386] {strides = array<i32>} : memref<160x64xf32, #tpu.memory_space<vmem>>, vector<1x16xf32>,
      %swap3A_1388 = vector.shape_cast %swap3A_1387 : vector<1x16xf32> to vector<16xf32>
      %swap3A_1389 = vector.shape_cast %mul3A_1384 : vector<16xf32> to vector<1x16xf32>
      tpu.vector_store %arg13[%swap3A_1385, %swap3A_1386], %swap3A_1389 {strides = array<i32>} : memref<160x64xf32, #tpu.memory_space<vmem>>, vector<1x16xf32>,
      %get3A_1390 = arith.index_cast %add3A_1376 : i32 to index
      %get3A_1391 = arith.constant 16 : index
      %get3A_1392 = tpu.vector_load %arg13[%get3A_1390, %get3A_1391] {strides = array<i32>} : memref<160x64xf32, #tpu.memory_space<vmem>>, vector<1x16xf32>,
      %get3A_1393 = vector.shape_cast %get3A_1392 : vector<1x16xf32> to vector<16xf32>
      %mul3A_1394 = arith.mulf %get3A_1393, %broadcast_in_dim3A_1379 : vector<16xf32>
      %swap3A_1395 = arith.index_cast %add3A_1376 : i32 to index
      %swap3A_1396 = arith.constant 16 : index
      %swap3A_1397 = tpu.vector_load %arg13[%swap3A_1395, %swap3A_1396] {strides = array<i32>} : memref<160x64xf32, #tpu.memory_space<vmem>>, vector<1x16xf32>,
      %swap3A_1398 = vector.shape_cast %swap3A_1397 : vector<1x16xf32> to vector<16xf32>
      %swap3A_1399 = vector.shape_cast %mul3A_1394 : vector<16xf32> to vector<1x16xf32>
      tpu.vector_store %arg13[%swap3A_1395, %swap3A_1396], %swap3A_1399 {strides = array<i32>} : memref<160x64xf32, #tpu.memory_space<vmem>>, vector<1x16xf32>,
      %get3A_1400 = arith.index_cast %add3A_1376 : i32 to index
      %get3A_1401 = arith.constant 32 : index
      %get3A_1402 = tpu.vector_load %arg13[%get3A_1400, %get3A_1401] {strides = array<i32>} : memref<160x64xf32, #tpu.memory_space<vmem>>, vector<1x16xf32>,
      %get3A_1403 = vector.shape_cast %get3A_1402 : vector<1x16xf32> to vector<16xf32>
      %mul3A_1404 = arith.mulf %get3A_1403, %broadcast_in_dim3A_1379 : vector<16xf32>
      %swap3A_1405 = arith.index_cast %add3A_1376 : i32 to index
      %swap3A_1406 = arith.constant 32 : index
      %swap3A_1407 = tpu.vector_load %arg13[%swap3A_1405, %swap3A_1406] {strides = array<i32>} : memref<160x64xf32, #tpu.memory_space<vmem>>, vector<1x16xf32>,
      %swap3A_1408 = vector.shape_cast %swap3A_1407 : vector<1x16xf32> to vector<16xf32>
      %swap3A_1409 = vector.shape_cast %mul3A_1404 : vector<16xf32> to vector<1x16xf32>
      tpu.vector_store %arg13[%swap3A_1405, %swap3A_1406], %swap3A_1409 {strides = array<i32>} : memref<160x64xf32, #tpu.memory_space<vmem>>, vector<1x16xf32>,
      %get3A_1410 = arith.index_cast %add3A_1376 : i32 to index
      %get3A_1411 = arith.constant 48 : index
      %get3A_1412 = tpu.vector_load %arg13[%get3A_1410, %get3A_1411] {strides = array<i32>} : memref<160x64xf32, #tpu.memory_space<vmem>>, vector<1x16xf32>,
      %get3A_1413 = vector.shape_cast %get3A_1412 : vector<1x16xf32> to vector<16xf32>
      %mul3A_1414 = arith.mulf %get3A_1413, %broadcast_in_dim3A_1379 : vector<16xf32>
      %swap3A_1415 = arith.index_cast %add3A_1376 : i32 to index
      %swap3A_1416 = arith.constant 48 : index
      %swap3A_1417 = tpu.vector_load %arg13[%swap3A_1415, %swap3A_1416] {strides = array<i32>} : memref<160x64xf32, #tpu.memory_space<vmem>>, vector<1x16xf32>,
      %swap3A_1418 = vector.shape_cast %swap3A_1417 : vector<1x16xf32> to vector<16xf32>
      %swap3A_1419 = vector.shape_cast %mul3A_1414 : vector<16xf32> to vector<1x16xf32>
      tpu.vector_store %arg13[%swap3A_1415, %swap3A_1416], %swap3A_1419 {strides = array<i32>} : memref<160x64xf32, #tpu.memory_space<vmem>>, vector<1x16xf32>,
      %mul3A_1420 = arith.constant 16 : i32
      %mul3A_1421 = arith.muli %scan3A_850, %mul3A_1420 : i32
      %add3A_1422 = arith.constant 12 : i32
      %add3A_1423 = arith.addi %mul3A_1421, %add3A_1422 : i32
      %slice3A_1424 = vector.extract_strided_slice %get3A_857 {offsets = [12], sizes = [1], strides = [1]} : vector<16xf32> to vector<1xf32>
      %squeeze3A_1425 = vector.extract %slice3A_1424[0] : f32 from vector<1xf32>
      %broadcast_in_dim3A_1426 = vector.broadcast %squeeze3A_1425 : f32 to vector<16xf32>
      %get3A_1427 = arith.index_cast %add3A_1423 : i32 to index
      %get3A_1428 = arith.constant 0 : index
      %get3A_1429 = tpu.vector_load %arg13[%get3A_1427, %get3A_1428] {strides = array<i32>} : memref<160x64xf32, #tpu.memory_space<vmem>>, vector<1x16xf32>,
      %get3A_1430 = vector.shape_cast %get3A_1429 : vector<1x16xf32> to vector<16xf32>
      %mul3A_1431 = arith.mulf %get3A_1430, %broadcast_in_dim3A_1426 : vector<16xf32>
      %swap3A_1432 = arith.index_cast %add3A_1423 : i32 to index
      %swap3A_1433 = arith.constant 0 : index
      %swap3A_1434 = tpu.vector_load %arg13[%swap3A_1432, %swap3A_1433] {strides = array<i32>} : memref<160x64xf32, #tpu.memory_space<vmem>>, vector<1x16xf32>,
      %swap3A_1435 = vector.shape_cast %swap3A_1434 : vector<1x16xf32> to vector<16xf32>
      %swap3A_1436 = vector.shape_cast %mul3A_1431 : vector<16xf32> to vector<1x16xf32>
      tpu.vector_store %arg13[%swap3A_1432, %swap3A_1433], %swap3A_1436 {strides = array<i32>} : memref<160x64xf32, #tpu.memory_space<vmem>>, vector<1x16xf32>,
      %get3A_1437 = arith.index_cast %add3A_1423 : i32 to index
      %get3A_1438 = arith.constant 16 : index
      %get3A_1439 = tpu.vector_load %arg13[%get3A_1437, %get3A_1438] {strides = array<i32>} : memref<160x64xf32, #tpu.memory_space<vmem>>, vector<1x16xf32>,
      %get3A_1440 = vector.shape_cast %get3A_1439 : vector<1x16xf32> to vector<16xf32>
      %mul3A_1441 = arith.mulf %get3A_1440, %broadcast_in_dim3A_1426 : vector<16xf32>
      %swap3A_1442 = arith.index_cast %add3A_1423 : i32 to index
      %swap3A_1443 = arith.constant 16 : index
      %swap3A_1444 = tpu.vector_load %arg13[%swap3A_1442, %swap3A_1443] {strides = array<i32>} : memref<160x64xf32, #tpu.memory_space<vmem>>, vector<1x16xf32>,
      %swap3A_1445 = vector.shape_cast %swap3A_1444 : vector<1x16xf32> to vector<16xf32>
      %swap3A_1446 = vector.shape_cast %mul3A_1441 : vector<16xf32> to vector<1x16xf32>
      tpu.vector_store %arg13[%swap3A_1442, %swap3A_1443], %swap3A_1446 {strides = array<i32>} : memref<160x64xf32, #tpu.memory_space<vmem>>, vector<1x16xf32>,
      %get3A_1447 = arith.index_cast %add3A_1423 : i32 to index
      %get3A_1448 = arith.constant 32 : index
      %get3A_1449 = tpu.vector_load %arg13[%get3A_1447, %get3A_1448] {strides = array<i32>} : memref<160x64xf32, #tpu.memory_space<vmem>>, vector<1x16xf32>,
      %get3A_1450 = vector.shape_cast %get3A_1449 : vector<1x16xf32> to vector<16xf32>
      %mul3A_1451 = arith.mulf %get3A_1450, %broadcast_in_dim3A_1426 : vector<16xf32>
      %swap3A_1452 = arith.index_cast %add3A_1423 : i32 to index
      %swap3A_1453 = arith.constant 32 : index
      %swap3A_1454 = tpu.vector_load %arg13[%swap3A_1452, %swap3A_1453] {strides = array<i32>} : memref<160x64xf32, #tpu.memory_space<vmem>>, vector<1x16xf32>,
      %swap3A_1455 = vector.shape_cast %swap3A_1454 : vector<1x16xf32> to vector<16xf32>
      %swap3A_1456 = vector.shape_cast %mul3A_1451 : vector<16xf32> to vector<1x16xf32>
      tpu.vector_store %arg13[%swap3A_1452, %swap3A_1453], %swap3A_1456 {strides = array<i32>} : memref<160x64xf32, #tpu.memory_space<vmem>>, vector<1x16xf32>,
      %get3A_1457 = arith.index_cast %add3A_1423 : i32 to index
      %get3A_1458 = arith.constant 48 : index
      %get3A_1459 = tpu.vector_load %arg13[%get3A_1457, %get3A_1458] {strides = array<i32>} : memref<160x64xf32, #tpu.memory_space<vmem>>, vector<1x16xf32>,
      %get3A_1460 = vector.shape_cast %get3A_1459 : vector<1x16xf32> to vector<16xf32>
      %mul3A_1461 = arith.mulf %get3A_1460, %broadcast_in_dim3A_1426 : vector<16xf32>
      %swap3A_1462 = arith.index_cast %add3A_1423 : i32 to index
      %swap3A_1463 = arith.constant 48 : index
      %swap3A_1464 = tpu.vector_load %arg13[%swap3A_1462, %swap3A_1463] {strides = array<i32>} : memref<160x64xf32, #tpu.memory_space<vmem>>, vector<1x16xf32>,
      %swap3A_1465 = vector.shape_cast %swap3A_1464 : vector<1x16xf32> to vector<16xf32>
      %swap3A_1466 = vector.shape_cast %mul3A_1461 : vector<16xf32> to vector<1x16xf32>
      tpu.vector_store %arg13[%swap3A_1462, %swap3A_1463], %swap3A_1466 {strides = array<i32>} : memref<160x64xf32, #tpu.memory_space<vmem>>, vector<1x16xf32>,
      %mul3A_1467 = arith.constant 16 : i32
      %mul3A_1468 = arith.muli %scan3A_850, %mul3A_1467 : i32
      %add3A_1469 = arith.constant 13 : i32
      %add3A_1470 = arith.addi %mul3A_1468, %add3A_1469 : i32
      %slice3A_1471 = vector.extract_strided_slice %get3A_857 {offsets = [13], sizes = [1], strides = [1]} : vector<16xf32> to vector<1xf32>
      %squeeze3A_1472 = vector.extract %slice3A_1471[0] : f32 from vector<1xf32>
      %broadcast_in_dim3A_1473 = vector.broadcast %squeeze3A_1472 : f32 to vector<16xf32>
      %get3A_1474 = arith.index_cast %add3A_1470 : i32 to index
      %get3A_1475 = arith.constant 0 : index
      %get3A_1476 = tpu.vector_load %arg13[%get3A_1474, %get3A_1475] {strides = array<i32>} : memref<160x64xf32, #tpu.memory_space<vmem>>, vector<1x16xf32>,
      %get3A_1477 = vector.shape_cast %get3A_1476 : vector<1x16xf32> to vector<16xf32>
      %mul3A_1478 = arith.mulf %get3A_1477, %broadcast_in_dim3A_1473 : vector<16xf32>
      %swap3A_1479 = arith.index_cast %add3A_1470 : i32 to index
      %swap3A_1480 = arith.constant 0 : index
      %swap3A_1481 = tpu.vector_load %arg13[%swap3A_1479, %swap3A_1480] {strides = array<i32>} : memref<160x64xf32, #tpu.memory_space<vmem>>, vector<1x16xf32>,
      %swap3A_1482 = vector.shape_cast %swap3A_1481 : vector<1x16xf32> to vector<16xf32>
      %swap3A_1483 = vector.shape_cast %mul3A_1478 : vector<16xf32> to vector<1x16xf32>
      tpu.vector_store %arg13[%swap3A_1479, %swap3A_1480], %swap3A_1483 {strides = array<i32>} : memref<160x64xf32, #tpu.memory_space<vmem>>, vector<1x16xf32>,
      %get3A_1484 = arith.index_cast %add3A_1470 : i32 to index
      %get3A_1485 = arith.constant 16 : index
      %get3A_1486 = tpu.vector_load %arg13[%get3A_1484, %get3A_1485] {strides = array<i32>} : memref<160x64xf32, #tpu.memory_space<vmem>>, vector<1x16xf32>,
      %get3A_1487 = vector.shape_cast %get3A_1486 : vector<1x16xf32> to vector<16xf32>
      %mul3A_1488 = arith.mulf %get3A_1487, %broadcast_in_dim3A_1473 : vector<16xf32>
      %swap3A_1489 = arith.index_cast %add3A_1470 : i32 to index
      %swap3A_1490 = arith.constant 16 : index
      %swap3A_1491 = tpu.vector_load %arg13[%swap3A_1489, %swap3A_1490] {strides = array<i32>} : memref<160x64xf32, #tpu.memory_space<vmem>>, vector<1x16xf32>,
      %swap3A_1492 = vector.shape_cast %swap3A_1491 : vector<1x16xf32> to vector<16xf32>
      %swap3A_1493 = vector.shape_cast %mul3A_1488 : vector<16xf32> to vector<1x16xf32>
      tpu.vector_store %arg13[%swap3A_1489, %swap3A_1490], %swap3A_1493 {strides = array<i32>} : memref<160x64xf32, #tpu.memory_space<vmem>>, vector<1x16xf32>,
      %get3A_1494 = arith.index_cast %add3A_1470 : i32 to index
      %get3A_1495 = arith.constant 32 : index
      %get3A_1496 = tpu.vector_load %arg13[%get3A_1494, %get3A_1495] {strides = array<i32>} : memref<160x64xf32, #tpu.memory_space<vmem>>, vector<1x16xf32>,
      %get3A_1497 = vector.shape_cast %get3A_1496 : vector<1x16xf32> to vector<16xf32>
      %mul3A_1498 = arith.mulf %get3A_1497, %broadcast_in_dim3A_1473 : vector<16xf32>
      %swap3A_1499 = arith.index_cast %add3A_1470 : i32 to index
      %swap3A_1500 = arith.constant 32 : index
      %swap3A_1501 = tpu.vector_load %arg13[%swap3A_1499, %swap3A_1500] {strides = array<i32>} : memref<160x64xf32, #tpu.memory_space<vmem>>, vector<1x16xf32>,
      %swap3A_1502 = vector.shape_cast %swap3A_1501 : vector<1x16xf32> to vector<16xf32>
      %swap3A_1503 = vector.shape_cast %mul3A_1498 : vector<16xf32> to vector<1x16xf32>
      tpu.vector_store %arg13[%swap3A_1499, %swap3A_1500], %swap3A_1503 {strides = array<i32>} : memref<160x64xf32, #tpu.memory_space<vmem>>, vector<1x16xf32>,
      %get3A_1504 = arith.index_cast %add3A_1470 : i32 to index
      %get3A_1505 = arith.constant 48 : index
      %get3A_1506 = tpu.vector_load %arg13[%get3A_1504, %get3A_1505] {strides = array<i32>} : memref<160x64xf32, #tpu.memory_space<vmem>>, vector<1x16xf32>,
      %get3A_1507 = vector.shape_cast %get3A_1506 : vector<1x16xf32> to vector<16xf32>
      %mul3A_1508 = arith.mulf %get3A_1507, %broadcast_in_dim3A_1473 : vector<16xf32>
      %swap3A_1509 = arith.index_cast %add3A_1470 : i32 to index
      %swap3A_1510 = arith.constant 48 : index
      %swap3A_1511 = tpu.vector_load %arg13[%swap3A_1509, %swap3A_1510] {strides = array<i32>} : memref<160x64xf32, #tpu.memory_space<vmem>>, vector<1x16xf32>,
      %swap3A_1512 = vector.shape_cast %swap3A_1511 : vector<1x16xf32> to vector<16xf32>
      %swap3A_1513 = vector.shape_cast %mul3A_1508 : vector<16xf32> to vector<1x16xf32>
      tpu.vector_store %arg13[%swap3A_1509, %swap3A_1510], %swap3A_1513 {strides = array<i32>} : memref<160x64xf32, #tpu.memory_space<vmem>>, vector<1x16xf32>,
      %mul3A_1514 = arith.constant 16 : i32
      %mul3A_1515 = arith.muli %scan3A_850, %mul3A_1514 : i32
      %add3A_1516 = arith.constant 14 : i32
      %add3A_1517 = arith.addi %mul3A_1515, %add3A_1516 : i32
      %slice3A_1518 = vector.extract_strided_slice %get3A_857 {offsets = [14], sizes = [1], strides = [1]} : vector<16xf32> to vector<1xf32>
      %squeeze3A_1519 = vector.extract %slice3A_1518[0] : f32 from vector<1xf32>
      %broadcast_in_dim3A_1520 = vector.broadcast %squeeze3A_1519 : f32 to vector<16xf32>
      %get3A_1521 = arith.index_cast %add3A_1517 : i32 to index
      %get3A_1522 = arith.constant 0 : index
      %get3A_1523 = tpu.vector_load %arg13[%get3A_1521, %get3A_1522] {strides = array<i32>} : memref<160x64xf32, #tpu.memory_space<vmem>>, vector<1x16xf32>,
      %get3A_1524 = vector.shape_cast %get3A_1523 : vector<1x16xf32> to vector<16xf32>
      %mul3A_1525 = arith.mulf %get3A_1524, %broadcast_in_dim3A_1520 : vector<16xf32>
      %swap3A_1526 = arith.index_cast %add3A_1517 : i32 to index
      %swap3A_1527 = arith.constant 0 : index
      %swap3A_1528 = tpu.vector_load %arg13[%swap3A_1526, %swap3A_1527] {strides = array<i32>} : memref<160x64xf32, #tpu.memory_space<vmem>>, vector<1x16xf32>,
      %swap3A_1529 = vector.shape_cast %swap3A_1528 : vector<1x16xf32> to vector<16xf32>
      %swap3A_1530 = vector.shape_cast %mul3A_1525 : vector<16xf32> to vector<1x16xf32>
      tpu.vector_store %arg13[%swap3A_1526, %swap3A_1527], %swap3A_1530 {strides = array<i32>} : memref<160x64xf32, #tpu.memory_space<vmem>>, vector<1x16xf32>,
      %get3A_1531 = arith.index_cast %add3A_1517 : i32 to index
      %get3A_1532 = arith.constant 16 : index
      %get3A_1533 = tpu.vector_load %arg13[%get3A_1531, %get3A_1532] {strides = array<i32>} : memref<160x64xf32, #tpu.memory_space<vmem>>, vector<1x16xf32>,
      %get3A_1534 = vector.shape_cast %get3A_1533 : vector<1x16xf32> to vector<16xf32>
      %mul3A_1535 = arith.mulf %get3A_1534, %broadcast_in_dim3A_1520 : vector<16xf32>
      %swap3A_1536 = arith.index_cast %add3A_1517 : i32 to index
      %swap3A_1537 = arith.constant 16 : index
      %swap3A_1538 = tpu.vector_load %arg13[%swap3A_1536, %swap3A_1537] {strides = array<i32>} : memref<160x64xf32, #tpu.memory_space<vmem>>, vector<1x16xf32>,
      %swap3A_1539 = vector.shape_cast %swap3A_1538 : vector<1x16xf32> to vector<16xf32>
      %swap3A_1540 = vector.shape_cast %mul3A_1535 : vector<16xf32> to vector<1x16xf32>
      tpu.vector_store %arg13[%swap3A_1536, %swap3A_1537], %swap3A_1540 {strides = array<i32>} : memref<160x64xf32, #tpu.memory_space<vmem>>, vector<1x16xf32>,
      %get3A_1541 = arith.index_cast %add3A_1517 : i32 to index
      %get3A_1542 = arith.constant 32 : index
      %get3A_1543 = tpu.vector_load %arg13[%get3A_1541, %get3A_1542] {strides = array<i32>} : memref<160x64xf32, #tpu.memory_space<vmem>>, vector<1x16xf32>,
      %get3A_1544 = vector.shape_cast %get3A_1543 : vector<1x16xf32> to vector<16xf32>
      %mul3A_1545 = arith.mulf %get3A_1544, %broadcast_in_dim3A_1520 : vector<16xf32>
      %swap3A_1546 = arith.index_cast %add3A_1517 : i32 to index
      %swap3A_1547 = arith.constant 32 : index
      %swap3A_1548 = tpu.vector_load %arg13[%swap3A_1546, %swap3A_1547] {strides = array<i32>} : memref<160x64xf32, #tpu.memory_space<vmem>>, vector<1x16xf32>,
      %swap3A_1549 = vector.shape_cast %swap3A_1548 : vector<1x16xf32> to vector<16xf32>
      %swap3A_1550 = vector.shape_cast %mul3A_1545 : vector<16xf32> to vector<1x16xf32>
      tpu.vector_store %arg13[%swap3A_1546, %swap3A_1547], %swap3A_1550 {strides = array<i32>} : memref<160x64xf32, #tpu.memory_space<vmem>>, vector<1x16xf32>,
      %get3A_1551 = arith.index_cast %add3A_1517 : i32 to index
      %get3A_1552 = arith.constant 48 : index
      %get3A_1553 = tpu.vector_load %arg13[%get3A_1551, %get3A_1552] {strides = array<i32>} : memref<160x64xf32, #tpu.memory_space<vmem>>, vector<1x16xf32>,
      %get3A_1554 = vector.shape_cast %get3A_1553 : vector<1x16xf32> to vector<16xf32>
      %mul3A_1555 = arith.mulf %get3A_1554, %broadcast_in_dim3A_1520 : vector<16xf32>
      %swap3A_1556 = arith.index_cast %add3A_1517 : i32 to index
      %swap3A_1557 = arith.constant 48 : index
      %swap3A_1558 = tpu.vector_load %arg13[%swap3A_1556, %swap3A_1557] {strides = array<i32>} : memref<160x64xf32, #tpu.memory_space<vmem>>, vector<1x16xf32>,
      %swap3A_1559 = vector.shape_cast %swap3A_1558 : vector<1x16xf32> to vector<16xf32>
      %swap3A_1560 = vector.shape_cast %mul3A_1555 : vector<16xf32> to vector<1x16xf32>
      tpu.vector_store %arg13[%swap3A_1556, %swap3A_1557], %swap3A_1560 {strides = array<i32>} : memref<160x64xf32, #tpu.memory_space<vmem>>, vector<1x16xf32>,
      %mul3A_1561 = arith.constant 16 : i32
      %mul3A_1562 = arith.muli %scan3A_850, %mul3A_1561 : i32
      %add3A_1563 = arith.constant 15 : i32
      %add3A_1564 = arith.addi %mul3A_1562, %add3A_1563 : i32
      %slice3A_1565 = vector.extract_strided_slice %get3A_857 {offsets = [15], sizes = [1], strides = [1]} : vector<16xf32> to vector<1xf32>
      %squeeze3A_1566 = vector.extract %slice3A_1565[0] : f32 from vector<1xf32>
      %broadcast_in_dim3A_1567 = vector.broadcast %squeeze3A_1566 : f32 to vector<16xf32>
      %get3A_1568 = arith.index_cast %add3A_1564 : i32 to index
      %get3A_1569 = arith.constant 0 : index
      %get3A_1570 = tpu.vector_load %arg13[%get3A_1568, %get3A_1569] {strides = array<i32>} : memref<160x64xf32, #tpu.memory_space<vmem>>, vector<1x16xf32>,
      %get3A_1571 = vector.shape_cast %get3A_1570 : vector<1x16xf32> to vector<16xf32>
      %mul3A_1572 = arith.mulf %get3A_1571, %broadcast_in_dim3A_1567 : vector<16xf32>
      %swap3A_1573 = arith.index_cast %add3A_1564 : i32 to index
      %swap3A_1574 = arith.constant 0 : index
      %swap3A_1575 = tpu.vector_load %arg13[%swap3A_1573, %swap3A_1574] {strides = array<i32>} : memref<160x64xf32, #tpu.memory_space<vmem>>, vector<1x16xf32>,
      %swap3A_1576 = vector.shape_cast %swap3A_1575 : vector<1x16xf32> to vector<16xf32>
      %swap3A_1577 = vector.shape_cast %mul3A_1572 : vector<16xf32> to vector<1x16xf32>
      tpu.vector_store %arg13[%swap3A_1573, %swap3A_1574], %swap3A_1577 {strides = array<i32>} : memref<160x64xf32, #tpu.memory_space<vmem>>, vector<1x16xf32>,
      %get3A_1578 = arith.index_cast %add3A_1564 : i32 to index
      %get3A_1579 = arith.constant 16 : index
      %get3A_1580 = tpu.vector_load %arg13[%get3A_1578, %get3A_1579] {strides = array<i32>} : memref<160x64xf32, #tpu.memory_space<vmem>>, vector<1x16xf32>,
      %get3A_1581 = vector.shape_cast %get3A_1580 : vector<1x16xf32> to vector<16xf32>
      %mul3A_1582 = arith.mulf %get3A_1581, %broadcast_in_dim3A_1567 : vector<16xf32>
      %swap3A_1583 = arith.index_cast %add3A_1564 : i32 to index
      %swap3A_1584 = arith.constant 16 : index
      %swap3A_1585 = tpu.vector_load %arg13[%swap3A_1583, %swap3A_1584] {strides = array<i32>} : memref<160x64xf32, #tpu.memory_space<vmem>>, vector<1x16xf32>,
      %swap3A_1586 = vector.shape_cast %swap3A_1585 : vector<1x16xf32> to vector<16xf32>
      %swap3A_1587 = vector.shape_cast %mul3A_1582 : vector<16xf32> to vector<1x16xf32>
      tpu.vector_store %arg13[%swap3A_1583, %swap3A_1584], %swap3A_1587 {strides = array<i32>} : memref<160x64xf32, #tpu.memory_space<vmem>>, vector<1x16xf32>,
      %get3A_1588 = arith.index_cast %add3A_1564 : i32 to index
      %get3A_1589 = arith.constant 32 : index
      %get3A_1590 = tpu.vector_load %arg13[%get3A_1588, %get3A_1589] {strides = array<i32>} : memref<160x64xf32, #tpu.memory_space<vmem>>, vector<1x16xf32>,
      %get3A_1591 = vector.shape_cast %get3A_1590 : vector<1x16xf32> to vector<16xf32>
      %mul3A_1592 = arith.mulf %get3A_1591, %broadcast_in_dim3A_1567 : vector<16xf32>
      %swap3A_1593 = arith.index_cast %add3A_1564 : i32 to index
      %swap3A_1594 = arith.constant 32 : index
      %swap3A_1595 = tpu.vector_load %arg13[%swap3A_1593, %swap3A_1594] {strides = array<i32>} : memref<160x64xf32, #tpu.memory_space<vmem>>, vector<1x16xf32>,
      %swap3A_1596 = vector.shape_cast %swap3A_1595 : vector<1x16xf32> to vector<16xf32>
      %swap3A_1597 = vector.shape_cast %mul3A_1592 : vector<16xf32> to vector<1x16xf32>
      tpu.vector_store %arg13[%swap3A_1593, %swap3A_1594], %swap3A_1597 {strides = array<i32>} : memref<160x64xf32, #tpu.memory_space<vmem>>, vector<1x16xf32>,
      %get3A_1598 = arith.index_cast %add3A_1564 : i32 to index
      %get3A_1599 = arith.constant 48 : index
      %get3A_1600 = tpu.vector_load %arg13[%get3A_1598, %get3A_1599] {strides = array<i32>} : memref<160x64xf32, #tpu.memory_space<vmem>>, vector<1x16xf32>,
      %get3A_1601 = vector.shape_cast %get3A_1600 : vector<1x16xf32> to vector<16xf32>
      %mul3A_1602 = arith.mulf %get3A_1601, %broadcast_in_dim3A_1567 : vector<16xf32>
      %swap3A_1603 = arith.index_cast %add3A_1564 : i32 to index
      %swap3A_1604 = arith.constant 48 : index
      %swap3A_1605 = tpu.vector_load %arg13[%swap3A_1603, %swap3A_1604] {strides = array<i32>} : memref<160x64xf32, #tpu.memory_space<vmem>>, vector<1x16xf32>,
      %swap3A_1606 = vector.shape_cast %swap3A_1605 : vector<1x16xf32> to vector<16xf32>
      %swap3A_1607 = vector.shape_cast %mul3A_1602 : vector<16xf32> to vector<1x16xf32>
      tpu.vector_store %arg13[%swap3A_1603, %swap3A_1604], %swap3A_1607 {strides = array<i32>} : memref<160x64xf32, #tpu.memory_space<vmem>>, vector<1x16xf32>,
    }
    %scan3A_849 = arith.constant 10 : i32
    "tpu.region"() ({
      %run_scoped3A = tpu.sem_alloc : memref<!tpu.dma_semaphore, #tpu.memory_space<semaphore_mem>>
      %dma_start3A = arith.constant 480 : i32
      %dma_start3A_850 = arith.constant 0 : i32
      %dma_start3A_851 = tpu.memref_slice %arg7[%arg0, %arg1, %dma_start3A, %dma_start3A_850] : memref<2x16x640x64xf32, #tpu.memory_space<hbm>> -> memref<1x1x160x64xf32, #tpu.memory_space<hbm>>
      %dma_start3A_852 = tpu.memref_squeeze %dma_start3A_851 : memref<1x1x160x64xf32, #tpu.memory_space<hbm>> -> memref<160x64xf32, #tpu.memory_space<hbm>>
      %dma_start3A_853 = arith.constant 480 : i32
      %dma_start3A_854 = arith.constant 0 : i32
      %dma_start3A_855 = tpu.memref_slice %arg7[%arg0, %arg1, %dma_start3A_853, %dma_start3A_854] : memref<2x16x640x64xf32, #tpu.memory_space<hbm>> -> memref<1x1x160x64xf32, #tpu.memory_space<hbm>>
      %dma_start3A_856 = tpu.memref_squeeze %dma_start3A_855 : memref<1x1x160x64xf32, #tpu.memory_space<hbm>> -> memref<160x64xf32, #tpu.memory_space<hbm>>
      tpu.enqueue_dma source(%arg13 : memref<160x64xf32, #tpu.memory_space<vmem>>) target(%dma_start3A_856 : memref<160x64xf32, #tpu.memory_space<hbm>>) target_semaphore(%run_scoped3A : memref<!tpu.dma_semaphore, #tpu.memory_space<semaphore_mem>>)
      %dma_wait3A = arith.constant 480 : i32
      %dma_wait3A_857 = arith.constant 0 : i32
      %dma_wait3A_858 = tpu.memref_slice %arg7[%arg0, %arg1, %dma_wait3A, %dma_wait3A_857] : memref<2x16x640x64xf32, #tpu.memory_space<hbm>> -> memref<1x1x160x64xf32, #tpu.memory_space<hbm>>
      %dma_wait3A_859 = tpu.memref_squeeze %dma_wait3A_858 : memref<1x1x160x64xf32, #tpu.memory_space<hbm>> -> memref<160x64xf32, #tpu.memory_space<hbm>>
      %dma_wait3A_860 = arith.constant 480 : i32
      %dma_wait3A_861 = arith.constant 0 : i32
      %dma_wait3A_862 = tpu.memref_slice %arg7[%arg0, %arg1, %dma_wait3A_860, %dma_wait3A_861] : memref<2x16x640x64xf32, #tpu.memory_space<hbm>> -> memref<1x1x160x64xf32, #tpu.memory_space<hbm>>
      %dma_wait3A_863 = tpu.memref_squeeze %dma_wait3A_862 : memref<1x1x160x64xf32, #tpu.memory_space<hbm>> -> memref<160x64xf32, #tpu.memory_space<hbm>>
      tpu.wait_dma2 semaphore(%run_scoped3A : memref<!tpu.dma_semaphore, #tpu.memory_space<semaphore_mem>>) src(%arg13 : memref<160x64xf32, #tpu.memory_space<vmem>>) dst(%dma_wait3A_863 : memref<160x64xf32, #tpu.memory_space<hbm>>)
      tpu.yield
    }) : () -> ()
    return
  }
}

module attributes {stable_mosaic.version = 14 : i64} {
  func.func @_tc_merge_body(%arg0: i32, %arg1: memref<2x1x640x64xf32, #tpu.memory_space<vmem>>, %arg2: memref<640x128xf32, #tpu.memory_space<vmem>>) attributes {dimension_semantics = [#tpu.dimension_semantics<arbitrary>], iteration_bounds = array<i64: 16>, scalar_prefetch = 0 : i64, scratch_operands = 0 : i64, tpu.core_type = #tpu.core_type<tc>, window_params = [{transform_indices = @transform_0, window_bounds = array<i64: 2, 1, 640, 64>}, {transform_indices = @transform_1, window_bounds = array<i64: 640, 128>}]} {
    %get3A = arith.constant 0 : index
    %get3A_0 = arith.constant 0 : index
    %get3A_1 = arith.constant 0 : index
    %get3A_2 = arith.constant 0 : index
    %get3A_3 = vector.load %arg1[%get3A, %get3A_0, %get3A_1, %get3A_2] : memref<2x1x640x64xf32, #tpu.memory_space<vmem>>, vector<1x1x640x64xf32>
    %get3A_4 = vector.shape_cast %get3A_3 : vector<1x1x640x64xf32> to vector<640x64xf32>
    %swap3A = arith.constant 0 : index
    %swap3A_5 = arith.constant 0 : index
    %swap3A_6 = vector.load %arg2[%swap3A, %swap3A_5] : memref<640x128xf32, #tpu.memory_space<vmem>>, vector<640x64xf32>
    tpu.vector_store %arg2[%swap3A, %swap3A_5], %get3A_4 {strides = array<i32>} : memref<640x128xf32, #tpu.memory_space<vmem>>, vector<640x64xf32>,
    %get3A_7 = arith.constant 1 : index
    %get3A_8 = arith.constant 0 : index
    %get3A_9 = arith.constant 0 : index
    %get3A_10 = arith.constant 0 : index
    %get3A_11 = vector.load %arg1[%get3A_7, %get3A_8, %get3A_9, %get3A_10] : memref<2x1x640x64xf32, #tpu.memory_space<vmem>>, vector<1x1x640x64xf32>
    %get3A_12 = vector.shape_cast %get3A_11 : vector<1x1x640x64xf32> to vector<640x64xf32>
    %swap3A_13 = arith.constant 0 : index
    %swap3A_14 = arith.constant 64 : index
    %swap3A_15 = vector.load %arg2[%swap3A_13, %swap3A_14] : memref<640x128xf32, #tpu.memory_space<vmem>>, vector<640x64xf32>
    tpu.vector_store %arg2[%swap3A_13, %swap3A_14], %get3A_12 {strides = array<i32>} : memref<640x128xf32, #tpu.memory_space<vmem>>, vector<640x64xf32>,
    return
  }
  func.func @transform_0(%arg0: i32) -> (i32, i32, i32, i32) {
    %c0_i32 = arith.constant 0 : i32
    %c0_i32_0 = arith.constant 0 : i32
    %c0_i32_1 = arith.constant 0 : i32
    %c0_i32_2 = arith.constant 0 : i32
    return %c0_i32, %arg0, %c0_i32_0, %c0_i32_1 : i32, i32, i32, i32
  }
  func.func @transform_1(%arg0: i32) -> (i32, i32) {
    %c0_i32 = arith.constant 0 : i32
    %c0_i32_0 = arith.constant 0 : i32
    return %arg0, %c0_i32 : i32, i32
  }
}

</mosaic_0001>

<sc_bundles>
// kernel: kernel.4.cloned.1.call-start
scs
__scs_entry_jumppad:
0x0: {  	(pc) =	sbr.rel $0x88, $3  }
0x1: {  	(tag) =	ssettag $0x0;
	lr =	simm.s32 $0x1  }
0x2: {  	[smem:$0x3F9F] =	sst lr;
	_ =	strace $0xD0000000  }
0x3: {  	_ = 	snop  }
0x4: {  	_ = 	snop  }
0x5: {  	_ = 	snop  }
0x6: {  	_ = 	snop  }
0x7: {  	_ = 	snop  }
__scs_overlays_trampoline_lowered:
0x8: {  	[smem:$0x3FAE] =	sst s0  }
0x9: {  	[smem:$0x3FAF] =	sst s1  }
0xa: {  	[smem:$0x3FB0] =	sst s2  }
0xb: {  	[smem:$0x3FB1] =	sst s3  }
0xc: {  	[smem:$0x3FB2] =	sst s4  }
0xd: {  	[smem:$0x3FB3] =	sst s5  }
0xe: {  	[smem:$0x3FB4] =	sst s6  }
0xf: {  	[smem:$0x3FB5] =	sst s7  }
0x10: {  	[smem:$0x3FB6] =	sst s8  }
0x11: {  	[smem:$0x3FB7] =	sst s9;
	s0 =	simm.s32 @!p0 $0x0  }
0x12: {  	s1 =	sld [smem:$0x3F9D];
	s0 =	simm.s32 @p0 $0x1  }
0x13: {  	[smem:$0x3FB8] =	sst s0;
	s0 =	simm.s32 @!p1 $0x0  }
0x14: {  	s2 =	sld [smem:$0x3F9C];
	s0 =	simm.s32 @p1 $0x1  }
0x15: {  	[smem:$0x3FB9] =	sst s0;
	s0 =	simm.s32 @!p2 $0x0  }
0x16: {  	s3 =	sld [smem:$0x3FDB];
	s0 =	simm.s32 @p2 $0x1  }
0x17: {  	s4 =	simm.s32 $0x1BF5;
	[smem:$0x3FBB] =	sst s0  }
0x18: {  	s0 =	sld [smem:$0x3F9E];
	_ =	swait.ge [sflag:s4], $0x0  }
0x19: {  	s7 =	sld [smem:$0x3F9F]  }
0x1a: {  	s8 =	sadd.s32 $0xFFFFE003, lr  }
0x1b: {  	s9 =	sadd.s32 $0xFFFFFEF7, lr;
	s5 =	simm.s32 $0xFFFFFFFF;
	p2 =	slt.u32 s8, $0xFFFFF086  }
0x1c: {  	p1 =	slt.u32 s9, $0xF7A;
	s5 =	simm.s32 @!p2 $0x0  }
0x1d: {  	s5 =	simm.s32 @p1 $0x1;
	p0 =	seq.s32 s7, s2  }
0x1e: {  	s7 =	smul.u32 @!p0 $0xF7A, s2;
	p2 =	seq.s32 @!p0 s5, $0x0  }
0x1f: {  	s9 =	smul.u32 $0xF7A, s1;
	s8 =	simm.s32 @!p0 $0x1BF5;
	p2 =	por !p2, p0  }
0x20: {  	[sflag:s8] =	ssyncset.s32 @!p0 $0xFFFFF086;
	s6 =	sadd.s32 @!p0 s3, s7;
	s7 =	simm.s32 @!p0 $0x108  }
0x21: {  	s3 =	sadd.s32 s3, s9;
	s6 =	sadd.s32 @!p0 $0x88, s6;
	s7 =	simm.s32 @p2 $0x1082  }
0x22: {  	[simem:s7], [sflag:s8] =	dma.local @!p0 [hbm:s6], $0xF7A  }
0x23: {  	s9 =	sor.u32 $0xD0000000, s2;
	s6 =	simm.s32 $0x108;
	_ =	swait.ge @!p0 [sflag:s8], $0x0  }
0x24: {  	s3 =	sadd.s32 $0x88, s3;
	s6 =	simm.s32 @!p1 $0x1082;
	[sflag:s4] =	ssyncset.s32 $0xFFFFF086  }
0x25: {  	[simem:s6], [sflag:s4] =	dma.local [hbm:s3], $0xF7A  }
0x26: {  	[smem:$0x3F9F] =	sst s1;
	(tag) =	ssettag s2;
	_ =	strace s9  }
0x27: {  	s1 =	sld [smem:$0x3FAF]  }
0x28: {  	s2 =	sld [smem:$0x3FB0]  }
0x29: {  	s4 =	sld [smem:$0x3FB2]  }
0x2a: {  	p0 =	seq.s32 s5, $0x0;
	s5 =	sld [smem:$0x3FB3]  }
0x2b: {  	s6 =	sld [smem:$0x3FB4]  }
0x2c: {  	s7 =	sld [smem:$0x3FB5]  }
0x2d: {  	s3 =	simm.s32 $0x108;
	s8 =	sld [smem:$0x3FB6]  }
0x2e: {  	s3 =	simm.s32 @!p0 $0x1082;
	s9 =	sld [smem:$0x3FB7]  }
0x2f: {  	lr =	sadd.s32 s0, s3;
	s0 =	sld [smem:$0x3FAE]  }
0x30: {  	s3 =	sld [smem:$0x3FB1]  }
0x31: {  	[smem:$0x3FBA] =	sst s10  }
0x32: {  	s10 =	sld [smem:$0x3FB8];
	_ =	sdelay $0x3  }
0x33: {  	p0 =	seq.s32 s10, $0x1;
	s10 =	sld [smem:$0x3FBA];
	_ =	sdelay $0x3  }
0x34: {  	[smem:$0x3FBA] =	sst s10  }
0x35: {  	s10 =	sld [smem:$0x3FB9];
	_ =	sdelay $0x3  }
0x36: {  	p1 =	seq.s32 s10, $0x1;
	s10 =	sld [smem:$0x3FBA];
	_ =	sdelay $0x3  }
0x37: {  	[smem:$0x3FBA] =	sst s10  }
0x38: {  	s10 =	sld [smem:$0x3FBB]  }
0x39: {  	_ = 	snop;
	(pc) =	sbr.ind lr, $3  }
0x3a: {  	_ = 	snop  }
0x3b: {  	_ = 	snop  }
0x3c: {  	p2 =	seq.s32 s10, $0x1;
	s10 =	sld [smem:$0x3FBA]  }
0x3d: {  	_ =	shalt  }
0x3e: {  	_ =	shalt  }
0x3f: {  	_ =	shalt  }
0x40: {  	_ =	shalt  }
0x41: {  	_ =	shalt  }
0x42: {  	_ =	shalt  }
0x43: {  	_ =	shalt  }
0x44: {  	_ =	shalt  }
0x45: {  	_ =	shalt  }
0x46: {  	_ =	shalt  }
0x47: {  	_ =	shalt  }
0x48: {  	_ =	shalt  }
0x49: {  	_ =	shalt  }
0x4a: {  	_ =	shalt  }
0x4b: {  	_ =	shalt  }
0x4c: {  	_ =	shalt  }
0x4d: {  	_ =	shalt  }
0x4e: {  	_ =	shalt  }
0x4f: {  	_ =	shalt  }
0x50: {  	_ =	shalt  }
0x51: {  	_ =	shalt  }
0x52: {  	_ =	shalt  }
0x53: {  	_ =	shalt  }
0x54: {  	_ =	shalt  }
0x55: {  	_ =	shalt  }
0x56: {  	_ =	shalt  }
0x57: {  	_ =	shalt  }
0x58: {  	_ =	shalt  }
0x59: {  	_ =	shalt  }
0x5a: {  	_ =	shalt  }
0x5b: {  	_ =	shalt  }
0x5c: {  	_ =	shalt  }
0x5d: {  	_ =	shalt  }
0x5e: {  	_ =	shalt  }
0x5f: {  	_ =	shalt  }
0x60: {  	_ =	shalt  }
0x61: {  	_ =	shalt  }
0x62: {  	_ =	shalt  }
0x63: {  	_ =	shalt  }
0x64: {  	_ =	shalt  }
0x65: {  	_ =	shalt  }
0x66: {  	_ =	shalt  }
0x67: {  	_ =	shalt  }
0x68: {  	_ =	shalt  }
0x69: {  	_ =	shalt  }
0x6a: {  	_ =	shalt  }
0x6b: {  	_ =	shalt  }
0x6c: {  	_ =	shalt  }
0x6d: {  	_ =	shalt  }
0x6e: {  	_ =	shalt  }
0x6f: {  	_ =	shalt  }
0x70: {  	_ =	shalt  }
0x71: {  	_ =	shalt  }
0x72: {  	_ =	shalt  }
0x73: {  	_ =	shalt  }
0x74: {  	_ =	shalt  }
0x75: {  	_ =	shalt  }
0x76: {  	_ =	shalt  }
0x77: {  	_ =	shalt  }
0x78: {  	_ =	shalt  }
0x79: {  	_ =	shalt  }
0x7a: {  	_ =	shalt  }
0x7b: {  	_ =	shalt  }
0x7c: {  	_ =	shalt  }
0x7d: {  	_ =	shalt  }
0x7e: {  	_ =	shalt  }
0x7f: {  	_ =	shalt  }
0x80: {  	_ =	shalt  }
0x81: {  	_ =	shalt  }
0x82: {  	_ =	shalt  }
0x83: {  	_ =	shalt  }
0x84: {  	_ =	shalt  }
0x85: {  	_ =	shalt  }
0x86: {  	_ =	shalt  }
0x87: {  	_ =	shalt  }
.Lfunc_end0:
.L_simem_size_0:
called_computation_lowered:
.L_overlay_start_0:
0x88: {  	s2 =	sld [smem:$0x3FD9]  }
0x89: {  	s3 =	sld [smem:$0x3FFE];
	_ =	sdelay $0x1  }
0x8a: {  	s1 =	srdreg.scid  }
0x8b: {  	s0 =	sand.u32 $0x1, s1  }
0x8c: {  	s17 =	sshll.u32 s0, $0xA;
	s2 =	sadd.s32 s3, s2  }
0x8d: {  	s2 =	sadd.s32 s2, s17  }
0x8e: {  	[smem:$0x3FC6] =	sst s2  }
0x8f: {  	_ = 	snop  }
0x90: {  	s2 =	sld [smem:$0x3FD0];
	(tm) =	ssettm $0x1  }
0x91: {  	s18 =	sld [smem:$0x3FFB];
	_ =	sdelay $0x3  }
0x92: {  	_ =	strace s18  }
0x93: {  	s3 =	sld [smem:$0x3FFC];
	_ =	sdelay $0x3  }
0x94: {  	_ =	strace s3  }
0x95: {  	s3 =	sld [smem:$0x3FFD];
	_ =	sdelay $0x3  }
0x96: {  	_ =	strace s3  }
0x97: {  	_ =	strace $0x8FFFFFFF  }
0x98: {  	s19 =	sld [smem:$0x3FDB];
	_ =	sdelay $0x1  }
0x99: {  	s4 =	simm.s32 $_scs_section_size  }
0x9a: {  	s5 =	simm.s32 $_size__tile_overlayer_lowered;
	s6 =	simm.s32 $_tile_overlayer_lowered  }
0x9b: {  	s22 =	simm.s32 $0x1BFF;
	s21 =	sshll.u32 s6, $0x1;
	s3 =	sadd.s32 s4, s19  }
0x9c: {  	s7 =	simm.s32 $0x0;
	s20 =	sshll.u32 s5, $0x1;
	s5 =	sadd.s32 s21, s3  }
0x9d: {  	[timem:s7], [sflag:s22] =	dma.local [hbm:s5], s20  }
0x9e: {  	_ =	swait.ge [sflag:s22], s20  }
0x9f: {  	s4 =	ssub.s32 $0x0, s20;
	[sflag:s22] =	ssyncset.done $0x0  }
0xa0: {  	[sflag:s22] =	ssyncadd.s32 s4;
	_ =	sdelay $0x1  }
0xa1: {  	s23 =	simm.s32 $0x1B8B  }
0xa2: {  	_ =	swait.ge [sflag:s23], $0x1  }
0xa3: {  	[sflag:s23] =	ssyncset.done $0x0  }
0xa4: {  	s25 =	simm.s32 $0x1B8E;
	s24 =	sld [smem:$0x3FFE];
	[sflag:s23] =	ssyncadd.s32 $0xFFFFFFFF  }
0xa5: {  	s26 =	simm.s32 $execute0_lowered;
	[smem:$0x3FD2] =	sst s25  }
0xa6: {  	s5 =	sshll.u32 s26, $0x1;
	_ =	strace $0x80000046;
	[dreg:$0x1] =	wrdreg $0xFFFFFFFF  }
0xa7: {  	s28 =	simm.s32 $_size_execute0_lowered;
	s3 =	sadd.s32 s3, s5;
	[dreg:$0x0] =	wrdreg $0x0  }
0xa8: {  	s5 =	sshll.u32 s28, $0x1;
	[dreg:$0x2] =	wrdreg s3  }
0xa9: {  	[dreg:$0x3] =	wrdreg s5  }
0xaa: {  	[dreg:$0x4] =	wrdreg $0xC0  }
0xab: {  	_ =	task [dreg:s7], $0x5FFFF  }
0xac: {  	[dreg:$0x1] =	wrdreg $0xFFFFFFFF  }
0xad: {  	[dreg:$0x0] =	wrdreg $0x60  }
0xae: {  	[dreg:$0x2] =	wrdreg s2  }
0xaf: {  	[dreg:$0x3] =	wrdreg s24  }
0xb0: {  	[dreg:$0x4] =	wrdreg $0xE8000  }
0xb1: {  	[dreg:$0x5] =	wrdreg $0x188000  }
0xb2: {  	[dreg:$0x6] =	wrdreg $0x9  }
0xb3: {  	_ =	task.clear_ibuf [dreg:s7], $0x7FFFF;
	_ =	strace $0x90000046  }
0xb4: {  	s29 =	simm.s32 $0x9;
	_ =	strace $0x80000048  }
0xb5: {  	_ =	swait.ge [sflag:s29], $0x1  }
0xb6: {  	[sflag:s29] =	ssyncadd.s32 $0xFFFFFFFF  }
0xb7: {  	_ =	strace $0x90000048  }
0xb8: {  	_ =	sfence  }
0xb9: {  	s30 =	sld [smem:$0x0];
	_ =	sdelay $0x2  }
0xba: {  	s31 =	sshll.u32 s1, $0xD;
	s1 =	sshrl.u32 s1, $0x2  }
0xbb: {  	s3 =	sand.u32 $0x4000, s31;
	s1 =	sadd.s32 s1, s30  }
0xbc: {  	s0 =	sor.u32 s3, s0;
	s1 =	sshll.u32 s1, $0x11  }
0xbd: {  	s0 =	sor.u32 s1, s0  }
0xbe: {  	s0 =	sadd.s32 $0x8F2B, s0  }
0xbf: {  	[sflag:s0] =	ssyncadd.remote.s32 $0x1  }
0xc0: {  	_ =	sfence.sel $0xFFFF  }
0xc1: {  	[dreg:$0x0] =	wrdreg $0xFFFFFFFF;
	(pc) =	sbr.abs _section_cstart, $3  }
0xc2: {  	[dreg:$0x1] =	wrdreg $0xFFFFFFFF  }
0xc3: {  	_ =	task.clear_ibuf [dreg:s7], $0x2FFFF;
	_ =	strace $0x9FFFFFFF  }
0xc4: {  	(tm) =	ssettm $0x7FFFFFFF  }
0xc5: {  	_ =	shalt  }
tec
execute0_lowered:
.L_overlay_start_1:
0x0: {  	(tag) =	ssettag $0x1  }
0x1: {  	s0 =	rddreg [dreg:$0x0]  }
0x2: {  	s1 =	rddreg [dreg:$0x1]  }
0x3: {  	s2 =	rddreg [dreg:$0x2];
	s4 =	srdreg.scid  }
0x4: {  	s3 =	rddreg [dreg:$0x3];
	s12 =	stileid.u32  }
0x5: {  	s22 =	simm.s32 $0x2;
	s28 =	simm.s32 $0x1;
	s6 =	smul.u32 $0xA000, s12  }
0x6: {  	s29 =	simm.s32 $0xBD00;
	s31 =	simm.s32 $0xC000;
	s9 =	smul.u32 $0x28000, s12  }
0x7: {  	s8 =	sand.u32 $0x1, s4;
	s4 =	simm.s32 $0x0;
	s11 =	smul.u32 $0xA00, s12  }
0x8: {  	s23 =	sadd.s32 $0x13C00, s1;
	s25 =	smul.u32 $0x9D0, s12;
	s26 =	sshll.u32 s12, $0x6  }
0x9: {  	s5 =	smul.u32 $0xA0000, s8;
	[smem:$0x7FF] =	sst s4;
	s24 =	ssub.s32 $0x2, s8  }
0xa: {  	s30 =	smul.u32 $0x13880, s8;
	s8 =	sor.u32 $0x1C02, s26;
	s26 =	simm.s32 $0x9D00  }
0xb: {  	_ =	strace $0x80000047;
	[dreg:$0x5] =	wrdreg s23;
	s10 =	sshrl.u32 s24, $0x1  }
0xc: {  	s9 =	sshrl.u32 s9, $0x2;
	s11 =	sshrl.u32 s11, $0x2;
	s6 =	sadd.s32 s6, s5  }
0xd: {  	s20 =	ssub.s32 s24, s10;
	s10 =	sadd.s32 s1, s25;
	s12 =	sadd.s32 s0, s30  }
0xe: {  	s25 =	simm.s32 $0x80;
	s0 =	simm.s32 $0x0;
	s7 =	sshrl.u32 s6, $0x3  }
0xf: {  	s6 =	sadd.s32 $0x15000, s1;
	s20 =	smax.u32 s20, $0x1;
	s19 =	sadd.s32 s7, s1  }
0x10: {  	s7 =	sadd.s32 s9, s2;
	s9 =	sadd.s32 s11, s3;
	s11 =	sadd.s32 $0x9E00, s10  }
0x11: {  	s13 =	sadd.s32 $0x15200, s19;
	s14 =	sadd.s32 $0x2800, s7;
	s15 =	sadd.s32 $0x15700, s19  }
0x12: {  	s16 =	sadd.s32 $0x5000, s7;
	s17 =	sadd.s32 $0x15C00, s19;
	s18 =	sadd.s32 $0x7800, s7  }
0x13: {  	v0 =	vimm.f32 $1.000000000e+00;
	s19 =	sadd.s32 $0x16100, s19;
	s21 =	sshrl.u32 s7, $0x3;
	s23 =	sshrl.u32 s9, $0x3  }
.LBB2_1:
0x14: {  	s1 =	rddreg [dreg:$0x5]  }
0x15: {  	[spmem:s21], [sflag:s8] =	dma.local [hbm:s1], $0x1400  }
0x16: {  	_ =	swait.ge [sflag:s22], $0x1400  }
0x17: {  	[sflag:s22] =	ssyncset.done $0x0  }
0x18: {  	[sflag:s22] =	ssyncadd.s32 $0xFFFFEC00  }
0x19: {  	[spmem:s23], [sflag:s8] =	dma.local [hbm:s6], $0x50  }
0x1a: {  	_ =	swait.ge [sflag:s22], $0x50  }
0x1b: {  	[sflag:s22] =	ssyncset.done $0x0  }
0x1c: {  	[sflag:s22] =	ssyncadd.s32 $0xFFFFFFB0  }
0x1d: {  	[tilespmem:s4], [sflag:$0x2] =	stream.linear.gather [hbm4b:s10+s4], $0x4E80, $0x38;
	[tilespmem:$0x18A80] =	vst v63  }
0x1e: {  	_ =	swait.ge [sflag:s22], $0x4E80  }
0x1f: {  	[sflag:s22] =	ssyncset.done $0x0  }
0x20: {  	s5 =	simm.s32 $0x4E80;
	[sflag:s22] =	ssyncadd.s32 $0xFFFFB180  }
0x21: {  	[tilespmem:s5], [sflag:$0x2] =	stream.linear.gather [hbm4b:s11+s4], $0x4E80, $0x38;
	[tilespmem:$0x18A80] =	vst v63  }
0x22: {  	_ =	swait.ge [sflag:s22], $0x4E80  }
0x23: {  	[sflag:s22] =	ssyncset.done $0x0  }
0x24: {  	[sflag:s22] =	ssyncadd.s32 $0xFFFFB180  }
0x25: {  	[tilespmem:$0xBD00] =	vst v0  }
0x26: {  	[tilespmem:$0xBD10] =	vst v0  }
0x27: {  	[tilespmem:$0xBD20] =	vst v0  }
0x28: {  	[tilespmem:$0xBD30] =	vst v0  }
0x29: {  	[tilespmem:$0xBD40] =	vst v0  }
0x2a: {  	[tilespmem:$0xBD50] =	vst v0  }
0x2b: {  	[tilespmem:$0xBD60] =	vst v0  }
0x2c: {  	[tilespmem:$0xBD70] =	vst v0  }
0x2d: {  	s24 =	simm.s32 $0x0;
	[bflag:$0x0] =	sbarrier.arrive $0xFFFF  }
0x2e: {  	[tilespmem:s26], [sflag:$0x1] =	stream.indirect.gather [hbm4b:s12+s25], $0x40, s24, s25, $0xb8;
	[tilespmem:$0x18A80] =	vst v63  }
0x2f: {  	_ =	swait.ge [sflag:s28], $0x2000  }
0x30: {  	[sflag:s28] =	ssyncset.done $0x0  }
0x31: {  	s30 =	simm.s32 $0x4E80;
	[sflag:s28] =	ssyncadd.s32 $0xFFFFE000  }
0x32: {  	[spmem:s2] =	stream.indirect.scatter.add.f32 [tilespmem:s26], [sflag:$0x2], $0x40, s30, s25, $0xb8;
	[tilespmem:$0x18A80] =	vst v63  }
0x33: {  	_ =	swait.ge [sflag:s22], $0x2000  }
0x34: {  	[sflag:s22] =	ssyncset.done $0x0  }
0x35: {  	[sflag:s22] =	ssyncadd.s32 $0xFFFFE000  }
0x36: {  	[spmem:s3] =	stream.indirect.scatter.add.f32 [tilespmem:s29], [sflag:$0x2], $0x1, s30, s25, $0xb8;
	[tilespmem:$0x18A80] =	vst v63  }
0x37: {  	_ =	swait.ge [sflag:s22], $0x80  }
0x38: {  	s1 =	simm.s32 $0x200;
	s24 =	simm.s32 $0x400;
	[sflag:s22] =	ssyncset.done $0x0  }
.LBB2_2:
0x39: {  	s30 =	sshra.s32 s1, $0x2  }
0x3a: {  	[sflag:s22] =	ssyncadd.s32 $0xFFFFFF80;
	s1 =	smov.u32 s24;
	s5 =	sadd.s32 $0x200, s24  }
0x3b: {  	[tilespmem:s26], [sflag:$0x1] =	stream.indirect.gather [hbm4b:s12+s25], $0x40, s30, s25, $0xb8;
	[tilespmem:$0x18A80] =	vst v63  }
0x3c: {  	p0 =	sne.s32 s24, $0x13800;
	_ =	swait.ge [sflag:s28], $0x2000  }
0x3d: {  	[sflag:s28] =	ssyncset.done $0x0  }
0x3e: {  	s24 =	sadd.s32 $0x4E80, s30;
	[sflag:s28] =	ssyncadd.s32 $0xFFFFE000  }
0x3f: {  	[spmem:s2] =	stream.indirect.scatter.add.f32 [tilespmem:s26], [sflag:$0x2], $0x40, s24, s25, $0xb8;
	[tilespmem:$0x18A80] =	vst v63  }
0x40: {  	_ =	swait.ge [sflag:s22], $0x2000  }
.Ltmp0:
0x41: {  	[sflag:s22] =	ssyncset.done $0x0;
	(pc) =	sbr.rel @p0 .LBB2_2-.Ltmp0, $4  }
0x42: {  	[sflag:s22] =	ssyncadd.s32 $0xFFFFE000  }
0x43: {  	[spmem:s3] =	stream.indirect.scatter.add.f32 [tilespmem:s29], [sflag:$0x2], $0x1, s24, s25, $0xb8;
	[tilespmem:$0x18A80] =	vst v63  }
0x44: {  	_ =	swait.ge [sflag:s22], $0x80  }
0x45: {  	s24 =	smov.u32 s5;
	[sflag:s22] =	ssyncset.done $0x0  }
0x46: {  	s1 =	sshra.s32 s1, $0x2;
	[sflag:s22] =	ssyncadd.s32 $0xFFFFFF80  }
0x47: {  	[tilespmem:s26], [sflag:$0x1] =	stream.indirect.gather [hbm4b:s12+s25], $0x40, s1, s25, $0xb8;
	[tilespmem:$0x18A80] =	vst v63  }
0x48: {  	_ =	swait.ge [sflag:s28], $0x2000  }
0x49: {  	[sflag:s28] =	ssyncset.done $0x0  }
0x4a: {  	s1 =	sadd.s32 $0x4E80, s1;
	[sflag:s28] =	ssyncadd.s32 $0xFFFFE000  }
0x4b: {  	[spmem:s2] =	stream.indirect.scatter.add.f32 [tilespmem:s26], [sflag:$0x2], $0x40, s1, s25, $0xb8;
	[tilespmem:$0x18A80] =	vst v63  }
0x4c: {  	_ =	swait.ge [sflag:s22], $0x2000  }
0x4d: {  	[sflag:s22] =	ssyncset.done $0x0  }
0x4e: {  	[sflag:s22] =	ssyncadd.s32 $0xFFFFE000  }
0x4f: {  	[spmem:s3] =	stream.indirect.scatter.add.f32 [tilespmem:s29], [sflag:$0x2], $0x1, s1, s25, $0xb8;
	[tilespmem:$0x18A80] =	vst v63  }
0x50: {  	_ =	swait.ge [sflag:s22], $0x80  }
0x51: {  	[sflag:s22] =	ssyncset.done $0x0  }
0x52: {  	[sflag:s22] =	ssyncadd.s32 $0xFFFFFF80  }
0x53: {  	s30 =	simm.s32 $0xBD80;
	[bflag:$0x0] =	sbarrier.arrive $0xFFFF  }
0x54: {  	[tilespmem:s30], [sflag:$0x2] =	stream.linear.gather [spmem:s9], $0x280, $0x38;
	[tilespmem:$0x18A80] =	vst v63  }
0x55: {  	_ =	swait.ge [sflag:s22], $0x280  }
0x56: {  	[sflag:s22] =	ssyncset.done $0x0  }
0x57: {  	[sflag:s22] =	ssyncadd.s32 $0xFFFFFD80  }
0x58: {  	v1 =	vld [tilespmem:$0xBD80]  }
0x59: {  	v2 =	vld [tilespmem:$0xBD90]  }
0x5a: {  	v3 =	vld [tilespmem:$0xBDA0]  }
0x5b: {  	v4 =	vld [tilespmem:$0xBDB0]  }
0x5c: {  	v5 =	vld [tilespmem:$0xBDC0]  }
0x5d: {  	v7 =	vld [tilespmem:$0xBDD0]  }
0x5e: {  	v8 =	vld [tilespmem:$0xBDE0]  }
0x5f: {  	v9 =	vld [tilespmem:$0xBDF0];
	v6 =	vmax.f32 v1, $1.000000000e+00  }
0x60: {  	v10 =	vld [tilespmem:$0xBE00];
	v31 =	vmax.f32 v2, $1.000000000e+00;
	(erf) = vrcp.f32 v6  }
0x61: {  	v11 =	vld [tilespmem:$0xBE10];
	v32 =	vmax.f32 v3, $1.000000000e+00;
	(erf) = vrcp.f32 v31  }
0x62: {  	v12 =	vld [tilespmem:$0xBE20];
	(erf) = vrcp.f32 v32  }
0x63: {  	v13 =	vld [tilespmem:$0xBE30];
	v33 =	vmax.f32 v4, $1.000000000e+00  }
0x64: {  	v40 =	vld [tilespmem:$0xBE40];
	v34 =	vmax.f32 v5, $1.000000000e+00;
	v35 =	vmax.f32 v7, $1.000000000e+00;
	(erf) = vrcp.f32 v33  }
0x65: {  	v41 =	vld [tilespmem:$0xBE50];
	v36 =	vmax.f32 v8, $1.000000000e+00;
	v37 =	vmax.f32 v9, $1.000000000e+00;
	(erf) = vrcp.f32 v34  }
0x66: {  	v44 =	vld [tilespmem:$0xBE60];
	v38 =	vmax.f32 v10, $1.000000000e+00;
	v39 =	vmax.f32 v11, $1.000000000e+00;
	(erf) = vrcp.f32 v35  }
0x67: {  	v17 =	vld [tilespmem:$0xBE70];
	vm0 =	vgt.f32 v1, $0.0e+00;
	vm13 =	vgt.f32 v2, $0.0e+00;
	(erf) = vrcp.f32 v36  }
0x68: {  	v47 =	vld [tilespmem:$0xBE80];
	v14 =	vmax.f32 v12, $1.000000000e+00;
	vm14 =	vgt.f32 v3, $0.0e+00;
	(erf) = vrcp.f32 v37  }
0x69: {  	v19 =	vld [tilespmem:$0xBE90];
	vm15 =	vgt.f32 v4, $0.0e+00;
	v15 =	vmax.f32 v13, $1.000000000e+00;
	(erf) = vrcp.f32 v38;
	v1 =	vpop (erf)  }
0x6a: {  	v50 =	vld [tilespmem:$0xBEA0];
	vm4 =	vgt.f32 v5, $0.0e+00;
	vm5 =	vgt.f32 v7, $0.0e+00;
	(erf) = vrcp.f32 v39;
	v2 =	vpop (erf)  }
0x6b: {  	v61 =	vld [tilespmem:$0xBF10];
	v16 =	vmax.f32 v40, $1.000000000e+00;
	vm6 =	vgt.f32 v8, $0.0e+00;
	v3 =	vpop (erf);
	(erf) = vrcp.f32 v14  }
0x6c: {  	v63 =	vld [tilespmem:$0xBF20];
	vm7 =	vgt.f32 v9, $0.0e+00;
	v18 =	vmax.f32 v41, $1.000000000e+00;
	(erf) = vrcp.f32 v15  }
0x6d: {  	vm8 =	vgt.f32 v10, $0.0e+00;
	vm9 =	vgt.f32 v11, $0.0e+00;
	v20 =	vmax.f32 v44, $1.000000000e+00;
	v42 =	vpop (erf)  }
0x6e: {  	v52 =	vmax.f32 v17, $1.000000000e+00;
	vm10 =	vgt.f32 v12, $0.0e+00;
	v43 =	vpop (erf);
	(erf) = vrcp.f32 v16  }
0x6f: {  	v54 =	vmax.f32 v47, $1.000000000e+00;
	v55 =	vmax.f32 v19, $1.000000000e+00;
	v45 =	vpop (erf);
	(erf) = vrcp.f32 v18  }
0x70: {  	v21 =	vld [tilespmem:$0xBEB0];
	vm11 =	vgt.f32 v13, $0.0e+00;
	v57 =	vmax.f32 v50, $1.000000000e+00;
	vm12 =	vgt.f32 v40, $0.0e+00;
	v46 =	vpop (erf)  }
0x71: {  	v22 =	vld [tilespmem:$0xBEC0];
	v26 =	vmax.f32 v61, $1.000000000e+00;
	v30 =	vmax.f32 v63, $1.000000000e+00;
	(erf) = vrcp.f32 v20;
	v48 =	vpop (erf)  }
0x72: {  	v23 =	vld [tilespmem:$0xBED0];
	v1 =	vnsel vm0, $0x0, v1;
	v2 =	vnsel vm13, $0x0, v2;
	(erf) = vrcp.f32 v52;
	v49 =	vpop (erf)  }
0x73: {  	v56 =	vld [tilespmem:$0xBEE0];
	vm13 =	vgt.f32 v41, $0.0e+00;
	v3 =	vnsel vm14, $0x0, v3;
	(erf) = vrcp.f32 v54;
	v51 =	vpop (erf)  }
0x74: {  	v58 =	vld [tilespmem:$0xBEF0];
	[tilespmem:$0xBD90] =	vst v2;
	vm14 =	vgt.f32 v44, $0.0e+00;
	v4 =	vnsel vm15, $0x0, v42;
	(erf) = vrcp.f32 v55;
	v53 =	vpop (erf)  }
0x75: {  	v59 =	vld [tilespmem:$0xBF00];
	[tilespmem:$0xBDA0] =	vst v3;
	v3 =	vmax.f32 v21, $1.000000000e+00;
	vm15 =	vgt.f32 v17, $0.0e+00;
	v2 =	vpop (erf);
	(erf) = vrcp.f32 v57  }
0x76: {  	v28 =	vld [tilespmem:$0xBF40];
	[tilespmem:$0xBD80] =	vst v1;
	v5 =	vnsel vm4, $0x0, v43;
	(erf) = vrcp.f32 v3;
	v3 =	vmax.f32 v22, $1.000000000e+00  }
0x77: {  	[tilespmem:$0xBDB0] =	vst v4;
	vm4 =	vgt.f32 v47, $0.0e+00;
	v60 =	vpop (erf);
	(erf) = vrcp.f32 v3;
	v3 =	vmax.f32 v23, $1.000000000e+00  }
0x78: {  	v33 =	vld [tilespmem:$0xBF50];
	v7 =	vnsel vm5, $0x0, v45;
	[tilespmem:$0xBDC0] =	vst v5;
	v62 =	vpop (erf);
	(erf) = vrcp.f32 v3;
	v3 =	vmax.f32 v56, $1.000000000e+00  }
0x79: {  	v40 =	vld [tilespmem:$0xBF70];
	v8 =	vnsel vm6, $0x0, v46;
	[tilespmem:$0xBDD0] =	vst v7;
	(erf) = vrcp.f32 v3;
	v3 =	vmax.f32 v58, $1.000000000e+00  }
0x7a: {  	v9 =	vnsel vm7, $0x0, v48;
	[tilespmem:$0xBDE0] =	vst v8;
	(erf) = vrcp.f32 v3;
	v3 =	vmax.f32 v59, $1.000000000e+00  }
0x7b: {  	v43 =	vmax.f32 v28, $1.000000000e+00;
	v10 =	vnsel vm8, $0x0, v49;
	[tilespmem:$0xBDF0] =	vst v9;
	(erf) = vrcp.f32 v3;
	v3 =	vld [tilespmem:$0xBF30]  }
0x7c: {  	v37 =	vld [tilespmem:$0xBF60];
	vm5 =	vgt.f32 v19, $0.0e+00;
	vm6 =	vgt.f32 v50, $0.0e+00;
	v11 =	vnsel vm9, $0x0, v51;
	[tilespmem:$0xBE00] =	vst v10;
	v15 =	vpop (erf)  }
0x7d: {  	vm7 =	vgt.f32 v21, $0.0e+00;
	v48 =	vmax.f32 v33, $1.000000000e+00;
	[tilespmem:$0xBE10] =	vst v11;
	v1 =	vnsel vm10, $0x0, v53;
	v24 =	vpop (erf)  }
0x7e: {  	v54 =	vmax.f32 v40, $1.000000000e+00;
	v2 =	vnsel vm11, $0x0, v2;
	[tilespmem:$0xBE20] =	vst v1;
	v25 =	vpop (erf);
	(erf) = vrcp.f32 v26  }
0x7f: {  	v44 =	vld [tilespmem:$0xBF80];
	vm8 =	vgt.f32 v22, $0.0e+00;
	vm9 =	vgt.f32 v23, $0.0e+00;
	v4 =	vnsel vm12, $0x0, v60;
	[tilespmem:$0xBE30] =	vst v2;
	v27 =	vpop (erf)  }
0x80: {  	v49 =	vld [tilespmem:$0xBFA0];
	v6 =	vnsel vm13, $0x0, v62;
	[tilespmem:$0xBE40] =	vst v4;
	(erf) = vrcp.f32 v30;
	v29 =	vpop (erf);
	v36 =	vmax.f32 v3, $1.000000000e+00  }
0x81: {  	v51 =	vmax.f32 v37, $1.000000000e+00;
	v8 =	vnsel vm14, $0x0, v15;
	[tilespmem:$0xBE50] =	vst v6;
	v32 =	vpop (erf);
	(erf) = vrcp.f32 v36  }
0x82: {  	vm10 =	vgt.f32 v56, $0.0e+00;
	vm11 =	vgt.f32 v58, $0.0e+00;
	v9 =	vnsel vm15, $0x0, v24;
	[tilespmem:$0xBE60] =	vst v8;
	v35 =	vpop (erf)  }
0x83: {  	v46 =	vld [tilespmem:$0xBF90];
	vm12 =	vgt.f32 v59, $0.0e+00;
	vm13 =	vgt.f32 v61, $0.0e+00;
	v1 =	vnsel vm4, $0x0, v25;
	[tilespmem:$0xBE70] =	vst v9;
	v39 =	vpop (erf)  }
0x84: {  	v52 =	vld [tilespmem:$0xBFB0];
	v56 =	vmax.f32 v44, $1.000000000e+00;
	v2 =	vnsel vm5, $0x0, v27;
	[tilespmem:$0xBE80] =	vst v1;
	v42 =	vpop (erf);
	(erf) = vrcp.f32 v43  }
0x85: {  	v61 =	vmax.f32 v49, $1.000000000e+00;
	[tilespmem:$0xBE90] =	vst v2;
	v31 =	vnsel vm6, $0x0, v29;
	v45 =	vpop (erf);
	(erf) = vrcp.f32 v48  }
0x86: {  	v55 =	vld [tilespmem:$0xBFC0];
	vm14 =	vgt.f32 v63, $0.0e+00;
	v34 =	vnsel vm7, $0x0, v32;
	[tilespmem:$0xBEA0] =	vst v31;
	v47 =	vpop (erf);
	(erf) = vrcp.f32 v51  }
0x87: {  	v57 =	vld [tilespmem:$0xBFD0];
	v38 =	vnsel vm8, $0x0, v35;
	[tilespmem:$0xBEB0] =	vst v34;
	v2 =	vnsel vm11, $0x0, v45;
	v53 =	vpop (erf);
	(erf) = vrcp.f32 v54  }
0x88: {  	v60 =	vld [tilespmem:$0xBFE0];
	v59 =	vmax.f32 v46, $1.000000000e+00;
	v41 =	vnsel vm9, $0x0, v39;
	[tilespmem:$0xBEC0] =	vst v38;
	(erf) = vrcp.f32 v56  }
0x89: {  	v62 =	vld [tilespmem:$0xBFF0];
	vm15 =	vgt.f32 v3, $0.0e+00;
	v3 =	vmax.f32 v52, $1.000000000e+00;
	[tilespmem:$0xBED0] =	vst v41;
	v58 =	vpop (erf);
	(erf) = vrcp.f32 v59  }
0x8a: {  	v1 =	vnsel vm10, $0x0, v42;
	v50 =	vnsel vm12, $0x0, v47;
	[tilespmem:$0xBEF0] =	vst v2;
	(erf) = vrcp.f32 v61;
	v2 =	vpop (erf)  }
0x8b: {  	[tilespmem:$0xBEE0] =	vst v1;
	(erf) = vrcp.f32 v3;
	v3 =	vmax.f32 v55, $1.000000000e+00;
	v2 =	vnsel vm15, $0x0, v2  }
0x8c: {  	v5 =	vnsel vm13, $0x0, v53;
	[tilespmem:$0xBF00] =	vst v50;
	(erf) = vrcp.f32 v3;
	v3 =	vmax.f32 v57, $1.000000000e+00  }
0x8d: {  	vm4 =	vgt.f32 v28, $0.0e+00;
	[tilespmem:$0xBF10] =	vst v5;
	v63 =	vpop (erf);
	(erf) = vrcp.f32 v3;
	v3 =	vmax.f32 v60, $1.000000000e+00  }
0x8e: {  	v1 =	vnsel vm14, $0x0, v58;
	[tilespmem:$0xBF30] =	vst v2;
	v2 =	vpop (erf);
	(erf) = vrcp.f32 v3;
	v3 =	vmax.f32 v62, $1.000000000e+00  }
0x8f: {  	vm5 =	vgt.f32 v33, $0.0e+00;
	[tilespmem:$0xBF20] =	vst v1;
	v1 =	vnsel vm4, $0x0, v63  }
0x90: {  	vm6 =	vgt.f32 v37, $0.0e+00;
	[tilespmem:$0xBF40] =	vst v1;
	v1 =	vnsel vm5, $0x0, v2;
	v2 =	vpop (erf);
	(erf) = vrcp.f32 v3  }
0x91: {  	vm7 =	vgt.f32 v40, $0.0e+00;
	[tilespmem:$0xBF50] =	vst v1;
	v1 =	vnsel vm6, $0x0, v2;
	v3 =	vpop (erf)  }
0x92: {  	vm8 =	vgt.f32 v44, $0.0e+00;
	[tilespmem:$0xBF60] =	vst v1;
	v2 =	vpop (erf);
	v1 =	vnsel vm7, $0x0, v3  }
0x93: {  	vm9 =	vgt.f32 v46, $0.0e+00;
	v3 =	vpop (erf);
	[tilespmem:$0xBF70] =	vst v1;
	v1 =	vnsel vm8, $0x0, v2  }
0x94: {  	vm10 =	vgt.f32 v49, $0.0e+00;
	v2 =	vpop (erf);
	[tilespmem:$0xBF80] =	vst v1;
	v1 =	vnsel vm9, $0x0, v3  }
0x95: {  	vm11 =	vgt.f32 v52, $0.0e+00;
	v3 =	vpop (erf);
	[tilespmem:$0xBF90] =	vst v1;
	v1 =	vnsel vm10, $0x0, v2  }
0x96: {  	vm12 =	vgt.f32 v55, $0.0e+00;
	v2 =	vpop (erf);
	[tilespmem:$0xBFA0] =	vst v1;
	v1 =	vnsel vm11, $0x0, v3  }
0x97: {  	vm13 =	vgt.f32 v57, $0.0e+00;
	v3 =	vpop (erf);
	[tilespmem:$0xBFB0] =	vst v1;
	v1 =	vnsel vm12, $0x0, v2  }
0x98: {  	vm14 =	vgt.f32 v60, $0.0e+00;
	v2 =	vpop (erf);
	[tilespmem:$0xBFC0] =	vst v1;
	v1 =	vnsel vm13, $0x0, v3  }
0x99: {  	vm15 =	vgt.f32 v62, $0.0e+00;
	[tilespmem:$0xBFD0] =	vst v1;
	v1 =	vnsel vm14, $0x0, v2;
	v2 =	vpop (erf)  }
0x9a: {  	[tilespmem:$0xBFE0] =	vst v1;
	v1 =	vnsel vm15, $0x0, v2  }
0x9b: {  	[tilespmem:$0xBFF0] =	vst v1  }
0x9c: {  	[tilespmem:s31], [sflag:$0x2] =	stream.linear.gather [spmem:s7], $0x2800, $0x38;
	[tilespmem:$0x18A80] =	vst v63  }
0x9d: {  	_ =	swait.ge [sflag:s22], $0x2800  }
0x9e: {  	[sflag:s22] =	ssyncset.done $0x0  }
0x9f: {  	s24 =	simm.s32 $0xC200;
	s1 =	simm.s32 $0x0;
	[sflag:s22] =	ssyncadd.s32 $0xFFFFD800  }
.LBB2_4:
0xa0: {  	s5 =	sshra.s32 s1, $0x2  }
0xa1: {  	v1 =	vld [tilespmem:s5+$0xBD80];
	_ =	sdelay $0x1  }
0xa2: {  	v2 =	vld [tilespmem:s24+$0xFFFFFE00];
	_ =	sdelay $0x2  }
0xa3: {  	v3 =	vbroadcast v1, $0x0;
	_ =	sdelay $0x1  }
0xa4: {  	v2 =	vmul.f32 v3, v2;
	_ =	sdelay $0x1  }
0xa5: {  	[tilespmem:s24+$0xFFFFFE00] =	vst v2;
	v2 =	vld [tilespmem:s24+$0xFFFFFE10];
	_ =	sdelay $0x4  }
0xa6: {  	v2 =	vmul.f32 v2, v3;
	_ =	sdelay $0x1  }
0xa7: {  	[tilespmem:s24+$0xFFFFFE10] =	vst v2;
	v2 =	vld [tilespmem:s24+$0xFFFFFE20];
	_ =	sdelay $0x4  }
0xa8: {  	v2 =	vmul.f32 v2, v3;
	_ =	sdelay $0x1  }
0xa9: {  	[tilespmem:s24+$0xFFFFFE20] =	vst v2;
	v2 =	vld [tilespmem:s24+$0xFFFFFE30];
	_ =	sdelay $0x4  }
0xaa: {  	v2 =	vmul.f32 v2, v3;
	_ =	sdelay $0x1  }
0xab: {  	[tilespmem:s24+$0xFFFFFE30] =	vst v2;
	v2 =	vld [tilespmem:s24+$0xFFFFFE40];
	_ =	sdelay $0x2  }
0xac: {  	v3 =	vbroadcast v1, $0x1;
	_ =	sdelay $0x1  }
0xad: {  	v2 =	vmul.f32 v2, v3;
	_ =	sdelay $0x1  }
0xae: {  	[tilespmem:s24+$0xFFFFFE40] =	vst v2;
	v2 =	vld [tilespmem:s24+$0xFFFFFE50];
	_ =	sdelay $0x4  }
0xaf: {  	v2 =	vmul.f32 v2, v3;
	_ =	sdelay $0x1  }
0xb0: {  	[tilespmem:s24+$0xFFFFFE50] =	vst v2;
	v2 =	vld [tilespmem:s24+$0xFFFFFE60];
	_ =	sdelay $0x4  }
0xb1: {  	v2 =	vmul.f32 v2, v3;
	_ =	sdelay $0x1  }
0xb2: {  	[tilespmem:s24+$0xFFFFFE60] =	vst v2;
	v2 =	vld [tilespmem:s24+$0xFFFFFE70];
	_ =	sdelay $0x4  }
0xb3: {  	v2 =	vmul.f32 v2, v3;
	_ =	sdelay $0x1  }
0xb4: {  	[tilespmem:s24+$0xFFFFFE70] =	vst v2;
	v2 =	vld [tilespmem:s24+$0xFFFFFE80];
	_ =	sdelay $0x2  }
0xb5: {  	v3 =	vbroadcast v1, $0x2;
	_ =	sdelay $0x1  }
0xb6: {  	v2 =	vmul.f32 v2, v3;
	_ =	sdelay $0x1  }
0xb7: {  	[tilespmem:s24+$0xFFFFFE80] =	vst v2;
	v2 =	vld [tilespmem:s24+$0xFFFFFE90];
	_ =	sdelay $0x4  }
0xb8: {  	v2 =	vmul.f32 v2, v3;
	_ =	sdelay $0x1  }
0xb9: {  	[tilespmem:s24+$0xFFFFFE90] =	vst v2;
	v2 =	vld [tilespmem:s24+$0xFFFFFEA0];
	_ =	sdelay $0x4  }
0xba: {  	v2 =	vmul.f32 v2, v3;
	_ =	sdelay $0x1  }
0xbb: {  	[tilespmem:s24+$0xFFFFFEA0] =	vst v2;
	v2 =	vld [tilespmem:s24+$0xFFFFFEB0];
	_ =	sdelay $0x4  }
0xbc: {  	v2 =	vmul.f32 v2, v3;
	_ =	sdelay $0x1  }
0xbd: {  	[tilespmem:s24+$0xFFFFFEB0] =	vst v2;
	v2 =	vld [tilespmem:s24+$0xFFFFFEC0];
	_ =	sdelay $0x2  }
0xbe: {  	v3 =	vbroadcast v1, $0x3;
	_ =	sdelay $0x1  }
0xbf: {  	v2 =	vmul.f32 v2, v3;
	_ =	sdelay $0x1  }
0xc0: {  	[tilespmem:s24+$0xFFFFFEC0] =	vst v2;
	v2 =	vld [tilespmem:s24+$0xFFFFFED0];
	_ =	sdelay $0x4  }
0xc1: {  	v2 =	vmul.f32 v2, v3;
	_ =	sdelay $0x1  }
0xc2: {  	[tilespmem:s24+$0xFFFFFED0] =	vst v2;
	v2 =	vld [tilespmem:s24+$0xFFFFFEE0];
	_ =	sdelay $0x4  }
0xc3: {  	v2 =	vmul.f32 v2, v3;
	_ =	sdelay $0x1  }
0xc4: {  	[tilespmem:s24+$0xFFFFFEE0] =	vst v2;
	v2 =	vld [tilespmem:s24+$0xFFFFFEF0];
	_ =	sdelay $0x4  }
0xc5: {  	v2 =	vmul.f32 v2, v3;
	_ =	sdelay $0x1  }
0xc6: {  	[tilespmem:s24+$0xFFFFFEF0] =	vst v2;
	v2 =	vld [tilespmem:s24+$0xFFFFFF00];
	_ =	sdelay $0x2  }
0xc7: {  	v3 =	vbroadcast v1, $0x4;
	_ =	sdelay $0x1  }
0xc8: {  	v2 =	vmul.f32 v2, v3;
	_ =	sdelay $0x1  }
0xc9: {  	[tilespmem:s24+$0xFFFFFF00] =	vst v2;
	v2 =	vld [tilespmem:s24+$0xFFFFFF10];
	_ =	sdelay $0x4  }
0xca: {  	v2 =	vmul.f32 v2, v3;
	_ =	sdelay $0x1  }
0xcb: {  	[tilespmem:s24+$0xFFFFFF10] =	vst v2;
	v2 =	vld [tilespmem:s24+$0xFFFFFF20];
	_ =	sdelay $0x4  }
0xcc: {  	v2 =	vmul.f32 v2, v3;
	_ =	sdelay $0x1  }
0xcd: {  	[tilespmem:s24+$0xFFFFFF20] =	vst v2;
	v2 =	vld [tilespmem:s24+$0xFFFFFF30];
	_ =	sdelay $0x4  }
0xce: {  	v2 =	vmul.f32 v2, v3;
	_ =	sdelay $0x1  }
0xcf: {  	[tilespmem:s24+$0xFFFFFF30] =	vst v2;
	v2 =	vld [tilespmem:s24+$0xFFFFFF40];
	_ =	sdelay $0x2  }
0xd0: {  	v3 =	vbroadcast v1, $0x5;
	_ =	sdelay $0x1  }
0xd1: {  	v2 =	vmul.f32 v2, v3;
	_ =	sdelay $0x1  }
0xd2: {  	[tilespmem:s24+$0xFFFFFF40] =	vst v2;
	v2 =	vld [tilespmem:s24+$0xFFFFFF50];
	_ =	sdelay $0x4  }
0xd3: {  	v2 =	vmul.f32 v2, v3;
	_ =	sdelay $0x1  }
0xd4: {  	[tilespmem:s24+$0xFFFFFF50] =	vst v2;
	v2 =	vld [tilespmem:s24+$0xFFFFFF60];
	_ =	sdelay $0x4  }
0xd5: {  	v2 =	vmul.f32 v2, v3;
	_ =	sdelay $0x1  }
0xd6: {  	[tilespmem:s24+$0xFFFFFF60] =	vst v2;
	v2 =	vld [tilespmem:s24+$0xFFFFFF70];
	_ =	sdelay $0x4  }
0xd7: {  	v2 =	vmul.f32 v2, v3;
	_ =	sdelay $0x1  }
0xd8: {  	[tilespmem:s24+$0xFFFFFF70] =	vst v2;
	v2 =	vld [tilespmem:s24+$0xFFFFFF80];
	_ =	sdelay $0x2  }
0xd9: {  	v3 =	vbroadcast v1, $0x6;
	_ =	sdelay $0x1  }
0xda: {  	v2 =	vmul.f32 v2, v3;
	_ =	sdelay $0x1  }
0xdb: {  	[tilespmem:s24+$0xFFFFFF80] =	vst v2;
	v2 =	vld [tilespmem:s24+$0xFFFFFF90];
	_ =	sdelay $0x4  }
0xdc: {  	v2 =	vmul.f32 v2, v3;
	_ =	sdelay $0x1  }
0xdd: {  	[tilespmem:s24+$0xFFFFFF90] =	vst v2;
	v2 =	vld [tilespmem:s24+$0xFFFFFFA0];
	_ =	sdelay $0x4  }
0xde: {  	v2 =	vmul.f32 v2, v3;
	_ =	sdelay $0x1  }
0xdf: {  	[tilespmem:s24+$0xFFFFFFA0] =	vst v2;
	v2 =	vld [tilespmem:s24+$0xFFFFFFB0];
	_ =	sdelay $0x4  }
0xe0: {  	v2 =	vmul.f32 v2, v3;
	_ =	sdelay $0x1  }
0xe1: {  	[tilespmem:s24+$0xFFFFFFB0] =	vst v2;
	v2 =	vld [tilespmem:s24+$0xFFFFFFC0];
	_ =	sdelay $0x2  }
0xe2: {  	v3 =	vbroadcast v1, $0x7;
	_ =	sdelay $0x1  }
0xe3: {  	v2 =	vmul.f32 v2, v3;
	_ =	sdelay $0x1  }
0xe4: {  	[tilespmem:s24+$0xFFFFFFC0] =	vst v2;
	v2 =	vld [tilespmem:s24+$0xFFFFFFD0];
	_ =	sdelay $0x4  }
0xe5: {  	v2 =	vmul.f32 v2, v3;
	_ =	sdelay $0x1  }
0xe6: {  	[tilespmem:s24+$0xFFFFFFD0] =	vst v2;
	v2 =	vld [tilespmem:s24+$0xFFFFFFE0];
	_ =	sdelay $0x4  }
0xe7: {  	v2 =	vmul.f32 v2, v3;
	_ =	sdelay $0x1  }
0xe8: {  	[tilespmem:s24+$0xFFFFFFE0] =	vst v2;
	v2 =	vld [tilespmem:s24+$0xFFFFFFF0];
	_ =	sdelay $0x4  }
0xe9: {  	v2 =	vmul.f32 v2, v3;
	_ =	sdelay $0x1  }
0xea: {  	[tilespmem:s24+$0xFFFFFFF0] =	vst v2;
	v2 =	vld [tilespmem:s24+$0x0];
	_ =	sdelay $0x2  }
0xeb: {  	v3 =	vbroadcast v1, $0x8;
	_ =	sdelay $0x1  }
0xec: {  	v2 =	vmul.f32 v2, v3;
	_ =	sdelay $0x1  }
0xed: {  	[tilespmem:s24+$0x0] =	vst v2;
	v2 =	vld [tilespmem:s24+$0x10];
	_ =	sdelay $0x4  }
0xee: {  	v2 =	vmul.f32 v2, v3;
	_ =	sdelay $0x1  }
0xef: {  	[tilespmem:s24+$0x10] =	vst v2;
	v2 =	vld [tilespmem:s24+$0x20];
	_ =	sdelay $0x4  }
0xf0: {  	v2 =	vmul.f32 v2, v3;
	_ =	sdelay $0x1  }
0xf1: {  	[tilespmem:s24+$0x20] =	vst v2;
	v2 =	vld [tilespmem:s24+$0x30];
	_ =	sdelay $0x4  }
0xf2: {  	v2 =	vmul.f32 v2, v3;
	_ =	sdelay $0x1  }
0xf3: {  	[tilespmem:s24+$0x30] =	vst v2;
	v2 =	vld [tilespmem:s24+$0x40];
	_ =	sdelay $0x2  }
0xf4: {  	v3 =	vbroadcast v1, $0x9;
	_ =	sdelay $0x1  }
0xf5: {  	v2 =	vmul.f32 v2, v3;
	_ =	sdelay $0x1  }
0xf6: {  	[tilespmem:s24+$0x40] =	vst v2;
	v2 =	vld [tilespmem:s24+$0x50];
	_ =	sdelay $0x4  }
0xf7: {  	v2 =	vmul.f32 v2, v3;
	_ =	sdelay $0x1  }
0xf8: {  	[tilespmem:s24+$0x50] =	vst v2;
	v2 =	vld [tilespmem:s24+$0x60];
	_ =	sdelay $0x4  }
0xf9: {  	v2 =	vmul.f32 v2, v3;
	_ =	sdelay $0x1  }
0xfa: {  	[tilespmem:s24+$0x60] =	vst v2;
	v2 =	vld [tilespmem:s24+$0x70];
	_ =	sdelay $0x4  }
0xfb: {  	v2 =	vmul.f32 v2, v3;
	_ =	sdelay $0x1  }
0xfc: {  	[tilespmem:s24+$0x70] =	vst v2;
	v2 =	vld [tilespmem:s24+$0x80];
	_ =	sdelay $0x2  }
0xfd: {  	v3 =	vbroadcast v1, $0xA;
	_ =	sdelay $0x1  }
0xfe: {  	v2 =	vmul.f32 v2, v3;
	_ =	sdelay $0x1  }
0xff: {  	[tilespmem:s24+$0x80] =	vst v2;
	v2 =	vld [tilespmem:s24+$0x90];
	_ =	sdelay $0x4  }
0x100: {  	v2 =	vmul.f32 v2, v3;
	_ =	sdelay $0x1  }
0x101: {  	[tilespmem:s24+$0x90] =	vst v2;
	v2 =	vld [tilespmem:s24+$0xA0];
	_ =	sdelay $0x4  }
0x102: {  	v2 =	vmul.f32 v2, v3;
	_ =	sdelay $0x1  }
0x103: {  	[tilespmem:s24+$0xA0] =	vst v2;
	v2 =	vld [tilespmem:s24+$0xB0];
	_ =	sdelay $0x4  }
0x104: {  	v2 =	vmul.f32 v2, v3;
	_ =	sdelay $0x1  }
0x105: {  	[tilespmem:s24+$0xB0] =	vst v2;
	v2 =	vld [tilespmem:s24+$0xC0];
	_ =	sdelay $0x2  }
0x106: {  	v3 =	vbroadcast v1, $0xB;
	_ =	sdelay $0x1  }
0x107: {  	v2 =	vmul.f32 v2, v3;
	_ =	sdelay $0x1  }
0x108: {  	[tilespmem:s24+$0xC0] =	vst v2;
	v2 =	vld [tilespmem:s24+$0xD0];
	_ =	sdelay $0x4  }
0x109: {  	v2 =	vmul.f32 v2, v3;
	_ =	sdelay $0x1  }
0x10a: {  	[tilespmem:s24+$0xD0] =	vst v2;
	v2 =	vld [tilespmem:s24+$0xE0];
	_ =	sdelay $0x4  }
0x10b: {  	v2 =	vmul.f32 v2, v3;
	_ =	sdelay $0x1  }
0x10c: {  	[tilespmem:s24+$0xE0] =	vst v2;
	v2 =	vld [tilespmem:s24+$0xF0];
	_ =	sdelay $0x4  }
0x10d: {  	v2 =	vmul.f32 v2, v3;
	_ =	sdelay $0x1  }
0x10e: {  	[tilespmem:s24+$0xF0] =	vst v2;
	v2 =	vld [tilespmem:s24+$0x100];
	_ =	sdelay $0x2  }
0x10f: {  	v3 =	vbroadcast v1, $0xC;
	_ =	sdelay $0x1  }
0x110: {  	v2 =	vmul.f32 v2, v3;
	_ =	sdelay $0x1  }
0x111: {  	[tilespmem:s24+$0x100] =	vst v2;
	v2 =	vld [tilespmem:s24+$0x110];
	_ =	sdelay $0x4  }
0x112: {  	v2 =	vmul.f32 v2, v3;
	_ =	sdelay $0x1  }
0x113: {  	[tilespmem:s24+$0x110] =	vst v2;
	v2 =	vld [tilespmem:s24+$0x120];
	_ =	sdelay $0x4  }
0x114: {  	v2 =	vmul.f32 v2, v3;
	_ =	sdelay $0x1  }
0x115: {  	[tilespmem:s24+$0x120] =	vst v2;
	v2 =	vld [tilespmem:s24+$0x130];
	_ =	sdelay $0x4  }
0x116: {  	v2 =	vmul.f32 v2, v3;
	_ =	sdelay $0x1  }
0x117: {  	[tilespmem:s24+$0x130] =	vst v2;
	v2 =	vld [tilespmem:s24+$0x140];
	_ =	sdelay $0x2  }
0x118: {  	v3 =	vbroadcast v1, $0xD;
	_ =	sdelay $0x1  }
0x119: {  	v2 =	vmul.f32 v2, v3;
	_ =	sdelay $0x1  }
0x11a: {  	[tilespmem:s24+$0x140] =	vst v2;
	v2 =	vld [tilespmem:s24+$0x150];
	_ =	sdelay $0x4  }
0x11b: {  	v2 =	vmul.f32 v2, v3;
	_ =	sdelay $0x1  }
0x11c: {  	[tilespmem:s24+$0x150] =	vst v2;
	v2 =	vld [tilespmem:s24+$0x160];
	_ =	sdelay $0x4  }
0x11d: {  	v2 =	vmul.f32 v2, v3;
	_ =	sdelay $0x1  }
0x11e: {  	[tilespmem:s24+$0x160] =	vst v2;
	v2 =	vld [tilespmem:s24+$0x170];
	_ =	sdelay $0x4  }
0x11f: {  	v2 =	vmul.f32 v2, v3;
	_ =	sdelay $0x1  }
0x120: {  	[tilespmem:s24+$0x170] =	vst v2;
	v2 =	vld [tilespmem:s24+$0x180];
	_ =	sdelay $0x2  }
0x121: {  	v3 =	vbroadcast v1, $0xE;
	_ =	sdelay $0x1  }
0x122: {  	v2 =	vmul.f32 v2, v3;
	_ =	sdelay $0x1  }
0x123: {  	[tilespmem:s24+$0x180] =	vst v2;
	v2 =	vld [tilespmem:s24+$0x190];
	_ =	sdelay $0x4  }
0x124: {  	v2 =	vmul.f32 v2, v3;
	_ =	sdelay $0x1  }
0x125: {  	[tilespmem:s24+$0x190] =	vst v2;
	v2 =	vld [tilespmem:s24+$0x1A0];
	_ =	sdelay $0x4  }
0x126: {  	v2 =	vmul.f32 v2, v3;
	_ =	sdelay $0x1  }
0x127: {  	[tilespmem:s24+$0x1A0] =	vst v2;
	v2 =	vld [tilespmem:s24+$0x1B0];
	_ =	sdelay $0x4  }
0x128: {  	v2 =	vmul.f32 v2, v3;
	_ =	sdelay $0x1  }
0x129: {  	[tilespmem:s24+$0x1B0] =	vst v2;
	v2 =	vld [tilespmem:s24+$0x1C0];
	_ =	sdelay $0x2  }
0x12a: {  	v1 =	vbroadcast v1, $0xF;
	_ =	sdelay $0x1  }
0x12b: {  	v2 =	vmul.f32 v2, v1;
	_ =	sdelay $0x1  }
0x12c: {  	[tilespmem:s24+$0x1C0] =	vst v2;
	v2 =	vld [tilespmem:s24+$0x1D0];
	_ =	sdelay $0x4  }
0x12d: {  	v2 =	vmul.f32 v2, v1;
	_ =	sdelay $0x1  }
0x12e: {  	[tilespmem:s24+$0x1D0] =	vst v2;
	v2 =	vld [tilespmem:s24+$0x1E0];
	_ =	sdelay $0x4  }
0x12f: {  	v2 =	vmul.f32 v2, v1;
	_ =	sdelay $0x1  }
0x130: {  	[tilespmem:s24+$0x1E0] =	vst v2;
	v2 =	vld [tilespmem:s24+$0x1F0];
	_ =	sdelay $0x1  }
0x131: {  	p0 =	sne.s32 s1, $0x240  }
.Ltmp1:
0x132: {  	_ = 	snop;
	(pc) =	sbr.rel @p0 .LBB2_4-.Ltmp1, $3  }
0x133: {  	_ = 	snop  }
0x134: {  	v1 =	vmul.f32 v2, v1;
	_ =	sdelay $0x1  }
0x135: {  	s1 =	sadd.s32 $0x40, s1;
	[tilespmem:s24+$0x1F0] =	vst v1;
	s24 =	sadd.s32 $0x400, s24  }
0x136: {  	s1 =	simm.s32 $0x0  }
0x137: {  	[hbm4b:s13+s1] =	stream.linear.scatter [tilespmem:s31], [sflag:$0x2], $0x2800, $0x38;
	[tilespmem:$0x18A80] =	vst v63  }
0x138: {  	_ =	swait.ge [sflag:s22], $0x2800  }
0x139: {  	[sflag:s22] =	ssyncset.done $0x0  }
0x13a: {  	[sflag:s22] =	ssyncadd.s32 $0xFFFFD800  }
0x13b: {  	[tilespmem:s31], [sflag:$0x2] =	stream.linear.gather [spmem:s14], $0x2800, $0x38;
	[tilespmem:$0x18A80] =	vst v63  }
0x13c: {  	_ =	swait.ge [sflag:s22], $0x2800  }
0x13d: {  	[sflag:s22] =	ssyncset.done $0x0  }
0x13e: {  	s24 =	simm.s32 $0xC200;
	[sflag:s22] =	ssyncadd.s32 $0xFFFFD800  }
.LBB2_6:
0x13f: {  	s5 =	sshra.s32 s1, $0x2  }
0x140: {  	v1 =	vld [tilespmem:s5+$0xBE20];
	_ =	sdelay $0x1  }
0x141: {  	v2 =	vld [tilespmem:s24+$0xFFFFFE00];
	_ =	sdelay $0x2  }
0x142: {  	v3 =	vbroadcast v1, $0x0;
	_ =	sdelay $0x1  }
0x143: {  	v2 =	vmul.f32 v3, v2;
	_ =	sdelay $0x1  }
0x144: {  	[tilespmem:s24+$0xFFFFFE00] =	vst v2;
	v2 =	vld [tilespmem:s24+$0xFFFFFE10];
	_ =	sdelay $0x4  }
0x145: {  	v2 =	vmul.f32 v2, v3;
	_ =	sdelay $0x1  }
0x146: {  	[tilespmem:s24+$0xFFFFFE10] =	vst v2;
	v2 =	vld [tilespmem:s24+$0xFFFFFE20];
	_ =	sdelay $0x4  }
0x147: {  	v2 =	vmul.f32 v2, v3;
	_ =	sdelay $0x1  }
0x148: {  	[tilespmem:s24+$0xFFFFFE20] =	vst v2;
	v2 =	vld [tilespmem:s24+$0xFFFFFE30];
	_ =	sdelay $0x4  }
0x149: {  	v2 =	vmul.f32 v2, v3;
	_ =	sdelay $0x1  }
0x14a: {  	[tilespmem:s24+$0xFFFFFE30] =	vst v2;
	v2 =	vld [tilespmem:s24+$0xFFFFFE40];
	_ =	sdelay $0x2  }
0x14b: {  	v3 =	vbroadcast v1, $0x1;
	_ =	sdelay $0x1  }
0x14c: {  	v2 =	vmul.f32 v2, v3;
	_ =	sdelay $0x1  }
0x14d: {  	[tilespmem:s24+$0xFFFFFE40] =	vst v2;
	v2 =	vld [tilespmem:s24+$0xFFFFFE50];
	_ =	sdelay $0x4  }
0x14e: {  	v2 =	vmul.f32 v2, v3;
	_ =	sdelay $0x1  }
0x14f: {  	[tilespmem:s24+$0xFFFFFE50] =	vst v2;
	v2 =	vld [tilespmem:s24+$0xFFFFFE60];
	_ =	sdelay $0x4  }
0x150: {  	v2 =	vmul.f32 v2, v3;
	_ =	sdelay $0x1  }
0x151: {  	[tilespmem:s24+$0xFFFFFE60] =	vst v2;
	v2 =	vld [tilespmem:s24+$0xFFFFFE70];
	_ =	sdelay $0x4  }
0x152: {  	v2 =	vmul.f32 v2, v3;
	_ =	sdelay $0x1  }
0x153: {  	[tilespmem:s24+$0xFFFFFE70] =	vst v2;
	v2 =	vld [tilespmem:s24+$0xFFFFFE80];
	_ =	sdelay $0x2  }
0x154: {  	v3 =	vbroadcast v1, $0x2;
	_ =	sdelay $0x1  }
0x155: {  	v2 =	vmul.f32 v2, v3;
	_ =	sdelay $0x1  }
0x156: {  	[tilespmem:s24+$0xFFFFFE80] =	vst v2;
	v2 =	vld [tilespmem:s24+$0xFFFFFE90];
	_ =	sdelay $0x4  }
0x157: {  	v2 =	vmul.f32 v2, v3;
	_ =	sdelay $0x1  }
0x158: {  	[tilespmem:s24+$0xFFFFFE90] =	vst v2;
	v2 =	vld [tilespmem:s24+$0xFFFFFEA0];
	_ =	sdelay $0x4  }
0x159: {  	v2 =	vmul.f32 v2, v3;
	_ =	sdelay $0x1  }
0x15a: {  	[tilespmem:s24+$0xFFFFFEA0] =	vst v2;
	v2 =	vld [tilespmem:s24+$0xFFFFFEB0];
	_ =	sdelay $0x4  }
0x15b: {  	v2 =	vmul.f32 v2, v3;
	_ =	sdelay $0x1  }
0x15c: {  	[tilespmem:s24+$0xFFFFFEB0] =	vst v2;
	v2 =	vld [tilespmem:s24+$0xFFFFFEC0];
	_ =	sdelay $0x2  }
0x15d: {  	v3 =	vbroadcast v1, $0x3;
	_ =	sdelay $0x1  }
0x15e: {  	v2 =	vmul.f32 v2, v3;
	_ =	sdelay $0x1  }
0x15f: {  	[tilespmem:s24+$0xFFFFFEC0] =	vst v2;
	v2 =	vld [tilespmem:s24+$0xFFFFFED0];
	_ =	sdelay $0x4  }
0x160: {  	v2 =	vmul.f32 v2, v3;
	_ =	sdelay $0x1  }
0x161: {  	[tilespmem:s24+$0xFFFFFED0] =	vst v2;
	v2 =	vld [tilespmem:s24+$0xFFFFFEE0];
	_ =	sdelay $0x4  }
0x162: {  	v2 =	vmul.f32 v2, v3;
	_ =	sdelay $0x1  }
0x163: {  	[tilespmem:s24+$0xFFFFFEE0] =	vst v2;
	v2 =	vld [tilespmem:s24+$0xFFFFFEF0];
	_ =	sdelay $0x4  }
0x164: {  	v2 =	vmul.f32 v2, v3;
	_ =	sdelay $0x1  }
0x165: {  	[tilespmem:s24+$0xFFFFFEF0] =	vst v2;
	v2 =	vld [tilespmem:s24+$0xFFFFFF00];
	_ =	sdelay $0x2  }
0x166: {  	v3 =	vbroadcast v1, $0x4;
	_ =	sdelay $0x1  }
0x167: {  	v2 =	vmul.f32 v2, v3;
	_ =	sdelay $0x1  }
0x168: {  	[tilespmem:s24+$0xFFFFFF00] =	vst v2;
	v2 =	vld [tilespmem:s24+$0xFFFFFF10];
	_ =	sdelay $0x4  }
0x169: {  	v2 =	vmul.f32 v2, v3;
	_ =	sdelay $0x1  }
0x16a: {  	[tilespmem:s24+$0xFFFFFF10] =	vst v2;
	v2 =	vld [tilespmem:s24+$0xFFFFFF20];
	_ =	sdelay $0x4  }
0x16b: {  	v2 =	vmul.f32 v2, v3;
	_ =	sdelay $0x1  }
0x16c: {  	[tilespmem:s24+$0xFFFFFF20] =	vst v2;
	v2 =	vld [tilespmem:s24+$0xFFFFFF30];
	_ =	sdelay $0x4  }
0x16d: {  	v2 =	vmul.f32 v2, v3;
	_ =	sdelay $0x1  }
0x16e: {  	[tilespmem:s24+$0xFFFFFF30] =	vst v2;
	v2 =	vld [tilespmem:s24+$0xFFFFFF40];
	_ =	sdelay $0x2  }
0x16f: {  	v3 =	vbroadcast v1, $0x5;
	_ =	sdelay $0x1  }
0x170: {  	v2 =	vmul.f32 v2, v3;
	_ =	sdelay $0x1  }
0x171: {  	[tilespmem:s24+$0xFFFFFF40] =	vst v2;
	v2 =	vld [tilespmem:s24+$0xFFFFFF50];
	_ =	sdelay $0x4  }
0x172: {  	v2 =	vmul.f32 v2, v3;
	_ =	sdelay $0x1  }
0x173: {  	[tilespmem:s24+$0xFFFFFF50] =	vst v2;
	v2 =	vld [tilespmem:s24+$0xFFFFFF60];
	_ =	sdelay $0x4  }
0x174: {  	v2 =	vmul.f32 v2, v3;
	_ =	sdelay $0x1  }
0x175: {  	[tilespmem:s24+$0xFFFFFF60] =	vst v2;
	v2 =	vld [tilespmem:s24+$0xFFFFFF70];
	_ =	sdelay $0x4  }
0x176: {  	v2 =	vmul.f32 v2, v3;
	_ =	sdelay $0x1  }
0x177: {  	[tilespmem:s24+$0xFFFFFF70] =	vst v2;
	v2 =	vld [tilespmem:s24+$0xFFFFFF80];
	_ =	sdelay $0x2  }
0x178: {  	v3 =	vbroadcast v1, $0x6;
	_ =	sdelay $0x1  }
0x179: {  	v2 =	vmul.f32 v2, v3;
	_ =	sdelay $0x1  }
0x17a: {  	[tilespmem:s24+$0xFFFFFF80] =	vst v2;
	v2 =	vld [tilespmem:s24+$0xFFFFFF90];
	_ =	sdelay $0x4  }
0x17b: {  	v2 =	vmul.f32 v2, v3;
	_ =	sdelay $0x1  }
0x17c: {  	[tilespmem:s24+$0xFFFFFF90] =	vst v2;
	v2 =	vld [tilespmem:s24+$0xFFFFFFA0];
	_ =	sdelay $0x4  }
0x17d: {  	v2 =	vmul.f32 v2, v3;
	_ =	sdelay $0x1  }
0x17e: {  	[tilespmem:s24+$0xFFFFFFA0] =	vst v2;
	v2 =	vld [tilespmem:s24+$0xFFFFFFB0];
	_ =	sdelay $0x4  }
0x17f: {  	v2 =	vmul.f32 v2, v3;
	_ =	sdelay $0x1  }
0x180: {  	[tilespmem:s24+$0xFFFFFFB0] =	vst v2;
	v2 =	vld [tilespmem:s24+$0xFFFFFFC0];
	_ =	sdelay $0x2  }
0x181: {  	v3 =	vbroadcast v1, $0x7;
	_ =	sdelay $0x1  }
0x182: {  	v2 =	vmul.f32 v2, v3;
	_ =	sdelay $0x1  }
0x183: {  	[tilespmem:s24+$0xFFFFFFC0] =	vst v2;
	v2 =	vld [tilespmem:s24+$0xFFFFFFD0];
	_ =	sdelay $0x4  }
0x184: {  	v2 =	vmul.f32 v2, v3;
	_ =	sdelay $0x1  }
0x185: {  	[tilespmem:s24+$0xFFFFFFD0] =	vst v2;
	v2 =	vld [tilespmem:s24+$0xFFFFFFE0];
	_ =	sdelay $0x4  }
0x186: {  	v2 =	vmul.f32 v2, v3;
	_ =	sdelay $0x1  }
0x187: {  	[tilespmem:s24+$0xFFFFFFE0] =	vst v2;
	v2 =	vld [tilespmem:s24+$0xFFFFFFF0];
	_ =	sdelay $0x4  }
0x188: {  	v2 =	vmul.f32 v2, v3;
	_ =	sdelay $0x1  }
0x189: {  	[tilespmem:s24+$0xFFFFFFF0] =	vst v2;
	v2 =	vld [tilespmem:s24+$0x0];
	_ =	sdelay $0x2  }
0x18a: {  	v3 =	vbroadcast v1, $0x8;
	_ =	sdelay $0x1  }
0x18b: {  	v2 =	vmul.f32 v2, v3;
	_ =	sdelay $0x1  }
0x18c: {  	[tilespmem:s24+$0x0] =	vst v2;
	v2 =	vld [tilespmem:s24+$0x10];
	_ =	sdelay $0x4  }
0x18d: {  	v2 =	vmul.f32 v2, v3;
	_ =	sdelay $0x1  }
0x18e: {  	[tilespmem:s24+$0x10] =	vst v2;
	v2 =	vld [tilespmem:s24+$0x20];
	_ =	sdelay $0x4  }
0x18f: {  	v2 =	vmul.f32 v2, v3;
	_ =	sdelay $0x1  }
0x190: {  	[tilespmem:s24+$0x20] =	vst v2;
	v2 =	vld [tilespmem:s24+$0x30];
	_ =	sdelay $0x4  }
0x191: {  	v2 =	vmul.f32 v2, v3;
	_ =	sdelay $0x1  }
0x192: {  	[tilespmem:s24+$0x30] =	vst v2;
	v2 =	vld [tilespmem:s24+$0x40];
	_ =	sdelay $0x2  }
0x193: {  	v3 =	vbroadcast v1, $0x9;
	_ =	sdelay $0x1  }
0x194: {  	v2 =	vmul.f32 v2, v3;
	_ =	sdelay $0x1  }
0x195: {  	[tilespmem:s24+$0x40] =	vst v2;
	v2 =	vld [tilespmem:s24+$0x50];
	_ =	sdelay $0x4  }
0x196: {  	v2 =	vmul.f32 v2, v3;
	_ =	sdelay $0x1  }
0x197: {  	[tilespmem:s24+$0x50] =	vst v2;
	v2 =	vld [tilespmem:s24+$0x60];
	_ =	sdelay $0x4  }
0x198: {  	v2 =	vmul.f32 v2, v3;
	_ =	sdelay $0x1  }
0x199: {  	[tilespmem:s24+$0x60] =	vst v2;
	v2 =	vld [tilespmem:s24+$0x70];
	_ =	sdelay $0x4  }
0x19a: {  	v2 =	vmul.f32 v2, v3;
	_ =	sdelay $0x1  }
0x19b: {  	[tilespmem:s24+$0x70] =	vst v2;
	v2 =	vld [tilespmem:s24+$0x80];
	_ =	sdelay $0x2  }
0x19c: {  	v3 =	vbroadcast v1, $0xA;
	_ =	sdelay $0x1  }
0x19d: {  	v2 =	vmul.f32 v2, v3;
	_ =	sdelay $0x1  }
0x19e: {  	[tilespmem:s24+$0x80] =	vst v2;
	v2 =	vld [tilespmem:s24+$0x90];
	_ =	sdelay $0x4  }
0x19f: {  	v2 =	vmul.f32 v2, v3;
	_ =	sdelay $0x1  }
0x1a0: {  	[tilespmem:s24+$0x90] =	vst v2;
	v2 =	vld [tilespmem:s24+$0xA0];
	_ =	sdelay $0x4  }
0x1a1: {  	v2 =	vmul.f32 v2, v3;
	_ =	sdelay $0x1  }
0x1a2: {  	[tilespmem:s24+$0xA0] =	vst v2;
	v2 =	vld [tilespmem:s24+$0xB0];
	_ =	sdelay $0x4  }
0x1a3: {  	v2 =	vmul.f32 v2, v3;
	_ =	sdelay $0x1  }
0x1a4: {  	[tilespmem:s24+$0xB0] =	vst v2;
	v2 =	vld [tilespmem:s24+$0xC0];
	_ =	sdelay $0x2  }
0x1a5: {  	v3 =	vbroadcast v1, $0xB;
	_ =	sdelay $0x1  }
0x1a6: {  	v2 =	vmul.f32 v2, v3;
	_ =	sdelay $0x1  }
0x1a7: {  	[tilespmem:s24+$0xC0] =	vst v2;
	v2 =	vld [tilespmem:s24+$0xD0];
	_ =	sdelay $0x4  }
0x1a8: {  	v2 =	vmul.f32 v2, v3;
	_ =	sdelay $0x1  }
0x1a9: {  	[tilespmem:s24+$0xD0] =	vst v2;
	v2 =	vld [tilespmem:s24+$0xE0];
	_ =	sdelay $0x4  }
0x1aa: {  	v2 =	vmul.f32 v2, v3;
	_ =	sdelay $0x1  }
0x1ab: {  	[tilespmem:s24+$0xE0] =	vst v2;
	v2 =	vld [tilespmem:s24+$0xF0];
	_ =	sdelay $0x4  }
0x1ac: {  	v2 =	vmul.f32 v2, v3;
	_ =	sdelay $0x1  }
0x1ad: {  	[tilespmem:s24+$0xF0] =	vst v2;
	v2 =	vld [tilespmem:s24+$0x100];
	_ =	sdelay $0x2  }
0x1ae: {  	v3 =	vbroadcast v1, $0xC;
	_ =	sdelay $0x1  }
0x1af: {  	v2 =	vmul.f32 v2, v3;
	_ =	sdelay $0x1  }
0x1b0: {  	[tilespmem:s24+$0x100] =	vst v2;
	v2 =	vld [tilespmem:s24+$0x110];
	_ =	sdelay $0x4  }
0x1b1: {  	v2 =	vmul.f32 v2, v3;
	_ =	sdelay $0x1  }
0x1b2: {  	[tilespmem:s24+$0x110] =	vst v2;
	v2 =	vld [tilespmem:s24+$0x120];
	_ =	sdelay $0x4  }
0x1b3: {  	v2 =	vmul.f32 v2, v3;
	_ =	sdelay $0x1  }
0x1b4: {  	[tilespmem:s24+$0x120] =	vst v2;
	v2 =	vld [tilespmem:s24+$0x130];
	_ =	sdelay $0x4  }
0x1b5: {  	v2 =	vmul.f32 v2, v3;
	_ =	sdelay $0x1  }
0x1b6: {  	[tilespmem:s24+$0x130] =	vst v2;
	v2 =	vld [tilespmem:s24+$0x140];
	_ =	sdelay $0x2  }
0x1b7: {  	v3 =	vbroadcast v1, $0xD;
	_ =	sdelay $0x1  }
0x1b8: {  	v2 =	vmul.f32 v2, v3;
	_ =	sdelay $0x1  }
0x1b9: {  	[tilespmem:s24+$0x140] =	vst v2;
	v2 =	vld [tilespmem:s24+$0x150];
	_ =	sdelay $0x4  }
0x1ba: {  	v2 =	vmul.f32 v2, v3;
	_ =	sdelay $0x1  }
0x1bb: {  	[tilespmem:s24+$0x150] =	vst v2;
	v2 =	vld [tilespmem:s24+$0x160];
	_ =	sdelay $0x4  }
0x1bc: {  	v2 =	vmul.f32 v2, v3;
	_ =	sdelay $0x1  }
0x1bd: {  	[tilespmem:s24+$0x160] =	vst v2;
	v2 =	vld [tilespmem:s24+$0x170];
	_ =	sdelay $0x4  }
0x1be: {  	v2 =	vmul.f32 v2, v3;
	_ =	sdelay $0x1  }
0x1bf: {  	[tilespmem:s24+$0x170] =	vst v2;
	v2 =	vld [tilespmem:s24+$0x180];
	_ =	sdelay $0x2  }
0x1c0: {  	v3 =	vbroadcast v1, $0xE;
	_ =	sdelay $0x1  }
0x1c1: {  	v2 =	vmul.f32 v2, v3;
	_ =	sdelay $0x1  }
0x1c2: {  	[tilespmem:s24+$0x180] =	vst v2;
	v2 =	vld [tilespmem:s24+$0x190];
	_ =	sdelay $0x4  }
0x1c3: {  	v2 =	vmul.f32 v2, v3;
	_ =	sdelay $0x1  }
0x1c4: {  	[tilespmem:s24+$0x190] =	vst v2;
	v2 =	vld [tilespmem:s24+$0x1A0];
	_ =	sdelay $0x4  }
0x1c5: {  	v2 =	vmul.f32 v2, v3;
	_ =	sdelay $0x1  }
0x1c6: {  	[tilespmem:s24+$0x1A0] =	vst v2;
	v2 =	vld [tilespmem:s24+$0x1B0];
	_ =	sdelay $0x4  }
0x1c7: {  	v2 =	vmul.f32 v2, v3;
	_ =	sdelay $0x1  }
0x1c8: {  	[tilespmem:s24+$0x1B0] =	vst v2;
	v2 =	vld [tilespmem:s24+$0x1C0];
	_ =	sdelay $0x2  }
0x1c9: {  	v1 =	vbroadcast v1, $0xF;
	_ =	sdelay $0x1  }
0x1ca: {  	v2 =	vmul.f32 v2, v1;
	_ =	sdelay $0x1  }
0x1cb: {  	[tilespmem:s24+$0x1C0] =	vst v2;
	v2 =	vld [tilespmem:s24+$0x1D0];
	_ =	sdelay $0x4  }
0x1cc: {  	v2 =	vmul.f32 v2, v1;
	_ =	sdelay $0x1  }
0x1cd: {  	[tilespmem:s24+$0x1D0] =	vst v2;
	v2 =	vld [tilespmem:s24+$0x1E0];
	_ =	sdelay $0x4  }
0x1ce: {  	v2 =	vmul.f32 v2, v1;
	_ =	sdelay $0x1  }
0x1cf: {  	[tilespmem:s24+$0x1E0] =	vst v2;
	v2 =	vld [tilespmem:s24+$0x1F0];
	_ =	sdelay $0x1  }
0x1d0: {  	p0 =	sne.s32 s1, $0x240  }
.Ltmp2:
0x1d1: {  	_ = 	snop;
	(pc) =	sbr.rel @p0 .LBB2_6-.Ltmp2, $3  }
0x1d2: {  	_ = 	snop  }
0x1d3: {  	v1 =	vmul.f32 v2, v1;
	_ =	sdelay $0x1  }
0x1d4: {  	s1 =	sadd.s32 $0x40, s1;
	[tilespmem:s24+$0x1F0] =	vst v1;
	s24 =	sadd.s32 $0x400, s24  }
0x1d5: {  	s1 =	simm.s32 $0x0  }
0x1d6: {  	[hbm4b:s15+s1] =	stream.linear.scatter [tilespmem:s31], [sflag:$0x2], $0x2800, $0x38;
	[tilespmem:$0x18A80] =	vst v63  }
0x1d7: {  	_ =	swait.ge [sflag:s22], $0x2800  }
0x1d8: {  	[sflag:s22] =	ssyncset.done $0x0  }
0x1d9: {  	[sflag:s22] =	ssyncadd.s32 $0xFFFFD800  }
0x1da: {  	[tilespmem:s31], [sflag:$0x2] =	stream.linear.gather [spmem:s16], $0x2800, $0x38;
	[tilespmem:$0x18A80] =	vst v63  }
0x1db: {  	_ =	swait.ge [sflag:s22], $0x2800  }
0x1dc: {  	[sflag:s22] =	ssyncset.done $0x0  }
0x1dd: {  	s24 =	simm.s32 $0xC200;
	[sflag:s22] =	ssyncadd.s32 $0xFFFFD800  }
.LBB2_8:
0x1de: {  	s5 =	sshra.s32 s1, $0x2  }
0x1df: {  	v1 =	vld [tilespmem:s5+$0xBEC0];
	_ =	sdelay $0x1  }
0x1e0: {  	v2 =	vld [tilespmem:s24+$0xFFFFFE00];
	_ =	sdelay $0x2  }
0x1e1: {  	v3 =	vbroadcast v1, $0x0;
	_ =	sdelay $0x1  }
0x1e2: {  	v2 =	vmul.f32 v3, v2;
	_ =	sdelay $0x1  }
0x1e3: {  	[tilespmem:s24+$0xFFFFFE00] =	vst v2;
	v2 =	vld [tilespmem:s24+$0xFFFFFE10];
	_ =	sdelay $0x4  }
0x1e4: {  	v2 =	vmul.f32 v2, v3;
	_ =	sdelay $0x1  }
0x1e5: {  	[tilespmem:s24+$0xFFFFFE10] =	vst v2;
	v2 =	vld [tilespmem:s24+$0xFFFFFE20];
	_ =	sdelay $0x4  }
0x1e6: {  	v2 =	vmul.f32 v2, v3;
	_ =	sdelay $0x1  }
0x1e7: {  	[tilespmem:s24+$0xFFFFFE20] =	vst v2;
	v2 =	vld [tilespmem:s24+$0xFFFFFE30];
	_ =	sdelay $0x4  }
0x1e8: {  	v2 =	vmul.f32 v2, v3;
	_ =	sdelay $0x1  }
0x1e9: {  	[tilespmem:s24+$0xFFFFFE30] =	vst v2;
	v2 =	vld [tilespmem:s24+$0xFFFFFE40];
	_ =	sdelay $0x2  }
0x1ea: {  	v3 =	vbroadcast v1, $0x1;
	_ =	sdelay $0x1  }
0x1eb: {  	v2 =	vmul.f32 v2, v3;
	_ =	sdelay $0x1  }
0x1ec: {  	[tilespmem:s24+$0xFFFFFE40] =	vst v2;
	v2 =	vld [tilespmem:s24+$0xFFFFFE50];
	_ =	sdelay $0x4  }
0x1ed: {  	v2 =	vmul.f32 v2, v3;
	_ =	sdelay $0x1  }
0x1ee: {  	[tilespmem:s24+$0xFFFFFE50] =	vst v2;
	v2 =	vld [tilespmem:s24+$0xFFFFFE60];
	_ =	sdelay $0x4  }
0x1ef: {  	v2 =	vmul.f32 v2, v3;
	_ =	sdelay $0x1  }
0x1f0: {  	[tilespmem:s24+$0xFFFFFE60] =	vst v2;
	v2 =	vld [tilespmem:s24+$0xFFFFFE70];
	_ =	sdelay $0x4  }
0x1f1: {  	v2 =	vmul.f32 v2, v3;
	_ =	sdelay $0x1  }
0x1f2: {  	[tilespmem:s24+$0xFFFFFE70] =	vst v2;
	v2 =	vld [tilespmem:s24+$0xFFFFFE80];
	_ =	sdelay $0x2  }
0x1f3: {  	v3 =	vbroadcast v1, $0x2;
	_ =	sdelay $0x1  }
0x1f4: {  	v2 =	vmul.f32 v2, v3;
	_ =	sdelay $0x1  }
0x1f5: {  	[tilespmem:s24+$0xFFFFFE80] =	vst v2;
	v2 =	vld [tilespmem:s24+$0xFFFFFE90];
	_ =	sdelay $0x4  }
0x1f6: {  	v2 =	vmul.f32 v2, v3;
	_ =	sdelay $0x1  }
0x1f7: {  	[tilespmem:s24+$0xFFFFFE90] =	vst v2;
	v2 =	vld [tilespmem:s24+$0xFFFFFEA0];
	_ =	sdelay $0x4  }
0x1f8: {  	v2 =	vmul.f32 v2, v3;
	_ =	sdelay $0x1  }
0x1f9: {  	[tilespmem:s24+$0xFFFFFEA0] =	vst v2;
	v2 =	vld [tilespmem:s24+$0xFFFFFEB0];
	_ =	sdelay $0x4  }
0x1fa: {  	v2 =	vmul.f32 v2, v3;
	_ =	sdelay $0x1  }
0x1fb: {  	[tilespmem:s24+$0xFFFFFEB0] =	vst v2;
	v2 =	vld [tilespmem:s24+$0xFFFFFEC0];
	_ =	sdelay $0x2  }
0x1fc: {  	v3 =	vbroadcast v1, $0x3;
	_ =	sdelay $0x1  }
0x1fd: {  	v2 =	vmul.f32 v2, v3;
	_ =	sdelay $0x1  }
0x1fe: {  	[tilespmem:s24+$0xFFFFFEC0] =	vst v2;
	v2 =	vld [tilespmem:s24+$0xFFFFFED0];
	_ =	sdelay $0x4  }
0x1ff: {  	v2 =	vmul.f32 v2, v3;
	_ =	sdelay $0x1  }
0x200: {  	[tilespmem:s24+$0xFFFFFED0] =	vst v2;
	v2 =	vld [tilespmem:s24+$0xFFFFFEE0];
	_ =	sdelay $0x4  }
0x201: {  	v2 =	vmul.f32 v2, v3;
	_ =	sdelay $0x1  }
0x202: {  	[tilespmem:s24+$0xFFFFFEE0] =	vst v2;
	v2 =	vld [tilespmem:s24+$0xFFFFFEF0];
	_ =	sdelay $0x4  }
0x203: {  	v2 =	vmul.f32 v2, v3;
	_ =	sdelay $0x1  }
0x204: {  	[tilespmem:s24+$0xFFFFFEF0] =	vst v2;
	v2 =	vld [tilespmem:s24+$0xFFFFFF00];
	_ =	sdelay $0x2  }
0x205: {  	v3 =	vbroadcast v1, $0x4;
	_ =	sdelay $0x1  }
0x206: {  	v2 =	vmul.f32 v2, v3;
	_ =	sdelay $0x1  }
0x207: {  	[tilespmem:s24+$0xFFFFFF00] =	vst v2;
	v2 =	vld [tilespmem:s24+$0xFFFFFF10];
	_ =	sdelay $0x4  }
0x208: {  	v2 =	vmul.f32 v2, v3;
	_ =	sdelay $0x1  }
0x209: {  	[tilespmem:s24+$0xFFFFFF10] =	vst v2;
	v2 =	vld [tilespmem:s24+$0xFFFFFF20];
	_ =	sdelay $0x4  }
0x20a: {  	v2 =	vmul.f32 v2, v3;
	_ =	sdelay $0x1  }
0x20b: {  	[tilespmem:s24+$0xFFFFFF20] =	vst v2;
	v2 =	vld [tilespmem:s24+$0xFFFFFF30];
	_ =	sdelay $0x4  }
0x20c: {  	v2 =	vmul.f32 v2, v3;
	_ =	sdelay $0x1  }
0x20d: {  	[tilespmem:s24+$0xFFFFFF30] =	vst v2;
	v2 =	vld [tilespmem:s24+$0xFFFFFF40];
	_ =	sdelay $0x2  }
0x20e: {  	v3 =	vbroadcast v1, $0x5;
	_ =	sdelay $0x1  }
0x20f: {  	v2 =	vmul.f32 v2, v3;
	_ =	sdelay $0x1  }
0x210: {  	[tilespmem:s24+$0xFFFFFF40] =	vst v2;
	v2 =	vld [tilespmem:s24+$0xFFFFFF50];
	_ =	sdelay $0x4  }
0x211: {  	v2 =	vmul.f32 v2, v3;
	_ =	sdelay $0x1  }
0x212: {  	[tilespmem:s24+$0xFFFFFF50] =	vst v2;
	v2 =	vld [tilespmem:s24+$0xFFFFFF60];
	_ =	sdelay $0x4  }
0x213: {  	v2 =	vmul.f32 v2, v3;
	_ =	sdelay $0x1  }
0x214: {  	[tilespmem:s24+$0xFFFFFF60] =	vst v2;
	v2 =	vld [tilespmem:s24+$0xFFFFFF70];
	_ =	sdelay $0x4  }
0x215: {  	v2 =	vmul.f32 v2, v3;
	_ =	sdelay $0x1  }
0x216: {  	[tilespmem:s24+$0xFFFFFF70] =	vst v2;
	v2 =	vld [tilespmem:s24+$0xFFFFFF80];
	_ =	sdelay $0x2  }
0x217: {  	v3 =	vbroadcast v1, $0x6;
	_ =	sdelay $0x1  }
0x218: {  	v2 =	vmul.f32 v2, v3;
	_ =	sdelay $0x1  }
0x219: {  	[tilespmem:s24+$0xFFFFFF80] =	vst v2;
	v2 =	vld [tilespmem:s24+$0xFFFFFF90];
	_ =	sdelay $0x4  }
0x21a: {  	v2 =	vmul.f32 v2, v3;
	_ =	sdelay $0x1  }
0x21b: {  	[tilespmem:s24+$0xFFFFFF90] =	vst v2;
	v2 =	vld [tilespmem:s24+$0xFFFFFFA0];
	_ =	sdelay $0x4  }
0x21c: {  	v2 =	vmul.f32 v2, v3;
	_ =	sdelay $0x1  }
0x21d: {  	[tilespmem:s24+$0xFFFFFFA0] =	vst v2;
	v2 =	vld [tilespmem:s24+$0xFFFFFFB0];
	_ =	sdelay $0x4  }
0x21e: {  	v2 =	vmul.f32 v2, v3;
	_ =	sdelay $0x1  }
0x21f: {  	[tilespmem:s24+$0xFFFFFFB0] =	vst v2;
	v2 =	vld [tilespmem:s24+$0xFFFFFFC0];
	_ =	sdelay $0x2  }
0x220: {  	v3 =	vbroadcast v1, $0x7;
	_ =	sdelay $0x1  }
0x221: {  	v2 =	vmul.f32 v2, v3;
	_ =	sdelay $0x1  }
0x222: {  	[tilespmem:s24+$0xFFFFFFC0] =	vst v2;
	v2 =	vld [tilespmem:s24+$0xFFFFFFD0];
	_ =	sdelay $0x4  }
0x223: {  	v2 =	vmul.f32 v2, v3;
	_ =	sdelay $0x1  }
0x224: {  	[tilespmem:s24+$0xFFFFFFD0] =	vst v2;
	v2 =	vld [tilespmem:s24+$0xFFFFFFE0];
	_ =	sdelay $0x4  }
0x225: {  	v2 =	vmul.f32 v2, v3;
	_ =	sdelay $0x1  }
0x226: {  	[tilespmem:s24+$0xFFFFFFE0] =	vst v2;
	v2 =	vld [tilespmem:s24+$0xFFFFFFF0];
	_ =	sdelay $0x4  }
0x227: {  	v2 =	vmul.f32 v2, v3;
	_ =	sdelay $0x1  }
0x228: {  	[tilespmem:s24+$0xFFFFFFF0] =	vst v2;
	v2 =	vld [tilespmem:s24+$0x0];
	_ =	sdelay $0x2  }
0x229: {  	v3 =	vbroadcast v1, $0x8;
	_ =	sdelay $0x1  }
0x22a: {  	v2 =	vmul.f32 v2, v3;
	_ =	sdelay $0x1  }
0x22b: {  	[tilespmem:s24+$0x0] =	vst v2;
	v2 =	vld [tilespmem:s24+$0x10];
	_ =	sdelay $0x4  }
0x22c: {  	v2 =	vmul.f32 v2, v3;
	_ =	sdelay $0x1  }
0x22d: {  	[tilespmem:s24+$0x10] =	vst v2;
	v2 =	vld [tilespmem:s24+$0x20];
	_ =	sdelay $0x4  }
0x22e: {  	v2 =	vmul.f32 v2, v3;
	_ =	sdelay $0x1  }
0x22f: {  	[tilespmem:s24+$0x20] =	vst v2;
	v2 =	vld [tilespmem:s24+$0x30];
	_ =	sdelay $0x4  }
0x230: {  	v2 =	vmul.f32 v2, v3;
	_ =	sdelay $0x1  }
0x231: {  	[tilespmem:s24+$0x30] =	vst v2;
	v2 =	vld [tilespmem:s24+$0x40];
	_ =	sdelay $0x2  }
0x232: {  	v3 =	vbroadcast v1, $0x9;
	_ =	sdelay $0x1  }
0x233: {  	v2 =	vmul.f32 v2, v3;
	_ =	sdelay $0x1  }
0x234: {  	[tilespmem:s24+$0x40] =	vst v2;
	v2 =	vld [tilespmem:s24+$0x50];
	_ =	sdelay $0x4  }
0x235: {  	v2 =	vmul.f32 v2, v3;
	_ =	sdelay $0x1  }
0x236: {  	[tilespmem:s24+$0x50] =	vst v2;
	v2 =	vld [tilespmem:s24+$0x60];
	_ =	sdelay $0x4  }
0x237: {  	v2 =	vmul.f32 v2, v3;
	_ =	sdelay $0x1  }
0x238: {  	[tilespmem:s24+$0x60] =	vst v2;
	v2 =	vld [tilespmem:s24+$0x70];
	_ =	sdelay $0x4  }
0x239: {  	v2 =	vmul.f32 v2, v3;
	_ =	sdelay $0x1  }
0x23a: {  	[tilespmem:s24+$0x70] =	vst v2;
	v2 =	vld [tilespmem:s24+$0x80];
	_ =	sdelay $0x2  }
0x23b: {  	v3 =	vbroadcast v1, $0xA;
	_ =	sdelay $0x1  }
0x23c: {  	v2 =	vmul.f32 v2, v3;
	_ =	sdelay $0x1  }
0x23d: {  	[tilespmem:s24+$0x80] =	vst v2;
	v2 =	vld [tilespmem:s24+$0x90];
	_ =	sdelay $0x4  }
0x23e: {  	v2 =	vmul.f32 v2, v3;
	_ =	sdelay $0x1  }
0x23f: {  	[tilespmem:s24+$0x90] =	vst v2;
	v2 =	vld [tilespmem:s24+$0xA0];
	_ =	sdelay $0x4  }
0x240: {  	v2 =	vmul.f32 v2, v3;
	_ =	sdelay $0x1  }
0x241: {  	[tilespmem:s24+$0xA0] =	vst v2;
	v2 =	vld [tilespmem:s24+$0xB0];
	_ =	sdelay $0x4  }
0x242: {  	v2 =	vmul.f32 v2, v3;
	_ =	sdelay $0x1  }
0x243: {  	[tilespmem:s24+$0xB0] =	vst v2;
	v2 =	vld [tilespmem:s24+$0xC0];
	_ =	sdelay $0x2  }
0x244: {  	v3 =	vbroadcast v1, $0xB;
	_ =	sdelay $0x1  }
0x245: {  	v2 =	vmul.f32 v2, v3;
	_ =	sdelay $0x1  }
0x246: {  	[tilespmem:s24+$0xC0] =	vst v2;
	v2 =	vld [tilespmem:s24+$0xD0];
	_ =	sdelay $0x4  }
0x247: {  	v2 =	vmul.f32 v2, v3;
	_ =	sdelay $0x1  }
0x248: {  	[tilespmem:s24+$0xD0] =	vst v2;
	v2 =	vld [tilespmem:s24+$0xE0];
	_ =	sdelay $0x4  }
0x249: {  	v2 =	vmul.f32 v2, v3;
	_ =	sdelay $0x1  }
0x24a: {  	[tilespmem:s24+$0xE0] =	vst v2;
	v2 =	vld [tilespmem:s24+$0xF0];
	_ =	sdelay $0x4  }
0x24b: {  	v2 =	vmul.f32 v2, v3;
	_ =	sdelay $0x1  }
0x24c: {  	[tilespmem:s24+$0xF0] =	vst v2;
	v2 =	vld [tilespmem:s24+$0x100];
	_ =	sdelay $0x2  }
0x24d: {  	v3 =	vbroadcast v1, $0xC;
	_ =	sdelay $0x1  }
0x24e: {  	v2 =	vmul.f32 v2, v3;
	_ =	sdelay $0x1  }
0x24f: {  	[tilespmem:s24+$0x100] =	vst v2;
	v2 =	vld [tilespmem:s24+$0x110];
	_ =	sdelay $0x4  }
0x250: {  	v2 =	vmul.f32 v2, v3;
	_ =	sdelay $0x1  }
0x251: {  	[tilespmem:s24+$0x110] =	vst v2;
	v2 =	vld [tilespmem:s24+$0x120];
	_ =	sdelay $0x4  }
0x252: {  	v2 =	vmul.f32 v2, v3;
	_ =	sdelay $0x1  }
0x253: {  	[tilespmem:s24+$0x120] =	vst v2;
	v2 =	vld [tilespmem:s24+$0x130];
	_ =	sdelay $0x4  }
0x254: {  	v2 =	vmul.f32 v2, v3;
	_ =	sdelay $0x1  }
0x255: {  	[tilespmem:s24+$0x130] =	vst v2;
	v2 =	vld [tilespmem:s24+$0x140];
	_ =	sdelay $0x2  }
0x256: {  	v3 =	vbroadcast v1, $0xD;
	_ =	sdelay $0x1  }
0x257: {  	v2 =	vmul.f32 v2, v3;
	_ =	sdelay $0x1  }
0x258: {  	[tilespmem:s24+$0x140] =	vst v2;
	v2 =	vld [tilespmem:s24+$0x150];
	_ =	sdelay $0x4  }
0x259: {  	v2 =	vmul.f32 v2, v3;
	_ =	sdelay $0x1  }
0x25a: {  	[tilespmem:s24+$0x150] =	vst v2;
	v2 =	vld [tilespmem:s24+$0x160];
	_ =	sdelay $0x4  }
0x25b: {  	v2 =	vmul.f32 v2, v3;
	_ =	sdelay $0x1  }
0x25c: {  	[tilespmem:s24+$0x160] =	vst v2;
	v2 =	vld [tilespmem:s24+$0x170];
	_ =	sdelay $0x4  }
0x25d: {  	v2 =	vmul.f32 v2, v3;
	_ =	sdelay $0x1  }
0x25e: {  	[tilespmem:s24+$0x170] =	vst v2;
	v2 =	vld [tilespmem:s24+$0x180];
	_ =	sdelay $0x2  }
0x25f: {  	v3 =	vbroadcast v1, $0xE;
	_ =	sdelay $0x1  }
0x260: {  	v2 =	vmul.f32 v2, v3;
	_ =	sdelay $0x1  }
0x261: {  	[tilespmem:s24+$0x180] =	vst v2;
	v2 =	vld [tilespmem:s24+$0x190];
	_ =	sdelay $0x4  }
0x262: {  	v2 =	vmul.f32 v2, v3;
	_ =	sdelay $0x1  }
0x263: {  	[tilespmem:s24+$0x190] =	vst v2;
	v2 =	vld [tilespmem:s24+$0x1A0];
	_ =	sdelay $0x4  }
0x264: {  	v2 =	vmul.f32 v2, v3;
	_ =	sdelay $0x1  }
0x265: {  	[tilespmem:s24+$0x1A0] =	vst v2;
	v2 =	vld [tilespmem:s24+$0x1B0];
	_ =	sdelay $0x4  }
0x266: {  	v2 =	vmul.f32 v2, v3;
	_ =	sdelay $0x1  }
0x267: {  	[tilespmem:s24+$0x1B0] =	vst v2;
	v2 =	vld [tilespmem:s24+$0x1C0];
	_ =	sdelay $0x2  }
0x268: {  	v1 =	vbroadcast v1, $0xF;
	_ =	sdelay $0x1  }
0x269: {  	v2 =	vmul.f32 v2, v1;
	_ =	sdelay $0x1  }
0x26a: {  	[tilespmem:s24+$0x1C0] =	vst v2;
	v2 =	vld [tilespmem:s24+$0x1D0];
	_ =	sdelay $0x4  }
0x26b: {  	v2 =	vmul.f32 v2, v1;
	_ =	sdelay $0x1  }
0x26c: {  	[tilespmem:s24+$0x1D0] =	vst v2;
	v2 =	vld [tilespmem:s24+$0x1E0];
	_ =	sdelay $0x4  }
0x26d: {  	v2 =	vmul.f32 v2, v1;
	_ =	sdelay $0x1  }
0x26e: {  	[tilespmem:s24+$0x1E0] =	vst v2;
	v2 =	vld [tilespmem:s24+$0x1F0];
	_ =	sdelay $0x1  }
0x26f: {  	p0 =	sne.s32 s1, $0x240  }
.Ltmp3:
0x270: {  	_ = 	snop;
	(pc) =	sbr.rel @p0 .LBB2_8-.Ltmp3, $3  }
0x271: {  	_ = 	snop  }
0x272: {  	v1 =	vmul.f32 v2, v1;
	_ =	sdelay $0x1  }
0x273: {  	s1 =	sadd.s32 $0x40, s1;
	[tilespmem:s24+$0x1F0] =	vst v1;
	s24 =	sadd.s32 $0x400, s24  }
0x274: {  	s1 =	simm.s32 $0x0  }
0x275: {  	[hbm4b:s17+s1] =	stream.linear.scatter [tilespmem:s31], [sflag:$0x2], $0x2800, $0x38;
	[tilespmem:$0x18A80] =	vst v63  }
0x276: {  	_ =	swait.ge [sflag:s22], $0x2800  }
0x277: {  	[sflag:s22] =	ssyncset.done $0x0  }
0x278: {  	[sflag:s22] =	ssyncadd.s32 $0xFFFFD800  }
0x279: {  	[tilespmem:s31], [sflag:$0x2] =	stream.linear.gather [spmem:s18], $0x2800, $0x38;
	[tilespmem:$0x18A80] =	vst v63  }
0x27a: {  	_ =	swait.ge [sflag:s22], $0x2800  }
0x27b: {  	[sflag:s22] =	ssyncset.done $0x0  }
0x27c: {  	s24 =	simm.s32 $0xC200;
	[sflag:s22] =	ssyncadd.s32 $0xFFFFD800  }
.LBB2_10:
0x27d: {  	s5 =	sshra.s32 s1, $0x2  }
0x27e: {  	v1 =	vld [tilespmem:s5+$0xBF60];
	_ =	sdelay $0x1  }
0x27f: {  	v2 =	vld [tilespmem:s24+$0xFFFFFE00];
	_ =	sdelay $0x2  }
0x280: {  	v3 =	vbroadcast v1, $0x0;
	_ =	sdelay $0x1  }
0x281: {  	v2 =	vmul.f32 v3, v2;
	_ =	sdelay $0x1  }
0x282: {  	[tilespmem:s24+$0xFFFFFE00] =	vst v2;
	v2 =	vld [tilespmem:s24+$0xFFFFFE10];
	_ =	sdelay $0x4  }
0x283: {  	v2 =	vmul.f32 v2, v3;
	_ =	sdelay $0x1  }
0x284: {  	[tilespmem:s24+$0xFFFFFE10] =	vst v2;
	v2 =	vld [tilespmem:s24+$0xFFFFFE20];
	_ =	sdelay $0x4  }
0x285: {  	v2 =	vmul.f32 v2, v3;
	_ =	sdelay $0x1  }
0x286: {  	[tilespmem:s24+$0xFFFFFE20] =	vst v2;
	v2 =	vld [tilespmem:s24+$0xFFFFFE30];
	_ =	sdelay $0x4  }
0x287: {  	v2 =	vmul.f32 v2, v3;
	_ =	sdelay $0x1  }
0x288: {  	[tilespmem:s24+$0xFFFFFE30] =	vst v2;
	v2 =	vld [tilespmem:s24+$0xFFFFFE40];
	_ =	sdelay $0x2  }
0x289: {  	v3 =	vbroadcast v1, $0x1;
	_ =	sdelay $0x1  }
0x28a: {  	v2 =	vmul.f32 v2, v3;
	_ =	sdelay $0x1  }
0x28b: {  	[tilespmem:s24+$0xFFFFFE40] =	vst v2;
	v2 =	vld [tilespmem:s24+$0xFFFFFE50];
	_ =	sdelay $0x4  }
0x28c: {  	v2 =	vmul.f32 v2, v3;
	_ =	sdelay $0x1  }
0x28d: {  	[tilespmem:s24+$0xFFFFFE50] =	vst v2;
	v2 =	vld [tilespmem:s24+$0xFFFFFE60];
	_ =	sdelay $0x4  }
0x28e: {  	v2 =	vmul.f32 v2, v3;
	_ =	sdelay $0x1  }
0x28f: {  	[tilespmem:s24+$0xFFFFFE60] =	vst v2;
	v2 =	vld [tilespmem:s24+$0xFFFFFE70];
	_ =	sdelay $0x4  }
0x290: {  	v2 =	vmul.f32 v2, v3;
	_ =	sdelay $0x1  }
0x291: {  	[tilespmem:s24+$0xFFFFFE70] =	vst v2;
	v2 =	vld [tilespmem:s24+$0xFFFFFE80];
	_ =	sdelay $0x2  }
0x292: {  	v3 =	vbroadcast v1, $0x2;
	_ =	sdelay $0x1  }
0x293: {  	v2 =	vmul.f32 v2, v3;
	_ =	sdelay $0x1  }
0x294: {  	[tilespmem:s24+$0xFFFFFE80] =	vst v2;
	v2 =	vld [tilespmem:s24+$0xFFFFFE90];
	_ =	sdelay $0x4  }
0x295: {  	v2 =	vmul.f32 v2, v3;
	_ =	sdelay $0x1  }
0x296: {  	[tilespmem:s24+$0xFFFFFE90] =	vst v2;
	v2 =	vld [tilespmem:s24+$0xFFFFFEA0];
	_ =	sdelay $0x4  }
0x297: {  	v2 =	vmul.f32 v2, v3;
	_ =	sdelay $0x1  }
0x298: {  	[tilespmem:s24+$0xFFFFFEA0] =	vst v2;
	v2 =	vld [tilespmem:s24+$0xFFFFFEB0];
	_ =	sdelay $0x4  }
0x299: {  	v2 =	vmul.f32 v2, v3;
	_ =	sdelay $0x1  }
0x29a: {  	[tilespmem:s24+$0xFFFFFEB0] =	vst v2;
	v2 =	vld [tilespmem:s24+$0xFFFFFEC0];
	_ =	sdelay $0x2  }
0x29b: {  	v3 =	vbroadcast v1, $0x3;
	_ =	sdelay $0x1  }
0x29c: {  	v2 =	vmul.f32 v2, v3;
	_ =	sdelay $0x1  }
0x29d: {  	[tilespmem:s24+$0xFFFFFEC0] =	vst v2;
	v2 =	vld [tilespmem:s24+$0xFFFFFED0];
	_ =	sdelay $0x4  }
0x29e: {  	v2 =	vmul.f32 v2, v3;
	_ =	sdelay $0x1  }
0x29f: {  	[tilespmem:s24+$0xFFFFFED0] =	vst v2;
	v2 =	vld [tilespmem:s24+$0xFFFFFEE0];
	_ =	sdelay $0x4  }
0x2a0: {  	v2 =	vmul.f32 v2, v3;
	_ =	sdelay $0x1  }
0x2a1: {  	[tilespmem:s24+$0xFFFFFEE0] =	vst v2;
	v2 =	vld [tilespmem:s24+$0xFFFFFEF0];
	_ =	sdelay $0x4  }
0x2a2: {  	v2 =	vmul.f32 v2, v3;
	_ =	sdelay $0x1  }
0x2a3: {  	[tilespmem:s24+$0xFFFFFEF0] =	vst v2;
	v2 =	vld [tilespmem:s24+$0xFFFFFF00];
	_ =	sdelay $0x2  }
0x2a4: {  	v3 =	vbroadcast v1, $0x4;
	_ =	sdelay $0x1  }
0x2a5: {  	v2 =	vmul.f32 v2, v3;
	_ =	sdelay $0x1  }
0x2a6: {  	[tilespmem:s24+$0xFFFFFF00] =	vst v2;
	v2 =	vld [tilespmem:s24+$0xFFFFFF10];
	_ =	sdelay $0x4  }
0x2a7: {  	v2 =	vmul.f32 v2, v3;
	_ =	sdelay $0x1  }
0x2a8: {  	[tilespmem:s24+$0xFFFFFF10] =	vst v2;
	v2 =	vld [tilespmem:s24+$0xFFFFFF20];
	_ =	sdelay $0x4  }
0x2a9: {  	v2 =	vmul.f32 v2, v3;
	_ =	sdelay $0x1  }
0x2aa: {  	[tilespmem:s24+$0xFFFFFF20] =	vst v2;
	v2 =	vld [tilespmem:s24+$0xFFFFFF30];
	_ =	sdelay $0x4  }
0x2ab: {  	v2 =	vmul.f32 v2, v3;
	_ =	sdelay $0x1  }
0x2ac: {  	[tilespmem:s24+$0xFFFFFF30] =	vst v2;
	v2 =	vld [tilespmem:s24+$0xFFFFFF40];
	_ =	sdelay $0x2  }
0x2ad: {  	v3 =	vbroadcast v1, $0x5;
	_ =	sdelay $0x1  }
0x2ae: {  	v2 =	vmul.f32 v2, v3;
	_ =	sdelay $0x1  }
0x2af: {  	[tilespmem:s24+$0xFFFFFF40] =	vst v2;
	v2 =	vld [tilespmem:s24+$0xFFFFFF50];
	_ =	sdelay $0x4  }
0x2b0: {  	v2 =	vmul.f32 v2, v3;
	_ =	sdelay $0x1  }
0x2b1: {  	[tilespmem:s24+$0xFFFFFF50] =	vst v2;
	v2 =	vld [tilespmem:s24+$0xFFFFFF60];
	_ =	sdelay $0x4  }
0x2b2: {  	v2 =	vmul.f32 v2, v3;
	_ =	sdelay $0x1  }
0x2b3: {  	[tilespmem:s24+$0xFFFFFF60] =	vst v2;
	v2 =	vld [tilespmem:s24+$0xFFFFFF70];
	_ =	sdelay $0x4  }
0x2b4: {  	v2 =	vmul.f32 v2, v3;
	_ =	sdelay $0x1  }
0x2b5: {  	[tilespmem:s24+$0xFFFFFF70] =	vst v2;
	v2 =	vld [tilespmem:s24+$0xFFFFFF80];
	_ =	sdelay $0x2  }
0x2b6: {  	v3 =	vbroadcast v1, $0x6;
	_ =	sdelay $0x1  }
0x2b7: {  	v2 =	vmul.f32 v2, v3;
	_ =	sdelay $0x1  }
0x2b8: {  	[tilespmem:s24+$0xFFFFFF80] =	vst v2;
	v2 =	vld [tilespmem:s24+$0xFFFFFF90];
	_ =	sdelay $0x4  }
0x2b9: {  	v2 =	vmul.f32 v2, v3;
	_ =	sdelay $0x1  }
0x2ba: {  	[tilespmem:s24+$0xFFFFFF90] =	vst v2;
	v2 =	vld [tilespmem:s24+$0xFFFFFFA0];
	_ =	sdelay $0x4  }
0x2bb: {  	v2 =	vmul.f32 v2, v3;
	_ =	sdelay $0x1  }
0x2bc: {  	[tilespmem:s24+$0xFFFFFFA0] =	vst v2;
	v2 =	vld [tilespmem:s24+$0xFFFFFFB0];
	_ =	sdelay $0x4  }
0x2bd: {  	v2 =	vmul.f32 v2, v3;
	_ =	sdelay $0x1  }
0x2be: {  	[tilespmem:s24+$0xFFFFFFB0] =	vst v2;
	v2 =	vld [tilespmem:s24+$0xFFFFFFC0];
	_ =	sdelay $0x2  }
0x2bf: {  	v3 =	vbroadcast v1, $0x7;
	_ =	sdelay $0x1  }
0x2c0: {  	v2 =	vmul.f32 v2, v3;
	_ =	sdelay $0x1  }
0x2c1: {  	[tilespmem:s24+$0xFFFFFFC0] =	vst v2;
	v2 =	vld [tilespmem:s24+$0xFFFFFFD0];
	_ =	sdelay $0x4  }
0x2c2: {  	v2 =	vmul.f32 v2, v3;
	_ =	sdelay $0x1  }
0x2c3: {  	[tilespmem:s24+$0xFFFFFFD0] =	vst v2;
	v2 =	vld [tilespmem:s24+$0xFFFFFFE0];
	_ =	sdelay $0x4  }
0x2c4: {  	v2 =	vmul.f32 v2, v3;
	_ =	sdelay $0x1  }
0x2c5: {  	[tilespmem:s24+$0xFFFFFFE0] =	vst v2;
	v2 =	vld [tilespmem:s24+$0xFFFFFFF0];
	_ =	sdelay $0x4  }
0x2c6: {  	v2 =	vmul.f32 v2, v3;
	_ =	sdelay $0x1  }
0x2c7: {  	[tilespmem:s24+$0xFFFFFFF0] =	vst v2;
	v2 =	vld [tilespmem:s24+$0x0];
	_ =	sdelay $0x2  }
0x2c8: {  	v3 =	vbroadcast v1, $0x8;
	_ =	sdelay $0x1  }
0x2c9: {  	v2 =	vmul.f32 v2, v3;
	_ =	sdelay $0x1  }
0x2ca: {  	[tilespmem:s24+$0x0] =	vst v2;
	v2 =	vld [tilespmem:s24+$0x10];
	_ =	sdelay $0x4  }
0x2cb: {  	v2 =	vmul.f32 v2, v3;
	_ =	sdelay $0x1  }
0x2cc: {  	[tilespmem:s24+$0x10] =	vst v2;
	v2 =	vld [tilespmem:s24+$0x20];
	_ =	sdelay $0x4  }
0x2cd: {  	v2 =	vmul.f32 v2, v3;
	_ =	sdelay $0x1  }
0x2ce: {  	[tilespmem:s24+$0x20] =	vst v2;
	v2 =	vld [tilespmem:s24+$0x30];
	_ =	sdelay $0x4  }
0x2cf: {  	v2 =	vmul.f32 v2, v3;
	_ =	sdelay $0x1  }
0x2d0: {  	[tilespmem:s24+$0x30] =	vst v2;
	v2 =	vld [tilespmem:s24+$0x40];
	_ =	sdelay $0x2  }
0x2d1: {  	v3 =	vbroadcast v1, $0x9;
	_ =	sdelay $0x1  }
0x2d2: {  	v2 =	vmul.f32 v2, v3;
	_ =	sdelay $0x1  }
0x2d3: {  	[tilespmem:s24+$0x40] =	vst v2;
	v2 =	vld [tilespmem:s24+$0x50];
	_ =	sdelay $0x4  }
0x2d4: {  	v2 =	vmul.f32 v2, v3;
	_ =	sdelay $0x1  }
0x2d5: {  	[tilespmem:s24+$0x50] =	vst v2;
	v2 =	vld [tilespmem:s24+$0x60];
	_ =	sdelay $0x4  }
0x2d6: {  	v2 =	vmul.f32 v2, v3;
	_ =	sdelay $0x1  }
0x2d7: {  	[tilespmem:s24+$0x60] =	vst v2;
	v2 =	vld [tilespmem:s24+$0x70];
	_ =	sdelay $0x4  }
0x2d8: {  	v2 =	vmul.f32 v2, v3;
	_ =	sdelay $0x1  }
0x2d9: {  	[tilespmem:s24+$0x70] =	vst v2;
	v2 =	vld [tilespmem:s24+$0x80];
	_ =	sdelay $0x2  }
0x2da: {  	v3 =	vbroadcast v1, $0xA;
	_ =	sdelay $0x1  }
0x2db: {  	v2 =	vmul.f32 v2, v3;
	_ =	sdelay $0x1  }
0x2dc: {  	[tilespmem:s24+$0x80] =	vst v2;
	v2 =	vld [tilespmem:s24+$0x90];
	_ =	sdelay $0x4  }
0x2dd: {  	v2 =	vmul.f32 v2, v3;
	_ =	sdelay $0x1  }
0x2de: {  	[tilespmem:s24+$0x90] =	vst v2;
	v2 =	vld [tilespmem:s24+$0xA0];
	_ =	sdelay $0x4  }
0x2df: {  	v2 =	vmul.f32 v2, v3;
	_ =	sdelay $0x1  }
0x2e0: {  	[tilespmem:s24+$0xA0] =	vst v2;
	v2 =	vld [tilespmem:s24+$0xB0];
	_ =	sdelay $0x4  }
0x2e1: {  	v2 =	vmul.f32 v2, v3;
	_ =	sdelay $0x1  }
0x2e2: {  	[tilespmem:s24+$0xB0] =	vst v2;
	v2 =	vld [tilespmem:s24+$0xC0];
	_ =	sdelay $0x2  }
0x2e3: {  	v3 =	vbroadcast v1, $0xB;
	_ =	sdelay $0x1  }
0x2e4: {  	v2 =	vmul.f32 v2, v3;
	_ =	sdelay $0x1  }
0x2e5: {  	[tilespmem:s24+$0xC0] =	vst v2;
	v2 =	vld [tilespmem:s24+$0xD0];
	_ =	sdelay $0x4  }
0x2e6: {  	v2 =	vmul.f32 v2, v3;
	_ =	sdelay $0x1  }
0x2e7: {  	[tilespmem:s24+$0xD0] =	vst v2;
	v2 =	vld [tilespmem:s24+$0xE0];
	_ =	sdelay $0x4  }
0x2e8: {  	v2 =	vmul.f32 v2, v3;
	_ =	sdelay $0x1  }
0x2e9: {  	[tilespmem:s24+$0xE0] =	vst v2;
	v2 =	vld [tilespmem:s24+$0xF0];
	_ =	sdelay $0x4  }
0x2ea: {  	v2 =	vmul.f32 v2, v3;
	_ =	sdelay $0x1  }
0x2eb: {  	[tilespmem:s24+$0xF0] =	vst v2;
	v2 =	vld [tilespmem:s24+$0x100];
	_ =	sdelay $0x2  }
0x2ec: {  	v3 =	vbroadcast v1, $0xC;
	_ =	sdelay $0x1  }
0x2ed: {  	v2 =	vmul.f32 v2, v3;
	_ =	sdelay $0x1  }
0x2ee: {  	[tilespmem:s24+$0x100] =	vst v2;
	v2 =	vld [tilespmem:s24+$0x110];
	_ =	sdelay $0x4  }
0x2ef: {  	v2 =	vmul.f32 v2, v3;
	_ =	sdelay $0x1  }
0x2f0: {  	[tilespmem:s24+$0x110] =	vst v2;
	v2 =	vld [tilespmem:s24+$0x120];
	_ =	sdelay $0x4  }
0x2f1: {  	v2 =	vmul.f32 v2, v3;
	_ =	sdelay $0x1  }
0x2f2: {  	[tilespmem:s24+$0x120] =	vst v2;
	v2 =	vld [tilespmem:s24+$0x130];
	_ =	sdelay $0x4  }
0x2f3: {  	v2 =	vmul.f32 v2, v3;
	_ =	sdelay $0x1  }
0x2f4: {  	[tilespmem:s24+$0x130] =	vst v2;
	v2 =	vld [tilespmem:s24+$0x140];
	_ =	sdelay $0x2  }
0x2f5: {  	v3 =	vbroadcast v1, $0xD;
	_ =	sdelay $0x1  }
0x2f6: {  	v2 =	vmul.f32 v2, v3;
	_ =	sdelay $0x1  }
0x2f7: {  	[tilespmem:s24+$0x140] =	vst v2;
	v2 =	vld [tilespmem:s24+$0x150];
	_ =	sdelay $0x4  }
0x2f8: {  	v2 =	vmul.f32 v2, v3;
	_ =	sdelay $0x1  }
0x2f9: {  	[tilespmem:s24+$0x150] =	vst v2;
	v2 =	vld [tilespmem:s24+$0x160];
	_ =	sdelay $0x4  }
0x2fa: {  	v2 =	vmul.f32 v2, v3;
	_ =	sdelay $0x1  }
0x2fb: {  	[tilespmem:s24+$0x160] =	vst v2;
	v2 =	vld [tilespmem:s24+$0x170];
	_ =	sdelay $0x4  }
0x2fc: {  	v2 =	vmul.f32 v2, v3;
	_ =	sdelay $0x1  }
0x2fd: {  	[tilespmem:s24+$0x170] =	vst v2;
	v2 =	vld [tilespmem:s24+$0x180];
	_ =	sdelay $0x2  }
0x2fe: {  	v3 =	vbroadcast v1, $0xE;
	_ =	sdelay $0x1  }
0x2ff: {  	v2 =	vmul.f32 v2, v3;
	_ =	sdelay $0x1  }
0x300: {  	[tilespmem:s24+$0x180] =	vst v2;
	v2 =	vld [tilespmem:s24+$0x190];
	_ =	sdelay $0x4  }
0x301: {  	v2 =	vmul.f32 v2, v3;
	_ =	sdelay $0x1  }
0x302: {  	[tilespmem:s24+$0x190] =	vst v2;
	v2 =	vld [tilespmem:s24+$0x1A0];
	_ =	sdelay $0x4  }
0x303: {  	v2 =	vmul.f32 v2, v3;
	_ =	sdelay $0x1  }
0x304: {  	[tilespmem:s24+$0x1A0] =	vst v2;
	v2 =	vld [tilespmem:s24+$0x1B0];
	_ =	sdelay $0x4  }
0x305: {  	v2 =	vmul.f32 v2, v3;
	_ =	sdelay $0x1  }
0x306: {  	[tilespmem:s24+$0x1B0] =	vst v2;
	v2 =	vld [tilespmem:s24+$0x1C0];
	_ =	sdelay $0x2  }
0x307: {  	v1 =	vbroadcast v1, $0xF;
	_ =	sdelay $0x1  }
0x308: {  	v2 =	vmul.f32 v2, v1;
	_ =	sdelay $0x1  }
0x309: {  	[tilespmem:s24+$0x1C0] =	vst v2;
	v2 =	vld [tilespmem:s24+$0x1D0];
	_ =	sdelay $0x4  }
0x30a: {  	v2 =	vmul.f32 v2, v1;
	_ =	sdelay $0x1  }
0x30b: {  	[tilespmem:s24+$0x1D0] =	vst v2;
	v2 =	vld [tilespmem:s24+$0x1E0];
	_ =	sdelay $0x4  }
0x30c: {  	v2 =	vmul.f32 v2, v1;
	_ =	sdelay $0x1  }
0x30d: {  	[tilespmem:s24+$0x1E0] =	vst v2;
	v2 =	vld [tilespmem:s24+$0x1F0];
	_ =	sdelay $0x1  }
0x30e: {  	p0 =	sne.s32 s1, $0x240  }
.Ltmp4:
0x30f: {  	_ = 	snop;
	(pc) =	sbr.rel @p0 .LBB2_10-.Ltmp4, $3  }
0x310: {  	_ = 	snop  }
0x311: {  	v1 =	vmul.f32 v2, v1;
	_ =	sdelay $0x1  }
0x312: {  	s1 =	sadd.s32 $0x40, s1;
	[tilespmem:s24+$0x1F0] =	vst v1;
	s24 =	sadd.s32 $0x400, s24  }
0x313: {  	s0 =	sadd.s32 $0x1, s0  }
0x314: {  	p0 =	sne.s32 s0, s20  }
.Ltmp5:
0x315: {  	_ = 	snop;
	(pc) =	sbr.rel @p0 .LBB2_1-.Ltmp5, $4  }
0x316: {  	[hbm4b:s19+s4] =	stream.linear.scatter [tilespmem:s31], [sflag:$0x2], $0x2800, $0x38;
	[tilespmem:$0x18A80] =	vst v63  }
0x317: {  	_ =	swait.ge [sflag:s22], $0x2800  }
0x318: {  	[sflag:s22] =	ssyncset.done $0x0  }
0x319: {  	[sflag:s22] =	ssyncadd.s32 $0xFFFFD800  }
0x31a: {  	_ =	sfence.sel $0x180000  }
0x31b: {  	[bflag:$0x0] =	sbarrier.arrive $0xFFFF  }
0x31c: {  	_ =	strace $0x90000047  }
0x31d: {  	s0 =	stileid.u32;
	[bflag:$0x2] =	sbarrier.arrive $0xFFFF  }
0x31e: {  	p0 =	sne.s32 s0, $0x0;
	s0 =	rddreg [dreg:$0x4]  }
0x31f: {  	s0 =	sadd.s32 @!p0 $0x100000, s0  }
0x320: {  	[sflag:s0] =	ssyncadd.tile.s32 @!p0 $0x1;
	_ =	shalt  }
.Lfunc_end2:
_tile_overlayer_lowered:
.L_overlay_start_2:
0x321: {  	(tag) =	ssettag $0x2  }
0x322: {  	s0 =	rddreg [dreg:$0x0];
	s2 =	stileid.u32  }
0x323: {  	s1 =	rddreg [dreg:$0x1];
	p0 =	sne.s32 s2, $0x0  }
0x324: {  	s3 =	rddreg [dreg:$0x2];
	[bflag:$0x3] =	sbarrier.arrive $0xFFFF;
	s2 =	simm.s32 @!p0 $0x1C02  }
0x325: {  	[timem:s3], [sflag:s2] =	dma.local @!p0 [hbm:s0], s1  }
0x326: {  	s0 =	simm.s32 @!p0 $0x2  }
0x327: {  	_ =	swait.ge @!p0 [sflag:s0], s1  }
0x328: {  	s1 =	ssub.s32 @!p0 $0x0, s1;
	[sflag:s0] =	ssyncset.done @!p0 $0x0  }
0x329: {  	[sflag:s0] =	ssyncadd.s32 @!p0 s1  }
0x32a: {  	[bflag:$0x3] =	sbarrier.arrive $0xFFFF  }
0x32b: {  	_ =	shalt  }

</sc_bundles>
